<compile_context>
chip_gen: v7x
topology: tpu7x:2x2x1
jax: 0.10.2.dev20260603
libtpu: 0.0.44.dev20260713+nightly
codegen_flags: <defaults>
</compile_context>

<pallas_src>
import functools

import jax
import jax.numpy as jnp
from jax import lax
from jax.experimental import pallas as pl
from jax.experimental.pallas import tpu as pltpu
from jax.experimental.pallas import tpu_sc as plsc

_NC = 2
_NS = 16
_NW = _NC * _NS


def _q(v):
    return v.astype(jnp.bfloat16).astype(jnp.float32)


def _sc_aggregate(x, edges_il):
    N, D = x.shape
    NCHT, _, CH = edges_il.shape
    NCH = NCHT // _NW
    EW = NCH * CH
    RPT = (N // _NS) // 8 * 8
    RPT_LAST = N - (_NS - 1) * RPT
    mesh = plsc.VectorSubcoreMesh(core_axis_name="c", subcore_axis_name="s")

    @functools.partial(
        pl.kernel,
        out_type=jax.ShapeDtypeStruct((_NC, N, D), jnp.float32),
        mesh=mesh,
        scratch_types=(
            [pltpu.VMEM((2, CH), jnp.int32)] * 4
            + [pltpu.VMEM((CH, D), jnp.float32)] * 4
            + [pltpu.VMEM_SHARED((N, D), jnp.float32)]
            + [pltpu.SemaphoreType.DMA] * 12
        ),
    )
    def agg_kernel(x_hbm, edges_hbm, out_hbm,
                   i0, i1, i2, i3, r0, r1, r2, r3, acc_sh, *sems):
        cid = lax.axis_index("c")
        sid = lax.axis_index("s")
        wid = cid * _NS + sid
        idx = (i0, i1, i2, i3)
        sidx = tuple(b.at[0] for b in idx)
        didx = tuple(b.at[1] for b in idx)
        rows = (r0, r1, r2, r3)
        isem = sems[0:4]
        gsem = sems[4:8]
        ssem = sems[8:12]
        rows_v = r0
        cbase = wid * NCH

        def load_idx(c, k):
            pltpu.async_copy(edges_hbm.at[cbase + c], idx[k], isem[k])

        def wait_idx(k):
            pltpu.make_async_copy(edges_hbm.at[0], idx[k], isem[k]).wait()

        def wait_rows(k):
            pltpu.make_async_copy(x_hbm.at[pl.ds(0, CH)], rows[k],
                                  gsem[k]).wait()

        for k in range(4):
            load_idx(k, k)

        zeros16 = jnp.zeros((16,), jnp.float32)

        def zrow(i, carry):
            for j in range(D // 16):
                rows_v[i, pl.ds(j * 16, 16)] = zeros16
            return carry

        lax.fori_loop(0, CH, zrow, 0)

        @pl.when(sid < _NS - 1)
        def _zero_main():
            for k in range(RPT // CH):
                pltpu.sync_copy(rows_v,
                                acc_sh.at[pl.ds(sid * RPT + k * CH, CH)])
            rem = RPT % CH
            if rem:
                pltpu.sync_copy(
                    rows_v.at[pl.ds(0, rem)],
                    acc_sh.at[pl.ds(sid * RPT + (RPT // CH) * CH, rem)])

        @pl.when(sid == _NS - 1)
        def _zero_last():
            base = (_NS - 1) * RPT
            for k in range(RPT_LAST // CH):
                pltpu.sync_copy(rows_v, acc_sh.at[pl.ds(base + k * CH, CH)])
            rem = RPT_LAST % CH
            if rem:
                pltpu.sync_copy(
                    rows_v.at[pl.ds(0, rem)],
                    acc_sh.at[pl.ds(base + (RPT_LAST // CH) * CH, rem)])

        plsc.subcore_barrier()

        for k in range(4):
            wait_idx(k)
            pltpu.async_copy(x_hbm.at[sidx[k]], rows[k], gsem[k])

        def group(i, carry):
            c = 4 * i
            scat = []
            for k in range(4):
                wait_rows(k)
                scat.append(pltpu.async_copy(
                    rows[k], acc_sh.at[didx[k]], ssem[k], add=True))
            for k in range(4):
                scat[k].wait()

                @pl.when(c + k + 4 < NCH)
                def _(k=k):
                    load_idx(c + k + 4, k)

            for k in range(4):
                @pl.when(c + k + 4 < NCH)
                def _(k=k):
                    wait_idx(k)
                    pltpu.async_copy(x_hbm.at[sidx[k]], rows[k], gsem[k])

            return carry

        lax.fori_loop(0, NCH // 4, group, 0)
        wait_rows(0)
        pltpu.sync_copy(rows[0], acc_sh.at[didx[0]], add=True)
        plsc.subcore_barrier()

        @pl.when(sid < _NS - 1)
        def _out_main():
            pltpu.sync_copy(acc_sh.at[pl.ds(sid * RPT, RPT)],
                            out_hbm.at[cid, pl.ds(sid * RPT, RPT)])

        @pl.when(sid == _NS - 1)
        def _out_last():
            base = (_NS - 1) * RPT
            pltpu.sync_copy(acc_sh.at[pl.ds(base, RPT_LAST)],
                            out_hbm.at[cid, pl.ds(base, RPT_LAST)])

    return agg_kernel(x, edges_il)


def _tc_mlp(x, agg, W1, b1, W2, b2):
    N, D = x.shape
    H = W1.shape[1]
    BR = 2000

    def body(x_ref, a_ref, w1_ref, b1_ref, w2_ref, b2_ref, o_ref):
        s = _q(x_ref[...] + a_ref[0] + a_ref[1])
        h = jnp.dot(s, w1_ref[...], preferred_element_type=jnp.float32)
        h = _q(jnp.maximum(h + b1_ref[...], 0.0))
        o_ref[...] = (jnp.dot(h, w2_ref[...],
                              preferred_element_type=jnp.float32) + b2_ref[...])

    return pl.pallas_call(
        body,
        grid=(N // BR,),
        in_specs=[
            pl.BlockSpec((BR, D), lambda i: (i, 0)),
            pl.BlockSpec((_NC, BR, D), lambda i: (0, i, 0)),
            pl.BlockSpec((D, H), lambda i: (0, 0)),
            pl.BlockSpec((1, H), lambda i: (0, 0)),
            pl.BlockSpec((H, H), lambda i: (0, 0)),
            pl.BlockSpec((1, H), lambda i: (0, 0)),
        ],
        out_specs=pl.BlockSpec((BR, H), lambda i: (i, 0)),
        out_shape=jax.ShapeDtypeStruct((N, H), jnp.float32),
    )(x, agg, W1, b1, W2, b2)


def _sc_gather(x, uidx, vidx):
    N, D = x.shape
    B = uidx.shape[0]
    BW = B // _NW
    mesh = plsc.VectorSubcoreMesh(core_axis_name="c", subcore_axis_name="s")

    @functools.partial(
        pl.kernel,
        out_type=(jax.ShapeDtypeStruct((B, D), jnp.float32),
                  jax.ShapeDtypeStruct((B, D), jnp.float32)),
        mesh=mesh,
        scratch_types=[
            pltpu.VMEM((BW,), jnp.int32),
            pltpu.VMEM((BW, D), jnp.float32),
            pltpu.SemaphoreType.DMA,
        ],
    )
    def gather_kernel(x_hbm, u_hbm, v_hbm, ou_hbm, ov_hbm, idx_v, rows_v, sem):
        cid = lax.axis_index("c")
        sid = lax.axis_index("s")
        base = (cid * _NS + sid) * BW
        pltpu.sync_copy(u_hbm.at[pl.ds(base, BW)], idx_v)
        pltpu.async_copy(x_hbm.at[idx_v], rows_v, sem).wait()
        pltpu.sync_copy(rows_v, ou_hbm.at[pl.ds(base, BW)])
        pltpu.sync_copy(v_hbm.at[pl.ds(base, BW)], idx_v)
        pltpu.async_copy(x_hbm.at[idx_v], rows_v, sem).wait()
        pltpu.sync_copy(rows_v, ov_hbm.at[pl.ds(base, BW)])

    return gather_kernel(x, uidx, vidx)


def _tc_score(xu, xv, fu, fv, tb, ep_W1, ep_b1, ep_W2, ep_b2,
              te_W1, te_b1, te_W2, te_b2):
    Cn, H = xu.shape

    def body(xu_ref, xv_ref, fu_ref, fv_ref, tb_ref, w1_ref, b1_ref, w2_ref,
             b2_ref, tw1_ref, tb1_ref, tw2_ref, tb2_ref, o_ref):
        w1 = w1_ref[...]
        s = _q(xu_ref[...] + xv_ref[...])
        d = _q(jnp.abs(xu_ref[...] - xv_ref[...]))
        ffs = _q(fu_ref[...] + fv_ref[...])
        ffd = _q(jnp.abs(fu_ref[...] - fv_ref[...]))
        te = _q(jnp.maximum(tb_ref[...] * tw1_ref[...] + tb1_ref[...], 0.0))
        temb = _q(jnp.dot(te, tw2_ref[...], preferred_element_type=jnp.float32)
                  + tb2_ref[...])
        cvec = (jnp.dot(ffs, w1[0:H, :], preferred_element_type=jnp.float32)
                + jnp.dot(ffd, w1[H:2 * H, :],
                          preferred_element_type=jnp.float32)
                + jnp.dot(temb, w1[4 * H:5 * H, :],
                          preferred_element_type=jnp.float32)
                + b1_ref[...])
        pre = (jnp.dot(s, w1[2 * H:3 * H, :],
                       preferred_element_type=jnp.float32)
               + jnp.dot(d, w1[3 * H:4 * H, :],
                         preferred_element_type=jnp.float32)
               + cvec)
        h = _q(jnp.maximum(pre, 0.0))
        o_ref[...] = (jnp.dot(h, w2_ref[...],
                              preferred_element_type=jnp.float32) + b2_ref[...])

    return pl.pallas_call(
        body,
        out_shape=jax.ShapeDtypeStruct((Cn, 1), jnp.float32),
    )(xu, xv, fu, fv, tb, ep_W1, ep_b1, ep_W2, ep_b2,
      te_W1, te_b1, te_W2, te_b2)


def kernel(x, edge_index, first_edge, candidate_edges, t,
           gin0_W1, gin0_b1, gin0_W2, gin0_b2,
           gin1_W1, gin1_b1, gin1_W2, gin1_b2,
           gin2_W1, gin2_b1, gin2_W2, gin2_b2,
           ep_W1, ep_b1, ep_W2, ep_b2,
           te_W1, te_b1, te_W2, te_b2):
    N, D = x.shape
    H = gin0_W1.shape[1]
    E = edge_index.shape[1]
    CH = 80
    NCHT = E // CH
    edges_il = jnp.stack([edge_index[0].reshape(NCHT, CH),
                          edge_index[1].reshape(NCHT, CH)], axis=1)

    layers = ((gin0_W1, gin0_b1, gin0_W2, gin0_b2),
              (gin1_W1, gin1_b1, gin1_W2, gin1_b2),
              (gin2_W1, gin2_b1, gin2_W2, gin2_b2))
    for W1, b1, W2, b2 in layers:
        agg = _sc_aggregate(x, edges_il)
        x = _tc_mlp(x, agg, W1, b1.reshape(1, H), W2, b2.reshape(1, H))

    Cn = candidate_edges.shape[0]
    B = ((Cn + 1 + 8 * _NW - 1) // (8 * _NW)) * (8 * _NW)
    pad = jnp.arange(B - Cn - 1, dtype=jnp.int32) % N
    uidx = jnp.concatenate([candidate_edges[:, 0].astype(jnp.int32),
                            first_edge[0:1].astype(jnp.int32), pad])
    vidx = jnp.concatenate([candidate_edges[:, 1].astype(jnp.int32),
                            first_edge[1:2].astype(jnp.int32), pad])
    xu_all, xv_all = _sc_gather(x, uidx, vidx)
    xu = xu_all[:Cn]
    xv = xv_all[:Cn]
    fu = xu_all[Cn:Cn + 1]
    fv = xv_all[Cn:Cn + 1]

    tb = jnp.full((1, H), t, dtype=jnp.float32)
    scores = _tc_score(xu, xv, fu, fv, tb,
                       ep_W1, ep_b1.reshape(1, H), ep_W2,
                       ep_b2.reshape(1, 1),
                       te_W1, te_b1.reshape(1, H), te_W2,
                       te_b2.reshape(1, H))
    return scores.reshape(-1)

# --- scband reference (transcript-rebuilt; emitter-appended) ---
"""Pipeline reference for scband-graph-er-27960237097164 (READ-ONLY COPY).

The authoritative reference and input builder live on the scoring server;
editing this copy changes nothing except your own understanding.
"""

import jax, jax.numpy as jnp
import numpy as np

N = 10000
E = 320000
D = 128
H = 128
C = 1024


def setup_inputs(seed: int = 0):
    key = jax.random.key(seed)

    def k(i):
        return jax.random.fold_in(key, i)

    inp = {}
    inp["x"] = jax.random.normal(k(0), (N, D), dtype=jnp.float32)
    inp["edge_index"] = jax.random.randint(k(1), (2, E), 0, N)
    inp["first_edge"] = jax.random.randint(k(2), (2,), 0, N)
    inp["candidate_edges"] = jax.random.randint(k(3), (C, 2), 0, N)
    inp["t"] = 5
    s = 0.05
    for i in range(3):
        inp["gin%d_W1" % i] = jax.random.normal(k(10 + 4 * i), (D if i == 0 else H, H), dtype=jnp.float32) * s
        inp["gin%d_b1" % i] = jnp.zeros((H,), dtype=jnp.float32)
        inp["gin%d_W2" % i] = jax.random.normal(k(11 + 4 * i), (H, H), dtype=jnp.float32) * s
        inp["gin%d_b2" % i] = jnp.zeros((H,), dtype=jnp.float32)
    inp["ep_W1"] = jax.random.normal(k(30), (H * 5, H), dtype=jnp.float32) * s
    inp["ep_b1"] = jnp.zeros((H,), dtype=jnp.float32)
    inp["ep_W2"] = jax.random.normal(k(31), (H, 1), dtype=jnp.float32) * s
    inp["ep_b2"] = jnp.zeros((1,), dtype=jnp.float32)
    inp["te_W1"] = jax.random.normal(k(32), (1, H), dtype=jnp.float32) * s
    inp["te_b1"] = jnp.zeros((H,), dtype=jnp.float32)
    inp["te_W2"] = jax.random.normal(k(33), (H, H), dtype=jnp.float32) * s
    inp["te_b2"] = jnp.zeros((H,), dtype=jnp.float32)
    return inp


def _gin(x, edge_index, W1, b1, W2, b2):
    # GINConv with eps=0: MLP(x + sum_{j in N(i)} x_j)
    src = edge_index[0]
    dst = edge_index[1]
    agg = jnp.zeros((x.shape[0], x.shape[1]), dtype=x.dtype).at[dst].add(x[src])
    h = (x + agg) @ W1 + b1
    h = jax.nn.relu(h)
    return h @ W2 + b2


def _edge_rep(x, u, v):
    # method='sum_absdiff'
    xu = x[u]
    xv = x[v]
    return jnp.concatenate([xu + xv, jnp.abs(xu - xv)], axis=-1)


def reference(x, edge_index, first_edge, candidate_edges, t,
              gin0_W1, gin0_b1, gin0_W2, gin0_b2,
              gin1_W1, gin1_b1, gin1_W2, gin1_b2,
              gin2_W1, gin2_b1, gin2_W2, gin2_b2,
              ep_W1, ep_b1, ep_W2, ep_b2,
              te_W1, te_b1, te_W2, te_b2):
    x = _gin(x, edge_index, gin0_W1, gin0_b1, gin0_W2, gin0_b2)
    x = _gin(x, edge_index, gin1_W1, gin1_b1, gin1_W2, gin1_b2)
    x = _gin(x, edge_index, gin2_W1, gin2_b1, gin2_W2, gin2_b2)
    first_feat = _edge_rep(x, first_edge[0], first_edge[1])
    t_tensor = jnp.array([[t]], dtype=jnp.float32)
    t_embed = (jax.nn.relu(t_tensor @ te_W1 + te_b1) @ te_W2 + te_b2)[0]
    ef = _edge_rep(x, candidate_edges[:, 0], candidate_edges[:, 1])
    Cn = ef.shape[0]
    feat = jnp.concatenate([
        jnp.broadcast_to(first_feat, (Cn, first_feat.shape[0])),
        ef,
        jnp.broadcast_to(t_embed, (Cn, t_embed.shape[0])),
    ], axis=-1)
    scores = jax.nn.relu(feat @ ep_W1 + ep_b1) @ ep_W2 + ep_b2
    return scores.reshape(-1)

if __name__ == "__main__":
    import jax
    _d = setup_inputs()
    print(jax.jit(kernel)(*tuple(_d.values())))

</pallas_src>

<mosaic_0001>
#map = affine_map<(d0, d1) -> (0, 0)>
#map1 = affine_map<(d0, d1) -> (0, 0, 0)>
module attributes {stable_mosaic.version = 14 : i64} {
  func.func @agg_kernel(%arg0: i32, %arg1: i32, %arg2: memref<10000x128xf32, #tpu.memory_space<hbm>>, %arg3: memref<4000x2x80xi32, #tpu.memory_space<hbm>>, %arg4: memref<2x10000x128xf32, #tpu.memory_space<hbm>>, %arg5: memref<2x80xi32, #tpu.memory_space<vmem>>, %arg6: memref<2x80xi32, #tpu.memory_space<vmem>>, %arg7: memref<2x80xi32, #tpu.memory_space<vmem>>, %arg8: memref<2x80xi32, #tpu.memory_space<vmem>>, %arg9: memref<80x128xf32, #tpu.memory_space<vmem>>, %arg10: memref<80x128xf32, #tpu.memory_space<vmem>>, %arg11: memref<80x128xf32, #tpu.memory_space<vmem>>, %arg12: memref<80x128xf32, #tpu.memory_space<vmem>>, %arg13: memref<10000x128xf32, #tpu.memory_space<vmem_shared>>, %arg14: memref<!tpu.dma_semaphore, #tpu.memory_space<semaphore_mem>>, %arg15: memref<!tpu.dma_semaphore, #tpu.memory_space<semaphore_mem>>, %arg16: memref<!tpu.dma_semaphore, #tpu.memory_space<semaphore_mem>>, %arg17: memref<!tpu.dma_semaphore, #tpu.memory_space<semaphore_mem>>, %arg18: memref<!tpu.dma_semaphore, #tpu.memory_space<semaphore_mem>>, %arg19: memref<!tpu.dma_semaphore, #tpu.memory_space<semaphore_mem>>, %arg20: memref<!tpu.dma_semaphore, #tpu.memory_space<semaphore_mem>>, %arg21: memref<!tpu.dma_semaphore, #tpu.memory_space<semaphore_mem>>, %arg22: memref<!tpu.dma_semaphore, #tpu.memory_space<semaphore_mem>>, %arg23: memref<!tpu.dma_semaphore, #tpu.memory_space<semaphore_mem>>, %arg24: memref<!tpu.dma_semaphore, #tpu.memory_space<semaphore_mem>>, %arg25: memref<!tpu.dma_semaphore, #tpu.memory_space<semaphore_mem>>) attributes {dimension_semantics = [#tpu.dimension_semantics<core_parallel>, #tpu.dimension_semantics<subcore_parallel>], iteration_bounds = array<i64: 2, 16>, scalar_prefetch = 0 : i64, scratch_operands = 21 : i64, tpu.core_type = #tpu.core_type<sc_vector_subcore>, window_params = [{transform_indices = #map}, {transform_indices = #map1}, {transform_indices = #map1}]} {
    %mul3A = arith.constant 16 : i32
    %mul3A_0 = arith.muli %arg0, %mul3A : i32
    %add3A = arith.addi %mul3A_0, %arg1 : i32
    %mul3A_1 = arith.constant 125 : i32
    %mul3A_2 = arith.muli %add3A, %mul3A_1 : i32
    %add3A_3 = arith.constant 0 : i32
    %add3A_4 = arith.addi %mul3A_2, %add3A_3 : i32
    %dma_start3A = arith.constant 0 : i32
    %dma_start3A_5 = arith.constant 0 : i32
    %dma_start3A_6 = tpu.memref_slice %arg3[%add3A_4, %dma_start3A, %dma_start3A_5] : memref<4000x2x80xi32, #tpu.memory_space<hbm>> -> memref<1x2x80xi32, #tpu.memory_space<hbm>>
    %dma_start3A_7 = tpu.memref_squeeze %dma_start3A_6 : memref<1x2x80xi32, #tpu.memory_space<hbm>> -> memref<2x80xi32, #tpu.memory_space<hbm>>
    %dma_start3A_8 = arith.constant 0 : i32
    %dma_start3A_9 = arith.constant 0 : i32
    %dma_start3A_10 = tpu.memref_slice %arg3[%add3A_4, %dma_start3A_8, %dma_start3A_9] : memref<4000x2x80xi32, #tpu.memory_space<hbm>> -> memref<1x2x80xi32, #tpu.memory_space<hbm>>
    %dma_start3A_11 = tpu.memref_squeeze %dma_start3A_10 : memref<1x2x80xi32, #tpu.memory_space<hbm>> -> memref<2x80xi32, #tpu.memory_space<hbm>>
    tpu.enqueue_dma source(%dma_start3A_11 : memref<2x80xi32, #tpu.memory_space<hbm>>) target(%arg5 : memref<2x80xi32, #tpu.memory_space<vmem>>) target_semaphore(%arg14 : memref<!tpu.dma_semaphore, #tpu.memory_space<semaphore_mem>>)
    %add3A_12 = arith.constant 1 : i32
    %add3A_13 = arith.addi %mul3A_2, %add3A_12 : i32
    %dma_start3A_14 = arith.constant 0 : i32
    %dma_start3A_15 = arith.constant 0 : i32
    %dma_start3A_16 = tpu.memref_slice %arg3[%add3A_13, %dma_start3A_14, %dma_start3A_15] : memref<4000x2x80xi32, #tpu.memory_space<hbm>> -> memref<1x2x80xi32, #tpu.memory_space<hbm>>
    %dma_start3A_17 = tpu.memref_squeeze %dma_start3A_16 : memref<1x2x80xi32, #tpu.memory_space<hbm>> -> memref<2x80xi32, #tpu.memory_space<hbm>>
    %dma_start3A_18 = arith.constant 0 : i32
    %dma_start3A_19 = arith.constant 0 : i32
    %dma_start3A_20 = tpu.memref_slice %arg3[%add3A_13, %dma_start3A_18, %dma_start3A_19] : memref<4000x2x80xi32, #tpu.memory_space<hbm>> -> memref<1x2x80xi32, #tpu.memory_space<hbm>>
    %dma_start3A_21 = tpu.memref_squeeze %dma_start3A_20 : memref<1x2x80xi32, #tpu.memory_space<hbm>> -> memref<2x80xi32, #tpu.memory_space<hbm>>
    tpu.enqueue_dma source(%dma_start3A_21 : memref<2x80xi32, #tpu.memory_space<hbm>>) target(%arg6 : memref<2x80xi32, #tpu.memory_space<vmem>>) target_semaphore(%arg15 : memref<!tpu.dma_semaphore, #tpu.memory_space<semaphore_mem>>)
    %add3A_22 = arith.constant 2 : i32
    %add3A_23 = arith.addi %mul3A_2, %add3A_22 : i32
    %dma_start3A_24 = arith.constant 0 : i32
    %dma_start3A_25 = arith.constant 0 : i32
    %dma_start3A_26 = tpu.memref_slice %arg3[%add3A_23, %dma_start3A_24, %dma_start3A_25] : memref<4000x2x80xi32, #tpu.memory_space<hbm>> -> memref<1x2x80xi32, #tpu.memory_space<hbm>>
    %dma_start3A_27 = tpu.memref_squeeze %dma_start3A_26 : memref<1x2x80xi32, #tpu.memory_space<hbm>> -> memref<2x80xi32, #tpu.memory_space<hbm>>
    %dma_start3A_28 = arith.constant 0 : i32
    %dma_start3A_29 = arith.constant 0 : i32
    %dma_start3A_30 = tpu.memref_slice %arg3[%add3A_23, %dma_start3A_28, %dma_start3A_29] : memref<4000x2x80xi32, #tpu.memory_space<hbm>> -> memref<1x2x80xi32, #tpu.memory_space<hbm>>
    %dma_start3A_31 = tpu.memref_squeeze %dma_start3A_30 : memref<1x2x80xi32, #tpu.memory_space<hbm>> -> memref<2x80xi32, #tpu.memory_space<hbm>>
    tpu.enqueue_dma source(%dma_start3A_31 : memref<2x80xi32, #tpu.memory_space<hbm>>) target(%arg7 : memref<2x80xi32, #tpu.memory_space<vmem>>) target_semaphore(%arg16 : memref<!tpu.dma_semaphore, #tpu.memory_space<semaphore_mem>>)
    %add3A_32 = arith.constant 3 : i32
    %add3A_33 = arith.addi %mul3A_2, %add3A_32 : i32
    %dma_start3A_34 = arith.constant 0 : i32
    %dma_start3A_35 = arith.constant 0 : i32
    %dma_start3A_36 = tpu.memref_slice %arg3[%add3A_33, %dma_start3A_34, %dma_start3A_35] : memref<4000x2x80xi32, #tpu.memory_space<hbm>> -> memref<1x2x80xi32, #tpu.memory_space<hbm>>
    %dma_start3A_37 = tpu.memref_squeeze %dma_start3A_36 : memref<1x2x80xi32, #tpu.memory_space<hbm>> -> memref<2x80xi32, #tpu.memory_space<hbm>>
    %dma_start3A_38 = arith.constant 0 : i32
    %dma_start3A_39 = arith.constant 0 : i32
    %dma_start3A_40 = tpu.memref_slice %arg3[%add3A_33, %dma_start3A_38, %dma_start3A_39] : memref<4000x2x80xi32, #tpu.memory_space<hbm>> -> memref<1x2x80xi32, #tpu.memory_space<hbm>>
    %dma_start3A_41 = tpu.memref_squeeze %dma_start3A_40 : memref<1x2x80xi32, #tpu.memory_space<hbm>> -> memref<2x80xi32, #tpu.memory_space<hbm>>
    tpu.enqueue_dma source(%dma_start3A_41 : memref<2x80xi32, #tpu.memory_space<hbm>>) target(%arg8 : memref<2x80xi32, #tpu.memory_space<vmem>>) target_semaphore(%arg17 : memref<!tpu.dma_semaphore, #tpu.memory_space<semaphore_mem>>)
    %broadcast_in_dim3A = arith.constant 0.000000e+00 : f32
    %broadcast_in_dim3A_42 = vector.broadcast %broadcast_in_dim3A : f32 to vector<16xf32>
    %scan3A = arith.constant 0 : i32
    %scan3A_43 = arith.constant 0 : i32
    %scan3A_44 = arith.constant 80 : i32
    %scan3A_45 = arith.addi %scan3A_43, %scan3A_44 : i32
    %scan3A_46 = arith.constant 1 : i32
    scf.for %scan3A_148 = %scan3A_43 to %scan3A_45 step %scan3A_46  : i32 {
      %swap3A = arith.index_cast %scan3A_148 : i32 to index
      %swap3A_149 = arith.constant 0 : index
      %swap3A_150 = tpu.vector_load %arg9[%swap3A, %swap3A_149] {strides = array<i32>} : memref<80x128xf32, #tpu.memory_space<vmem>>, vector<1x16xf32>,
      %swap3A_151 = vector.shape_cast %swap3A_150 : vector<1x16xf32> to vector<16xf32>
      %swap3A_152 = vector.shape_cast %broadcast_in_dim3A_42 : vector<16xf32> to vector<1x16xf32>
      tpu.vector_store %arg9[%swap3A, %swap3A_149], %swap3A_152 {strides = array<i32>} : memref<80x128xf32, #tpu.memory_space<vmem>>, vector<1x16xf32>,
      %swap3A_153 = arith.index_cast %scan3A_148 : i32 to index
      %swap3A_154 = arith.constant 16 : index
      %swap3A_155 = tpu.vector_load %arg9[%swap3A_153, %swap3A_154] {strides = array<i32>} : memref<80x128xf32, #tpu.memory_space<vmem>>, vector<1x16xf32>,
      %swap3A_156 = vector.shape_cast %swap3A_155 : vector<1x16xf32> to vector<16xf32>
      %swap3A_157 = vector.shape_cast %broadcast_in_dim3A_42 : vector<16xf32> to vector<1x16xf32>
      tpu.vector_store %arg9[%swap3A_153, %swap3A_154], %swap3A_157 {strides = array<i32>} : memref<80x128xf32, #tpu.memory_space<vmem>>, vector<1x16xf32>,
      %swap3A_158 = arith.index_cast %scan3A_148 : i32 to index
      %swap3A_159 = arith.constant 32 : index
      %swap3A_160 = tpu.vector_load %arg9[%swap3A_158, %swap3A_159] {strides = array<i32>} : memref<80x128xf32, #tpu.memory_space<vmem>>, vector<1x16xf32>,
      %swap3A_161 = vector.shape_cast %swap3A_160 : vector<1x16xf32> to vector<16xf32>
      %swap3A_162 = vector.shape_cast %broadcast_in_dim3A_42 : vector<16xf32> to vector<1x16xf32>
      tpu.vector_store %arg9[%swap3A_158, %swap3A_159], %swap3A_162 {strides = array<i32>} : memref<80x128xf32, #tpu.memory_space<vmem>>, vector<1x16xf32>,
      %swap3A_163 = arith.index_cast %scan3A_148 : i32 to index
      %swap3A_164 = arith.constant 48 : index
      %swap3A_165 = tpu.vector_load %arg9[%swap3A_163, %swap3A_164] {strides = array<i32>} : memref<80x128xf32, #tpu.memory_space<vmem>>, vector<1x16xf32>,
      %swap3A_166 = vector.shape_cast %swap3A_165 : vector<1x16xf32> to vector<16xf32>
      %swap3A_167 = vector.shape_cast %broadcast_in_dim3A_42 : vector<16xf32> to vector<1x16xf32>
      tpu.vector_store %arg9[%swap3A_163, %swap3A_164], %swap3A_167 {strides = array<i32>} : memref<80x128xf32, #tpu.memory_space<vmem>>, vector<1x16xf32>,
      %swap3A_168 = arith.index_cast %scan3A_148 : i32 to index
      %swap3A_169 = arith.constant 64 : index
      %swap3A_170 = tpu.vector_load %arg9[%swap3A_168, %swap3A_169] {strides = array<i32>} : memref<80x128xf32, #tpu.memory_space<vmem>>, vector<1x16xf32>,
      %swap3A_171 = vector.shape_cast %swap3A_170 : vector<1x16xf32> to vector<16xf32>
      %swap3A_172 = vector.shape_cast %broadcast_in_dim3A_42 : vector<16xf32> to vector<1x16xf32>
      tpu.vector_store %arg9[%swap3A_168, %swap3A_169], %swap3A_172 {strides = array<i32>} : memref<80x128xf32, #tpu.memory_space<vmem>>, vector<1x16xf32>,
      %swap3A_173 = arith.index_cast %scan3A_148 : i32 to index
      %swap3A_174 = arith.constant 80 : index
      %swap3A_175 = tpu.vector_load %arg9[%swap3A_173, %swap3A_174] {strides = array<i32>} : memref<80x128xf32, #tpu.memory_space<vmem>>, vector<1x16xf32>,
      %swap3A_176 = vector.shape_cast %swap3A_175 : vector<1x16xf32> to vector<16xf32>
      %swap3A_177 = vector.shape_cast %broadcast_in_dim3A_42 : vector<16xf32> to vector<1x16xf32>
      tpu.vector_store %arg9[%swap3A_173, %swap3A_174], %swap3A_177 {strides = array<i32>} : memref<80x128xf32, #tpu.memory_space<vmem>>, vector<1x16xf32>,
      %swap3A_178 = arith.index_cast %scan3A_148 : i32 to index
      %swap3A_179 = arith.constant 96 : index
      %swap3A_180 = tpu.vector_load %arg9[%swap3A_178, %swap3A_179] {strides = array<i32>} : memref<80x128xf32, #tpu.memory_space<vmem>>, vector<1x16xf32>,
      %swap3A_181 = vector.shape_cast %swap3A_180 : vector<1x16xf32> to vector<16xf32>
      %swap3A_182 = vector.shape_cast %broadcast_in_dim3A_42 : vector<16xf32> to vector<1x16xf32>
      tpu.vector_store %arg9[%swap3A_178, %swap3A_179], %swap3A_182 {strides = array<i32>} : memref<80x128xf32, #tpu.memory_space<vmem>>, vector<1x16xf32>,
      %swap3A_183 = arith.index_cast %scan3A_148 : i32 to index
      %swap3A_184 = arith.constant 112 : index
      %swap3A_185 = tpu.vector_load %arg9[%swap3A_183, %swap3A_184] {strides = array<i32>} : memref<80x128xf32, #tpu.memory_space<vmem>>, vector<1x16xf32>,
      %swap3A_186 = vector.shape_cast %swap3A_185 : vector<1x16xf32> to vector<16xf32>
      %swap3A_187 = vector.shape_cast %broadcast_in_dim3A_42 : vector<16xf32> to vector<1x16xf32>
      tpu.vector_store %arg9[%swap3A_183, %swap3A_184], %swap3A_187 {strides = array<i32>} : memref<80x128xf32, #tpu.memory_space<vmem>>, vector<1x16xf32>,
    }
    %scan3A_47 = arith.constant 80 : i32
    %lt3A = arith.constant 15 : i32
    %lt3A_48 = arith.cmpi slt, %arg1, %lt3A : i32
    %convert_element_type3A = arith.extui %lt3A_48 : i1 to i32
    %cond3A = arith.constant 0 : i32
    %cond3A_49 = arith.cmpi ne, %convert_element_type3A, %cond3A : i32
    scf.if %cond3A_49 {
      %mul3A_148 = arith.constant 624 : i32
      %mul3A_149 = arith.muli %arg1, %mul3A_148 : i32
      %add3A_150 = arith.constant 0 : i32
      %add3A_151 = arith.addi %mul3A_149, %add3A_150 : i32
      "tpu.region"() ({
        %run_scoped3A_180 = tpu.sem_alloc : memref<!tpu.dma_semaphore, #tpu.memory_space<semaphore_mem>>
        %dma_start3A_181 = arith.constant 0 : i32
        %dma_start3A_182 = tpu.memref_slice %arg13[%add3A_151, %dma_start3A_181] : memref<10000x128xf32, #tpu.memory_space<vmem_shared>> -> memref<80x128xf32, #tpu.memory_space<vmem_shared>>
        %dma_start3A_183 = arith.constant 0 : i32
        %dma_start3A_184 = tpu.memref_slice %arg13[%add3A_151, %dma_start3A_183] : memref<10000x128xf32, #tpu.memory_space<vmem_shared>> -> memref<80x128xf32, #tpu.memory_space<vmem_shared>>
        tpu.enqueue_dma source(%arg9 : memref<80x128xf32, #tpu.memory_space<vmem>>) target(%dma_start3A_184 : memref<80x128xf32, #tpu.memory_space<vmem_shared>>) target_semaphore(%run_scoped3A_180 : memref<!tpu.dma_semaphore, #tpu.memory_space<semaphore_mem>>)
        %dma_wait3A_185 = arith.constant 0 : i32
        %dma_wait3A_186 = tpu.memref_slice %arg13[%add3A_151, %dma_wait3A_185] : memref<10000x128xf32, #tpu.memory_space<vmem_shared>> -> memref<80x128xf32, #tpu.memory_space<vmem_shared>>
        %dma_wait3A_187 = arith.constant 0 : i32
        %dma_wait3A_188 = tpu.memref_slice %arg13[%add3A_151, %dma_wait3A_187] : memref<10000x128xf32, #tpu.memory_space<vmem_shared>> -> memref<80x128xf32, #tpu.memory_space<vmem_shared>>
        tpu.wait_dma2 semaphore(%run_scoped3A_180 : memref<!tpu.dma_semaphore, #tpu.memory_space<semaphore_mem>>) src(%arg9 : memref<80x128xf32, #tpu.memory_space<vmem>>) dst(%dma_wait3A_188 : memref<80x128xf32, #tpu.memory_space<vmem_shared>>)
        tpu.yield
      }) : () -> ()
      %mul3A_152 = arith.constant 624 : i32
      %mul3A_153 = arith.muli %arg1, %mul3A_152 : i32
      %add3A_154 = arith.constant 80 : i32
      %add3A_155 = arith.addi %mul3A_153, %add3A_154 : i32
      "tpu.region"() ({
        %run_scoped3A_180 = tpu.sem_alloc : memref<!tpu.dma_semaphore, #tpu.memory_space<semaphore_mem>>
        %dma_start3A_181 = arith.constant 0 : i32
        %dma_start3A_182 = tpu.memref_slice %arg13[%add3A_155, %dma_start3A_181] : memref<10000x128xf32, #tpu.memory_space<vmem_shared>> -> memref<80x128xf32, #tpu.memory_space<vmem_shared>>
        %dma_start3A_183 = arith.constant 0 : i32
        %dma_start3A_184 = tpu.memref_slice %arg13[%add3A_155, %dma_start3A_183] : memref<10000x128xf32, #tpu.memory_space<vmem_shared>> -> memref<80x128xf32, #tpu.memory_space<vmem_shared>>
        tpu.enqueue_dma source(%arg9 : memref<80x128xf32, #tpu.memory_space<vmem>>) target(%dma_start3A_184 : memref<80x128xf32, #tpu.memory_space<vmem_shared>>) target_semaphore(%run_scoped3A_180 : memref<!tpu.dma_semaphore, #tpu.memory_space<semaphore_mem>>)
        %dma_wait3A_185 = arith.constant 0 : i32
        %dma_wait3A_186 = tpu.memref_slice %arg13[%add3A_155, %dma_wait3A_185] : memref<10000x128xf32, #tpu.memory_space<vmem_shared>> -> memref<80x128xf32, #tpu.memory_space<vmem_shared>>
        %dma_wait3A_187 = arith.constant 0 : i32
        %dma_wait3A_188 = tpu.memref_slice %arg13[%add3A_155, %dma_wait3A_187] : memref<10000x128xf32, #tpu.memory_space<vmem_shared>> -> memref<80x128xf32, #tpu.memory_space<vmem_shared>>
        tpu.wait_dma2 semaphore(%run_scoped3A_180 : memref<!tpu.dma_semaphore, #tpu.memory_space<semaphore_mem>>) src(%arg9 : memref<80x128xf32, #tpu.memory_space<vmem>>) dst(%dma_wait3A_188 : memref<80x128xf32, #tpu.memory_space<vmem_shared>>)
        tpu.yield
      }) : () -> ()
      %mul3A_156 = arith.constant 624 : i32
      %mul3A_157 = arith.muli %arg1, %mul3A_156 : i32
      %add3A_158 = arith.constant 160 : i32
      %add3A_159 = arith.addi %mul3A_157, %add3A_158 : i32
      "tpu.region"() ({
        %run_scoped3A_180 = tpu.sem_alloc : memref<!tpu.dma_semaphore, #tpu.memory_space<semaphore_mem>>
        %dma_start3A_181 = arith.constant 0 : i32
        %dma_start3A_182 = tpu.memref_slice %arg13[%add3A_159, %dma_start3A_181] : memref<10000x128xf32, #tpu.memory_space<vmem_shared>> -> memref<80x128xf32, #tpu.memory_space<vmem_shared>>
        %dma_start3A_183 = arith.constant 0 : i32
        %dma_start3A_184 = tpu.memref_slice %arg13[%add3A_159, %dma_start3A_183] : memref<10000x128xf32, #tpu.memory_space<vmem_shared>> -> memref<80x128xf32, #tpu.memory_space<vmem_shared>>
        tpu.enqueue_dma source(%arg9 : memref<80x128xf32, #tpu.memory_space<vmem>>) target(%dma_start3A_184 : memref<80x128xf32, #tpu.memory_space<vmem_shared>>) target_semaphore(%run_scoped3A_180 : memref<!tpu.dma_semaphore, #tpu.memory_space<semaphore_mem>>)
        %dma_wait3A_185 = arith.constant 0 : i32
        %dma_wait3A_186 = tpu.memref_slice %arg13[%add3A_159, %dma_wait3A_185] : memref<10000x128xf32, #tpu.memory_space<vmem_shared>> -> memref<80x128xf32, #tpu.memory_space<vmem_shared>>
        %dma_wait3A_187 = arith.constant 0 : i32
        %dma_wait3A_188 = tpu.memref_slice %arg13[%add3A_159, %dma_wait3A_187] : memref<10000x128xf32, #tpu.memory_space<vmem_shared>> -> memref<80x128xf32, #tpu.memory_space<vmem_shared>>
        tpu.wait_dma2 semaphore(%run_scoped3A_180 : memref<!tpu.dma_semaphore, #tpu.memory_space<semaphore_mem>>) src(%arg9 : memref<80x128xf32, #tpu.memory_space<vmem>>) dst(%dma_wait3A_188 : memref<80x128xf32, #tpu.memory_space<vmem_shared>>)
        tpu.yield
      }) : () -> ()
      %mul3A_160 = arith.constant 624 : i32
      %mul3A_161 = arith.muli %arg1, %mul3A_160 : i32
      %add3A_162 = arith.constant 240 : i32
      %add3A_163 = arith.addi %mul3A_161, %add3A_162 : i32
      "tpu.region"() ({
        %run_scoped3A_180 = tpu.sem_alloc : memref<!tpu.dma_semaphore, #tpu.memory_space<semaphore_mem>>
        %dma_start3A_181 = arith.constant 0 : i32
        %dma_start3A_182 = tpu.memref_slice %arg13[%add3A_163, %dma_start3A_181] : memref<10000x128xf32, #tpu.memory_space<vmem_shared>> -> memref<80x128xf32, #tpu.memory_space<vmem_shared>>
        %dma_start3A_183 = arith.constant 0 : i32
        %dma_start3A_184 = tpu.memref_slice %arg13[%add3A_163, %dma_start3A_183] : memref<10000x128xf32, #tpu.memory_space<vmem_shared>> -> memref<80x128xf32, #tpu.memory_space<vmem_shared>>
        tpu.enqueue_dma source(%arg9 : memref<80x128xf32, #tpu.memory_space<vmem>>) target(%dma_start3A_184 : memref<80x128xf32, #tpu.memory_space<vmem_shared>>) target_semaphore(%run_scoped3A_180 : memref<!tpu.dma_semaphore, #tpu.memory_space<semaphore_mem>>)
        %dma_wait3A_185 = arith.constant 0 : i32
        %dma_wait3A_186 = tpu.memref_slice %arg13[%add3A_163, %dma_wait3A_185] : memref<10000x128xf32, #tpu.memory_space<vmem_shared>> -> memref<80x128xf32, #tpu.memory_space<vmem_shared>>
        %dma_wait3A_187 = arith.constant 0 : i32
        %dma_wait3A_188 = tpu.memref_slice %arg13[%add3A_163, %dma_wait3A_187] : memref<10000x128xf32, #tpu.memory_space<vmem_shared>> -> memref<80x128xf32, #tpu.memory_space<vmem_shared>>
        tpu.wait_dma2 semaphore(%run_scoped3A_180 : memref<!tpu.dma_semaphore, #tpu.memory_space<semaphore_mem>>) src(%arg9 : memref<80x128xf32, #tpu.memory_space<vmem>>) dst(%dma_wait3A_188 : memref<80x128xf32, #tpu.memory_space<vmem_shared>>)
        tpu.yield
      }) : () -> ()
      %mul3A_164 = arith.constant 624 : i32
      %mul3A_165 = arith.muli %arg1, %mul3A_164 : i32
      %add3A_166 = arith.constant 320 : i32
      %add3A_167 = arith.addi %mul3A_165, %add3A_166 : i32
      "tpu.region"() ({
        %run_scoped3A_180 = tpu.sem_alloc : memref<!tpu.dma_semaphore, #tpu.memory_space<semaphore_mem>>
        %dma_start3A_181 = arith.constant 0 : i32
        %dma_start3A_182 = tpu.memref_slice %arg13[%add3A_167, %dma_start3A_181] : memref<10000x128xf32, #tpu.memory_space<vmem_shared>> -> memref<80x128xf32, #tpu.memory_space<vmem_shared>>
        %dma_start3A_183 = arith.constant 0 : i32
        %dma_start3A_184 = tpu.memref_slice %arg13[%add3A_167, %dma_start3A_183] : memref<10000x128xf32, #tpu.memory_space<vmem_shared>> -> memref<80x128xf32, #tpu.memory_space<vmem_shared>>
        tpu.enqueue_dma source(%arg9 : memref<80x128xf32, #tpu.memory_space<vmem>>) target(%dma_start3A_184 : memref<80x128xf32, #tpu.memory_space<vmem_shared>>) target_semaphore(%run_scoped3A_180 : memref<!tpu.dma_semaphore, #tpu.memory_space<semaphore_mem>>)
        %dma_wait3A_185 = arith.constant 0 : i32
        %dma_wait3A_186 = tpu.memref_slice %arg13[%add3A_167, %dma_wait3A_185] : memref<10000x128xf32, #tpu.memory_space<vmem_shared>> -> memref<80x128xf32, #tpu.memory_space<vmem_shared>>
        %dma_wait3A_187 = arith.constant 0 : i32
        %dma_wait3A_188 = tpu.memref_slice %arg13[%add3A_167, %dma_wait3A_187] : memref<10000x128xf32, #tpu.memory_space<vmem_shared>> -> memref<80x128xf32, #tpu.memory_space<vmem_shared>>
        tpu.wait_dma2 semaphore(%run_scoped3A_180 : memref<!tpu.dma_semaphore, #tpu.memory_space<semaphore_mem>>) src(%arg9 : memref<80x128xf32, #tpu.memory_space<vmem>>) dst(%dma_wait3A_188 : memref<80x128xf32, #tpu.memory_space<vmem_shared>>)
        tpu.yield
      }) : () -> ()
      %mul3A_168 = arith.constant 624 : i32
      %mul3A_169 = arith.muli %arg1, %mul3A_168 : i32
      %add3A_170 = arith.constant 400 : i32
      %add3A_171 = arith.addi %mul3A_169, %add3A_170 : i32
      "tpu.region"() ({
        %run_scoped3A_180 = tpu.sem_alloc : memref<!tpu.dma_semaphore, #tpu.memory_space<semaphore_mem>>
        %dma_start3A_181 = arith.constant 0 : i32
        %dma_start3A_182 = tpu.memref_slice %arg13[%add3A_171, %dma_start3A_181] : memref<10000x128xf32, #tpu.memory_space<vmem_shared>> -> memref<80x128xf32, #tpu.memory_space<vmem_shared>>
        %dma_start3A_183 = arith.constant 0 : i32
        %dma_start3A_184 = tpu.memref_slice %arg13[%add3A_171, %dma_start3A_183] : memref<10000x128xf32, #tpu.memory_space<vmem_shared>> -> memref<80x128xf32, #tpu.memory_space<vmem_shared>>
        tpu.enqueue_dma source(%arg9 : memref<80x128xf32, #tpu.memory_space<vmem>>) target(%dma_start3A_184 : memref<80x128xf32, #tpu.memory_space<vmem_shared>>) target_semaphore(%run_scoped3A_180 : memref<!tpu.dma_semaphore, #tpu.memory_space<semaphore_mem>>)
        %dma_wait3A_185 = arith.constant 0 : i32
        %dma_wait3A_186 = tpu.memref_slice %arg13[%add3A_171, %dma_wait3A_185] : memref<10000x128xf32, #tpu.memory_space<vmem_shared>> -> memref<80x128xf32, #tpu.memory_space<vmem_shared>>
        %dma_wait3A_187 = arith.constant 0 : i32
        %dma_wait3A_188 = tpu.memref_slice %arg13[%add3A_171, %dma_wait3A_187] : memref<10000x128xf32, #tpu.memory_space<vmem_shared>> -> memref<80x128xf32, #tpu.memory_space<vmem_shared>>
        tpu.wait_dma2 semaphore(%run_scoped3A_180 : memref<!tpu.dma_semaphore, #tpu.memory_space<semaphore_mem>>) src(%arg9 : memref<80x128xf32, #tpu.memory_space<vmem>>) dst(%dma_wait3A_188 : memref<80x128xf32, #tpu.memory_space<vmem_shared>>)
        tpu.yield
      }) : () -> ()
      %mul3A_172 = arith.constant 624 : i32
      %mul3A_173 = arith.muli %arg1, %mul3A_172 : i32
      %add3A_174 = arith.constant 480 : i32
      %add3A_175 = arith.addi %mul3A_173, %add3A_174 : i32
      "tpu.region"() ({
        %run_scoped3A_180 = tpu.sem_alloc : memref<!tpu.dma_semaphore, #tpu.memory_space<semaphore_mem>>
        %dma_start3A_181 = arith.constant 0 : i32
        %dma_start3A_182 = tpu.memref_slice %arg13[%add3A_175, %dma_start3A_181] : memref<10000x128xf32, #tpu.memory_space<vmem_shared>> -> memref<80x128xf32, #tpu.memory_space<vmem_shared>>
        %dma_start3A_183 = arith.constant 0 : i32
        %dma_start3A_184 = tpu.memref_slice %arg13[%add3A_175, %dma_start3A_183] : memref<10000x128xf32, #tpu.memory_space<vmem_shared>> -> memref<80x128xf32, #tpu.memory_space<vmem_shared>>
        tpu.enqueue_dma source(%arg9 : memref<80x128xf32, #tpu.memory_space<vmem>>) target(%dma_start3A_184 : memref<80x128xf32, #tpu.memory_space<vmem_shared>>) target_semaphore(%run_scoped3A_180 : memref<!tpu.dma_semaphore, #tpu.memory_space<semaphore_mem>>)
        %dma_wait3A_185 = arith.constant 0 : i32
        %dma_wait3A_186 = tpu.memref_slice %arg13[%add3A_175, %dma_wait3A_185] : memref<10000x128xf32, #tpu.memory_space<vmem_shared>> -> memref<80x128xf32, #tpu.memory_space<vmem_shared>>
        %dma_wait3A_187 = arith.constant 0 : i32
        %dma_wait3A_188 = tpu.memref_slice %arg13[%add3A_175, %dma_wait3A_187] : memref<10000x128xf32, #tpu.memory_space<vmem_shared>> -> memref<80x128xf32, #tpu.memory_space<vmem_shared>>
        tpu.wait_dma2 semaphore(%run_scoped3A_180 : memref<!tpu.dma_semaphore, #tpu.memory_space<semaphore_mem>>) src(%arg9 : memref<80x128xf32, #tpu.memory_space<vmem>>) dst(%dma_wait3A_188 : memref<80x128xf32, #tpu.memory_space<vmem_shared>>)
        tpu.yield
      }) : () -> ()
      %mul3A_176 = arith.constant 624 : i32
      %mul3A_177 = arith.muli %arg1, %mul3A_176 : i32
      %add3A_178 = arith.constant 560 : i32
      %add3A_179 = arith.addi %mul3A_177, %add3A_178 : i32
      "tpu.region"() ({
        %run_scoped3A_180 = tpu.sem_alloc : memref<!tpu.dma_semaphore, #tpu.memory_space<semaphore_mem>>
        %dma_start3A_181 = arith.constant 0 : i32
        %dma_start3A_182 = arith.constant 0 : i32
        %dma_start3A_183 = tpu.memref_slice %arg9[%dma_start3A_181, %dma_start3A_182] : memref<80x128xf32, #tpu.memory_space<vmem>> -> memref<64x128xf32, #tpu.memory_space<vmem>>
        %dma_start3A_184 = arith.constant 0 : i32
        %dma_start3A_185 = tpu.memref_slice %arg13[%add3A_179, %dma_start3A_184] : memref<10000x128xf32, #tpu.memory_space<vmem_shared>> -> memref<64x128xf32, #tpu.memory_space<vmem_shared>>
        %dma_start3A_186 = arith.constant 0 : i32
        %dma_start3A_187 = tpu.memref_slice %arg13[%add3A_179, %dma_start3A_186] : memref<10000x128xf32, #tpu.memory_space<vmem_shared>> -> memref<64x128xf32, #tpu.memory_space<vmem_shared>>
        %dma_start3A_188 = arith.constant 0 : i32
        %dma_start3A_189 = arith.constant 0 : i32
        %dma_start3A_190 = tpu.memref_slice %arg9[%dma_start3A_188, %dma_start3A_189] : memref<80x128xf32, #tpu.memory_space<vmem>> -> memref<64x128xf32, #tpu.memory_space<vmem>>
        tpu.enqueue_dma source(%dma_start3A_190 : memref<64x128xf32, #tpu.memory_space<vmem>>) target(%dma_start3A_187 : memref<64x128xf32, #tpu.memory_space<vmem_shared>>) target_semaphore(%run_scoped3A_180 : memref<!tpu.dma_semaphore, #tpu.memory_space<semaphore_mem>>)
        %dma_wait3A_191 = arith.constant 0 : i32
        %dma_wait3A_192 = arith.constant 0 : i32
        %dma_wait3A_193 = tpu.memref_slice %arg9[%dma_wait3A_191, %dma_wait3A_192] : memref<80x128xf32, #tpu.memory_space<vmem>> -> memref<64x128xf32, #tpu.memory_space<vmem>>
        %dma_wait3A_194 = arith.constant 0 : i32
        %dma_wait3A_195 = tpu.memref_slice %arg13[%add3A_179, %dma_wait3A_194] : memref<10000x128xf32, #tpu.memory_space<vmem_shared>> -> memref<64x128xf32, #tpu.memory_space<vmem_shared>>
        %dma_wait3A_196 = arith.constant 0 : i32
        %dma_wait3A_197 = tpu.memref_slice %arg13[%add3A_179, %dma_wait3A_196] : memref<10000x128xf32, #tpu.memory_space<vmem_shared>> -> memref<64x128xf32, #tpu.memory_space<vmem_shared>>
        %dma_wait3A_198 = arith.constant 0 : i32
        %dma_wait3A_199 = arith.constant 0 : i32
        %dma_wait3A_200 = tpu.memref_slice %arg9[%dma_wait3A_198, %dma_wait3A_199] : memref<80x128xf32, #tpu.memory_space<vmem>> -> memref<64x128xf32, #tpu.memory_space<vmem>>
        tpu.wait_dma2 semaphore(%run_scoped3A_180 : memref<!tpu.dma_semaphore, #tpu.memory_space<semaphore_mem>>) src(%dma_wait3A_200 : memref<64x128xf32, #tpu.memory_space<vmem>>) dst(%dma_wait3A_197 : memref<64x128xf32, #tpu.memory_space<vmem_shared>>)
        tpu.yield
      }) : () -> ()
    } else {
    }
    %eq3A = arith.constant 15 : i32
    %eq3A_50 = arith.cmpi eq, %arg1, %eq3A : i32
    %convert_element_type3A_51 = arith.extui %eq3A_50 : i1 to i32
    %cond3A_52 = arith.constant 0 : i32
    %cond3A_53 = arith.cmpi ne, %convert_element_type3A_51, %cond3A_52 : i32
    scf.if %cond3A_53 {
      "tpu.region"() ({
        %run_scoped3A_148 = tpu.sem_alloc : memref<!tpu.dma_semaphore, #tpu.memory_space<semaphore_mem>>
        %dma_start3A_149 = arith.constant 9360 : i32
        %dma_start3A_150 = arith.constant 0 : i32
        %dma_start3A_151 = tpu.memref_slice %arg13[%dma_start3A_149, %dma_start3A_150] : memref<10000x128xf32, #tpu.memory_space<vmem_shared>> -> memref<80x128xf32, #tpu.memory_space<vmem_shared>>
        %dma_start3A_152 = arith.constant 9360 : i32
        %dma_start3A_153 = arith.constant 0 : i32
        %dma_start3A_154 = tpu.memref_slice %arg13[%dma_start3A_152, %dma_start3A_153] : memref<10000x128xf32, #tpu.memory_space<vmem_shared>> -> memref<80x128xf32, #tpu.memory_space<vmem_shared>>
        tpu.enqueue_dma source(%arg9 : memref<80x128xf32, #tpu.memory_space<vmem>>) target(%dma_start3A_154 : memref<80x128xf32, #tpu.memory_space<vmem_shared>>) target_semaphore(%run_scoped3A_148 : memref<!tpu.dma_semaphore, #tpu.memory_space<semaphore_mem>>)
        %dma_wait3A_155 = arith.constant 9360 : i32
        %dma_wait3A_156 = arith.constant 0 : i32
        %dma_wait3A_157 = tpu.memref_slice %arg13[%dma_wait3A_155, %dma_wait3A_156] : memref<10000x128xf32, #tpu.memory_space<vmem_shared>> -> memref<80x128xf32, #tpu.memory_space<vmem_shared>>
        %dma_wait3A_158 = arith.constant 9360 : i32
        %dma_wait3A_159 = arith.constant 0 : i32
        %dma_wait3A_160 = tpu.memref_slice %arg13[%dma_wait3A_158, %dma_wait3A_159] : memref<10000x128xf32, #tpu.memory_space<vmem_shared>> -> memref<80x128xf32, #tpu.memory_space<vmem_shared>>
        tpu.wait_dma2 semaphore(%run_scoped3A_148 : memref<!tpu.dma_semaphore, #tpu.memory_space<semaphore_mem>>) src(%arg9 : memref<80x128xf32, #tpu.memory_space<vmem>>) dst(%dma_wait3A_160 : memref<80x128xf32, #tpu.memory_space<vmem_shared>>)
        tpu.yield
      }) : () -> ()
      "tpu.region"() ({
        %run_scoped3A_148 = tpu.sem_alloc : memref<!tpu.dma_semaphore, #tpu.memory_space<semaphore_mem>>
        %dma_start3A_149 = arith.constant 9440 : i32
        %dma_start3A_150 = arith.constant 0 : i32
        %dma_start3A_151 = tpu.memref_slice %arg13[%dma_start3A_149, %dma_start3A_150] : memref<10000x128xf32, #tpu.memory_space<vmem_shared>> -> memref<80x128xf32, #tpu.memory_space<vmem_shared>>
        %dma_start3A_152 = arith.constant 9440 : i32
        %dma_start3A_153 = arith.constant 0 : i32
        %dma_start3A_154 = tpu.memref_slice %arg13[%dma_start3A_152, %dma_start3A_153] : memref<10000x128xf32, #tpu.memory_space<vmem_shared>> -> memref<80x128xf32, #tpu.memory_space<vmem_shared>>
        tpu.enqueue_dma source(%arg9 : memref<80x128xf32, #tpu.memory_space<vmem>>) target(%dma_start3A_154 : memref<80x128xf32, #tpu.memory_space<vmem_shared>>) target_semaphore(%run_scoped3A_148 : memref<!tpu.dma_semaphore, #tpu.memory_space<semaphore_mem>>)
        %dma_wait3A_155 = arith.constant 9440 : i32
        %dma_wait3A_156 = arith.constant 0 : i32
        %dma_wait3A_157 = tpu.memref_slice %arg13[%dma_wait3A_155, %dma_wait3A_156] : memref<10000x128xf32, #tpu.memory_space<vmem_shared>> -> memref<80x128xf32, #tpu.memory_space<vmem_shared>>
        %dma_wait3A_158 = arith.constant 9440 : i32
        %dma_wait3A_159 = arith.constant 0 : i32
        %dma_wait3A_160 = tpu.memref_slice %arg13[%dma_wait3A_158, %dma_wait3A_159] : memref<10000x128xf32, #tpu.memory_space<vmem_shared>> -> memref<80x128xf32, #tpu.memory_space<vmem_shared>>
        tpu.wait_dma2 semaphore(%run_scoped3A_148 : memref<!tpu.dma_semaphore, #tpu.memory_space<semaphore_mem>>) src(%arg9 : memref<80x128xf32, #tpu.memory_space<vmem>>) dst(%dma_wait3A_160 : memref<80x128xf32, #tpu.memory_space<vmem_shared>>)
        tpu.yield
      }) : () -> ()
      "tpu.region"() ({
        %run_scoped3A_148 = tpu.sem_alloc : memref<!tpu.dma_semaphore, #tpu.memory_space<semaphore_mem>>
        %dma_start3A_149 = arith.constant 9520 : i32
        %dma_start3A_150 = arith.constant 0 : i32
        %dma_start3A_151 = tpu.memref_slice %arg13[%dma_start3A_149, %dma_start3A_150] : memref<10000x128xf32, #tpu.memory_space<vmem_shared>> -> memref<80x128xf32, #tpu.memory_space<vmem_shared>>
        %dma_start3A_152 = arith.constant 9520 : i32
        %dma_start3A_153 = arith.constant 0 : i32
        %dma_start3A_154 = tpu.memref_slice %arg13[%dma_start3A_152, %dma_start3A_153] : memref<10000x128xf32, #tpu.memory_space<vmem_shared>> -> memref<80x128xf32, #tpu.memory_space<vmem_shared>>
        tpu.enqueue_dma source(%arg9 : memref<80x128xf32, #tpu.memory_space<vmem>>) target(%dma_start3A_154 : memref<80x128xf32, #tpu.memory_space<vmem_shared>>) target_semaphore(%run_scoped3A_148 : memref<!tpu.dma_semaphore, #tpu.memory_space<semaphore_mem>>)
        %dma_wait3A_155 = arith.constant 9520 : i32
        %dma_wait3A_156 = arith.constant 0 : i32
        %dma_wait3A_157 = tpu.memref_slice %arg13[%dma_wait3A_155, %dma_wait3A_156] : memref<10000x128xf32, #tpu.memory_space<vmem_shared>> -> memref<80x128xf32, #tpu.memory_space<vmem_shared>>
        %dma_wait3A_158 = arith.constant 9520 : i32
        %dma_wait3A_159 = arith.constant 0 : i32
        %dma_wait3A_160 = tpu.memref_slice %arg13[%dma_wait3A_158, %dma_wait3A_159] : memref<10000x128xf32, #tpu.memory_space<vmem_shared>> -> memref<80x128xf32, #tpu.memory_space<vmem_shared>>
        tpu.wait_dma2 semaphore(%run_scoped3A_148 : memref<!tpu.dma_semaphore, #tpu.memory_space<semaphore_mem>>) src(%arg9 : memref<80x128xf32, #tpu.memory_space<vmem>>) dst(%dma_wait3A_160 : memref<80x128xf32, #tpu.memory_space<vmem_shared>>)
        tpu.yield
      }) : () -> ()
      "tpu.region"() ({
        %run_scoped3A_148 = tpu.sem_alloc : memref<!tpu.dma_semaphore, #tpu.memory_space<semaphore_mem>>
        %dma_start3A_149 = arith.constant 9600 : i32
        %dma_start3A_150 = arith.constant 0 : i32
        %dma_start3A_151 = tpu.memref_slice %arg13[%dma_start3A_149, %dma_start3A_150] : memref<10000x128xf32, #tpu.memory_space<vmem_shared>> -> memref<80x128xf32, #tpu.memory_space<vmem_shared>>
        %dma_start3A_152 = arith.constant 9600 : i32
        %dma_start3A_153 = arith.constant 0 : i32
        %dma_start3A_154 = tpu.memref_slice %arg13[%dma_start3A_152, %dma_start3A_153] : memref<10000x128xf32, #tpu.memory_space<vmem_shared>> -> memref<80x128xf32, #tpu.memory_space<vmem_shared>>
        tpu.enqueue_dma source(%arg9 : memref<80x128xf32, #tpu.memory_space<vmem>>) target(%dma_start3A_154 : memref<80x128xf32, #tpu.memory_space<vmem_shared>>) target_semaphore(%run_scoped3A_148 : memref<!tpu.dma_semaphore, #tpu.memory_space<semaphore_mem>>)
        %dma_wait3A_155 = arith.constant 9600 : i32
        %dma_wait3A_156 = arith.constant 0 : i32
        %dma_wait3A_157 = tpu.memref_slice %arg13[%dma_wait3A_155, %dma_wait3A_156] : memref<10000x128xf32, #tpu.memory_space<vmem_shared>> -> memref<80x128xf32, #tpu.memory_space<vmem_shared>>
        %dma_wait3A_158 = arith.constant 9600 : i32
        %dma_wait3A_159 = arith.constant 0 : i32
        %dma_wait3A_160 = tpu.memref_slice %arg13[%dma_wait3A_158, %dma_wait3A_159] : memref<10000x128xf32, #tpu.memory_space<vmem_shared>> -> memref<80x128xf32, #tpu.memory_space<vmem_shared>>
        tpu.wait_dma2 semaphore(%run_scoped3A_148 : memref<!tpu.dma_semaphore, #tpu.memory_space<semaphore_mem>>) src(%arg9 : memref<80x128xf32, #tpu.memory_space<vmem>>) dst(%dma_wait3A_160 : memref<80x128xf32, #tpu.memory_space<vmem_shared>>)
        tpu.yield
      }) : () -> ()
      "tpu.region"() ({
        %run_scoped3A_148 = tpu.sem_alloc : memref<!tpu.dma_semaphore, #tpu.memory_space<semaphore_mem>>
        %dma_start3A_149 = arith.constant 9680 : i32
        %dma_start3A_150 = arith.constant 0 : i32
        %dma_start3A_151 = tpu.memref_slice %arg13[%dma_start3A_149, %dma_start3A_150] : memref<10000x128xf32, #tpu.memory_space<vmem_shared>> -> memref<80x128xf32, #tpu.memory_space<vmem_shared>>
        %dma_start3A_152 = arith.constant 9680 : i32
        %dma_start3A_153 = arith.constant 0 : i32
        %dma_start3A_154 = tpu.memref_slice %arg13[%dma_start3A_152, %dma_start3A_153] : memref<10000x128xf32, #tpu.memory_space<vmem_shared>> -> memref<80x128xf32, #tpu.memory_space<vmem_shared>>
        tpu.enqueue_dma source(%arg9 : memref<80x128xf32, #tpu.memory_space<vmem>>) target(%dma_start3A_154 : memref<80x128xf32, #tpu.memory_space<vmem_shared>>) target_semaphore(%run_scoped3A_148 : memref<!tpu.dma_semaphore, #tpu.memory_space<semaphore_mem>>)
        %dma_wait3A_155 = arith.constant 9680 : i32
        %dma_wait3A_156 = arith.constant 0 : i32
        %dma_wait3A_157 = tpu.memref_slice %arg13[%dma_wait3A_155, %dma_wait3A_156] : memref<10000x128xf32, #tpu.memory_space<vmem_shared>> -> memref<80x128xf32, #tpu.memory_space<vmem_shared>>
        %dma_wait3A_158 = arith.constant 9680 : i32
        %dma_wait3A_159 = arith.constant 0 : i32
        %dma_wait3A_160 = tpu.memref_slice %arg13[%dma_wait3A_158, %dma_wait3A_159] : memref<10000x128xf32, #tpu.memory_space<vmem_shared>> -> memref<80x128xf32, #tpu.memory_space<vmem_shared>>
        tpu.wait_dma2 semaphore(%run_scoped3A_148 : memref<!tpu.dma_semaphore, #tpu.memory_space<semaphore_mem>>) src(%arg9 : memref<80x128xf32, #tpu.memory_space<vmem>>) dst(%dma_wait3A_160 : memref<80x128xf32, #tpu.memory_space<vmem_shared>>)
        tpu.yield
      }) : () -> ()
      "tpu.region"() ({
        %run_scoped3A_148 = tpu.sem_alloc : memref<!tpu.dma_semaphore, #tpu.memory_space<semaphore_mem>>
        %dma_start3A_149 = arith.constant 9760 : i32
        %dma_start3A_150 = arith.constant 0 : i32
        %dma_start3A_151 = tpu.memref_slice %arg13[%dma_start3A_149, %dma_start3A_150] : memref<10000x128xf32, #tpu.memory_space<vmem_shared>> -> memref<80x128xf32, #tpu.memory_space<vmem_shared>>
        %dma_start3A_152 = arith.constant 9760 : i32
        %dma_start3A_153 = arith.constant 0 : i32
        %dma_start3A_154 = tpu.memref_slice %arg13[%dma_start3A_152, %dma_start3A_153] : memref<10000x128xf32, #tpu.memory_space<vmem_shared>> -> memref<80x128xf32, #tpu.memory_space<vmem_shared>>
        tpu.enqueue_dma source(%arg9 : memref<80x128xf32, #tpu.memory_space<vmem>>) target(%dma_start3A_154 : memref<80x128xf32, #tpu.memory_space<vmem_shared>>) target_semaphore(%run_scoped3A_148 : memref<!tpu.dma_semaphore, #tpu.memory_space<semaphore_mem>>)
        %dma_wait3A_155 = arith.constant 9760 : i32
        %dma_wait3A_156 = arith.constant 0 : i32
        %dma_wait3A_157 = tpu.memref_slice %arg13[%dma_wait3A_155, %dma_wait3A_156] : memref<10000x128xf32, #tpu.memory_space<vmem_shared>> -> memref<80x128xf32, #tpu.memory_space<vmem_shared>>
        %dma_wait3A_158 = arith.constant 9760 : i32
        %dma_wait3A_159 = arith.constant 0 : i32
        %dma_wait3A_160 = tpu.memref_slice %arg13[%dma_wait3A_158, %dma_wait3A_159] : memref<10000x128xf32, #tpu.memory_space<vmem_shared>> -> memref<80x128xf32, #tpu.memory_space<vmem_shared>>
        tpu.wait_dma2 semaphore(%run_scoped3A_148 : memref<!tpu.dma_semaphore, #tpu.memory_space<semaphore_mem>>) src(%arg9 : memref<80x128xf32, #tpu.memory_space<vmem>>) dst(%dma_wait3A_160 : memref<80x128xf32, #tpu.memory_space<vmem_shared>>)
        tpu.yield
      }) : () -> ()
      "tpu.region"() ({
        %run_scoped3A_148 = tpu.sem_alloc : memref<!tpu.dma_semaphore, #tpu.memory_space<semaphore_mem>>
        %dma_start3A_149 = arith.constant 9840 : i32
        %dma_start3A_150 = arith.constant 0 : i32
        %dma_start3A_151 = tpu.memref_slice %arg13[%dma_start3A_149, %dma_start3A_150] : memref<10000x128xf32, #tpu.memory_space<vmem_shared>> -> memref<80x128xf32, #tpu.memory_space<vmem_shared>>
        %dma_start3A_152 = arith.constant 9840 : i32
        %dma_start3A_153 = arith.constant 0 : i32
        %dma_start3A_154 = tpu.memref_slice %arg13[%dma_start3A_152, %dma_start3A_153] : memref<10000x128xf32, #tpu.memory_space<vmem_shared>> -> memref<80x128xf32, #tpu.memory_space<vmem_shared>>
        tpu.enqueue_dma source(%arg9 : memref<80x128xf32, #tpu.memory_space<vmem>>) target(%dma_start3A_154 : memref<80x128xf32, #tpu.memory_space<vmem_shared>>) target_semaphore(%run_scoped3A_148 : memref<!tpu.dma_semaphore, #tpu.memory_space<semaphore_mem>>)
        %dma_wait3A_155 = arith.constant 9840 : i32
        %dma_wait3A_156 = arith.constant 0 : i32
        %dma_wait3A_157 = tpu.memref_slice %arg13[%dma_wait3A_155, %dma_wait3A_156] : memref<10000x128xf32, #tpu.memory_space<vmem_shared>> -> memref<80x128xf32, #tpu.memory_space<vmem_shared>>
        %dma_wait3A_158 = arith.constant 9840 : i32
        %dma_wait3A_159 = arith.constant 0 : i32
        %dma_wait3A_160 = tpu.memref_slice %arg13[%dma_wait3A_158, %dma_wait3A_159] : memref<10000x128xf32, #tpu.memory_space<vmem_shared>> -> memref<80x128xf32, #tpu.memory_space<vmem_shared>>
        tpu.wait_dma2 semaphore(%run_scoped3A_148 : memref<!tpu.dma_semaphore, #tpu.memory_space<semaphore_mem>>) src(%arg9 : memref<80x128xf32, #tpu.memory_space<vmem>>) dst(%dma_wait3A_160 : memref<80x128xf32, #tpu.memory_space<vmem_shared>>)
        tpu.yield
      }) : () -> ()
      "tpu.region"() ({
        %run_scoped3A_148 = tpu.sem_alloc : memref<!tpu.dma_semaphore, #tpu.memory_space<semaphore_mem>>
        %dma_start3A_149 = arith.constant 9920 : i32
        %dma_start3A_150 = arith.constant 0 : i32
        %dma_start3A_151 = tpu.memref_slice %arg13[%dma_start3A_149, %dma_start3A_150] : memref<10000x128xf32, #tpu.memory_space<vmem_shared>> -> memref<80x128xf32, #tpu.memory_space<vmem_shared>>
        %dma_start3A_152 = arith.constant 9920 : i32
        %dma_start3A_153 = arith.constant 0 : i32
        %dma_start3A_154 = tpu.memref_slice %arg13[%dma_start3A_152, %dma_start3A_153] : memref<10000x128xf32, #tpu.memory_space<vmem_shared>> -> memref<80x128xf32, #tpu.memory_space<vmem_shared>>
        tpu.enqueue_dma source(%arg9 : memref<80x128xf32, #tpu.memory_space<vmem>>) target(%dma_start3A_154 : memref<80x128xf32, #tpu.memory_space<vmem_shared>>) target_semaphore(%run_scoped3A_148 : memref<!tpu.dma_semaphore, #tpu.memory_space<semaphore_mem>>)
        %dma_wait3A_155 = arith.constant 9920 : i32
        %dma_wait3A_156 = arith.constant 0 : i32
        %dma_wait3A_157 = tpu.memref_slice %arg13[%dma_wait3A_155, %dma_wait3A_156] : memref<10000x128xf32, #tpu.memory_space<vmem_shared>> -> memref<80x128xf32, #tpu.memory_space<vmem_shared>>
        %dma_wait3A_158 = arith.constant 9920 : i32
        %dma_wait3A_159 = arith.constant 0 : i32
        %dma_wait3A_160 = tpu.memref_slice %arg13[%dma_wait3A_158, %dma_wait3A_159] : memref<10000x128xf32, #tpu.memory_space<vmem_shared>> -> memref<80x128xf32, #tpu.memory_space<vmem_shared>>
        tpu.wait_dma2 semaphore(%run_scoped3A_148 : memref<!tpu.dma_semaphore, #tpu.memory_space<semaphore_mem>>) src(%arg9 : memref<80x128xf32, #tpu.memory_space<vmem>>) dst(%dma_wait3A_160 : memref<80x128xf32, #tpu.memory_space<vmem_shared>>)
        tpu.yield
      }) : () -> ()
    } else {
    }
    %barrier3A = arith.constant 0 : index
    tpu.barrier barrier_id(%barrier3A)
    %dma_wait3A = arith.constant 0 : i32
    %dma_wait3A_54 = arith.constant 0 : i32
    %dma_wait3A_55 = arith.constant 0 : i32
    %dma_wait3A_56 = tpu.memref_slice %arg3[%dma_wait3A, %dma_wait3A_54, %dma_wait3A_55] : memref<4000x2x80xi32, #tpu.memory_space<hbm>> -> memref<1x2x80xi32, #tpu.memory_space<hbm>>
    %dma_wait3A_57 = tpu.memref_squeeze %dma_wait3A_56 : memref<1x2x80xi32, #tpu.memory_space<hbm>> -> memref<2x80xi32, #tpu.memory_space<hbm>>
    %dma_wait3A_58 = arith.constant 0 : i32
    %dma_wait3A_59 = arith.constant 0 : i32
    %dma_wait3A_60 = tpu.memref_slice %arg3[%dma_wait3A, %dma_wait3A_58, %dma_wait3A_59] : memref<4000x2x80xi32, #tpu.memory_space<hbm>> -> memref<1x2x80xi32, #tpu.memory_space<hbm>>
    %dma_wait3A_61 = tpu.memref_squeeze %dma_wait3A_60 : memref<1x2x80xi32, #tpu.memory_space<hbm>> -> memref<2x80xi32, #tpu.memory_space<hbm>>
    tpu.wait_dma2 semaphore(%arg14 : memref<!tpu.dma_semaphore, #tpu.memory_space<semaphore_mem>>) src(%dma_wait3A_61 : memref<2x80xi32, #tpu.memory_space<hbm>>) dst(%arg5 : memref<2x80xi32, #tpu.memory_space<vmem>>)
    %dma_start3A_62 = arith.constant 0 : i32
    %dma_start3A_63 = arith.constant 0 : i32
    %dma_start3A_64 = tpu.memref_slice %arg5[%dma_start3A_62, %dma_start3A_63] : memref<2x80xi32, #tpu.memory_space<vmem>> -> memref<1x80xi32, #tpu.memory_space<vmem>>
    %dma_start3A_65 = tpu.memref_squeeze %dma_start3A_64 : memref<1x80xi32, #tpu.memory_space<vmem>> -> memref<80xi32, #tpu.memory_space<vmem>>
    %dma_start3A_66 = arith.constant 0 : i32
    %dma_start3A_67 = arith.constant 0 : i32
    %dma_start3A_68 = tpu.memref_slice %arg2[%dma_start3A_66, %dma_start3A_67] : memref<10000x128xf32, #tpu.memory_space<hbm>> -> memref<10000x128xf32, #tpu.memory_space<hbm>>
    tpu.enqueue_indirect_dma source(%dma_start3A_68 : memref<10000x128xf32, #tpu.memory_space<hbm>>) target(%arg9 : memref<80x128xf32, #tpu.memory_space<vmem>>) offsets(%dma_start3A_65 : memref<80xi32, #tpu.memory_space<vmem>>) semaphore(%arg18 : memref<!tpu.dma_semaphore, #tpu.memory_space<semaphore_mem>>)
    %dma_wait3A_69 = arith.constant 0 : i32
    %dma_wait3A_70 = arith.constant 0 : i32
    %dma_wait3A_71 = arith.constant 0 : i32
    %dma_wait3A_72 = tpu.memref_slice %arg3[%dma_wait3A_69, %dma_wait3A_70, %dma_wait3A_71] : memref<4000x2x80xi32, #tpu.memory_space<hbm>> -> memref<1x2x80xi32, #tpu.memory_space<hbm>>
    %dma_wait3A_73 = tpu.memref_squeeze %dma_wait3A_72 : memref<1x2x80xi32, #tpu.memory_space<hbm>> -> memref<2x80xi32, #tpu.memory_space<hbm>>
    %dma_wait3A_74 = arith.constant 0 : i32
    %dma_wait3A_75 = arith.constant 0 : i32
    %dma_wait3A_76 = tpu.memref_slice %arg3[%dma_wait3A_69, %dma_wait3A_74, %dma_wait3A_75] : memref<4000x2x80xi32, #tpu.memory_space<hbm>> -> memref<1x2x80xi32, #tpu.memory_space<hbm>>
    %dma_wait3A_77 = tpu.memref_squeeze %dma_wait3A_76 : memref<1x2x80xi32, #tpu.memory_space<hbm>> -> memref<2x80xi32, #tpu.memory_space<hbm>>
    tpu.wait_dma2 semaphore(%arg15 : memref<!tpu.dma_semaphore, #tpu.memory_space<semaphore_mem>>) src(%dma_wait3A_77 : memref<2x80xi32, #tpu.memory_space<hbm>>) dst(%arg6 : memref<2x80xi32, #tpu.memory_space<vmem>>)
    %dma_start3A_78 = arith.constant 0 : i32
    %dma_start3A_79 = arith.constant 0 : i32
    %dma_start3A_80 = tpu.memref_slice %arg6[%dma_start3A_78, %dma_start3A_79] : memref<2x80xi32, #tpu.memory_space<vmem>> -> memref<1x80xi32, #tpu.memory_space<vmem>>
    %dma_start3A_81 = tpu.memref_squeeze %dma_start3A_80 : memref<1x80xi32, #tpu.memory_space<vmem>> -> memref<80xi32, #tpu.memory_space<vmem>>
    %dma_start3A_82 = arith.constant 0 : i32
    %dma_start3A_83 = arith.constant 0 : i32
    %dma_start3A_84 = tpu.memref_slice %arg2[%dma_start3A_82, %dma_start3A_83] : memref<10000x128xf32, #tpu.memory_space<hbm>> -> memref<10000x128xf32, #tpu.memory_space<hbm>>
    tpu.enqueue_indirect_dma source(%dma_start3A_84 : memref<10000x128xf32, #tpu.memory_space<hbm>>) target(%arg10 : memref<80x128xf32, #tpu.memory_space<vmem>>) offsets(%dma_start3A_81 : memref<80xi32, #tpu.memory_space<vmem>>) semaphore(%arg19 : memref<!tpu.dma_semaphore, #tpu.memory_space<semaphore_mem>>)
    %dma_wait3A_85 = arith.constant 0 : i32
    %dma_wait3A_86 = arith.constant 0 : i32
    %dma_wait3A_87 = arith.constant 0 : i32
    %dma_wait3A_88 = tpu.memref_slice %arg3[%dma_wait3A_85, %dma_wait3A_86, %dma_wait3A_87] : memref<4000x2x80xi32, #tpu.memory_space<hbm>> -> memref<1x2x80xi32, #tpu.memory_space<hbm>>
    %dma_wait3A_89 = tpu.memref_squeeze %dma_wait3A_88 : memref<1x2x80xi32, #tpu.memory_space<hbm>> -> memref<2x80xi32, #tpu.memory_space<hbm>>
    %dma_wait3A_90 = arith.constant 0 : i32
    %dma_wait3A_91 = arith.constant 0 : i32
    %dma_wait3A_92 = tpu.memref_slice %arg3[%dma_wait3A_85, %dma_wait3A_90, %dma_wait3A_91] : memref<4000x2x80xi32, #tpu.memory_space<hbm>> -> memref<1x2x80xi32, #tpu.memory_space<hbm>>
    %dma_wait3A_93 = tpu.memref_squeeze %dma_wait3A_92 : memref<1x2x80xi32, #tpu.memory_space<hbm>> -> memref<2x80xi32, #tpu.memory_space<hbm>>
    tpu.wait_dma2 semaphore(%arg16 : memref<!tpu.dma_semaphore, #tpu.memory_space<semaphore_mem>>) src(%dma_wait3A_93 : memref<2x80xi32, #tpu.memory_space<hbm>>) dst(%arg7 : memref<2x80xi32, #tpu.memory_space<vmem>>)
    %dma_start3A_94 = arith.constant 0 : i32
    %dma_start3A_95 = arith.constant 0 : i32
    %dma_start3A_96 = tpu.memref_slice %arg7[%dma_start3A_94, %dma_start3A_95] : memref<2x80xi32, #tpu.memory_space<vmem>> -> memref<1x80xi32, #tpu.memory_space<vmem>>
    %dma_start3A_97 = tpu.memref_squeeze %dma_start3A_96 : memref<1x80xi32, #tpu.memory_space<vmem>> -> memref<80xi32, #tpu.memory_space<vmem>>
    %dma_start3A_98 = arith.constant 0 : i32
    %dma_start3A_99 = arith.constant 0 : i32
    %dma_start3A_100 = tpu.memref_slice %arg2[%dma_start3A_98, %dma_start3A_99] : memref<10000x128xf32, #tpu.memory_space<hbm>> -> memref<10000x128xf32, #tpu.memory_space<hbm>>
    tpu.enqueue_indirect_dma source(%dma_start3A_100 : memref<10000x128xf32, #tpu.memory_space<hbm>>) target(%arg11 : memref<80x128xf32, #tpu.memory_space<vmem>>) offsets(%dma_start3A_97 : memref<80xi32, #tpu.memory_space<vmem>>) semaphore(%arg20 : memref<!tpu.dma_semaphore, #tpu.memory_space<semaphore_mem>>)
    %dma_wait3A_101 = arith.constant 0 : i32
    %dma_wait3A_102 = arith.constant 0 : i32
    %dma_wait3A_103 = arith.constant 0 : i32
    %dma_wait3A_104 = tpu.memref_slice %arg3[%dma_wait3A_101, %dma_wait3A_102, %dma_wait3A_103] : memref<4000x2x80xi32, #tpu.memory_space<hbm>> -> memref<1x2x80xi32, #tpu.memory_space<hbm>>
    %dma_wait3A_105 = tpu.memref_squeeze %dma_wait3A_104 : memref<1x2x80xi32, #tpu.memory_space<hbm>> -> memref<2x80xi32, #tpu.memory_space<hbm>>
    %dma_wait3A_106 = arith.constant 0 : i32
    %dma_wait3A_107 = arith.constant 0 : i32
    %dma_wait3A_108 = tpu.memref_slice %arg3[%dma_wait3A_101, %dma_wait3A_106, %dma_wait3A_107] : memref<4000x2x80xi32, #tpu.memory_space<hbm>> -> memref<1x2x80xi32, #tpu.memory_space<hbm>>
    %dma_wait3A_109 = tpu.memref_squeeze %dma_wait3A_108 : memref<1x2x80xi32, #tpu.memory_space<hbm>> -> memref<2x80xi32, #tpu.memory_space<hbm>>
    tpu.wait_dma2 semaphore(%arg17 : memref<!tpu.dma_semaphore, #tpu.memory_space<semaphore_mem>>) src(%dma_wait3A_109 : memref<2x80xi32, #tpu.memory_space<hbm>>) dst(%arg8 : memref<2x80xi32, #tpu.memory_space<vmem>>)
    %dma_start3A_110 = arith.constant 0 : i32
    %dma_start3A_111 = arith.constant 0 : i32
    %dma_start3A_112 = tpu.memref_slice %arg8[%dma_start3A_110, %dma_start3A_111] : memref<2x80xi32, #tpu.memory_space<vmem>> -> memref<1x80xi32, #tpu.memory_space<vmem>>
    %dma_start3A_113 = tpu.memref_squeeze %dma_start3A_112 : memref<1x80xi32, #tpu.memory_space<vmem>> -> memref<80xi32, #tpu.memory_space<vmem>>
    %dma_start3A_114 = arith.constant 0 : i32
    %dma_start3A_115 = arith.constant 0 : i32
    %dma_start3A_116 = tpu.memref_slice %arg2[%dma_start3A_114, %dma_start3A_115] : memref<10000x128xf32, #tpu.memory_space<hbm>> -> memref<10000x128xf32, #tpu.memory_space<hbm>>
    tpu.enqueue_indirect_dma source(%dma_start3A_116 : memref<10000x128xf32, #tpu.memory_space<hbm>>) target(%arg12 : memref<80x128xf32, #tpu.memory_space<vmem>>) offsets(%dma_start3A_113 : memref<80xi32, #tpu.memory_space<vmem>>) semaphore(%arg21 : memref<!tpu.dma_semaphore, #tpu.memory_space<semaphore_mem>>)
    %scan3A_117 = arith.constant 0 : i32
    %scan3A_118 = arith.constant 1 : i32
    %scan3A_119 = arith.constant 1 : i32
    %scan3A_120 = arith.constant 1 : i32
    %scan3A_121 = arith.constant 1 : i32
    %scan3A_122 = arith.constant 0 : i32
    %scan3A_123 = arith.constant 0 : i32
    %scan3A_124 = arith.constant 0 : i32
    %scan3A_125 = arith.constant 0 : i32
    %scan3A_126 = arith.constant 0 : i32
    %scan3A_127 = arith.constant 31 : i32
    %scan3A_128 = arith.addi %scan3A_126, %scan3A_127 : i32
    %scan3A_129 = arith.constant 1 : i32
    scf.for %scan3A_148 = %scan3A_126 to %scan3A_128 step %scan3A_129  : i32 {
      %mul3A_149 = arith.constant 4 : i32
      %mul3A_150 = arith.muli %mul3A_149, %scan3A_148 : i32
      %dma_wait3A_151 = arith.constant 0 : i32
      %dma_wait3A_152 = arith.constant 0 : i32
      %dma_wait3A_153 = tpu.memref_slice %arg2[%dma_wait3A_151, %dma_wait3A_152] : memref<10000x128xf32, #tpu.memory_space<hbm>> -> memref<80x128xf32, #tpu.memory_space<hbm>>
      %dma_wait3A_154 = arith.constant 0 : i32
      %dma_wait3A_155 = arith.constant 0 : i32
      %dma_wait3A_156 = tpu.memref_slice %arg2[%dma_wait3A_154, %dma_wait3A_155] : memref<10000x128xf32, #tpu.memory_space<hbm>> -> memref<80x128xf32, #tpu.memory_space<hbm>>
      tpu.wait_dma2 semaphore(%arg18 : memref<!tpu.dma_semaphore, #tpu.memory_space<semaphore_mem>>) src(%dma_wait3A_156 : memref<80x128xf32, #tpu.memory_space<hbm>>) dst(%arg9 : memref<80x128xf32, #tpu.memory_space<vmem>>)
      %dma_start3A_157 = arith.constant 0 : i32
      %dma_start3A_158 = tpu.memref_slice %arg5[%scan3A_118, %dma_start3A_157] : memref<2x80xi32, #tpu.memory_space<vmem>> -> memref<1x80xi32, #tpu.memory_space<vmem>>
      %dma_start3A_159 = tpu.memref_squeeze %dma_start3A_158 : memref<1x80xi32, #tpu.memory_space<vmem>> -> memref<80xi32, #tpu.memory_space<vmem>>
      %dma_start3A_160 = arith.constant 0 : i32
      %dma_start3A_161 = arith.constant 0 : i32
      %dma_start3A_162 = tpu.memref_slice %arg13[%dma_start3A_160, %dma_start3A_161] : memref<10000x128xf32, #tpu.memory_space<vmem_shared>> -> memref<10000x128xf32, #tpu.memory_space<vmem_shared>>
      tpu.enqueue_indirect_dma source(%arg9 : memref<80x128xf32, #tpu.memory_space<vmem>>) target(%dma_start3A_162 : memref<10000x128xf32, #tpu.memory_space<vmem_shared>>) offsets(%dma_start3A_159 : memref<80xi32, #tpu.memory_space<vmem>>) semaphore(%arg22 : memref<!tpu.dma_semaphore, #tpu.memory_space<semaphore_mem>>) {add = true}
      %dma_wait3A_163 = arith.constant 0 : i32
      %dma_wait3A_164 = arith.constant 0 : i32
      %dma_wait3A_165 = tpu.memref_slice %arg2[%dma_wait3A_163, %dma_wait3A_164] : memref<10000x128xf32, #tpu.memory_space<hbm>> -> memref<80x128xf32, #tpu.memory_space<hbm>>
      %dma_wait3A_166 = arith.constant 0 : i32
      %dma_wait3A_167 = arith.constant 0 : i32
      %dma_wait3A_168 = tpu.memref_slice %arg2[%dma_wait3A_166, %dma_wait3A_167] : memref<10000x128xf32, #tpu.memory_space<hbm>> -> memref<80x128xf32, #tpu.memory_space<hbm>>
      tpu.wait_dma2 semaphore(%arg19 : memref<!tpu.dma_semaphore, #tpu.memory_space<semaphore_mem>>) src(%dma_wait3A_168 : memref<80x128xf32, #tpu.memory_space<hbm>>) dst(%arg10 : memref<80x128xf32, #tpu.memory_space<vmem>>)
      %dma_start3A_169 = arith.constant 0 : i32
      %dma_start3A_170 = tpu.memref_slice %arg6[%scan3A_119, %dma_start3A_169] : memref<2x80xi32, #tpu.memory_space<vmem>> -> memref<1x80xi32, #tpu.memory_space<vmem>>
      %dma_start3A_171 = tpu.memref_squeeze %dma_start3A_170 : memref<1x80xi32, #tpu.memory_space<vmem>> -> memref<80xi32, #tpu.memory_space<vmem>>
      %dma_start3A_172 = arith.constant 0 : i32
      %dma_start3A_173 = arith.constant 0 : i32
      %dma_start3A_174 = tpu.memref_slice %arg13[%dma_start3A_172, %dma_start3A_173] : memref<10000x128xf32, #tpu.memory_space<vmem_shared>> -> memref<10000x128xf32, #tpu.memory_space<vmem_shared>>
      tpu.enqueue_indirect_dma source(%arg10 : memref<80x128xf32, #tpu.memory_space<vmem>>) target(%dma_start3A_174 : memref<10000x128xf32, #tpu.memory_space<vmem_shared>>) offsets(%dma_start3A_171 : memref<80xi32, #tpu.memory_space<vmem>>) semaphore(%arg23 : memref<!tpu.dma_semaphore, #tpu.memory_space<semaphore_mem>>) {add = true}
      %dma_wait3A_175 = arith.constant 0 : i32
      %dma_wait3A_176 = arith.constant 0 : i32
      %dma_wait3A_177 = tpu.memref_slice %arg2[%dma_wait3A_175, %dma_wait3A_176] : memref<10000x128xf32, #tpu.memory_space<hbm>> -> memref<80x128xf32, #tpu.memory_space<hbm>>
      %dma_wait3A_178 = arith.constant 0 : i32
      %dma_wait3A_179 = arith.constant 0 : i32
      %dma_wait3A_180 = tpu.memref_slice %arg2[%dma_wait3A_178, %dma_wait3A_179] : memref<10000x128xf32, #tpu.memory_space<hbm>> -> memref<80x128xf32, #tpu.memory_space<hbm>>
      tpu.wait_dma2 semaphore(%arg20 : memref<!tpu.dma_semaphore, #tpu.memory_space<semaphore_mem>>) src(%dma_wait3A_180 : memref<80x128xf32, #tpu.memory_space<hbm>>) dst(%arg11 : memref<80x128xf32, #tpu.memory_space<vmem>>)
      %dma_start3A_181 = arith.constant 0 : i32
      %dma_start3A_182 = tpu.memref_slice %arg7[%scan3A_120, %dma_start3A_181] : memref<2x80xi32, #tpu.memory_space<vmem>> -> memref<1x80xi32, #tpu.memory_space<vmem>>
      %dma_start3A_183 = tpu.memref_squeeze %dma_start3A_182 : memref<1x80xi32, #tpu.memory_space<vmem>> -> memref<80xi32, #tpu.memory_space<vmem>>
      %dma_start3A_184 = arith.constant 0 : i32
      %dma_start3A_185 = arith.constant 0 : i32
      %dma_start3A_186 = tpu.memref_slice %arg13[%dma_start3A_184, %dma_start3A_185] : memref<10000x128xf32, #tpu.memory_space<vmem_shared>> -> memref<10000x128xf32, #tpu.memory_space<vmem_shared>>
      tpu.enqueue_indirect_dma source(%arg11 : memref<80x128xf32, #tpu.memory_space<vmem>>) target(%dma_start3A_186 : memref<10000x128xf32, #tpu.memory_space<vmem_shared>>) offsets(%dma_start3A_183 : memref<80xi32, #tpu.memory_space<vmem>>) semaphore(%arg24 : memref<!tpu.dma_semaphore, #tpu.memory_space<semaphore_mem>>) {add = true}
      %dma_wait3A_187 = arith.constant 0 : i32
      %dma_wait3A_188 = arith.constant 0 : i32
      %dma_wait3A_189 = tpu.memref_slice %arg2[%dma_wait3A_187, %dma_wait3A_188] : memref<10000x128xf32, #tpu.memory_space<hbm>> -> memref<80x128xf32, #tpu.memory_space<hbm>>
      %dma_wait3A_190 = arith.constant 0 : i32
      %dma_wait3A_191 = arith.constant 0 : i32
      %dma_wait3A_192 = tpu.memref_slice %arg2[%dma_wait3A_190, %dma_wait3A_191] : memref<10000x128xf32, #tpu.memory_space<hbm>> -> memref<80x128xf32, #tpu.memory_space<hbm>>
      tpu.wait_dma2 semaphore(%arg21 : memref<!tpu.dma_semaphore, #tpu.memory_space<semaphore_mem>>) src(%dma_wait3A_192 : memref<80x128xf32, #tpu.memory_space<hbm>>) dst(%arg12 : memref<80x128xf32, #tpu.memory_space<vmem>>)
      %dma_start3A_193 = arith.constant 0 : i32
      %dma_start3A_194 = tpu.memref_slice %arg8[%scan3A_121, %dma_start3A_193] : memref<2x80xi32, #tpu.memory_space<vmem>> -> memref<1x80xi32, #tpu.memory_space<vmem>>
      %dma_start3A_195 = tpu.memref_squeeze %dma_start3A_194 : memref<1x80xi32, #tpu.memory_space<vmem>> -> memref<80xi32, #tpu.memory_space<vmem>>
      %dma_start3A_196 = arith.constant 0 : i32
      %dma_start3A_197 = arith.constant 0 : i32
      %dma_start3A_198 = tpu.memref_slice %arg13[%dma_start3A_196, %dma_start3A_197] : memref<10000x128xf32, #tpu.memory_space<vmem_shared>> -> memref<10000x128xf32, #tpu.memory_space<vmem_shared>>
      tpu.enqueue_indirect_dma source(%arg12 : memref<80x128xf32, #tpu.memory_space<vmem>>) target(%dma_start3A_198 : memref<10000x128xf32, #tpu.memory_space<vmem_shared>>) offsets(%dma_start3A_195 : memref<80xi32, #tpu.memory_space<vmem>>) semaphore(%arg25 : memref<!tpu.dma_semaphore, #tpu.memory_space<semaphore_mem>>) {add = true}
      %dma_wait3A_199 = arith.constant 0 : i32
      %dma_wait3A_200 = tpu.memref_slice %arg5[%scan3A_118, %dma_wait3A_199] : memref<2x80xi32, #tpu.memory_space<vmem>> -> memref<1x80xi32, #tpu.memory_space<vmem>>
      %dma_wait3A_201 = tpu.memref_squeeze %dma_wait3A_200 : memref<1x80xi32, #tpu.memory_space<vmem>> -> memref<80xi32, #tpu.memory_space<vmem>>
      %dma_wait3A_202 = arith.constant 0 : i32
      %dma_wait3A_203 = arith.constant 0 : i32
      %dma_wait3A_204 = tpu.memref_slice %arg13[%dma_wait3A_202, %dma_wait3A_203] : memref<10000x128xf32, #tpu.memory_space<vmem_shared>> -> memref<10000x128xf32, #tpu.memory_space<vmem_shared>>
      tpu.wait_indirect_dma semaphore(%arg22 : memref<!tpu.dma_semaphore, #tpu.memory_space<semaphore_mem>>) src(%arg9 : memref<80x128xf32, #tpu.memory_space<vmem>>) dst(%dma_wait3A_204 : memref<10000x128xf32, #tpu.memory_space<vmem_shared>>)
      %add3A_205 = arith.constant 0 : i32
      %add3A_206 = arith.addi %mul3A_150, %add3A_205 : i32
      %add3A_207 = arith.constant 4 : i32
      %add3A_208 = arith.addi %add3A_206, %add3A_207 : i32
      %lt3A_209 = arith.constant 125 : i32
      %lt3A_210 = arith.cmpi slt, %add3A_208, %lt3A_209 : i32
      %convert_element_type3A_211 = arith.extui %lt3A_210 : i1 to i32
      %cond3A_212 = arith.constant 0 : i32
      %cond3A_213 = arith.cmpi ne, %convert_element_type3A_211, %cond3A_212 : i32
      scf.if %cond3A_213 {
        %add3A_295 = arith.constant 0 : i32
        %add3A_296 = arith.addi %mul3A_150, %add3A_295 : i32
        %add3A_297 = arith.constant 4 : i32
        %add3A_298 = arith.addi %add3A_296, %add3A_297 : i32
        %add3A_299 = arith.addi %mul3A_2, %add3A_298 : i32
        %dma_start3A_300 = arith.constant 0 : i32
        %dma_start3A_301 = arith.constant 0 : i32
        %dma_start3A_302 = tpu.memref_slice %arg3[%add3A_299, %dma_start3A_300, %dma_start3A_301] : memref<4000x2x80xi32, #tpu.memory_space<hbm>> -> memref<1x2x80xi32, #tpu.memory_space<hbm>>
        %dma_start3A_303 = tpu.memref_squeeze %dma_start3A_302 : memref<1x2x80xi32, #tpu.memory_space<hbm>> -> memref<2x80xi32, #tpu.memory_space<hbm>>
        %dma_start3A_304 = arith.constant 0 : i32
        %dma_start3A_305 = arith.constant 0 : i32
        %dma_start3A_306 = tpu.memref_slice %arg3[%add3A_299, %dma_start3A_304, %dma_start3A_305] : memref<4000x2x80xi32, #tpu.memory_space<hbm>> -> memref<1x2x80xi32, #tpu.memory_space<hbm>>
        %dma_start3A_307 = tpu.memref_squeeze %dma_start3A_306 : memref<1x2x80xi32, #tpu.memory_space<hbm>> -> memref<2x80xi32, #tpu.memory_space<hbm>>
        tpu.enqueue_dma source(%dma_start3A_307 : memref<2x80xi32, #tpu.memory_space<hbm>>) target(%arg5 : memref<2x80xi32, #tpu.memory_space<vmem>>) target_semaphore(%arg14 : memref<!tpu.dma_semaphore, #tpu.memory_space<semaphore_mem>>)
      } else {
      }
      %dma_wait3A_214 = arith.constant 0 : i32
      %dma_wait3A_215 = tpu.memref_slice %arg6[%scan3A_119, %dma_wait3A_214] : memref<2x80xi32, #tpu.memory_space<vmem>> -> memref<1x80xi32, #tpu.memory_space<vmem>>
      %dma_wait3A_216 = tpu.memref_squeeze %dma_wait3A_215 : memref<1x80xi32, #tpu.memory_space<vmem>> -> memref<80xi32, #tpu.memory_space<vmem>>
      %dma_wait3A_217 = arith.constant 0 : i32
      %dma_wait3A_218 = arith.constant 0 : i32
      %dma_wait3A_219 = tpu.memref_slice %arg13[%dma_wait3A_217, %dma_wait3A_218] : memref<10000x128xf32, #tpu.memory_space<vmem_shared>> -> memref<10000x128xf32, #tpu.memory_space<vmem_shared>>
      tpu.wait_indirect_dma semaphore(%arg23 : memref<!tpu.dma_semaphore, #tpu.memory_space<semaphore_mem>>) src(%arg10 : memref<80x128xf32, #tpu.memory_space<vmem>>) dst(%dma_wait3A_219 : memref<10000x128xf32, #tpu.memory_space<vmem_shared>>)
      %add3A_220 = arith.constant 1 : i32
      %add3A_221 = arith.addi %mul3A_150, %add3A_220 : i32
      %add3A_222 = arith.constant 4 : i32
      %add3A_223 = arith.addi %add3A_221, %add3A_222 : i32
      %lt3A_224 = arith.constant 125 : i32
      %lt3A_225 = arith.cmpi slt, %add3A_223, %lt3A_224 : i32
      %convert_element_type3A_226 = arith.extui %lt3A_225 : i1 to i32
      %cond3A_227 = arith.constant 0 : i32
      %cond3A_228 = arith.cmpi ne, %convert_element_type3A_226, %cond3A_227 : i32
      scf.if %cond3A_228 {
        %add3A_295 = arith.constant 1 : i32
        %add3A_296 = arith.addi %mul3A_150, %add3A_295 : i32
        %add3A_297 = arith.constant 4 : i32
        %add3A_298 = arith.addi %add3A_296, %add3A_297 : i32
        %add3A_299 = arith.addi %mul3A_2, %add3A_298 : i32
        %dma_start3A_300 = arith.constant 0 : i32
        %dma_start3A_301 = arith.constant 0 : i32
        %dma_start3A_302 = tpu.memref_slice %arg3[%add3A_299, %dma_start3A_300, %dma_start3A_301] : memref<4000x2x80xi32, #tpu.memory_space<hbm>> -> memref<1x2x80xi32, #tpu.memory_space<hbm>>
        %dma_start3A_303 = tpu.memref_squeeze %dma_start3A_302 : memref<1x2x80xi32, #tpu.memory_space<hbm>> -> memref<2x80xi32, #tpu.memory_space<hbm>>
        %dma_start3A_304 = arith.constant 0 : i32
        %dma_start3A_305 = arith.constant 0 : i32
        %dma_start3A_306 = tpu.memref_slice %arg3[%add3A_299, %dma_start3A_304, %dma_start3A_305] : memref<4000x2x80xi32, #tpu.memory_space<hbm>> -> memref<1x2x80xi32, #tpu.memory_space<hbm>>
        %dma_start3A_307 = tpu.memref_squeeze %dma_start3A_306 : memref<1x2x80xi32, #tpu.memory_space<hbm>> -> memref<2x80xi32, #tpu.memory_space<hbm>>
        tpu.enqueue_dma source(%dma_start3A_307 : memref<2x80xi32, #tpu.memory_space<hbm>>) target(%arg6 : memref<2x80xi32, #tpu.memory_space<vmem>>) target_semaphore(%arg15 : memref<!tpu.dma_semaphore, #tpu.memory_space<semaphore_mem>>)
      } else {
      }
      %dma_wait3A_229 = arith.constant 0 : i32
      %dma_wait3A_230 = tpu.memref_slice %arg7[%scan3A_120, %dma_wait3A_229] : memref<2x80xi32, #tpu.memory_space<vmem>> -> memref<1x80xi32, #tpu.memory_space<vmem>>
      %dma_wait3A_231 = tpu.memref_squeeze %dma_wait3A_230 : memref<1x80xi32, #tpu.memory_space<vmem>> -> memref<80xi32, #tpu.memory_space<vmem>>
      %dma_wait3A_232 = arith.constant 0 : i32
      %dma_wait3A_233 = arith.constant 0 : i32
      %dma_wait3A_234 = tpu.memref_slice %arg13[%dma_wait3A_232, %dma_wait3A_233] : memref<10000x128xf32, #tpu.memory_space<vmem_shared>> -> memref<10000x128xf32, #tpu.memory_space<vmem_shared>>
      tpu.wait_indirect_dma semaphore(%arg24 : memref<!tpu.dma_semaphore, #tpu.memory_space<semaphore_mem>>) src(%arg11 : memref<80x128xf32, #tpu.memory_space<vmem>>) dst(%dma_wait3A_234 : memref<10000x128xf32, #tpu.memory_space<vmem_shared>>)
      %add3A_235 = arith.constant 2 : i32
      %add3A_236 = arith.addi %mul3A_150, %add3A_235 : i32
      %add3A_237 = arith.constant 4 : i32
      %add3A_238 = arith.addi %add3A_236, %add3A_237 : i32
      %lt3A_239 = arith.constant 125 : i32
      %lt3A_240 = arith.cmpi slt, %add3A_238, %lt3A_239 : i32
      %convert_element_type3A_241 = arith.extui %lt3A_240 : i1 to i32
      %cond3A_242 = arith.constant 0 : i32
      %cond3A_243 = arith.cmpi ne, %convert_element_type3A_241, %cond3A_242 : i32
      scf.if %cond3A_243 {
        %add3A_295 = arith.constant 2 : i32
        %add3A_296 = arith.addi %mul3A_150, %add3A_295 : i32
        %add3A_297 = arith.constant 4 : i32
        %add3A_298 = arith.addi %add3A_296, %add3A_297 : i32
        %add3A_299 = arith.addi %mul3A_2, %add3A_298 : i32
        %dma_start3A_300 = arith.constant 0 : i32
        %dma_start3A_301 = arith.constant 0 : i32
        %dma_start3A_302 = tpu.memref_slice %arg3[%add3A_299, %dma_start3A_300, %dma_start3A_301] : memref<4000x2x80xi32, #tpu.memory_space<hbm>> -> memref<1x2x80xi32, #tpu.memory_space<hbm>>
        %dma_start3A_303 = tpu.memref_squeeze %dma_start3A_302 : memref<1x2x80xi32, #tpu.memory_space<hbm>> -> memref<2x80xi32, #tpu.memory_space<hbm>>
        %dma_start3A_304 = arith.constant 0 : i32
        %dma_start3A_305 = arith.constant 0 : i32
        %dma_start3A_306 = tpu.memref_slice %arg3[%add3A_299, %dma_start3A_304, %dma_start3A_305] : memref<4000x2x80xi32, #tpu.memory_space<hbm>> -> memref<1x2x80xi32, #tpu.memory_space<hbm>>
        %dma_start3A_307 = tpu.memref_squeeze %dma_start3A_306 : memref<1x2x80xi32, #tpu.memory_space<hbm>> -> memref<2x80xi32, #tpu.memory_space<hbm>>
        tpu.enqueue_dma source(%dma_start3A_307 : memref<2x80xi32, #tpu.memory_space<hbm>>) target(%arg7 : memref<2x80xi32, #tpu.memory_space<vmem>>) target_semaphore(%arg16 : memref<!tpu.dma_semaphore, #tpu.memory_space<semaphore_mem>>)
      } else {
      }
      %dma_wait3A_244 = arith.constant 0 : i32
      %dma_wait3A_245 = tpu.memref_slice %arg8[%scan3A_121, %dma_wait3A_244] : memref<2x80xi32, #tpu.memory_space<vmem>> -> memref<1x80xi32, #tpu.memory_space<vmem>>
      %dma_wait3A_246 = tpu.memref_squeeze %dma_wait3A_245 : memref<1x80xi32, #tpu.memory_space<vmem>> -> memref<80xi32, #tpu.memory_space<vmem>>
      %dma_wait3A_247 = arith.constant 0 : i32
      %dma_wait3A_248 = arith.constant 0 : i32
      %dma_wait3A_249 = tpu.memref_slice %arg13[%dma_wait3A_247, %dma_wait3A_248] : memref<10000x128xf32, #tpu.memory_space<vmem_shared>> -> memref<10000x128xf32, #tpu.memory_space<vmem_shared>>
      tpu.wait_indirect_dma semaphore(%arg25 : memref<!tpu.dma_semaphore, #tpu.memory_space<semaphore_mem>>) src(%arg12 : memref<80x128xf32, #tpu.memory_space<vmem>>) dst(%dma_wait3A_249 : memref<10000x128xf32, #tpu.memory_space<vmem_shared>>)
      %add3A_250 = arith.constant 3 : i32
      %add3A_251 = arith.addi %mul3A_150, %add3A_250 : i32
      %add3A_252 = arith.constant 4 : i32
      %add3A_253 = arith.addi %add3A_251, %add3A_252 : i32
      %lt3A_254 = arith.constant 125 : i32
      %lt3A_255 = arith.cmpi slt, %add3A_253, %lt3A_254 : i32
      %convert_element_type3A_256 = arith.extui %lt3A_255 : i1 to i32
      %cond3A_257 = arith.constant 0 : i32
      %cond3A_258 = arith.cmpi ne, %convert_element_type3A_256, %cond3A_257 : i32
      scf.if %cond3A_258 {
        %add3A_295 = arith.constant 3 : i32
        %add3A_296 = arith.addi %mul3A_150, %add3A_295 : i32
        %add3A_297 = arith.constant 4 : i32
        %add3A_298 = arith.addi %add3A_296, %add3A_297 : i32
        %add3A_299 = arith.addi %mul3A_2, %add3A_298 : i32
        %dma_start3A_300 = arith.constant 0 : i32
        %dma_start3A_301 = arith.constant 0 : i32
        %dma_start3A_302 = tpu.memref_slice %arg3[%add3A_299, %dma_start3A_300, %dma_start3A_301] : memref<4000x2x80xi32, #tpu.memory_space<hbm>> -> memref<1x2x80xi32, #tpu.memory_space<hbm>>
        %dma_start3A_303 = tpu.memref_squeeze %dma_start3A_302 : memref<1x2x80xi32, #tpu.memory_space<hbm>> -> memref<2x80xi32, #tpu.memory_space<hbm>>
        %dma_start3A_304 = arith.constant 0 : i32
        %dma_start3A_305 = arith.constant 0 : i32
        %dma_start3A_306 = tpu.memref_slice %arg3[%add3A_299, %dma_start3A_304, %dma_start3A_305] : memref<4000x2x80xi32, #tpu.memory_space<hbm>> -> memref<1x2x80xi32, #tpu.memory_space<hbm>>
        %dma_start3A_307 = tpu.memref_squeeze %dma_start3A_306 : memref<1x2x80xi32, #tpu.memory_space<hbm>> -> memref<2x80xi32, #tpu.memory_space<hbm>>
        tpu.enqueue_dma source(%dma_start3A_307 : memref<2x80xi32, #tpu.memory_space<hbm>>) target(%arg8 : memref<2x80xi32, #tpu.memory_space<vmem>>) target_semaphore(%arg17 : memref<!tpu.dma_semaphore, #tpu.memory_space<semaphore_mem>>)
      } else {
      }
      %add3A_259 = arith.constant 0 : i32
      %add3A_260 = arith.addi %mul3A_150, %add3A_259 : i32
      %add3A_261 = arith.constant 4 : i32
      %add3A_262 = arith.addi %add3A_260, %add3A_261 : i32
      %lt3A_263 = arith.constant 125 : i32
      %lt3A_264 = arith.cmpi slt, %add3A_262, %lt3A_263 : i32
      %convert_element_type3A_265 = arith.extui %lt3A_264 : i1 to i32
      %cond3A_266 = arith.constant 0 : i32
      %cond3A_267 = arith.cmpi ne, %convert_element_type3A_265, %cond3A_266 : i32
      scf.if %cond3A_267 {
        %dma_wait3A_295 = arith.constant 0 : i32
        %dma_wait3A_296 = arith.constant 0 : i32
        %dma_wait3A_297 = arith.constant 0 : i32
        %dma_wait3A_298 = tpu.memref_slice %arg3[%dma_wait3A_295, %dma_wait3A_296, %dma_wait3A_297] : memref<4000x2x80xi32, #tpu.memory_space<hbm>> -> memref<1x2x80xi32, #tpu.memory_space<hbm>>
        %dma_wait3A_299 = tpu.memref_squeeze %dma_wait3A_298 : memref<1x2x80xi32, #tpu.memory_space<hbm>> -> memref<2x80xi32, #tpu.memory_space<hbm>>
        %dma_wait3A_300 = arith.constant 0 : i32
        %dma_wait3A_301 = arith.constant 0 : i32
        %dma_wait3A_302 = tpu.memref_slice %arg3[%dma_wait3A_295, %dma_wait3A_300, %dma_wait3A_301] : memref<4000x2x80xi32, #tpu.memory_space<hbm>> -> memref<1x2x80xi32, #tpu.memory_space<hbm>>
        %dma_wait3A_303 = tpu.memref_squeeze %dma_wait3A_302 : memref<1x2x80xi32, #tpu.memory_space<hbm>> -> memref<2x80xi32, #tpu.memory_space<hbm>>
        tpu.wait_dma2 semaphore(%arg14 : memref<!tpu.dma_semaphore, #tpu.memory_space<semaphore_mem>>) src(%dma_wait3A_303 : memref<2x80xi32, #tpu.memory_space<hbm>>) dst(%arg5 : memref<2x80xi32, #tpu.memory_space<vmem>>)
        %dma_start3A_304 = arith.constant 0 : i32
        %dma_start3A_305 = tpu.memref_slice %arg5[%scan3A_122, %dma_start3A_304] : memref<2x80xi32, #tpu.memory_space<vmem>> -> memref<1x80xi32, #tpu.memory_space<vmem>>
        %dma_start3A_306 = tpu.memref_squeeze %dma_start3A_305 : memref<1x80xi32, #tpu.memory_space<vmem>> -> memref<80xi32, #tpu.memory_space<vmem>>
        %dma_start3A_307 = arith.constant 0 : i32
        %dma_start3A_308 = arith.constant 0 : i32
        %dma_start3A_309 = tpu.memref_slice %arg2[%dma_start3A_307, %dma_start3A_308] : memref<10000x128xf32, #tpu.memory_space<hbm>> -> memref<10000x128xf32, #tpu.memory_space<hbm>>
        tpu.enqueue_indirect_dma source(%dma_start3A_309 : memref<10000x128xf32, #tpu.memory_space<hbm>>) target(%arg9 : memref<80x128xf32, #tpu.memory_space<vmem>>) offsets(%dma_start3A_306 : memref<80xi32, #tpu.memory_space<vmem>>) semaphore(%arg18 : memref<!tpu.dma_semaphore, #tpu.memory_space<semaphore_mem>>)
      } else {
      }
      %add3A_268 = arith.constant 1 : i32
      %add3A_269 = arith.addi %mul3A_150, %add3A_268 : i32
      %add3A_270 = arith.constant 4 : i32
      %add3A_271 = arith.addi %add3A_269, %add3A_270 : i32
      %lt3A_272 = arith.constant 125 : i32
      %lt3A_273 = arith.cmpi slt, %add3A_271, %lt3A_272 : i32
      %convert_element_type3A_274 = arith.extui %lt3A_273 : i1 to i32
      %cond3A_275 = arith.constant 0 : i32
      %cond3A_276 = arith.cmpi ne, %convert_element_type3A_274, %cond3A_275 : i32
      scf.if %cond3A_276 {
        %dma_wait3A_295 = arith.constant 0 : i32
        %dma_wait3A_296 = arith.constant 0 : i32
        %dma_wait3A_297 = arith.constant 0 : i32
        %dma_wait3A_298 = tpu.memref_slice %arg3[%dma_wait3A_295, %dma_wait3A_296, %dma_wait3A_297] : memref<4000x2x80xi32, #tpu.memory_space<hbm>> -> memref<1x2x80xi32, #tpu.memory_space<hbm>>
        %dma_wait3A_299 = tpu.memref_squeeze %dma_wait3A_298 : memref<1x2x80xi32, #tpu.memory_space<hbm>> -> memref<2x80xi32, #tpu.memory_space<hbm>>
        %dma_wait3A_300 = arith.constant 0 : i32
        %dma_wait3A_301 = arith.constant 0 : i32
        %dma_wait3A_302 = tpu.memref_slice %arg3[%dma_wait3A_295, %dma_wait3A_300, %dma_wait3A_301] : memref<4000x2x80xi32, #tpu.memory_space<hbm>> -> memref<1x2x80xi32, #tpu.memory_space<hbm>>
        %dma_wait3A_303 = tpu.memref_squeeze %dma_wait3A_302 : memref<1x2x80xi32, #tpu.memory_space<hbm>> -> memref<2x80xi32, #tpu.memory_space<hbm>>
        tpu.wait_dma2 semaphore(%arg15 : memref<!tpu.dma_semaphore, #tpu.memory_space<semaphore_mem>>) src(%dma_wait3A_303 : memref<2x80xi32, #tpu.memory_space<hbm>>) dst(%arg6 : memref<2x80xi32, #tpu.memory_space<vmem>>)
        %dma_start3A_304 = arith.constant 0 : i32
        %dma_start3A_305 = tpu.memref_slice %arg6[%scan3A_123, %dma_start3A_304] : memref<2x80xi32, #tpu.memory_space<vmem>> -> memref<1x80xi32, #tpu.memory_space<vmem>>
        %dma_start3A_306 = tpu.memref_squeeze %dma_start3A_305 : memref<1x80xi32, #tpu.memory_space<vmem>> -> memref<80xi32, #tpu.memory_space<vmem>>
        %dma_start3A_307 = arith.constant 0 : i32
        %dma_start3A_308 = arith.constant 0 : i32
        %dma_start3A_309 = tpu.memref_slice %arg2[%dma_start3A_307, %dma_start3A_308] : memref<10000x128xf32, #tpu.memory_space<hbm>> -> memref<10000x128xf32, #tpu.memory_space<hbm>>
        tpu.enqueue_indirect_dma source(%dma_start3A_309 : memref<10000x128xf32, #tpu.memory_space<hbm>>) target(%arg10 : memref<80x128xf32, #tpu.memory_space<vmem>>) offsets(%dma_start3A_306 : memref<80xi32, #tpu.memory_space<vmem>>) semaphore(%arg19 : memref<!tpu.dma_semaphore, #tpu.memory_space<semaphore_mem>>)
      } else {
      }
      %add3A_277 = arith.constant 2 : i32
      %add3A_278 = arith.addi %mul3A_150, %add3A_277 : i32
      %add3A_279 = arith.constant 4 : i32
      %add3A_280 = arith.addi %add3A_278, %add3A_279 : i32
      %lt3A_281 = arith.constant 125 : i32
      %lt3A_282 = arith.cmpi slt, %add3A_280, %lt3A_281 : i32
      %convert_element_type3A_283 = arith.extui %lt3A_282 : i1 to i32
      %cond3A_284 = arith.constant 0 : i32
      %cond3A_285 = arith.cmpi ne, %convert_element_type3A_283, %cond3A_284 : i32
      scf.if %cond3A_285 {
        %dma_wait3A_295 = arith.constant 0 : i32
        %dma_wait3A_296 = arith.constant 0 : i32
        %dma_wait3A_297 = arith.constant 0 : i32
        %dma_wait3A_298 = tpu.memref_slice %arg3[%dma_wait3A_295, %dma_wait3A_296, %dma_wait3A_297] : memref<4000x2x80xi32, #tpu.memory_space<hbm>> -> memref<1x2x80xi32, #tpu.memory_space<hbm>>
        %dma_wait3A_299 = tpu.memref_squeeze %dma_wait3A_298 : memref<1x2x80xi32, #tpu.memory_space<hbm>> -> memref<2x80xi32, #tpu.memory_space<hbm>>
        %dma_wait3A_300 = arith.constant 0 : i32
        %dma_wait3A_301 = arith.constant 0 : i32
        %dma_wait3A_302 = tpu.memref_slice %arg3[%dma_wait3A_295, %dma_wait3A_300, %dma_wait3A_301] : memref<4000x2x80xi32, #tpu.memory_space<hbm>> -> memref<1x2x80xi32, #tpu.memory_space<hbm>>
        %dma_wait3A_303 = tpu.memref_squeeze %dma_wait3A_302 : memref<1x2x80xi32, #tpu.memory_space<hbm>> -> memref<2x80xi32, #tpu.memory_space<hbm>>
        tpu.wait_dma2 semaphore(%arg16 : memref<!tpu.dma_semaphore, #tpu.memory_space<semaphore_mem>>) src(%dma_wait3A_303 : memref<2x80xi32, #tpu.memory_space<hbm>>) dst(%arg7 : memref<2x80xi32, #tpu.memory_space<vmem>>)
        %dma_start3A_304 = arith.constant 0 : i32
        %dma_start3A_305 = tpu.memref_slice %arg7[%scan3A_124, %dma_start3A_304] : memref<2x80xi32, #tpu.memory_space<vmem>> -> memref<1x80xi32, #tpu.memory_space<vmem>>
        %dma_start3A_306 = tpu.memref_squeeze %dma_start3A_305 : memref<1x80xi32, #tpu.memory_space<vmem>> -> memref<80xi32, #tpu.memory_space<vmem>>
        %dma_start3A_307 = arith.constant 0 : i32
        %dma_start3A_308 = arith.constant 0 : i32
        %dma_start3A_309 = tpu.memref_slice %arg2[%dma_start3A_307, %dma_start3A_308] : memref<10000x128xf32, #tpu.memory_space<hbm>> -> memref<10000x128xf32, #tpu.memory_space<hbm>>
        tpu.enqueue_indirect_dma source(%dma_start3A_309 : memref<10000x128xf32, #tpu.memory_space<hbm>>) target(%arg11 : memref<80x128xf32, #tpu.memory_space<vmem>>) offsets(%dma_start3A_306 : memref<80xi32, #tpu.memory_space<vmem>>) semaphore(%arg20 : memref<!tpu.dma_semaphore, #tpu.memory_space<semaphore_mem>>)
      } else {
      }
      %add3A_286 = arith.constant 3 : i32
      %add3A_287 = arith.addi %mul3A_150, %add3A_286 : i32
      %add3A_288 = arith.constant 4 : i32
      %add3A_289 = arith.addi %add3A_287, %add3A_288 : i32
      %lt3A_290 = arith.constant 125 : i32
      %lt3A_291 = arith.cmpi slt, %add3A_289, %lt3A_290 : i32
      %convert_element_type3A_292 = arith.extui %lt3A_291 : i1 to i32
      %cond3A_293 = arith.constant 0 : i32
      %cond3A_294 = arith.cmpi ne, %convert_element_type3A_292, %cond3A_293 : i32
      scf.if %cond3A_294 {
        %dma_wait3A_295 = arith.constant 0 : i32
        %dma_wait3A_296 = arith.constant 0 : i32
        %dma_wait3A_297 = arith.constant 0 : i32
        %dma_wait3A_298 = tpu.memref_slice %arg3[%dma_wait3A_295, %dma_wait3A_296, %dma_wait3A_297] : memref<4000x2x80xi32, #tpu.memory_space<hbm>> -> memref<1x2x80xi32, #tpu.memory_space<hbm>>
        %dma_wait3A_299 = tpu.memref_squeeze %dma_wait3A_298 : memref<1x2x80xi32, #tpu.memory_space<hbm>> -> memref<2x80xi32, #tpu.memory_space<hbm>>
        %dma_wait3A_300 = arith.constant 0 : i32
        %dma_wait3A_301 = arith.constant 0 : i32
        %dma_wait3A_302 = tpu.memref_slice %arg3[%dma_wait3A_295, %dma_wait3A_300, %dma_wait3A_301] : memref<4000x2x80xi32, #tpu.memory_space<hbm>> -> memref<1x2x80xi32, #tpu.memory_space<hbm>>
        %dma_wait3A_303 = tpu.memref_squeeze %dma_wait3A_302 : memref<1x2x80xi32, #tpu.memory_space<hbm>> -> memref<2x80xi32, #tpu.memory_space<hbm>>
        tpu.wait_dma2 semaphore(%arg17 : memref<!tpu.dma_semaphore, #tpu.memory_space<semaphore_mem>>) src(%dma_wait3A_303 : memref<2x80xi32, #tpu.memory_space<hbm>>) dst(%arg8 : memref<2x80xi32, #tpu.memory_space<vmem>>)
        %dma_start3A_304 = arith.constant 0 : i32
        %dma_start3A_305 = tpu.memref_slice %arg8[%scan3A_125, %dma_start3A_304] : memref<2x80xi32, #tpu.memory_space<vmem>> -> memref<1x80xi32, #tpu.memory_space<vmem>>
        %dma_start3A_306 = tpu.memref_squeeze %dma_start3A_305 : memref<1x80xi32, #tpu.memory_space<vmem>> -> memref<80xi32, #tpu.memory_space<vmem>>
        %dma_start3A_307 = arith.constant 0 : i32
        %dma_start3A_308 = arith.constant 0 : i32
        %dma_start3A_309 = tpu.memref_slice %arg2[%dma_start3A_307, %dma_start3A_308] : memref<10000x128xf32, #tpu.memory_space<hbm>> -> memref<10000x128xf32, #tpu.memory_space<hbm>>
        tpu.enqueue_indirect_dma source(%dma_start3A_309 : memref<10000x128xf32, #tpu.memory_space<hbm>>) target(%arg12 : memref<80x128xf32, #tpu.memory_space<vmem>>) offsets(%dma_start3A_306 : memref<80xi32, #tpu.memory_space<vmem>>) semaphore(%arg21 : memref<!tpu.dma_semaphore, #tpu.memory_space<semaphore_mem>>)
      } else {
      }
    }
    %scan3A_130 = arith.constant 31 : i32
    %dma_wait3A_131 = arith.constant 0 : i32
    %dma_wait3A_132 = arith.constant 0 : i32
    %dma_wait3A_133 = tpu.memref_slice %arg2[%dma_wait3A_131, %dma_wait3A_132] : memref<10000x128xf32, #tpu.memory_space<hbm>> -> memref<80x128xf32, #tpu.memory_space<hbm>>
    %dma_wait3A_134 = arith.constant 0 : i32
    %dma_wait3A_135 = arith.constant 0 : i32
    %dma_wait3A_136 = tpu.memref_slice %arg2[%dma_wait3A_134, %dma_wait3A_135] : memref<10000x128xf32, #tpu.memory_space<hbm>> -> memref<80x128xf32, #tpu.memory_space<hbm>>
    tpu.wait_dma2 semaphore(%arg18 : memref<!tpu.dma_semaphore, #tpu.memory_space<semaphore_mem>>) src(%dma_wait3A_136 : memref<80x128xf32, #tpu.memory_space<hbm>>) dst(%arg9 : memref<80x128xf32, #tpu.memory_space<vmem>>)
    %run_scoped3A = arith.constant 1 : i32
    "tpu.region"() ({
      %run_scoped3A_148 = tpu.sem_alloc : memref<!tpu.dma_semaphore, #tpu.memory_space<semaphore_mem>>
      %dma_start3A_149 = arith.constant 0 : i32
      %dma_start3A_150 = tpu.memref_slice %arg5[%run_scoped3A, %dma_start3A_149] : memref<2x80xi32, #tpu.memory_space<vmem>> -> memref<1x80xi32, #tpu.memory_space<vmem>>
      %dma_start3A_151 = tpu.memref_squeeze %dma_start3A_150 : memref<1x80xi32, #tpu.memory_space<vmem>> -> memref<80xi32, #tpu.memory_space<vmem>>
      %dma_start3A_152 = arith.constant 0 : i32
      %dma_start3A_153 = arith.constant 0 : i32
      %dma_start3A_154 = tpu.memref_slice %arg13[%dma_start3A_152, %dma_start3A_153] : memref<10000x128xf32, #tpu.memory_space<vmem_shared>> -> memref<10000x128xf32, #tpu.memory_space<vmem_shared>>
      tpu.enqueue_indirect_dma source(%arg9 : memref<80x128xf32, #tpu.memory_space<vmem>>) target(%dma_start3A_154 : memref<10000x128xf32, #tpu.memory_space<vmem_shared>>) offsets(%dma_start3A_151 : memref<80xi32, #tpu.memory_space<vmem>>) semaphore(%run_scoped3A_148 : memref<!tpu.dma_semaphore, #tpu.memory_space<semaphore_mem>>) {add = true}
      %dma_wait3A_155 = arith.constant 0 : i32
      %dma_wait3A_156 = tpu.memref_slice %arg5[%run_scoped3A, %dma_wait3A_155] : memref<2x80xi32, #tpu.memory_space<vmem>> -> memref<1x80xi32, #tpu.memory_space<vmem>>
      %dma_wait3A_157 = tpu.memref_squeeze %dma_wait3A_156 : memref<1x80xi32, #tpu.memory_space<vmem>> -> memref<80xi32, #tpu.memory_space<vmem>>
      %dma_wait3A_158 = arith.constant 0 : i32
      %dma_wait3A_159 = arith.constant 0 : i32
      %dma_wait3A_160 = tpu.memref_slice %arg13[%dma_wait3A_158, %dma_wait3A_159] : memref<10000x128xf32, #tpu.memory_space<vmem_shared>> -> memref<10000x128xf32, #tpu.memory_space<vmem_shared>>
      tpu.wait_indirect_dma semaphore(%run_scoped3A_148 : memref<!tpu.dma_semaphore, #tpu.memory_space<semaphore_mem>>) src(%arg9 : memref<80x128xf32, #tpu.memory_space<vmem>>) dst(%dma_wait3A_160 : memref<10000x128xf32, #tpu.memory_space<vmem_shared>>)
      tpu.yield
    }) : () -> ()
    %barrier3A_137 = arith.constant 0 : index
    tpu.barrier barrier_id(%barrier3A_137)
    %lt3A_138 = arith.constant 15 : i32
    %lt3A_139 = arith.cmpi slt, %arg1, %lt3A_138 : i32
    %convert_element_type3A_140 = arith.extui %lt3A_139 : i1 to i32
    %cond3A_141 = arith.constant 0 : i32
    %cond3A_142 = arith.cmpi ne, %convert_element_type3A_140, %cond3A_141 : i32
    scf.if %cond3A_142 {
      %mul3A_148 = arith.constant 624 : i32
      %mul3A_149 = arith.muli %arg1, %mul3A_148 : i32
      %mul3A_150 = arith.constant 624 : i32
      %mul3A_151 = arith.muli %arg1, %mul3A_150 : i32
      "tpu.region"() ({
        %run_scoped3A_152 = tpu.sem_alloc : memref<!tpu.dma_semaphore, #tpu.memory_space<semaphore_mem>>
        %dma_start3A_153 = arith.constant 0 : i32
        %dma_start3A_154 = tpu.memref_slice %arg4[%arg0, %mul3A_151, %dma_start3A_153] : memref<2x10000x128xf32, #tpu.memory_space<hbm>> -> memref<1x624x128xf32, #tpu.memory_space<hbm>>
        %dma_start3A_155 = tpu.memref_squeeze %dma_start3A_154 : memref<1x624x128xf32, #tpu.memory_space<hbm>> -> memref<624x128xf32, #tpu.memory_space<hbm>>
        %dma_start3A_156 = arith.constant 0 : i32
        %dma_start3A_157 = tpu.memref_slice %arg13[%mul3A_149, %dma_start3A_156] : memref<10000x128xf32, #tpu.memory_space<vmem_shared>> -> memref<624x128xf32, #tpu.memory_space<vmem_shared>>
        tpu.enqueue_dma source(%dma_start3A_157 : memref<624x128xf32, #tpu.memory_space<vmem_shared>>) target(%dma_start3A_155 : memref<624x128xf32, #tpu.memory_space<hbm>>) target_semaphore(%run_scoped3A_152 : memref<!tpu.dma_semaphore, #tpu.memory_space<semaphore_mem>>)
        %dma_wait3A_158 = arith.constant 0 : i32
        %dma_wait3A_159 = tpu.memref_slice %arg4[%arg0, %mul3A_151, %dma_wait3A_158] : memref<2x10000x128xf32, #tpu.memory_space<hbm>> -> memref<1x624x128xf32, #tpu.memory_space<hbm>>
        %dma_wait3A_160 = tpu.memref_squeeze %dma_wait3A_159 : memref<1x624x128xf32, #tpu.memory_space<hbm>> -> memref<624x128xf32, #tpu.memory_space<hbm>>
        %dma_wait3A_161 = arith.constant 0 : i32
        %dma_wait3A_162 = tpu.memref_slice %arg13[%mul3A_149, %dma_wait3A_161] : memref<10000x128xf32, #tpu.memory_space<vmem_shared>> -> memref<624x128xf32, #tpu.memory_space<vmem_shared>>
        tpu.wait_dma2 semaphore(%run_scoped3A_152 : memref<!tpu.dma_semaphore, #tpu.memory_space<semaphore_mem>>) src(%dma_wait3A_162 : memref<624x128xf32, #tpu.memory_space<vmem_shared>>) dst(%dma_wait3A_160 : memref<624x128xf32, #tpu.memory_space<hbm>>)
        tpu.yield
      }) : () -> ()
    } else {
    }
    %eq3A_143 = arith.constant 15 : i32
    %eq3A_144 = arith.cmpi eq, %arg1, %eq3A_143 : i32
    %convert_element_type3A_145 = arith.extui %eq3A_144 : i1 to i32
    %cond3A_146 = arith.constant 0 : i32
    %cond3A_147 = arith.cmpi ne, %convert_element_type3A_145, %cond3A_146 : i32
    scf.if %cond3A_147 {
      "tpu.region"() ({
        %run_scoped3A_148 = tpu.sem_alloc : memref<!tpu.dma_semaphore, #tpu.memory_space<semaphore_mem>>
        %dma_start3A_149 = arith.constant 9360 : i32
        %dma_start3A_150 = arith.constant 0 : i32
        %dma_start3A_151 = tpu.memref_slice %arg4[%arg0, %dma_start3A_149, %dma_start3A_150] : memref<2x10000x128xf32, #tpu.memory_space<hbm>> -> memref<1x640x128xf32, #tpu.memory_space<hbm>>
        %dma_start3A_152 = tpu.memref_squeeze %dma_start3A_151 : memref<1x640x128xf32, #tpu.memory_space<hbm>> -> memref<640x128xf32, #tpu.memory_space<hbm>>
        %dma_start3A_153 = arith.constant 9360 : i32
        %dma_start3A_154 = arith.constant 0 : i32
        %dma_start3A_155 = tpu.memref_slice %arg13[%dma_start3A_153, %dma_start3A_154] : memref<10000x128xf32, #tpu.memory_space<vmem_shared>> -> memref<640x128xf32, #tpu.memory_space<vmem_shared>>
        tpu.enqueue_dma source(%dma_start3A_155 : memref<640x128xf32, #tpu.memory_space<vmem_shared>>) target(%dma_start3A_152 : memref<640x128xf32, #tpu.memory_space<hbm>>) target_semaphore(%run_scoped3A_148 : memref<!tpu.dma_semaphore, #tpu.memory_space<semaphore_mem>>)
        %dma_wait3A_156 = arith.constant 9360 : i32
        %dma_wait3A_157 = arith.constant 0 : i32
        %dma_wait3A_158 = tpu.memref_slice %arg4[%arg0, %dma_wait3A_156, %dma_wait3A_157] : memref<2x10000x128xf32, #tpu.memory_space<hbm>> -> memref<1x640x128xf32, #tpu.memory_space<hbm>>
        %dma_wait3A_159 = tpu.memref_squeeze %dma_wait3A_158 : memref<1x640x128xf32, #tpu.memory_space<hbm>> -> memref<640x128xf32, #tpu.memory_space<hbm>>
        %dma_wait3A_160 = arith.constant 9360 : i32
        %dma_wait3A_161 = arith.constant 0 : i32
        %dma_wait3A_162 = tpu.memref_slice %arg13[%dma_wait3A_160, %dma_wait3A_161] : memref<10000x128xf32, #tpu.memory_space<vmem_shared>> -> memref<640x128xf32, #tpu.memory_space<vmem_shared>>
        tpu.wait_dma2 semaphore(%run_scoped3A_148 : memref<!tpu.dma_semaphore, #tpu.memory_space<semaphore_mem>>) src(%dma_wait3A_162 : memref<640x128xf32, #tpu.memory_space<vmem_shared>>) dst(%dma_wait3A_159 : memref<640x128xf32, #tpu.memory_space<hbm>>)
        tpu.yield
      }) : () -> ()
    } else {
    }
    return
  }
}

#map = affine_map<(d0, d1) -> (0, 0)>
#map1 = affine_map<(d0, d1) -> (0, 0, 0)>
module attributes {stable_mosaic.version = 14 : i64} {
  func.func @agg_kernel(%arg0: i32, %arg1: i32, %arg2: memref<10000x128xf32, #tpu.memory_space<hbm>>, %arg3: memref<4000x2x80xi32, #tpu.memory_space<hbm>>, %arg4: memref<2x10000x128xf32, #tpu.memory_space<hbm>>, %arg5: memref<2x80xi32, #tpu.memory_space<vmem>>, %arg6: memref<2x80xi32, #tpu.memory_space<vmem>>, %arg7: memref<2x80xi32, #tpu.memory_space<vmem>>, %arg8: memref<2x80xi32, #tpu.memory_space<vmem>>, %arg9: memref<80x128xf32, #tpu.memory_space<vmem>>, %arg10: memref<80x128xf32, #tpu.memory_space<vmem>>, %arg11: memref<80x128xf32, #tpu.memory_space<vmem>>, %arg12: memref<80x128xf32, #tpu.memory_space<vmem>>, %arg13: memref<10000x128xf32, #tpu.memory_space<vmem_shared>>, %arg14: memref<!tpu.dma_semaphore, #tpu.memory_space<semaphore_mem>>, %arg15: memref<!tpu.dma_semaphore, #tpu.memory_space<semaphore_mem>>, %arg16: memref<!tpu.dma_semaphore, #tpu.memory_space<semaphore_mem>>, %arg17: memref<!tpu.dma_semaphore, #tpu.memory_space<semaphore_mem>>, %arg18: memref<!tpu.dma_semaphore, #tpu.memory_space<semaphore_mem>>, %arg19: memref<!tpu.dma_semaphore, #tpu.memory_space<semaphore_mem>>, %arg20: memref<!tpu.dma_semaphore, #tpu.memory_space<semaphore_mem>>, %arg21: memref<!tpu.dma_semaphore, #tpu.memory_space<semaphore_mem>>, %arg22: memref<!tpu.dma_semaphore, #tpu.memory_space<semaphore_mem>>, %arg23: memref<!tpu.dma_semaphore, #tpu.memory_space<semaphore_mem>>, %arg24: memref<!tpu.dma_semaphore, #tpu.memory_space<semaphore_mem>>, %arg25: memref<!tpu.dma_semaphore, #tpu.memory_space<semaphore_mem>>) attributes {dimension_semantics = [#tpu.dimension_semantics<core_parallel>, #tpu.dimension_semantics<subcore_parallel>], iteration_bounds = array<i64: 2, 16>, scalar_prefetch = 0 : i64, scratch_operands = 21 : i64, tpu.core_type = #tpu.core_type<sc_vector_subcore>, window_params = [{transform_indices = #map}, {transform_indices = #map1}, {transform_indices = #map1}]} {
    %mul3A = arith.constant 16 : i32
    %mul3A_0 = arith.muli %arg0, %mul3A : i32
    %add3A = arith.addi %mul3A_0, %arg1 : i32
    %mul3A_1 = arith.constant 125 : i32
    %mul3A_2 = arith.muli %add3A, %mul3A_1 : i32
    %add3A_3 = arith.constant 0 : i32
    %add3A_4 = arith.addi %mul3A_2, %add3A_3 : i32
    %dma_start3A = arith.constant 0 : i32
    %dma_start3A_5 = arith.constant 0 : i32
    %dma_start3A_6 = tpu.memref_slice %arg3[%add3A_4, %dma_start3A, %dma_start3A_5] : memref<4000x2x80xi32, #tpu.memory_space<hbm>> -> memref<1x2x80xi32, #tpu.memory_space<hbm>>
    %dma_start3A_7 = tpu.memref_squeeze %dma_start3A_6 : memref<1x2x80xi32, #tpu.memory_space<hbm>> -> memref<2x80xi32, #tpu.memory_space<hbm>>
    %dma_start3A_8 = arith.constant 0 : i32
    %dma_start3A_9 = arith.constant 0 : i32
    %dma_start3A_10 = tpu.memref_slice %arg3[%add3A_4, %dma_start3A_8, %dma_start3A_9] : memref<4000x2x80xi32, #tpu.memory_space<hbm>> -> memref<1x2x80xi32, #tpu.memory_space<hbm>>
    %dma_start3A_11 = tpu.memref_squeeze %dma_start3A_10 : memref<1x2x80xi32, #tpu.memory_space<hbm>> -> memref<2x80xi32, #tpu.memory_space<hbm>>
    tpu.enqueue_dma source(%dma_start3A_11 : memref<2x80xi32, #tpu.memory_space<hbm>>) target(%arg5 : memref<2x80xi32, #tpu.memory_space<vmem>>) target_semaphore(%arg14 : memref<!tpu.dma_semaphore, #tpu.memory_space<semaphore_mem>>)
    %add3A_12 = arith.constant 1 : i32
    %add3A_13 = arith.addi %mul3A_2, %add3A_12 : i32
    %dma_start3A_14 = arith.constant 0 : i32
    %dma_start3A_15 = arith.constant 0 : i32
    %dma_start3A_16 = tpu.memref_slice %arg3[%add3A_13, %dma_start3A_14, %dma_start3A_15] : memref<4000x2x80xi32, #tpu.memory_space<hbm>> -> memref<1x2x80xi32, #tpu.memory_space<hbm>>
    %dma_start3A_17 = tpu.memref_squeeze %dma_start3A_16 : memref<1x2x80xi32, #tpu.memory_space<hbm>> -> memref<2x80xi32, #tpu.memory_space<hbm>>
    %dma_start3A_18 = arith.constant 0 : i32
    %dma_start3A_19 = arith.constant 0 : i32
    %dma_start3A_20 = tpu.memref_slice %arg3[%add3A_13, %dma_start3A_18, %dma_start3A_19] : memref<4000x2x80xi32, #tpu.memory_space<hbm>> -> memref<1x2x80xi32, #tpu.memory_space<hbm>>
    %dma_start3A_21 = tpu.memref_squeeze %dma_start3A_20 : memref<1x2x80xi32, #tpu.memory_space<hbm>> -> memref<2x80xi32, #tpu.memory_space<hbm>>
    tpu.enqueue_dma source(%dma_start3A_21 : memref<2x80xi32, #tpu.memory_space<hbm>>) target(%arg6 : memref<2x80xi32, #tpu.memory_space<vmem>>) target_semaphore(%arg15 : memref<!tpu.dma_semaphore, #tpu.memory_space<semaphore_mem>>)
    %add3A_22 = arith.constant 2 : i32
    %add3A_23 = arith.addi %mul3A_2, %add3A_22 : i32
    %dma_start3A_24 = arith.constant 0 : i32
    %dma_start3A_25 = arith.constant 0 : i32
    %dma_start3A_26 = tpu.memref_slice %arg3[%add3A_23, %dma_start3A_24, %dma_start3A_25] : memref<4000x2x80xi32, #tpu.memory_space<hbm>> -> memref<1x2x80xi32, #tpu.memory_space<hbm>>
    %dma_start3A_27 = tpu.memref_squeeze %dma_start3A_26 : memref<1x2x80xi32, #tpu.memory_space<hbm>> -> memref<2x80xi32, #tpu.memory_space<hbm>>
    %dma_start3A_28 = arith.constant 0 : i32
    %dma_start3A_29 = arith.constant 0 : i32
    %dma_start3A_30 = tpu.memref_slice %arg3[%add3A_23, %dma_start3A_28, %dma_start3A_29] : memref<4000x2x80xi32, #tpu.memory_space<hbm>> -> memref<1x2x80xi32, #tpu.memory_space<hbm>>
    %dma_start3A_31 = tpu.memref_squeeze %dma_start3A_30 : memref<1x2x80xi32, #tpu.memory_space<hbm>> -> memref<2x80xi32, #tpu.memory_space<hbm>>
    tpu.enqueue_dma source(%dma_start3A_31 : memref<2x80xi32, #tpu.memory_space<hbm>>) target(%arg7 : memref<2x80xi32, #tpu.memory_space<vmem>>) target_semaphore(%arg16 : memref<!tpu.dma_semaphore, #tpu.memory_space<semaphore_mem>>)
    %add3A_32 = arith.constant 3 : i32
    %add3A_33 = arith.addi %mul3A_2, %add3A_32 : i32
    %dma_start3A_34 = arith.constant 0 : i32
    %dma_start3A_35 = arith.constant 0 : i32
    %dma_start3A_36 = tpu.memref_slice %arg3[%add3A_33, %dma_start3A_34, %dma_start3A_35] : memref<4000x2x80xi32, #tpu.memory_space<hbm>> -> memref<1x2x80xi32, #tpu.memory_space<hbm>>
    %dma_start3A_37 = tpu.memref_squeeze %dma_start3A_36 : memref<1x2x80xi32, #tpu.memory_space<hbm>> -> memref<2x80xi32, #tpu.memory_space<hbm>>
    %dma_start3A_38 = arith.constant 0 : i32
    %dma_start3A_39 = arith.constant 0 : i32
    %dma_start3A_40 = tpu.memref_slice %arg3[%add3A_33, %dma_start3A_38, %dma_start3A_39] : memref<4000x2x80xi32, #tpu.memory_space<hbm>> -> memref<1x2x80xi32, #tpu.memory_space<hbm>>
    %dma_start3A_41 = tpu.memref_squeeze %dma_start3A_40 : memref<1x2x80xi32, #tpu.memory_space<hbm>> -> memref<2x80xi32, #tpu.memory_space<hbm>>
    tpu.enqueue_dma source(%dma_start3A_41 : memref<2x80xi32, #tpu.memory_space<hbm>>) target(%arg8 : memref<2x80xi32, #tpu.memory_space<vmem>>) target_semaphore(%arg17 : memref<!tpu.dma_semaphore, #tpu.memory_space<semaphore_mem>>)
    %broadcast_in_dim3A = arith.constant 0.000000e+00 : f32
    %broadcast_in_dim3A_42 = vector.broadcast %broadcast_in_dim3A : f32 to vector<16xf32>
    %scan3A = arith.constant 0 : i32
    %scan3A_43 = arith.constant 0 : i32
    %scan3A_44 = arith.constant 80 : i32
    %scan3A_45 = arith.addi %scan3A_43, %scan3A_44 : i32
    %scan3A_46 = arith.constant 1 : i32
    scf.for %scan3A_148 = %scan3A_43 to %scan3A_45 step %scan3A_46  : i32 {
      %swap3A = arith.index_cast %scan3A_148 : i32 to index
      %swap3A_149 = arith.constant 0 : index
      %swap3A_150 = tpu.vector_load %arg9[%swap3A, %swap3A_149] {strides = array<i32>} : memref<80x128xf32, #tpu.memory_space<vmem>>, vector<1x16xf32>,
      %swap3A_151 = vector.shape_cast %swap3A_150 : vector<1x16xf32> to vector<16xf32>
      %swap3A_152 = vector.shape_cast %broadcast_in_dim3A_42 : vector<16xf32> to vector<1x16xf32>
      tpu.vector_store %arg9[%swap3A, %swap3A_149], %swap3A_152 {strides = array<i32>} : memref<80x128xf32, #tpu.memory_space<vmem>>, vector<1x16xf32>,
      %swap3A_153 = arith.index_cast %scan3A_148 : i32 to index
      %swap3A_154 = arith.constant 16 : index
      %swap3A_155 = tpu.vector_load %arg9[%swap3A_153, %swap3A_154] {strides = array<i32>} : memref<80x128xf32, #tpu.memory_space<vmem>>, vector<1x16xf32>,
      %swap3A_156 = vector.shape_cast %swap3A_155 : vector<1x16xf32> to vector<16xf32>
      %swap3A_157 = vector.shape_cast %broadcast_in_dim3A_42 : vector<16xf32> to vector<1x16xf32>
      tpu.vector_store %arg9[%swap3A_153, %swap3A_154], %swap3A_157 {strides = array<i32>} : memref<80x128xf32, #tpu.memory_space<vmem>>, vector<1x16xf32>,
      %swap3A_158 = arith.index_cast %scan3A_148 : i32 to index
      %swap3A_159 = arith.constant 32 : index
      %swap3A_160 = tpu.vector_load %arg9[%swap3A_158, %swap3A_159] {strides = array<i32>} : memref<80x128xf32, #tpu.memory_space<vmem>>, vector<1x16xf32>,
      %swap3A_161 = vector.shape_cast %swap3A_160 : vector<1x16xf32> to vector<16xf32>
      %swap3A_162 = vector.shape_cast %broadcast_in_dim3A_42 : vector<16xf32> to vector<1x16xf32>
      tpu.vector_store %arg9[%swap3A_158, %swap3A_159], %swap3A_162 {strides = array<i32>} : memref<80x128xf32, #tpu.memory_space<vmem>>, vector<1x16xf32>,
      %swap3A_163 = arith.index_cast %scan3A_148 : i32 to index
      %swap3A_164 = arith.constant 48 : index
      %swap3A_165 = tpu.vector_load %arg9[%swap3A_163, %swap3A_164] {strides = array<i32>} : memref<80x128xf32, #tpu.memory_space<vmem>>, vector<1x16xf32>,
      %swap3A_166 = vector.shape_cast %swap3A_165 : vector<1x16xf32> to vector<16xf32>
      %swap3A_167 = vector.shape_cast %broadcast_in_dim3A_42 : vector<16xf32> to vector<1x16xf32>
      tpu.vector_store %arg9[%swap3A_163, %swap3A_164], %swap3A_167 {strides = array<i32>} : memref<80x128xf32, #tpu.memory_space<vmem>>, vector<1x16xf32>,
      %swap3A_168 = arith.index_cast %scan3A_148 : i32 to index
      %swap3A_169 = arith.constant 64 : index
      %swap3A_170 = tpu.vector_load %arg9[%swap3A_168, %swap3A_169] {strides = array<i32>} : memref<80x128xf32, #tpu.memory_space<vmem>>, vector<1x16xf32>,
      %swap3A_171 = vector.shape_cast %swap3A_170 : vector<1x16xf32> to vector<16xf32>
      %swap3A_172 = vector.shape_cast %broadcast_in_dim3A_42 : vector<16xf32> to vector<1x16xf32>
      tpu.vector_store %arg9[%swap3A_168, %swap3A_169], %swap3A_172 {strides = array<i32>} : memref<80x128xf32, #tpu.memory_space<vmem>>, vector<1x16xf32>,
      %swap3A_173 = arith.index_cast %scan3A_148 : i32 to index
      %swap3A_174 = arith.constant 80 : index
      %swap3A_175 = tpu.vector_load %arg9[%swap3A_173, %swap3A_174] {strides = array<i32>} : memref<80x128xf32, #tpu.memory_space<vmem>>, vector<1x16xf32>,
      %swap3A_176 = vector.shape_cast %swap3A_175 : vector<1x16xf32> to vector<16xf32>
      %swap3A_177 = vector.shape_cast %broadcast_in_dim3A_42 : vector<16xf32> to vector<1x16xf32>
      tpu.vector_store %arg9[%swap3A_173, %swap3A_174], %swap3A_177 {strides = array<i32>} : memref<80x128xf32, #tpu.memory_space<vmem>>, vector<1x16xf32>,
      %swap3A_178 = arith.index_cast %scan3A_148 : i32 to index
      %swap3A_179 = arith.constant 96 : index
      %swap3A_180 = tpu.vector_load %arg9[%swap3A_178, %swap3A_179] {strides = array<i32>} : memref<80x128xf32, #tpu.memory_space<vmem>>, vector<1x16xf32>,
      %swap3A_181 = vector.shape_cast %swap3A_180 : vector<1x16xf32> to vector<16xf32>
      %swap3A_182 = vector.shape_cast %broadcast_in_dim3A_42 : vector<16xf32> to vector<1x16xf32>
      tpu.vector_store %arg9[%swap3A_178, %swap3A_179], %swap3A_182 {strides = array<i32>} : memref<80x128xf32, #tpu.memory_space<vmem>>, vector<1x16xf32>,
      %swap3A_183 = arith.index_cast %scan3A_148 : i32 to index
      %swap3A_184 = arith.constant 112 : index
      %swap3A_185 = tpu.vector_load %arg9[%swap3A_183, %swap3A_184] {strides = array<i32>} : memref<80x128xf32, #tpu.memory_space<vmem>>, vector<1x16xf32>,
      %swap3A_186 = vector.shape_cast %swap3A_185 : vector<1x16xf32> to vector<16xf32>
      %swap3A_187 = vector.shape_cast %broadcast_in_dim3A_42 : vector<16xf32> to vector<1x16xf32>
      tpu.vector_store %arg9[%swap3A_183, %swap3A_184], %swap3A_187 {strides = array<i32>} : memref<80x128xf32, #tpu.memory_space<vmem>>, vector<1x16xf32>,
    }
    %scan3A_47 = arith.constant 80 : i32
    %lt3A = arith.constant 15 : i32
    %lt3A_48 = arith.cmpi slt, %arg1, %lt3A : i32
    %convert_element_type3A = arith.extui %lt3A_48 : i1 to i32
    %cond3A = arith.constant 0 : i32
    %cond3A_49 = arith.cmpi ne, %convert_element_type3A, %cond3A : i32
    scf.if %cond3A_49 {
      %mul3A_148 = arith.constant 624 : i32
      %mul3A_149 = arith.muli %arg1, %mul3A_148 : i32
      %add3A_150 = arith.constant 0 : i32
      %add3A_151 = arith.addi %mul3A_149, %add3A_150 : i32
      "tpu.region"() ({
        %run_scoped3A_180 = tpu.sem_alloc : memref<!tpu.dma_semaphore, #tpu.memory_space<semaphore_mem>>
        %dma_start3A_181 = arith.constant 0 : i32
        %dma_start3A_182 = tpu.memref_slice %arg13[%add3A_151, %dma_start3A_181] : memref<10000x128xf32, #tpu.memory_space<vmem_shared>> -> memref<80x128xf32, #tpu.memory_space<vmem_shared>>
        %dma_start3A_183 = arith.constant 0 : i32
        %dma_start3A_184 = tpu.memref_slice %arg13[%add3A_151, %dma_start3A_183] : memref<10000x128xf32, #tpu.memory_space<vmem_shared>> -> memref<80x128xf32, #tpu.memory_space<vmem_shared>>
        tpu.enqueue_dma source(%arg9 : memref<80x128xf32, #tpu.memory_space<vmem>>) target(%dma_start3A_184 : memref<80x128xf32, #tpu.memory_space<vmem_shared>>) target_semaphore(%run_scoped3A_180 : memref<!tpu.dma_semaphore, #tpu.memory_space<semaphore_mem>>)
        %dma_wait3A_185 = arith.constant 0 : i32
        %dma_wait3A_186 = tpu.memref_slice %arg13[%add3A_151, %dma_wait3A_185] : memref<10000x128xf32, #tpu.memory_space<vmem_shared>> -> memref<80x128xf32, #tpu.memory_space<vmem_shared>>
        %dma_wait3A_187 = arith.constant 0 : i32
        %dma_wait3A_188 = tpu.memref_slice %arg13[%add3A_151, %dma_wait3A_187] : memref<10000x128xf32, #tpu.memory_space<vmem_shared>> -> memref<80x128xf32, #tpu.memory_space<vmem_shared>>
        tpu.wait_dma2 semaphore(%run_scoped3A_180 : memref<!tpu.dma_semaphore, #tpu.memory_space<semaphore_mem>>) src(%arg9 : memref<80x128xf32, #tpu.memory_space<vmem>>) dst(%dma_wait3A_188 : memref<80x128xf32, #tpu.memory_space<vmem_shared>>)
        tpu.yield
      }) : () -> ()
      %mul3A_152 = arith.constant 624 : i32
      %mul3A_153 = arith.muli %arg1, %mul3A_152 : i32
      %add3A_154 = arith.constant 80 : i32
      %add3A_155 = arith.addi %mul3A_153, %add3A_154 : i32
      "tpu.region"() ({
        %run_scoped3A_180 = tpu.sem_alloc : memref<!tpu.dma_semaphore, #tpu.memory_space<semaphore_mem>>
        %dma_start3A_181 = arith.constant 0 : i32
        %dma_start3A_182 = tpu.memref_slice %arg13[%add3A_155, %dma_start3A_181] : memref<10000x128xf32, #tpu.memory_space<vmem_shared>> -> memref<80x128xf32, #tpu.memory_space<vmem_shared>>
        %dma_start3A_183 = arith.constant 0 : i32
        %dma_start3A_184 = tpu.memref_slice %arg13[%add3A_155, %dma_start3A_183] : memref<10000x128xf32, #tpu.memory_space<vmem_shared>> -> memref<80x128xf32, #tpu.memory_space<vmem_shared>>
        tpu.enqueue_dma source(%arg9 : memref<80x128xf32, #tpu.memory_space<vmem>>) target(%dma_start3A_184 : memref<80x128xf32, #tpu.memory_space<vmem_shared>>) target_semaphore(%run_scoped3A_180 : memref<!tpu.dma_semaphore, #tpu.memory_space<semaphore_mem>>)
        %dma_wait3A_185 = arith.constant 0 : i32
        %dma_wait3A_186 = tpu.memref_slice %arg13[%add3A_155, %dma_wait3A_185] : memref<10000x128xf32, #tpu.memory_space<vmem_shared>> -> memref<80x128xf32, #tpu.memory_space<vmem_shared>>
        %dma_wait3A_187 = arith.constant 0 : i32
        %dma_wait3A_188 = tpu.memref_slice %arg13[%add3A_155, %dma_wait3A_187] : memref<10000x128xf32, #tpu.memory_space<vmem_shared>> -> memref<80x128xf32, #tpu.memory_space<vmem_shared>>
        tpu.wait_dma2 semaphore(%run_scoped3A_180 : memref<!tpu.dma_semaphore, #tpu.memory_space<semaphore_mem>>) src(%arg9 : memref<80x128xf32, #tpu.memory_space<vmem>>) dst(%dma_wait3A_188 : memref<80x128xf32, #tpu.memory_space<vmem_shared>>)
        tpu.yield
      }) : () -> ()
      %mul3A_156 = arith.constant 624 : i32
      %mul3A_157 = arith.muli %arg1, %mul3A_156 : i32
      %add3A_158 = arith.constant 160 : i32
      %add3A_159 = arith.addi %mul3A_157, %add3A_158 : i32
      "tpu.region"() ({
        %run_scoped3A_180 = tpu.sem_alloc : memref<!tpu.dma_semaphore, #tpu.memory_space<semaphore_mem>>
        %dma_start3A_181 = arith.constant 0 : i32
        %dma_start3A_182 = tpu.memref_slice %arg13[%add3A_159, %dma_start3A_181] : memref<10000x128xf32, #tpu.memory_space<vmem_shared>> -> memref<80x128xf32, #tpu.memory_space<vmem_shared>>
        %dma_start3A_183 = arith.constant 0 : i32
        %dma_start3A_184 = tpu.memref_slice %arg13[%add3A_159, %dma_start3A_183] : memref<10000x128xf32, #tpu.memory_space<vmem_shared>> -> memref<80x128xf32, #tpu.memory_space<vmem_shared>>
        tpu.enqueue_dma source(%arg9 : memref<80x128xf32, #tpu.memory_space<vmem>>) target(%dma_start3A_184 : memref<80x128xf32, #tpu.memory_space<vmem_shared>>) target_semaphore(%run_scoped3A_180 : memref<!tpu.dma_semaphore, #tpu.memory_space<semaphore_mem>>)
        %dma_wait3A_185 = arith.constant 0 : i32
        %dma_wait3A_186 = tpu.memref_slice %arg13[%add3A_159, %dma_wait3A_185] : memref<10000x128xf32, #tpu.memory_space<vmem_shared>> -> memref<80x128xf32, #tpu.memory_space<vmem_shared>>
        %dma_wait3A_187 = arith.constant 0 : i32
        %dma_wait3A_188 = tpu.memref_slice %arg13[%add3A_159, %dma_wait3A_187] : memref<10000x128xf32, #tpu.memory_space<vmem_shared>> -> memref<80x128xf32, #tpu.memory_space<vmem_shared>>
        tpu.wait_dma2 semaphore(%run_scoped3A_180 : memref<!tpu.dma_semaphore, #tpu.memory_space<semaphore_mem>>) src(%arg9 : memref<80x128xf32, #tpu.memory_space<vmem>>) dst(%dma_wait3A_188 : memref<80x128xf32, #tpu.memory_space<vmem_shared>>)
        tpu.yield
      }) : () -> ()
      %mul3A_160 = arith.constant 624 : i32
      %mul3A_161 = arith.muli %arg1, %mul3A_160 : i32
      %add3A_162 = arith.constant 240 : i32
      %add3A_163 = arith.addi %mul3A_161, %add3A_162 : i32
      "tpu.region"() ({
        %run_scoped3A_180 = tpu.sem_alloc : memref<!tpu.dma_semaphore, #tpu.memory_space<semaphore_mem>>
        %dma_start3A_181 = arith.constant 0 : i32
        %dma_start3A_182 = tpu.memref_slice %arg13[%add3A_163, %dma_start3A_181] : memref<10000x128xf32, #tpu.memory_space<vmem_shared>> -> memref<80x128xf32, #tpu.memory_space<vmem_shared>>
        %dma_start3A_183 = arith.constant 0 : i32
        %dma_start3A_184 = tpu.memref_slice %arg13[%add3A_163, %dma_start3A_183] : memref<10000x128xf32, #tpu.memory_space<vmem_shared>> -> memref<80x128xf32, #tpu.memory_space<vmem_shared>>
        tpu.enqueue_dma source(%arg9 : memref<80x128xf32, #tpu.memory_space<vmem>>) target(%dma_start3A_184 : memref<80x128xf32, #tpu.memory_space<vmem_shared>>) target_semaphore(%run_scoped3A_180 : memref<!tpu.dma_semaphore, #tpu.memory_space<semaphore_mem>>)
        %dma_wait3A_185 = arith.constant 0 : i32
        %dma_wait3A_186 = tpu.memref_slice %arg13[%add3A_163, %dma_wait3A_185] : memref<10000x128xf32, #tpu.memory_space<vmem_shared>> -> memref<80x128xf32, #tpu.memory_space<vmem_shared>>
        %dma_wait3A_187 = arith.constant 0 : i32
        %dma_wait3A_188 = tpu.memref_slice %arg13[%add3A_163, %dma_wait3A_187] : memref<10000x128xf32, #tpu.memory_space<vmem_shared>> -> memref<80x128xf32, #tpu.memory_space<vmem_shared>>
        tpu.wait_dma2 semaphore(%run_scoped3A_180 : memref<!tpu.dma_semaphore, #tpu.memory_space<semaphore_mem>>) src(%arg9 : memref<80x128xf32, #tpu.memory_space<vmem>>) dst(%dma_wait3A_188 : memref<80x128xf32, #tpu.memory_space<vmem_shared>>)
        tpu.yield
      }) : () -> ()
      %mul3A_164 = arith.constant 624 : i32
      %mul3A_165 = arith.muli %arg1, %mul3A_164 : i32
      %add3A_166 = arith.constant 320 : i32
      %add3A_167 = arith.addi %mul3A_165, %add3A_166 : i32
      "tpu.region"() ({
        %run_scoped3A_180 = tpu.sem_alloc : memref<!tpu.dma_semaphore, #tpu.memory_space<semaphore_mem>>
        %dma_start3A_181 = arith.constant 0 : i32
        %dma_start3A_182 = tpu.memref_slice %arg13[%add3A_167, %dma_start3A_181] : memref<10000x128xf32, #tpu.memory_space<vmem_shared>> -> memref<80x128xf32, #tpu.memory_space<vmem_shared>>
        %dma_start3A_183 = arith.constant 0 : i32
        %dma_start3A_184 = tpu.memref_slice %arg13[%add3A_167, %dma_start3A_183] : memref<10000x128xf32, #tpu.memory_space<vmem_shared>> -> memref<80x128xf32, #tpu.memory_space<vmem_shared>>
        tpu.enqueue_dma source(%arg9 : memref<80x128xf32, #tpu.memory_space<vmem>>) target(%dma_start3A_184 : memref<80x128xf32, #tpu.memory_space<vmem_shared>>) target_semaphore(%run_scoped3A_180 : memref<!tpu.dma_semaphore, #tpu.memory_space<semaphore_mem>>)
        %dma_wait3A_185 = arith.constant 0 : i32
        %dma_wait3A_186 = tpu.memref_slice %arg13[%add3A_167, %dma_wait3A_185] : memref<10000x128xf32, #tpu.memory_space<vmem_shared>> -> memref<80x128xf32, #tpu.memory_space<vmem_shared>>
        %dma_wait3A_187 = arith.constant 0 : i32
        %dma_wait3A_188 = tpu.memref_slice %arg13[%add3A_167, %dma_wait3A_187] : memref<10000x128xf32, #tpu.memory_space<vmem_shared>> -> memref<80x128xf32, #tpu.memory_space<vmem_shared>>
        tpu.wait_dma2 semaphore(%run_scoped3A_180 : memref<!tpu.dma_semaphore, #tpu.memory_space<semaphore_mem>>) src(%arg9 : memref<80x128xf32, #tpu.memory_space<vmem>>) dst(%dma_wait3A_188 : memref<80x128xf32, #tpu.memory_space<vmem_shared>>)
        tpu.yield
      }) : () -> ()
      %mul3A_168 = arith.constant 624 : i32
      %mul3A_169 = arith.muli %arg1, %mul3A_168 : i32
      %add3A_170 = arith.constant 400 : i32
      %add3A_171 = arith.addi %mul3A_169, %add3A_170 : i32
      "tpu.region"() ({
        %run_scoped3A_180 = tpu.sem_alloc : memref<!tpu.dma_semaphore, #tpu.memory_space<semaphore_mem>>
        %dma_start3A_181 = arith.constant 0 : i32
        %dma_start3A_182 = tpu.memref_slice %arg13[%add3A_171, %dma_start3A_181] : memref<10000x128xf32, #tpu.memory_space<vmem_shared>> -> memref<80x128xf32, #tpu.memory_space<vmem_shared>>
        %dma_start3A_183 = arith.constant 0 : i32
        %dma_start3A_184 = tpu.memref_slice %arg13[%add3A_171, %dma_start3A_183] : memref<10000x128xf32, #tpu.memory_space<vmem_shared>> -> memref<80x128xf32, #tpu.memory_space<vmem_shared>>
        tpu.enqueue_dma source(%arg9 : memref<80x128xf32, #tpu.memory_space<vmem>>) target(%dma_start3A_184 : memref<80x128xf32, #tpu.memory_space<vmem_shared>>) target_semaphore(%run_scoped3A_180 : memref<!tpu.dma_semaphore, #tpu.memory_space<semaphore_mem>>)
        %dma_wait3A_185 = arith.constant 0 : i32
        %dma_wait3A_186 = tpu.memref_slice %arg13[%add3A_171, %dma_wait3A_185] : memref<10000x128xf32, #tpu.memory_space<vmem_shared>> -> memref<80x128xf32, #tpu.memory_space<vmem_shared>>
        %dma_wait3A_187 = arith.constant 0 : i32
        %dma_wait3A_188 = tpu.memref_slice %arg13[%add3A_171, %dma_wait3A_187] : memref<10000x128xf32, #tpu.memory_space<vmem_shared>> -> memref<80x128xf32, #tpu.memory_space<vmem_shared>>
        tpu.wait_dma2 semaphore(%run_scoped3A_180 : memref<!tpu.dma_semaphore, #tpu.memory_space<semaphore_mem>>) src(%arg9 : memref<80x128xf32, #tpu.memory_space<vmem>>) dst(%dma_wait3A_188 : memref<80x128xf32, #tpu.memory_space<vmem_shared>>)
        tpu.yield
      }) : () -> ()
      %mul3A_172 = arith.constant 624 : i32
      %mul3A_173 = arith.muli %arg1, %mul3A_172 : i32
      %add3A_174 = arith.constant 480 : i32
      %add3A_175 = arith.addi %mul3A_173, %add3A_174 : i32
      "tpu.region"() ({
        %run_scoped3A_180 = tpu.sem_alloc : memref<!tpu.dma_semaphore, #tpu.memory_space<semaphore_mem>>
        %dma_start3A_181 = arith.constant 0 : i32
        %dma_start3A_182 = tpu.memref_slice %arg13[%add3A_175, %dma_start3A_181] : memref<10000x128xf32, #tpu.memory_space<vmem_shared>> -> memref<80x128xf32, #tpu.memory_space<vmem_shared>>
        %dma_start3A_183 = arith.constant 0 : i32
        %dma_start3A_184 = tpu.memref_slice %arg13[%add3A_175, %dma_start3A_183] : memref<10000x128xf32, #tpu.memory_space<vmem_shared>> -> memref<80x128xf32, #tpu.memory_space<vmem_shared>>
        tpu.enqueue_dma source(%arg9 : memref<80x128xf32, #tpu.memory_space<vmem>>) target(%dma_start3A_184 : memref<80x128xf32, #tpu.memory_space<vmem_shared>>) target_semaphore(%run_scoped3A_180 : memref<!tpu.dma_semaphore, #tpu.memory_space<semaphore_mem>>)
        %dma_wait3A_185 = arith.constant 0 : i32
        %dma_wait3A_186 = tpu.memref_slice %arg13[%add3A_175, %dma_wait3A_185] : memref<10000x128xf32, #tpu.memory_space<vmem_shared>> -> memref<80x128xf32, #tpu.memory_space<vmem_shared>>
        %dma_wait3A_187 = arith.constant 0 : i32
        %dma_wait3A_188 = tpu.memref_slice %arg13[%add3A_175, %dma_wait3A_187] : memref<10000x128xf32, #tpu.memory_space<vmem_shared>> -> memref<80x128xf32, #tpu.memory_space<vmem_shared>>
        tpu.wait_dma2 semaphore(%run_scoped3A_180 : memref<!tpu.dma_semaphore, #tpu.memory_space<semaphore_mem>>) src(%arg9 : memref<80x128xf32, #tpu.memory_space<vmem>>) dst(%dma_wait3A_188 : memref<80x128xf32, #tpu.memory_space<vmem_shared>>)
        tpu.yield
      }) : () -> ()
      %mul3A_176 = arith.constant 624 : i32
      %mul3A_177 = arith.muli %arg1, %mul3A_176 : i32
      %add3A_178 = arith.constant 560 : i32
      %add3A_179 = arith.addi %mul3A_177, %add3A_178 : i32
      "tpu.region"() ({
        %run_scoped3A_180 = tpu.sem_alloc : memref<!tpu.dma_semaphore, #tpu.memory_space<semaphore_mem>>
        %dma_start3A_181 = arith.constant 0 : i32
        %dma_start3A_182 = arith.constant 0 : i32
        %dma_start3A_183 = tpu.memref_slice %arg9[%dma_start3A_181, %dma_start3A_182] : memref<80x128xf32, #tpu.memory_space<vmem>> -> memref<64x128xf32, #tpu.memory_space<vmem>>
        %dma_start3A_184 = arith.constant 0 : i32
        %dma_start3A_185 = tpu.memref_slice %arg13[%add3A_179, %dma_start3A_184] : memref<10000x128xf32, #tpu.memory_space<vmem_shared>> -> memref<64x128xf32, #tpu.memory_space<vmem_shared>>
        %dma_start3A_186 = arith.constant 0 : i32
        %dma_start3A_187 = tpu.memref_slice %arg13[%add3A_179, %dma_start3A_186] : memref<10000x128xf32, #tpu.memory_space<vmem_shared>> -> memref<64x128xf32, #tpu.memory_space<vmem_shared>>
        %dma_start3A_188 = arith.constant 0 : i32
        %dma_start3A_189 = arith.constant 0 : i32
        %dma_start3A_190 = tpu.memref_slice %arg9[%dma_start3A_188, %dma_start3A_189] : memref<80x128xf32, #tpu.memory_space<vmem>> -> memref<64x128xf32, #tpu.memory_space<vmem>>
        tpu.enqueue_dma source(%dma_start3A_190 : memref<64x128xf32, #tpu.memory_space<vmem>>) target(%dma_start3A_187 : memref<64x128xf32, #tpu.memory_space<vmem_shared>>) target_semaphore(%run_scoped3A_180 : memref<!tpu.dma_semaphore, #tpu.memory_space<semaphore_mem>>)
        %dma_wait3A_191 = arith.constant 0 : i32
        %dma_wait3A_192 = arith.constant 0 : i32
        %dma_wait3A_193 = tpu.memref_slice %arg9[%dma_wait3A_191, %dma_wait3A_192] : memref<80x128xf32, #tpu.memory_space<vmem>> -> memref<64x128xf32, #tpu.memory_space<vmem>>
        %dma_wait3A_194 = arith.constant 0 : i32
        %dma_wait3A_195 = tpu.memref_slice %arg13[%add3A_179, %dma_wait3A_194] : memref<10000x128xf32, #tpu.memory_space<vmem_shared>> -> memref<64x128xf32, #tpu.memory_space<vmem_shared>>
        %dma_wait3A_196 = arith.constant 0 : i32
        %dma_wait3A_197 = tpu.memref_slice %arg13[%add3A_179, %dma_wait3A_196] : memref<10000x128xf32, #tpu.memory_space<vmem_shared>> -> memref<64x128xf32, #tpu.memory_space<vmem_shared>>
        %dma_wait3A_198 = arith.constant 0 : i32
        %dma_wait3A_199 = arith.constant 0 : i32
        %dma_wait3A_200 = tpu.memref_slice %arg9[%dma_wait3A_198, %dma_wait3A_199] : memref<80x128xf32, #tpu.memory_space<vmem>> -> memref<64x128xf32, #tpu.memory_space<vmem>>
        tpu.wait_dma2 semaphore(%run_scoped3A_180 : memref<!tpu.dma_semaphore, #tpu.memory_space<semaphore_mem>>) src(%dma_wait3A_200 : memref<64x128xf32, #tpu.memory_space<vmem>>) dst(%dma_wait3A_197 : memref<64x128xf32, #tpu.memory_space<vmem_shared>>)
        tpu.yield
      }) : () -> ()
    } else {
    }
    %eq3A = arith.constant 15 : i32
    %eq3A_50 = arith.cmpi eq, %arg1, %eq3A : i32
    %convert_element_type3A_51 = arith.extui %eq3A_50 : i1 to i32
    %cond3A_52 = arith.constant 0 : i32
    %cond3A_53 = arith.cmpi ne, %convert_element_type3A_51, %cond3A_52 : i32
    scf.if %cond3A_53 {
      "tpu.region"() ({
        %run_scoped3A_148 = tpu.sem_alloc : memref<!tpu.dma_semaphore, #tpu.memory_space<semaphore_mem>>
        %dma_start3A_149 = arith.constant 9360 : i32
        %dma_start3A_150 = arith.constant 0 : i32
        %dma_start3A_151 = tpu.memref_slice %arg13[%dma_start3A_149, %dma_start3A_150] : memref<10000x128xf32, #tpu.memory_space<vmem_shared>> -> memref<80x128xf32, #tpu.memory_space<vmem_shared>>
        %dma_start3A_152 = arith.constant 9360 : i32
        %dma_start3A_153 = arith.constant 0 : i32
        %dma_start3A_154 = tpu.memref_slice %arg13[%dma_start3A_152, %dma_start3A_153] : memref<10000x128xf32, #tpu.memory_space<vmem_shared>> -> memref<80x128xf32, #tpu.memory_space<vmem_shared>>
        tpu.enqueue_dma source(%arg9 : memref<80x128xf32, #tpu.memory_space<vmem>>) target(%dma_start3A_154 : memref<80x128xf32, #tpu.memory_space<vmem_shared>>) target_semaphore(%run_scoped3A_148 : memref<!tpu.dma_semaphore, #tpu.memory_space<semaphore_mem>>)
        %dma_wait3A_155 = arith.constant 9360 : i32
        %dma_wait3A_156 = arith.constant 0 : i32
        %dma_wait3A_157 = tpu.memref_slice %arg13[%dma_wait3A_155, %dma_wait3A_156] : memref<10000x128xf32, #tpu.memory_space<vmem_shared>> -> memref<80x128xf32, #tpu.memory_space<vmem_shared>>
        %dma_wait3A_158 = arith.constant 9360 : i32
        %dma_wait3A_159 = arith.constant 0 : i32
        %dma_wait3A_160 = tpu.memref_slice %arg13[%dma_wait3A_158, %dma_wait3A_159] : memref<10000x128xf32, #tpu.memory_space<vmem_shared>> -> memref<80x128xf32, #tpu.memory_space<vmem_shared>>
        tpu.wait_dma2 semaphore(%run_scoped3A_148 : memref<!tpu.dma_semaphore, #tpu.memory_space<semaphore_mem>>) src(%arg9 : memref<80x128xf32, #tpu.memory_space<vmem>>) dst(%dma_wait3A_160 : memref<80x128xf32, #tpu.memory_space<vmem_shared>>)
        tpu.yield
      }) : () -> ()
      "tpu.region"() ({
        %run_scoped3A_148 = tpu.sem_alloc : memref<!tpu.dma_semaphore, #tpu.memory_space<semaphore_mem>>
        %dma_start3A_149 = arith.constant 9440 : i32
        %dma_start3A_150 = arith.constant 0 : i32
        %dma_start3A_151 = tpu.memref_slice %arg13[%dma_start3A_149, %dma_start3A_150] : memref<10000x128xf32, #tpu.memory_space<vmem_shared>> -> memref<80x128xf32, #tpu.memory_space<vmem_shared>>
        %dma_start3A_152 = arith.constant 9440 : i32
        %dma_start3A_153 = arith.constant 0 : i32
        %dma_start3A_154 = tpu.memref_slice %arg13[%dma_start3A_152, %dma_start3A_153] : memref<10000x128xf32, #tpu.memory_space<vmem_shared>> -> memref<80x128xf32, #tpu.memory_space<vmem_shared>>
        tpu.enqueue_dma source(%arg9 : memref<80x128xf32, #tpu.memory_space<vmem>>) target(%dma_start3A_154 : memref<80x128xf32, #tpu.memory_space<vmem_shared>>) target_semaphore(%run_scoped3A_148 : memref<!tpu.dma_semaphore, #tpu.memory_space<semaphore_mem>>)
        %dma_wait3A_155 = arith.constant 9440 : i32
        %dma_wait3A_156 = arith.constant 0 : i32
        %dma_wait3A_157 = tpu.memref_slice %arg13[%dma_wait3A_155, %dma_wait3A_156] : memref<10000x128xf32, #tpu.memory_space<vmem_shared>> -> memref<80x128xf32, #tpu.memory_space<vmem_shared>>
        %dma_wait3A_158 = arith.constant 9440 : i32
        %dma_wait3A_159 = arith.constant 0 : i32
        %dma_wait3A_160 = tpu.memref_slice %arg13[%dma_wait3A_158, %dma_wait3A_159] : memref<10000x128xf32, #tpu.memory_space<vmem_shared>> -> memref<80x128xf32, #tpu.memory_space<vmem_shared>>
        tpu.wait_dma2 semaphore(%run_scoped3A_148 : memref<!tpu.dma_semaphore, #tpu.memory_space<semaphore_mem>>) src(%arg9 : memref<80x128xf32, #tpu.memory_space<vmem>>) dst(%dma_wait3A_160 : memref<80x128xf32, #tpu.memory_space<vmem_shared>>)
        tpu.yield
      }) : () -> ()
      "tpu.region"() ({
        %run_scoped3A_148 = tpu.sem_alloc : memref<!tpu.dma_semaphore, #tpu.memory_space<semaphore_mem>>
        %dma_start3A_149 = arith.constant 9520 : i32
        %dma_start3A_150 = arith.constant 0 : i32
        %dma_start3A_151 = tpu.memref_slice %arg13[%dma_start3A_149, %dma_start3A_150] : memref<10000x128xf32, #tpu.memory_space<vmem_shared>> -> memref<80x128xf32, #tpu.memory_space<vmem_shared>>
        %dma_start3A_152 = arith.constant 9520 : i32
        %dma_start3A_153 = arith.constant 0 : i32
        %dma_start3A_154 = tpu.memref_slice %arg13[%dma_start3A_152, %dma_start3A_153] : memref<10000x128xf32, #tpu.memory_space<vmem_shared>> -> memref<80x128xf32, #tpu.memory_space<vmem_shared>>
        tpu.enqueue_dma source(%arg9 : memref<80x128xf32, #tpu.memory_space<vmem>>) target(%dma_start3A_154 : memref<80x128xf32, #tpu.memory_space<vmem_shared>>) target_semaphore(%run_scoped3A_148 : memref<!tpu.dma_semaphore, #tpu.memory_space<semaphore_mem>>)
        %dma_wait3A_155 = arith.constant 9520 : i32
        %dma_wait3A_156 = arith.constant 0 : i32
        %dma_wait3A_157 = tpu.memref_slice %arg13[%dma_wait3A_155, %dma_wait3A_156] : memref<10000x128xf32, #tpu.memory_space<vmem_shared>> -> memref<80x128xf32, #tpu.memory_space<vmem_shared>>
        %dma_wait3A_158 = arith.constant 9520 : i32
        %dma_wait3A_159 = arith.constant 0 : i32
        %dma_wait3A_160 = tpu.memref_slice %arg13[%dma_wait3A_158, %dma_wait3A_159] : memref<10000x128xf32, #tpu.memory_space<vmem_shared>> -> memref<80x128xf32, #tpu.memory_space<vmem_shared>>
        tpu.wait_dma2 semaphore(%run_scoped3A_148 : memref<!tpu.dma_semaphore, #tpu.memory_space<semaphore_mem>>) src(%arg9 : memref<80x128xf32, #tpu.memory_space<vmem>>) dst(%dma_wait3A_160 : memref<80x128xf32, #tpu.memory_space<vmem_shared>>)
        tpu.yield
      }) : () -> ()
      "tpu.region"() ({
        %run_scoped3A_148 = tpu.sem_alloc : memref<!tpu.dma_semaphore, #tpu.memory_space<semaphore_mem>>
        %dma_start3A_149 = arith.constant 9600 : i32
        %dma_start3A_150 = arith.constant 0 : i32
        %dma_start3A_151 = tpu.memref_slice %arg13[%dma_start3A_149, %dma_start3A_150] : memref<10000x128xf32, #tpu.memory_space<vmem_shared>> -> memref<80x128xf32, #tpu.memory_space<vmem_shared>>
        %dma_start3A_152 = arith.constant 9600 : i32
        %dma_start3A_153 = arith.constant 0 : i32
        %dma_start3A_154 = tpu.memref_slice %arg13[%dma_start3A_152, %dma_start3A_153] : memref<10000x128xf32, #tpu.memory_space<vmem_shared>> -> memref<80x128xf32, #tpu.memory_space<vmem_shared>>
        tpu.enqueue_dma source(%arg9 : memref<80x128xf32, #tpu.memory_space<vmem>>) target(%dma_start3A_154 : memref<80x128xf32, #tpu.memory_space<vmem_shared>>) target_semaphore(%run_scoped3A_148 : memref<!tpu.dma_semaphore, #tpu.memory_space<semaphore_mem>>)
        %dma_wait3A_155 = arith.constant 9600 : i32
        %dma_wait3A_156 = arith.constant 0 : i32
        %dma_wait3A_157 = tpu.memref_slice %arg13[%dma_wait3A_155, %dma_wait3A_156] : memref<10000x128xf32, #tpu.memory_space<vmem_shared>> -> memref<80x128xf32, #tpu.memory_space<vmem_shared>>
        %dma_wait3A_158 = arith.constant 9600 : i32
        %dma_wait3A_159 = arith.constant 0 : i32
        %dma_wait3A_160 = tpu.memref_slice %arg13[%dma_wait3A_158, %dma_wait3A_159] : memref<10000x128xf32, #tpu.memory_space<vmem_shared>> -> memref<80x128xf32, #tpu.memory_space<vmem_shared>>
        tpu.wait_dma2 semaphore(%run_scoped3A_148 : memref<!tpu.dma_semaphore, #tpu.memory_space<semaphore_mem>>) src(%arg9 : memref<80x128xf32, #tpu.memory_space<vmem>>) dst(%dma_wait3A_160 : memref<80x128xf32, #tpu.memory_space<vmem_shared>>)
        tpu.yield
      }) : () -> ()
      "tpu.region"() ({
        %run_scoped3A_148 = tpu.sem_alloc : memref<!tpu.dma_semaphore, #tpu.memory_space<semaphore_mem>>
        %dma_start3A_149 = arith.constant 9680 : i32
        %dma_start3A_150 = arith.constant 0 : i32
        %dma_start3A_151 = tpu.memref_slice %arg13[%dma_start3A_149, %dma_start3A_150] : memref<10000x128xf32, #tpu.memory_space<vmem_shared>> -> memref<80x128xf32, #tpu.memory_space<vmem_shared>>
        %dma_start3A_152 = arith.constant 9680 : i32
        %dma_start3A_153 = arith.constant 0 : i32
        %dma_start3A_154 = tpu.memref_slice %arg13[%dma_start3A_152, %dma_start3A_153] : memref<10000x128xf32, #tpu.memory_space<vmem_shared>> -> memref<80x128xf32, #tpu.memory_space<vmem_shared>>
        tpu.enqueue_dma source(%arg9 : memref<80x128xf32, #tpu.memory_space<vmem>>) target(%dma_start3A_154 : memref<80x128xf32, #tpu.memory_space<vmem_shared>>) target_semaphore(%run_scoped3A_148 : memref<!tpu.dma_semaphore, #tpu.memory_space<semaphore_mem>>)
        %dma_wait3A_155 = arith.constant 9680 : i32
        %dma_wait3A_156 = arith.constant 0 : i32
        %dma_wait3A_157 = tpu.memref_slice %arg13[%dma_wait3A_155, %dma_wait3A_156] : memref<10000x128xf32, #tpu.memory_space<vmem_shared>> -> memref<80x128xf32, #tpu.memory_space<vmem_shared>>
        %dma_wait3A_158 = arith.constant 9680 : i32
        %dma_wait3A_159 = arith.constant 0 : i32
        %dma_wait3A_160 = tpu.memref_slice %arg13[%dma_wait3A_158, %dma_wait3A_159] : memref<10000x128xf32, #tpu.memory_space<vmem_shared>> -> memref<80x128xf32, #tpu.memory_space<vmem_shared>>
        tpu.wait_dma2 semaphore(%run_scoped3A_148 : memref<!tpu.dma_semaphore, #tpu.memory_space<semaphore_mem>>) src(%arg9 : memref<80x128xf32, #tpu.memory_space<vmem>>) dst(%dma_wait3A_160 : memref<80x128xf32, #tpu.memory_space<vmem_shared>>)
        tpu.yield
      }) : () -> ()
      "tpu.region"() ({
        %run_scoped3A_148 = tpu.sem_alloc : memref<!tpu.dma_semaphore, #tpu.memory_space<semaphore_mem>>
        %dma_start3A_149 = arith.constant 9760 : i32
        %dma_start3A_150 = arith.constant 0 : i32
        %dma_start3A_151 = tpu.memref_slice %arg13[%dma_start3A_149, %dma_start3A_150] : memref<10000x128xf32, #tpu.memory_space<vmem_shared>> -> memref<80x128xf32, #tpu.memory_space<vmem_shared>>
        %dma_start3A_152 = arith.constant 9760 : i32
        %dma_start3A_153 = arith.constant 0 : i32
        %dma_start3A_154 = tpu.memref_slice %arg13[%dma_start3A_152, %dma_start3A_153] : memref<10000x128xf32, #tpu.memory_space<vmem_shared>> -> memref<80x128xf32, #tpu.memory_space<vmem_shared>>
        tpu.enqueue_dma source(%arg9 : memref<80x128xf32, #tpu.memory_space<vmem>>) target(%dma_start3A_154 : memref<80x128xf32, #tpu.memory_space<vmem_shared>>) target_semaphore(%run_scoped3A_148 : memref<!tpu.dma_semaphore, #tpu.memory_space<semaphore_mem>>)
        %dma_wait3A_155 = arith.constant 9760 : i32
        %dma_wait3A_156 = arith.constant 0 : i32
        %dma_wait3A_157 = tpu.memref_slice %arg13[%dma_wait3A_155, %dma_wait3A_156] : memref<10000x128xf32, #tpu.memory_space<vmem_shared>> -> memref<80x128xf32, #tpu.memory_space<vmem_shared>>
        %dma_wait3A_158 = arith.constant 9760 : i32
        %dma_wait3A_159 = arith.constant 0 : i32
        %dma_wait3A_160 = tpu.memref_slice %arg13[%dma_wait3A_158, %dma_wait3A_159] : memref<10000x128xf32, #tpu.memory_space<vmem_shared>> -> memref<80x128xf32, #tpu.memory_space<vmem_shared>>
        tpu.wait_dma2 semaphore(%run_scoped3A_148 : memref<!tpu.dma_semaphore, #tpu.memory_space<semaphore_mem>>) src(%arg9 : memref<80x128xf32, #tpu.memory_space<vmem>>) dst(%dma_wait3A_160 : memref<80x128xf32, #tpu.memory_space<vmem_shared>>)
        tpu.yield
      }) : () -> ()
      "tpu.region"() ({
        %run_scoped3A_148 = tpu.sem_alloc : memref<!tpu.dma_semaphore, #tpu.memory_space<semaphore_mem>>
        %dma_start3A_149 = arith.constant 9840 : i32
        %dma_start3A_150 = arith.constant 0 : i32
        %dma_start3A_151 = tpu.memref_slice %arg13[%dma_start3A_149, %dma_start3A_150] : memref<10000x128xf32, #tpu.memory_space<vmem_shared>> -> memref<80x128xf32, #tpu.memory_space<vmem_shared>>
        %dma_start3A_152 = arith.constant 9840 : i32
        %dma_start3A_153 = arith.constant 0 : i32
        %dma_start3A_154 = tpu.memref_slice %arg13[%dma_start3A_152, %dma_start3A_153] : memref<10000x128xf32, #tpu.memory_space<vmem_shared>> -> memref<80x128xf32, #tpu.memory_space<vmem_shared>>
        tpu.enqueue_dma source(%arg9 : memref<80x128xf32, #tpu.memory_space<vmem>>) target(%dma_start3A_154 : memref<80x128xf32, #tpu.memory_space<vmem_shared>>) target_semaphore(%run_scoped3A_148 : memref<!tpu.dma_semaphore, #tpu.memory_space<semaphore_mem>>)
        %dma_wait3A_155 = arith.constant 9840 : i32
        %dma_wait3A_156 = arith.constant 0 : i32
        %dma_wait3A_157 = tpu.memref_slice %arg13[%dma_wait3A_155, %dma_wait3A_156] : memref<10000x128xf32, #tpu.memory_space<vmem_shared>> -> memref<80x128xf32, #tpu.memory_space<vmem_shared>>
        %dma_wait3A_158 = arith.constant 9840 : i32
        %dma_wait3A_159 = arith.constant 0 : i32
        %dma_wait3A_160 = tpu.memref_slice %arg13[%dma_wait3A_158, %dma_wait3A_159] : memref<10000x128xf32, #tpu.memory_space<vmem_shared>> -> memref<80x128xf32, #tpu.memory_space<vmem_shared>>
        tpu.wait_dma2 semaphore(%run_scoped3A_148 : memref<!tpu.dma_semaphore, #tpu.memory_space<semaphore_mem>>) src(%arg9 : memref<80x128xf32, #tpu.memory_space<vmem>>) dst(%dma_wait3A_160 : memref<80x128xf32, #tpu.memory_space<vmem_shared>>)
        tpu.yield
      }) : () -> ()
      "tpu.region"() ({
        %run_scoped3A_148 = tpu.sem_alloc : memref<!tpu.dma_semaphore, #tpu.memory_space<semaphore_mem>>
        %dma_start3A_149 = arith.constant 9920 : i32
        %dma_start3A_150 = arith.constant 0 : i32
        %dma_start3A_151 = tpu.memref_slice %arg13[%dma_start3A_149, %dma_start3A_150] : memref<10000x128xf32, #tpu.memory_space<vmem_shared>> -> memref<80x128xf32, #tpu.memory_space<vmem_shared>>
        %dma_start3A_152 = arith.constant 9920 : i32
        %dma_start3A_153 = arith.constant 0 : i32
        %dma_start3A_154 = tpu.memref_slice %arg13[%dma_start3A_152, %dma_start3A_153] : memref<10000x128xf32, #tpu.memory_space<vmem_shared>> -> memref<80x128xf32, #tpu.memory_space<vmem_shared>>
        tpu.enqueue_dma source(%arg9 : memref<80x128xf32, #tpu.memory_space<vmem>>) target(%dma_start3A_154 : memref<80x128xf32, #tpu.memory_space<vmem_shared>>) target_semaphore(%run_scoped3A_148 : memref<!tpu.dma_semaphore, #tpu.memory_space<semaphore_mem>>)
        %dma_wait3A_155 = arith.constant 9920 : i32
        %dma_wait3A_156 = arith.constant 0 : i32
        %dma_wait3A_157 = tpu.memref_slice %arg13[%dma_wait3A_155, %dma_wait3A_156] : memref<10000x128xf32, #tpu.memory_space<vmem_shared>> -> memref<80x128xf32, #tpu.memory_space<vmem_shared>>
        %dma_wait3A_158 = arith.constant 9920 : i32
        %dma_wait3A_159 = arith.constant 0 : i32
        %dma_wait3A_160 = tpu.memref_slice %arg13[%dma_wait3A_158, %dma_wait3A_159] : memref<10000x128xf32, #tpu.memory_space<vmem_shared>> -> memref<80x128xf32, #tpu.memory_space<vmem_shared>>
        tpu.wait_dma2 semaphore(%run_scoped3A_148 : memref<!tpu.dma_semaphore, #tpu.memory_space<semaphore_mem>>) src(%arg9 : memref<80x128xf32, #tpu.memory_space<vmem>>) dst(%dma_wait3A_160 : memref<80x128xf32, #tpu.memory_space<vmem_shared>>)
        tpu.yield
      }) : () -> ()
    } else {
    }
    %barrier3A = arith.constant 0 : index
    tpu.barrier barrier_id(%barrier3A)
    %dma_wait3A = arith.constant 0 : i32
    %dma_wait3A_54 = arith.constant 0 : i32
    %dma_wait3A_55 = arith.constant 0 : i32
    %dma_wait3A_56 = tpu.memref_slice %arg3[%dma_wait3A, %dma_wait3A_54, %dma_wait3A_55] : memref<4000x2x80xi32, #tpu.memory_space<hbm>> -> memref<1x2x80xi32, #tpu.memory_space<hbm>>
    %dma_wait3A_57 = tpu.memref_squeeze %dma_wait3A_56 : memref<1x2x80xi32, #tpu.memory_space<hbm>> -> memref<2x80xi32, #tpu.memory_space<hbm>>
    %dma_wait3A_58 = arith.constant 0 : i32
    %dma_wait3A_59 = arith.constant 0 : i32
    %dma_wait3A_60 = tpu.memref_slice %arg3[%dma_wait3A, %dma_wait3A_58, %dma_wait3A_59] : memref<4000x2x80xi32, #tpu.memory_space<hbm>> -> memref<1x2x80xi32, #tpu.memory_space<hbm>>
    %dma_wait3A_61 = tpu.memref_squeeze %dma_wait3A_60 : memref<1x2x80xi32, #tpu.memory_space<hbm>> -> memref<2x80xi32, #tpu.memory_space<hbm>>
    tpu.wait_dma2 semaphore(%arg14 : memref<!tpu.dma_semaphore, #tpu.memory_space<semaphore_mem>>) src(%dma_wait3A_61 : memref<2x80xi32, #tpu.memory_space<hbm>>) dst(%arg5 : memref<2x80xi32, #tpu.memory_space<vmem>>)
    %dma_start3A_62 = arith.constant 0 : i32
    %dma_start3A_63 = arith.constant 0 : i32
    %dma_start3A_64 = tpu.memref_slice %arg5[%dma_start3A_62, %dma_start3A_63] : memref<2x80xi32, #tpu.memory_space<vmem>> -> memref<1x80xi32, #tpu.memory_space<vmem>>
    %dma_start3A_65 = tpu.memref_squeeze %dma_start3A_64 : memref<1x80xi32, #tpu.memory_space<vmem>> -> memref<80xi32, #tpu.memory_space<vmem>>
    %dma_start3A_66 = arith.constant 0 : i32
    %dma_start3A_67 = arith.constant 0 : i32
    %dma_start3A_68 = tpu.memref_slice %arg2[%dma_start3A_66, %dma_start3A_67] : memref<10000x128xf32, #tpu.memory_space<hbm>> -> memref<10000x128xf32, #tpu.memory_space<hbm>>
    tpu.enqueue_indirect_dma source(%dma_start3A_68 : memref<10000x128xf32, #tpu.memory_space<hbm>>) target(%arg9 : memref<80x128xf32, #tpu.memory_space<vmem>>) offsets(%dma_start3A_65 : memref<80xi32, #tpu.memory_space<vmem>>) semaphore(%arg18 : memref<!tpu.dma_semaphore, #tpu.memory_space<semaphore_mem>>)
    %dma_wait3A_69 = arith.constant 0 : i32
    %dma_wait3A_70 = arith.constant 0 : i32
    %dma_wait3A_71 = arith.constant 0 : i32
    %dma_wait3A_72 = tpu.memref_slice %arg3[%dma_wait3A_69, %dma_wait3A_70, %dma_wait3A_71] : memref<4000x2x80xi32, #tpu.memory_space<hbm>> -> memref<1x2x80xi32, #tpu.memory_space<hbm>>
    %dma_wait3A_73 = tpu.memref_squeeze %dma_wait3A_72 : memref<1x2x80xi32, #tpu.memory_space<hbm>> -> memref<2x80xi32, #tpu.memory_space<hbm>>
    %dma_wait3A_74 = arith.constant 0 : i32
    %dma_wait3A_75 = arith.constant 0 : i32
    %dma_wait3A_76 = tpu.memref_slice %arg3[%dma_wait3A_69, %dma_wait3A_74, %dma_wait3A_75] : memref<4000x2x80xi32, #tpu.memory_space<hbm>> -> memref<1x2x80xi32, #tpu.memory_space<hbm>>
    %dma_wait3A_77 = tpu.memref_squeeze %dma_wait3A_76 : memref<1x2x80xi32, #tpu.memory_space<hbm>> -> memref<2x80xi32, #tpu.memory_space<hbm>>
    tpu.wait_dma2 semaphore(%arg15 : memref<!tpu.dma_semaphore, #tpu.memory_space<semaphore_mem>>) src(%dma_wait3A_77 : memref<2x80xi32, #tpu.memory_space<hbm>>) dst(%arg6 : memref<2x80xi32, #tpu.memory_space<vmem>>)
    %dma_start3A_78 = arith.constant 0 : i32
    %dma_start3A_79 = arith.constant 0 : i32
    %dma_start3A_80 = tpu.memref_slice %arg6[%dma_start3A_78, %dma_start3A_79] : memref<2x80xi32, #tpu.memory_space<vmem>> -> memref<1x80xi32, #tpu.memory_space<vmem>>
    %dma_start3A_81 = tpu.memref_squeeze %dma_start3A_80 : memref<1x80xi32, #tpu.memory_space<vmem>> -> memref<80xi32, #tpu.memory_space<vmem>>
    %dma_start3A_82 = arith.constant 0 : i32
    %dma_start3A_83 = arith.constant 0 : i32
    %dma_start3A_84 = tpu.memref_slice %arg2[%dma_start3A_82, %dma_start3A_83] : memref<10000x128xf32, #tpu.memory_space<hbm>> -> memref<10000x128xf32, #tpu.memory_space<hbm>>
    tpu.enqueue_indirect_dma source(%dma_start3A_84 : memref<10000x128xf32, #tpu.memory_space<hbm>>) target(%arg10 : memref<80x128xf32, #tpu.memory_space<vmem>>) offsets(%dma_start3A_81 : memref<80xi32, #tpu.memory_space<vmem>>) semaphore(%arg19 : memref<!tpu.dma_semaphore, #tpu.memory_space<semaphore_mem>>)
    %dma_wait3A_85 = arith.constant 0 : i32
    %dma_wait3A_86 = arith.constant 0 : i32
    %dma_wait3A_87 = arith.constant 0 : i32
    %dma_wait3A_88 = tpu.memref_slice %arg3[%dma_wait3A_85, %dma_wait3A_86, %dma_wait3A_87] : memref<4000x2x80xi32, #tpu.memory_space<hbm>> -> memref<1x2x80xi32, #tpu.memory_space<hbm>>
    %dma_wait3A_89 = tpu.memref_squeeze %dma_wait3A_88 : memref<1x2x80xi32, #tpu.memory_space<hbm>> -> memref<2x80xi32, #tpu.memory_space<hbm>>
    %dma_wait3A_90 = arith.constant 0 : i32
    %dma_wait3A_91 = arith.constant 0 : i32
    %dma_wait3A_92 = tpu.memref_slice %arg3[%dma_wait3A_85, %dma_wait3A_90, %dma_wait3A_91] : memref<4000x2x80xi32, #tpu.memory_space<hbm>> -> memref<1x2x80xi32, #tpu.memory_space<hbm>>
    %dma_wait3A_93 = tpu.memref_squeeze %dma_wait3A_92 : memref<1x2x80xi32, #tpu.memory_space<hbm>> -> memref<2x80xi32, #tpu.memory_space<hbm>>
    tpu.wait_dma2 semaphore(%arg16 : memref<!tpu.dma_semaphore, #tpu.memory_space<semaphore_mem>>) src(%dma_wait3A_93 : memref<2x80xi32, #tpu.memory_space<hbm>>) dst(%arg7 : memref<2x80xi32, #tpu.memory_space<vmem>>)
    %dma_start3A_94 = arith.constant 0 : i32
    %dma_start3A_95 = arith.constant 0 : i32
    %dma_start3A_96 = tpu.memref_slice %arg7[%dma_start3A_94, %dma_start3A_95] : memref<2x80xi32, #tpu.memory_space<vmem>> -> memref<1x80xi32, #tpu.memory_space<vmem>>
    %dma_start3A_97 = tpu.memref_squeeze %dma_start3A_96 : memref<1x80xi32, #tpu.memory_space<vmem>> -> memref<80xi32, #tpu.memory_space<vmem>>
    %dma_start3A_98 = arith.constant 0 : i32
    %dma_start3A_99 = arith.constant 0 : i32
    %dma_start3A_100 = tpu.memref_slice %arg2[%dma_start3A_98, %dma_start3A_99] : memref<10000x128xf32, #tpu.memory_space<hbm>> -> memref<10000x128xf32, #tpu.memory_space<hbm>>
    tpu.enqueue_indirect_dma source(%dma_start3A_100 : memref<10000x128xf32, #tpu.memory_space<hbm>>) target(%arg11 : memref<80x128xf32, #tpu.memory_space<vmem>>) offsets(%dma_start3A_97 : memref<80xi32, #tpu.memory_space<vmem>>) semaphore(%arg20 : memref<!tpu.dma_semaphore, #tpu.memory_space<semaphore_mem>>)
    %dma_wait3A_101 = arith.constant 0 : i32
    %dma_wait3A_102 = arith.constant 0 : i32
    %dma_wait3A_103 = arith.constant 0 : i32
    %dma_wait3A_104 = tpu.memref_slice %arg3[%dma_wait3A_101, %dma_wait3A_102, %dma_wait3A_103] : memref<4000x2x80xi32, #tpu.memory_space<hbm>> -> memref<1x2x80xi32, #tpu.memory_space<hbm>>
    %dma_wait3A_105 = tpu.memref_squeeze %dma_wait3A_104 : memref<1x2x80xi32, #tpu.memory_space<hbm>> -> memref<2x80xi32, #tpu.memory_space<hbm>>
    %dma_wait3A_106 = arith.constant 0 : i32
    %dma_wait3A_107 = arith.constant 0 : i32
    %dma_wait3A_108 = tpu.memref_slice %arg3[%dma_wait3A_101, %dma_wait3A_106, %dma_wait3A_107] : memref<4000x2x80xi32, #tpu.memory_space<hbm>> -> memref<1x2x80xi32, #tpu.memory_space<hbm>>
    %dma_wait3A_109 = tpu.memref_squeeze %dma_wait3A_108 : memref<1x2x80xi32, #tpu.memory_space<hbm>> -> memref<2x80xi32, #tpu.memory_space<hbm>>
    tpu.wait_dma2 semaphore(%arg17 : memref<!tpu.dma_semaphore, #tpu.memory_space<semaphore_mem>>) src(%dma_wait3A_109 : memref<2x80xi32, #tpu.memory_space<hbm>>) dst(%arg8 : memref<2x80xi32, #tpu.memory_space<vmem>>)
    %dma_start3A_110 = arith.constant 0 : i32
    %dma_start3A_111 = arith.constant 0 : i32
    %dma_start3A_112 = tpu.memref_slice %arg8[%dma_start3A_110, %dma_start3A_111] : memref<2x80xi32, #tpu.memory_space<vmem>> -> memref<1x80xi32, #tpu.memory_space<vmem>>
    %dma_start3A_113 = tpu.memref_squeeze %dma_start3A_112 : memref<1x80xi32, #tpu.memory_space<vmem>> -> memref<80xi32, #tpu.memory_space<vmem>>
    %dma_start3A_114 = arith.constant 0 : i32
    %dma_start3A_115 = arith.constant 0 : i32
    %dma_start3A_116 = tpu.memref_slice %arg2[%dma_start3A_114, %dma_start3A_115] : memref<10000x128xf32, #tpu.memory_space<hbm>> -> memref<10000x128xf32, #tpu.memory_space<hbm>>
    tpu.enqueue_indirect_dma source(%dma_start3A_116 : memref<10000x128xf32, #tpu.memory_space<hbm>>) target(%arg12 : memref<80x128xf32, #tpu.memory_space<vmem>>) offsets(%dma_start3A_113 : memref<80xi32, #tpu.memory_space<vmem>>) semaphore(%arg21 : memref<!tpu.dma_semaphore, #tpu.memory_space<semaphore_mem>>)
    %scan3A_117 = arith.constant 0 : i32
    %scan3A_118 = arith.constant 1 : i32
    %scan3A_119 = arith.constant 1 : i32
    %scan3A_120 = arith.constant 1 : i32
    %scan3A_121 = arith.constant 1 : i32
    %scan3A_122 = arith.constant 0 : i32
    %scan3A_123 = arith.constant 0 : i32
    %scan3A_124 = arith.constant 0 : i32
    %scan3A_125 = arith.constant 0 : i32
    %scan3A_126 = arith.constant 0 : i32
    %scan3A_127 = arith.constant 31 : i32
    %scan3A_128 = arith.addi %scan3A_126, %scan3A_127 : i32
    %scan3A_129 = arith.constant 1 : i32
    scf.for %scan3A_148 = %scan3A_126 to %scan3A_128 step %scan3A_129  : i32 {
      %mul3A_149 = arith.constant 4 : i32
      %mul3A_150 = arith.muli %mul3A_149, %scan3A_148 : i32
      %dma_wait3A_151 = arith.constant 0 : i32
      %dma_wait3A_152 = arith.constant 0 : i32
      %dma_wait3A_153 = tpu.memref_slice %arg2[%dma_wait3A_151, %dma_wait3A_152] : memref<10000x128xf32, #tpu.memory_space<hbm>> -> memref<80x128xf32, #tpu.memory_space<hbm>>
      %dma_wait3A_154 = arith.constant 0 : i32
      %dma_wait3A_155 = arith.constant 0 : i32
      %dma_wait3A_156 = tpu.memref_slice %arg2[%dma_wait3A_154, %dma_wait3A_155] : memref<10000x128xf32, #tpu.memory_space<hbm>> -> memref<80x128xf32, #tpu.memory_space<hbm>>
      tpu.wait_dma2 semaphore(%arg18 : memref<!tpu.dma_semaphore, #tpu.memory_space<semaphore_mem>>) src(%dma_wait3A_156 : memref<80x128xf32, #tpu.memory_space<hbm>>) dst(%arg9 : memref<80x128xf32, #tpu.memory_space<vmem>>)
      %dma_start3A_157 = arith.constant 0 : i32
      %dma_start3A_158 = tpu.memref_slice %arg5[%scan3A_118, %dma_start3A_157] : memref<2x80xi32, #tpu.memory_space<vmem>> -> memref<1x80xi32, #tpu.memory_space<vmem>>
      %dma_start3A_159 = tpu.memref_squeeze %dma_start3A_158 : memref<1x80xi32, #tpu.memory_space<vmem>> -> memref<80xi32, #tpu.memory_space<vmem>>
      %dma_start3A_160 = arith.constant 0 : i32
      %dma_start3A_161 = arith.constant 0 : i32
      %dma_start3A_162 = tpu.memref_slice %arg13[%dma_start3A_160, %dma_start3A_161] : memref<10000x128xf32, #tpu.memory_space<vmem_shared>> -> memref<10000x128xf32, #tpu.memory_space<vmem_shared>>
      tpu.enqueue_indirect_dma source(%arg9 : memref<80x128xf32, #tpu.memory_space<vmem>>) target(%dma_start3A_162 : memref<10000x128xf32, #tpu.memory_space<vmem_shared>>) offsets(%dma_start3A_159 : memref<80xi32, #tpu.memory_space<vmem>>) semaphore(%arg22 : memref<!tpu.dma_semaphore, #tpu.memory_space<semaphore_mem>>) {add = true}
      %dma_wait3A_163 = arith.constant 0 : i32
      %dma_wait3A_164 = arith.constant 0 : i32
      %dma_wait3A_165 = tpu.memref_slice %arg2[%dma_wait3A_163, %dma_wait3A_164] : memref<10000x128xf32, #tpu.memory_space<hbm>> -> memref<80x128xf32, #tpu.memory_space<hbm>>
      %dma_wait3A_166 = arith.constant 0 : i32
      %dma_wait3A_167 = arith.constant 0 : i32
      %dma_wait3A_168 = tpu.memref_slice %arg2[%dma_wait3A_166, %dma_wait3A_167] : memref<10000x128xf32, #tpu.memory_space<hbm>> -> memref<80x128xf32, #tpu.memory_space<hbm>>
      tpu.wait_dma2 semaphore(%arg19 : memref<!tpu.dma_semaphore, #tpu.memory_space<semaphore_mem>>) src(%dma_wait3A_168 : memref<80x128xf32, #tpu.memory_space<hbm>>) dst(%arg10 : memref<80x128xf32, #tpu.memory_space<vmem>>)
      %dma_start3A_169 = arith.constant 0 : i32
      %dma_start3A_170 = tpu.memref_slice %arg6[%scan3A_119, %dma_start3A_169] : memref<2x80xi32, #tpu.memory_space<vmem>> -> memref<1x80xi32, #tpu.memory_space<vmem>>
      %dma_start3A_171 = tpu.memref_squeeze %dma_start3A_170 : memref<1x80xi32, #tpu.memory_space<vmem>> -> memref<80xi32, #tpu.memory_space<vmem>>
      %dma_start3A_172 = arith.constant 0 : i32
      %dma_start3A_173 = arith.constant 0 : i32
      %dma_start3A_174 = tpu.memref_slice %arg13[%dma_start3A_172, %dma_start3A_173] : memref<10000x128xf32, #tpu.memory_space<vmem_shared>> -> memref<10000x128xf32, #tpu.memory_space<vmem_shared>>
      tpu.enqueue_indirect_dma source(%arg10 : memref<80x128xf32, #tpu.memory_space<vmem>>) target(%dma_start3A_174 : memref<10000x128xf32, #tpu.memory_space<vmem_shared>>) offsets(%dma_start3A_171 : memref<80xi32, #tpu.memory_space<vmem>>) semaphore(%arg23 : memref<!tpu.dma_semaphore, #tpu.memory_space<semaphore_mem>>) {add = true}
      %dma_wait3A_175 = arith.constant 0 : i32
      %dma_wait3A_176 = arith.constant 0 : i32
      %dma_wait3A_177 = tpu.memref_slice %arg2[%dma_wait3A_175, %dma_wait3A_176] : memref<10000x128xf32, #tpu.memory_space<hbm>> -> memref<80x128xf32, #tpu.memory_space<hbm>>
      %dma_wait3A_178 = arith.constant 0 : i32
      %dma_wait3A_179 = arith.constant 0 : i32
      %dma_wait3A_180 = tpu.memref_slice %arg2[%dma_wait3A_178, %dma_wait3A_179] : memref<10000x128xf32, #tpu.memory_space<hbm>> -> memref<80x128xf32, #tpu.memory_space<hbm>>
      tpu.wait_dma2 semaphore(%arg20 : memref<!tpu.dma_semaphore, #tpu.memory_space<semaphore_mem>>) src(%dma_wait3A_180 : memref<80x128xf32, #tpu.memory_space<hbm>>) dst(%arg11 : memref<80x128xf32, #tpu.memory_space<vmem>>)
      %dma_start3A_181 = arith.constant 0 : i32
      %dma_start3A_182 = tpu.memref_slice %arg7[%scan3A_120, %dma_start3A_181] : memref<2x80xi32, #tpu.memory_space<vmem>> -> memref<1x80xi32, #tpu.memory_space<vmem>>
      %dma_start3A_183 = tpu.memref_squeeze %dma_start3A_182 : memref<1x80xi32, #tpu.memory_space<vmem>> -> memref<80xi32, #tpu.memory_space<vmem>>
      %dma_start3A_184 = arith.constant 0 : i32
      %dma_start3A_185 = arith.constant 0 : i32
      %dma_start3A_186 = tpu.memref_slice %arg13[%dma_start3A_184, %dma_start3A_185] : memref<10000x128xf32, #tpu.memory_space<vmem_shared>> -> memref<10000x128xf32, #tpu.memory_space<vmem_shared>>
      tpu.enqueue_indirect_dma source(%arg11 : memref<80x128xf32, #tpu.memory_space<vmem>>) target(%dma_start3A_186 : memref<10000x128xf32, #tpu.memory_space<vmem_shared>>) offsets(%dma_start3A_183 : memref<80xi32, #tpu.memory_space<vmem>>) semaphore(%arg24 : memref<!tpu.dma_semaphore, #tpu.memory_space<semaphore_mem>>) {add = true}
      %dma_wait3A_187 = arith.constant 0 : i32
      %dma_wait3A_188 = arith.constant 0 : i32
      %dma_wait3A_189 = tpu.memref_slice %arg2[%dma_wait3A_187, %dma_wait3A_188] : memref<10000x128xf32, #tpu.memory_space<hbm>> -> memref<80x128xf32, #tpu.memory_space<hbm>>
      %dma_wait3A_190 = arith.constant 0 : i32
      %dma_wait3A_191 = arith.constant 0 : i32
      %dma_wait3A_192 = tpu.memref_slice %arg2[%dma_wait3A_190, %dma_wait3A_191] : memref<10000x128xf32, #tpu.memory_space<hbm>> -> memref<80x128xf32, #tpu.memory_space<hbm>>
      tpu.wait_dma2 semaphore(%arg21 : memref<!tpu.dma_semaphore, #tpu.memory_space<semaphore_mem>>) src(%dma_wait3A_192 : memref<80x128xf32, #tpu.memory_space<hbm>>) dst(%arg12 : memref<80x128xf32, #tpu.memory_space<vmem>>)
      %dma_start3A_193 = arith.constant 0 : i32
      %dma_start3A_194 = tpu.memref_slice %arg8[%scan3A_121, %dma_start3A_193] : memref<2x80xi32, #tpu.memory_space<vmem>> -> memref<1x80xi32, #tpu.memory_space<vmem>>
      %dma_start3A_195 = tpu.memref_squeeze %dma_start3A_194 : memref<1x80xi32, #tpu.memory_space<vmem>> -> memref<80xi32, #tpu.memory_space<vmem>>
      %dma_start3A_196 = arith.constant 0 : i32
      %dma_start3A_197 = arith.constant 0 : i32
      %dma_start3A_198 = tpu.memref_slice %arg13[%dma_start3A_196, %dma_start3A_197] : memref<10000x128xf32, #tpu.memory_space<vmem_shared>> -> memref<10000x128xf32, #tpu.memory_space<vmem_shared>>
      tpu.enqueue_indirect_dma source(%arg12 : memref<80x128xf32, #tpu.memory_space<vmem>>) target(%dma_start3A_198 : memref<10000x128xf32, #tpu.memory_space<vmem_shared>>) offsets(%dma_start3A_195 : memref<80xi32, #tpu.memory_space<vmem>>) semaphore(%arg25 : memref<!tpu.dma_semaphore, #tpu.memory_space<semaphore_mem>>) {add = true}
      %dma_wait3A_199 = arith.constant 0 : i32
      %dma_wait3A_200 = tpu.memref_slice %arg5[%scan3A_118, %dma_wait3A_199] : memref<2x80xi32, #tpu.memory_space<vmem>> -> memref<1x80xi32, #tpu.memory_space<vmem>>
      %dma_wait3A_201 = tpu.memref_squeeze %dma_wait3A_200 : memref<1x80xi32, #tpu.memory_space<vmem>> -> memref<80xi32, #tpu.memory_space<vmem>>
      %dma_wait3A_202 = arith.constant 0 : i32
      %dma_wait3A_203 = arith.constant 0 : i32
      %dma_wait3A_204 = tpu.memref_slice %arg13[%dma_wait3A_202, %dma_wait3A_203] : memref<10000x128xf32, #tpu.memory_space<vmem_shared>> -> memref<10000x128xf32, #tpu.memory_space<vmem_shared>>
      tpu.wait_indirect_dma semaphore(%arg22 : memref<!tpu.dma_semaphore, #tpu.memory_space<semaphore_mem>>) src(%arg9 : memref<80x128xf32, #tpu.memory_space<vmem>>) dst(%dma_wait3A_204 : memref<10000x128xf32, #tpu.memory_space<vmem_shared>>)
      %add3A_205 = arith.constant 0 : i32
      %add3A_206 = arith.addi %mul3A_150, %add3A_205 : i32
      %add3A_207 = arith.constant 4 : i32
      %add3A_208 = arith.addi %add3A_206, %add3A_207 : i32
      %lt3A_209 = arith.constant 125 : i32
      %lt3A_210 = arith.cmpi slt, %add3A_208, %lt3A_209 : i32
      %convert_element_type3A_211 = arith.extui %lt3A_210 : i1 to i32
      %cond3A_212 = arith.constant 0 : i32
      %cond3A_213 = arith.cmpi ne, %convert_element_type3A_211, %cond3A_212 : i32
      scf.if %cond3A_213 {
        %add3A_295 = arith.constant 0 : i32
        %add3A_296 = arith.addi %mul3A_150, %add3A_295 : i32
        %add3A_297 = arith.constant 4 : i32
        %add3A_298 = arith.addi %add3A_296, %add3A_297 : i32
        %add3A_299 = arith.addi %mul3A_2, %add3A_298 : i32
        %dma_start3A_300 = arith.constant 0 : i32
        %dma_start3A_301 = arith.constant 0 : i32
        %dma_start3A_302 = tpu.memref_slice %arg3[%add3A_299, %dma_start3A_300, %dma_start3A_301] : memref<4000x2x80xi32, #tpu.memory_space<hbm>> -> memref<1x2x80xi32, #tpu.memory_space<hbm>>
        %dma_start3A_303 = tpu.memref_squeeze %dma_start3A_302 : memref<1x2x80xi32, #tpu.memory_space<hbm>> -> memref<2x80xi32, #tpu.memory_space<hbm>>
        %dma_start3A_304 = arith.constant 0 : i32
        %dma_start3A_305 = arith.constant 0 : i32
        %dma_start3A_306 = tpu.memref_slice %arg3[%add3A_299, %dma_start3A_304, %dma_start3A_305] : memref<4000x2x80xi32, #tpu.memory_space<hbm>> -> memref<1x2x80xi32, #tpu.memory_space<hbm>>
        %dma_start3A_307 = tpu.memref_squeeze %dma_start3A_306 : memref<1x2x80xi32, #tpu.memory_space<hbm>> -> memref<2x80xi32, #tpu.memory_space<hbm>>
        tpu.enqueue_dma source(%dma_start3A_307 : memref<2x80xi32, #tpu.memory_space<hbm>>) target(%arg5 : memref<2x80xi32, #tpu.memory_space<vmem>>) target_semaphore(%arg14 : memref<!tpu.dma_semaphore, #tpu.memory_space<semaphore_mem>>)
      } else {
      }
      %dma_wait3A_214 = arith.constant 0 : i32
      %dma_wait3A_215 = tpu.memref_slice %arg6[%scan3A_119, %dma_wait3A_214] : memref<2x80xi32, #tpu.memory_space<vmem>> -> memref<1x80xi32, #tpu.memory_space<vmem>>
      %dma_wait3A_216 = tpu.memref_squeeze %dma_wait3A_215 : memref<1x80xi32, #tpu.memory_space<vmem>> -> memref<80xi32, #tpu.memory_space<vmem>>
      %dma_wait3A_217 = arith.constant 0 : i32
      %dma_wait3A_218 = arith.constant 0 : i32
      %dma_wait3A_219 = tpu.memref_slice %arg13[%dma_wait3A_217, %dma_wait3A_218] : memref<10000x128xf32, #tpu.memory_space<vmem_shared>> -> memref<10000x128xf32, #tpu.memory_space<vmem_shared>>
      tpu.wait_indirect_dma semaphore(%arg23 : memref<!tpu.dma_semaphore, #tpu.memory_space<semaphore_mem>>) src(%arg10 : memref<80x128xf32, #tpu.memory_space<vmem>>) dst(%dma_wait3A_219 : memref<10000x128xf32, #tpu.memory_space<vmem_shared>>)
      %add3A_220 = arith.constant 1 : i32
      %add3A_221 = arith.addi %mul3A_150, %add3A_220 : i32
      %add3A_222 = arith.constant 4 : i32
      %add3A_223 = arith.addi %add3A_221, %add3A_222 : i32
      %lt3A_224 = arith.constant 125 : i32
      %lt3A_225 = arith.cmpi slt, %add3A_223, %lt3A_224 : i32
      %convert_element_type3A_226 = arith.extui %lt3A_225 : i1 to i32
      %cond3A_227 = arith.constant 0 : i32
      %cond3A_228 = arith.cmpi ne, %convert_element_type3A_226, %cond3A_227 : i32
      scf.if %cond3A_228 {
        %add3A_295 = arith.constant 1 : i32
        %add3A_296 = arith.addi %mul3A_150, %add3A_295 : i32
        %add3A_297 = arith.constant 4 : i32
        %add3A_298 = arith.addi %add3A_296, %add3A_297 : i32
        %add3A_299 = arith.addi %mul3A_2, %add3A_298 : i32
        %dma_start3A_300 = arith.constant 0 : i32
        %dma_start3A_301 = arith.constant 0 : i32
        %dma_start3A_302 = tpu.memref_slice %arg3[%add3A_299, %dma_start3A_300, %dma_start3A_301] : memref<4000x2x80xi32, #tpu.memory_space<hbm>> -> memref<1x2x80xi32, #tpu.memory_space<hbm>>
        %dma_start3A_303 = tpu.memref_squeeze %dma_start3A_302 : memref<1x2x80xi32, #tpu.memory_space<hbm>> -> memref<2x80xi32, #tpu.memory_space<hbm>>
        %dma_start3A_304 = arith.constant 0 : i32
        %dma_start3A_305 = arith.constant 0 : i32
        %dma_start3A_306 = tpu.memref_slice %arg3[%add3A_299, %dma_start3A_304, %dma_start3A_305] : memref<4000x2x80xi32, #tpu.memory_space<hbm>> -> memref<1x2x80xi32, #tpu.memory_space<hbm>>
        %dma_start3A_307 = tpu.memref_squeeze %dma_start3A_306 : memref<1x2x80xi32, #tpu.memory_space<hbm>> -> memref<2x80xi32, #tpu.memory_space<hbm>>
        tpu.enqueue_dma source(%dma_start3A_307 : memref<2x80xi32, #tpu.memory_space<hbm>>) target(%arg6 : memref<2x80xi32, #tpu.memory_space<vmem>>) target_semaphore(%arg15 : memref<!tpu.dma_semaphore, #tpu.memory_space<semaphore_mem>>)
      } else {
      }
      %dma_wait3A_229 = arith.constant 0 : i32
      %dma_wait3A_230 = tpu.memref_slice %arg7[%scan3A_120, %dma_wait3A_229] : memref<2x80xi32, #tpu.memory_space<vmem>> -> memref<1x80xi32, #tpu.memory_space<vmem>>
      %dma_wait3A_231 = tpu.memref_squeeze %dma_wait3A_230 : memref<1x80xi32, #tpu.memory_space<vmem>> -> memref<80xi32, #tpu.memory_space<vmem>>
      %dma_wait3A_232 = arith.constant 0 : i32
      %dma_wait3A_233 = arith.constant 0 : i32
      %dma_wait3A_234 = tpu.memref_slice %arg13[%dma_wait3A_232, %dma_wait3A_233] : memref<10000x128xf32, #tpu.memory_space<vmem_shared>> -> memref<10000x128xf32, #tpu.memory_space<vmem_shared>>
      tpu.wait_indirect_dma semaphore(%arg24 : memref<!tpu.dma_semaphore, #tpu.memory_space<semaphore_mem>>) src(%arg11 : memref<80x128xf32, #tpu.memory_space<vmem>>) dst(%dma_wait3A_234 : memref<10000x128xf32, #tpu.memory_space<vmem_shared>>)
      %add3A_235 = arith.constant 2 : i32
      %add3A_236 = arith.addi %mul3A_150, %add3A_235 : i32
      %add3A_237 = arith.constant 4 : i32
      %add3A_238 = arith.addi %add3A_236, %add3A_237 : i32
      %lt3A_239 = arith.constant 125 : i32
      %lt3A_240 = arith.cmpi slt, %add3A_238, %lt3A_239 : i32
      %convert_element_type3A_241 = arith.extui %lt3A_240 : i1 to i32
      %cond3A_242 = arith.constant 0 : i32
      %cond3A_243 = arith.cmpi ne, %convert_element_type3A_241, %cond3A_242 : i32
      scf.if %cond3A_243 {
        %add3A_295 = arith.constant 2 : i32
        %add3A_296 = arith.addi %mul3A_150, %add3A_295 : i32
        %add3A_297 = arith.constant 4 : i32
        %add3A_298 = arith.addi %add3A_296, %add3A_297 : i32
        %add3A_299 = arith.addi %mul3A_2, %add3A_298 : i32
        %dma_start3A_300 = arith.constant 0 : i32
        %dma_start3A_301 = arith.constant 0 : i32
        %dma_start3A_302 = tpu.memref_slice %arg3[%add3A_299, %dma_start3A_300, %dma_start3A_301] : memref<4000x2x80xi32, #tpu.memory_space<hbm>> -> memref<1x2x80xi32, #tpu.memory_space<hbm>>
        %dma_start3A_303 = tpu.memref_squeeze %dma_start3A_302 : memref<1x2x80xi32, #tpu.memory_space<hbm>> -> memref<2x80xi32, #tpu.memory_space<hbm>>
        %dma_start3A_304 = arith.constant 0 : i32
        %dma_start3A_305 = arith.constant 0 : i32
        %dma_start3A_306 = tpu.memref_slice %arg3[%add3A_299, %dma_start3A_304, %dma_start3A_305] : memref<4000x2x80xi32, #tpu.memory_space<hbm>> -> memref<1x2x80xi32, #tpu.memory_space<hbm>>
        %dma_start3A_307 = tpu.memref_squeeze %dma_start3A_306 : memref<1x2x80xi32, #tpu.memory_space<hbm>> -> memref<2x80xi32, #tpu.memory_space<hbm>>
        tpu.enqueue_dma source(%dma_start3A_307 : memref<2x80xi32, #tpu.memory_space<hbm>>) target(%arg7 : memref<2x80xi32, #tpu.memory_space<vmem>>) target_semaphore(%arg16 : memref<!tpu.dma_semaphore, #tpu.memory_space<semaphore_mem>>)
      } else {
      }
      %dma_wait3A_244 = arith.constant 0 : i32
      %dma_wait3A_245 = tpu.memref_slice %arg8[%scan3A_121, %dma_wait3A_244] : memref<2x80xi32, #tpu.memory_space<vmem>> -> memref<1x80xi32, #tpu.memory_space<vmem>>
      %dma_wait3A_246 = tpu.memref_squeeze %dma_wait3A_245 : memref<1x80xi32, #tpu.memory_space<vmem>> -> memref<80xi32, #tpu.memory_space<vmem>>
      %dma_wait3A_247 = arith.constant 0 : i32
      %dma_wait3A_248 = arith.constant 0 : i32
      %dma_wait3A_249 = tpu.memref_slice %arg13[%dma_wait3A_247, %dma_wait3A_248] : memref<10000x128xf32, #tpu.memory_space<vmem_shared>> -> memref<10000x128xf32, #tpu.memory_space<vmem_shared>>
      tpu.wait_indirect_dma semaphore(%arg25 : memref<!tpu.dma_semaphore, #tpu.memory_space<semaphore_mem>>) src(%arg12 : memref<80x128xf32, #tpu.memory_space<vmem>>) dst(%dma_wait3A_249 : memref<10000x128xf32, #tpu.memory_space<vmem_shared>>)
      %add3A_250 = arith.constant 3 : i32
      %add3A_251 = arith.addi %mul3A_150, %add3A_250 : i32
      %add3A_252 = arith.constant 4 : i32
      %add3A_253 = arith.addi %add3A_251, %add3A_252 : i32
      %lt3A_254 = arith.constant 125 : i32
      %lt3A_255 = arith.cmpi slt, %add3A_253, %lt3A_254 : i32
      %convert_element_type3A_256 = arith.extui %lt3A_255 : i1 to i32
      %cond3A_257 = arith.constant 0 : i32
      %cond3A_258 = arith.cmpi ne, %convert_element_type3A_256, %cond3A_257 : i32
      scf.if %cond3A_258 {
        %add3A_295 = arith.constant 3 : i32
        %add3A_296 = arith.addi %mul3A_150, %add3A_295 : i32
        %add3A_297 = arith.constant 4 : i32
        %add3A_298 = arith.addi %add3A_296, %add3A_297 : i32
        %add3A_299 = arith.addi %mul3A_2, %add3A_298 : i32
        %dma_start3A_300 = arith.constant 0 : i32
        %dma_start3A_301 = arith.constant 0 : i32
        %dma_start3A_302 = tpu.memref_slice %arg3[%add3A_299, %dma_start3A_300, %dma_start3A_301] : memref<4000x2x80xi32, #tpu.memory_space<hbm>> -> memref<1x2x80xi32, #tpu.memory_space<hbm>>
        %dma_start3A_303 = tpu.memref_squeeze %dma_start3A_302 : memref<1x2x80xi32, #tpu.memory_space<hbm>> -> memref<2x80xi32, #tpu.memory_space<hbm>>
        %dma_start3A_304 = arith.constant 0 : i32
        %dma_start3A_305 = arith.constant 0 : i32
        %dma_start3A_306 = tpu.memref_slice %arg3[%add3A_299, %dma_start3A_304, %dma_start3A_305] : memref<4000x2x80xi32, #tpu.memory_space<hbm>> -> memref<1x2x80xi32, #tpu.memory_space<hbm>>
        %dma_start3A_307 = tpu.memref_squeeze %dma_start3A_306 : memref<1x2x80xi32, #tpu.memory_space<hbm>> -> memref<2x80xi32, #tpu.memory_space<hbm>>
        tpu.enqueue_dma source(%dma_start3A_307 : memref<2x80xi32, #tpu.memory_space<hbm>>) target(%arg8 : memref<2x80xi32, #tpu.memory_space<vmem>>) target_semaphore(%arg17 : memref<!tpu.dma_semaphore, #tpu.memory_space<semaphore_mem>>)
      } else {
      }
      %add3A_259 = arith.constant 0 : i32
      %add3A_260 = arith.addi %mul3A_150, %add3A_259 : i32
      %add3A_261 = arith.constant 4 : i32
      %add3A_262 = arith.addi %add3A_260, %add3A_261 : i32
      %lt3A_263 = arith.constant 125 : i32
      %lt3A_264 = arith.cmpi slt, %add3A_262, %lt3A_263 : i32
      %convert_element_type3A_265 = arith.extui %lt3A_264 : i1 to i32
      %cond3A_266 = arith.constant 0 : i32
      %cond3A_267 = arith.cmpi ne, %convert_element_type3A_265, %cond3A_266 : i32
      scf.if %cond3A_267 {
        %dma_wait3A_295 = arith.constant 0 : i32
        %dma_wait3A_296 = arith.constant 0 : i32
        %dma_wait3A_297 = arith.constant 0 : i32
        %dma_wait3A_298 = tpu.memref_slice %arg3[%dma_wait3A_295, %dma_wait3A_296, %dma_wait3A_297] : memref<4000x2x80xi32, #tpu.memory_space<hbm>> -> memref<1x2x80xi32, #tpu.memory_space<hbm>>
        %dma_wait3A_299 = tpu.memref_squeeze %dma_wait3A_298 : memref<1x2x80xi32, #tpu.memory_space<hbm>> -> memref<2x80xi32, #tpu.memory_space<hbm>>
        %dma_wait3A_300 = arith.constant 0 : i32
        %dma_wait3A_301 = arith.constant 0 : i32
        %dma_wait3A_302 = tpu.memref_slice %arg3[%dma_wait3A_295, %dma_wait3A_300, %dma_wait3A_301] : memref<4000x2x80xi32, #tpu.memory_space<hbm>> -> memref<1x2x80xi32, #tpu.memory_space<hbm>>
        %dma_wait3A_303 = tpu.memref_squeeze %dma_wait3A_302 : memref<1x2x80xi32, #tpu.memory_space<hbm>> -> memref<2x80xi32, #tpu.memory_space<hbm>>
        tpu.wait_dma2 semaphore(%arg14 : memref<!tpu.dma_semaphore, #tpu.memory_space<semaphore_mem>>) src(%dma_wait3A_303 : memref<2x80xi32, #tpu.memory_space<hbm>>) dst(%arg5 : memref<2x80xi32, #tpu.memory_space<vmem>>)
        %dma_start3A_304 = arith.constant 0 : i32
        %dma_start3A_305 = tpu.memref_slice %arg5[%scan3A_122, %dma_start3A_304] : memref<2x80xi32, #tpu.memory_space<vmem>> -> memref<1x80xi32, #tpu.memory_space<vmem>>
        %dma_start3A_306 = tpu.memref_squeeze %dma_start3A_305 : memref<1x80xi32, #tpu.memory_space<vmem>> -> memref<80xi32, #tpu.memory_space<vmem>>
        %dma_start3A_307 = arith.constant 0 : i32
        %dma_start3A_308 = arith.constant 0 : i32
        %dma_start3A_309 = tpu.memref_slice %arg2[%dma_start3A_307, %dma_start3A_308] : memref<10000x128xf32, #tpu.memory_space<hbm>> -> memref<10000x128xf32, #tpu.memory_space<hbm>>
        tpu.enqueue_indirect_dma source(%dma_start3A_309 : memref<10000x128xf32, #tpu.memory_space<hbm>>) target(%arg9 : memref<80x128xf32, #tpu.memory_space<vmem>>) offsets(%dma_start3A_306 : memref<80xi32, #tpu.memory_space<vmem>>) semaphore(%arg18 : memref<!tpu.dma_semaphore, #tpu.memory_space<semaphore_mem>>)
      } else {
      }
      %add3A_268 = arith.constant 1 : i32
      %add3A_269 = arith.addi %mul3A_150, %add3A_268 : i32
      %add3A_270 = arith.constant 4 : i32
      %add3A_271 = arith.addi %add3A_269, %add3A_270 : i32
      %lt3A_272 = arith.constant 125 : i32
      %lt3A_273 = arith.cmpi slt, %add3A_271, %lt3A_272 : i32
      %convert_element_type3A_274 = arith.extui %lt3A_273 : i1 to i32
      %cond3A_275 = arith.constant 0 : i32
      %cond3A_276 = arith.cmpi ne, %convert_element_type3A_274, %cond3A_275 : i32
      scf.if %cond3A_276 {
        %dma_wait3A_295 = arith.constant 0 : i32
        %dma_wait3A_296 = arith.constant 0 : i32
        %dma_wait3A_297 = arith.constant 0 : i32
        %dma_wait3A_298 = tpu.memref_slice %arg3[%dma_wait3A_295, %dma_wait3A_296, %dma_wait3A_297] : memref<4000x2x80xi32, #tpu.memory_space<hbm>> -> memref<1x2x80xi32, #tpu.memory_space<hbm>>
        %dma_wait3A_299 = tpu.memref_squeeze %dma_wait3A_298 : memref<1x2x80xi32, #tpu.memory_space<hbm>> -> memref<2x80xi32, #tpu.memory_space<hbm>>
        %dma_wait3A_300 = arith.constant 0 : i32
        %dma_wait3A_301 = arith.constant 0 : i32
        %dma_wait3A_302 = tpu.memref_slice %arg3[%dma_wait3A_295, %dma_wait3A_300, %dma_wait3A_301] : memref<4000x2x80xi32, #tpu.memory_space<hbm>> -> memref<1x2x80xi32, #tpu.memory_space<hbm>>
        %dma_wait3A_303 = tpu.memref_squeeze %dma_wait3A_302 : memref<1x2x80xi32, #tpu.memory_space<hbm>> -> memref<2x80xi32, #tpu.memory_space<hbm>>
        tpu.wait_dma2 semaphore(%arg15 : memref<!tpu.dma_semaphore, #tpu.memory_space<semaphore_mem>>) src(%dma_wait3A_303 : memref<2x80xi32, #tpu.memory_space<hbm>>) dst(%arg6 : memref<2x80xi32, #tpu.memory_space<vmem>>)
        %dma_start3A_304 = arith.constant 0 : i32
        %dma_start3A_305 = tpu.memref_slice %arg6[%scan3A_123, %dma_start3A_304] : memref<2x80xi32, #tpu.memory_space<vmem>> -> memref<1x80xi32, #tpu.memory_space<vmem>>
        %dma_start3A_306 = tpu.memref_squeeze %dma_start3A_305 : memref<1x80xi32, #tpu.memory_space<vmem>> -> memref<80xi32, #tpu.memory_space<vmem>>
        %dma_start3A_307 = arith.constant 0 : i32
        %dma_start3A_308 = arith.constant 0 : i32
        %dma_start3A_309 = tpu.memref_slice %arg2[%dma_start3A_307, %dma_start3A_308] : memref<10000x128xf32, #tpu.memory_space<hbm>> -> memref<10000x128xf32, #tpu.memory_space<hbm>>
        tpu.enqueue_indirect_dma source(%dma_start3A_309 : memref<10000x128xf32, #tpu.memory_space<hbm>>) target(%arg10 : memref<80x128xf32, #tpu.memory_space<vmem>>) offsets(%dma_start3A_306 : memref<80xi32, #tpu.memory_space<vmem>>) semaphore(%arg19 : memref<!tpu.dma_semaphore, #tpu.memory_space<semaphore_mem>>)
      } else {
      }
      %add3A_277 = arith.constant 2 : i32
      %add3A_278 = arith.addi %mul3A_150, %add3A_277 : i32
      %add3A_279 = arith.constant 4 : i32
      %add3A_280 = arith.addi %add3A_278, %add3A_279 : i32
      %lt3A_281 = arith.constant 125 : i32
      %lt3A_282 = arith.cmpi slt, %add3A_280, %lt3A_281 : i32
      %convert_element_type3A_283 = arith.extui %lt3A_282 : i1 to i32
      %cond3A_284 = arith.constant 0 : i32
      %cond3A_285 = arith.cmpi ne, %convert_element_type3A_283, %cond3A_284 : i32
      scf.if %cond3A_285 {
        %dma_wait3A_295 = arith.constant 0 : i32
        %dma_wait3A_296 = arith.constant 0 : i32
        %dma_wait3A_297 = arith.constant 0 : i32
        %dma_wait3A_298 = tpu.memref_slice %arg3[%dma_wait3A_295, %dma_wait3A_296, %dma_wait3A_297] : memref<4000x2x80xi32, #tpu.memory_space<hbm>> -> memref<1x2x80xi32, #tpu.memory_space<hbm>>
        %dma_wait3A_299 = tpu.memref_squeeze %dma_wait3A_298 : memref<1x2x80xi32, #tpu.memory_space<hbm>> -> memref<2x80xi32, #tpu.memory_space<hbm>>
        %dma_wait3A_300 = arith.constant 0 : i32
        %dma_wait3A_301 = arith.constant 0 : i32
        %dma_wait3A_302 = tpu.memref_slice %arg3[%dma_wait3A_295, %dma_wait3A_300, %dma_wait3A_301] : memref<4000x2x80xi32, #tpu.memory_space<hbm>> -> memref<1x2x80xi32, #tpu.memory_space<hbm>>
        %dma_wait3A_303 = tpu.memref_squeeze %dma_wait3A_302 : memref<1x2x80xi32, #tpu.memory_space<hbm>> -> memref<2x80xi32, #tpu.memory_space<hbm>>
        tpu.wait_dma2 semaphore(%arg16 : memref<!tpu.dma_semaphore, #tpu.memory_space<semaphore_mem>>) src(%dma_wait3A_303 : memref<2x80xi32, #tpu.memory_space<hbm>>) dst(%arg7 : memref<2x80xi32, #tpu.memory_space<vmem>>)
        %dma_start3A_304 = arith.constant 0 : i32
        %dma_start3A_305 = tpu.memref_slice %arg7[%scan3A_124, %dma_start3A_304] : memref<2x80xi32, #tpu.memory_space<vmem>> -> memref<1x80xi32, #tpu.memory_space<vmem>>
        %dma_start3A_306 = tpu.memref_squeeze %dma_start3A_305 : memref<1x80xi32, #tpu.memory_space<vmem>> -> memref<80xi32, #tpu.memory_space<vmem>>
        %dma_start3A_307 = arith.constant 0 : i32
        %dma_start3A_308 = arith.constant 0 : i32
        %dma_start3A_309 = tpu.memref_slice %arg2[%dma_start3A_307, %dma_start3A_308] : memref<10000x128xf32, #tpu.memory_space<hbm>> -> memref<10000x128xf32, #tpu.memory_space<hbm>>
        tpu.enqueue_indirect_dma source(%dma_start3A_309 : memref<10000x128xf32, #tpu.memory_space<hbm>>) target(%arg11 : memref<80x128xf32, #tpu.memory_space<vmem>>) offsets(%dma_start3A_306 : memref<80xi32, #tpu.memory_space<vmem>>) semaphore(%arg20 : memref<!tpu.dma_semaphore, #tpu.memory_space<semaphore_mem>>)
      } else {
      }
      %add3A_286 = arith.constant 3 : i32
      %add3A_287 = arith.addi %mul3A_150, %add3A_286 : i32
      %add3A_288 = arith.constant 4 : i32
      %add3A_289 = arith.addi %add3A_287, %add3A_288 : i32
      %lt3A_290 = arith.constant 125 : i32
      %lt3A_291 = arith.cmpi slt, %add3A_289, %lt3A_290 : i32
      %convert_element_type3A_292 = arith.extui %lt3A_291 : i1 to i32
      %cond3A_293 = arith.constant 0 : i32
      %cond3A_294 = arith.cmpi ne, %convert_element_type3A_292, %cond3A_293 : i32
      scf.if %cond3A_294 {
        %dma_wait3A_295 = arith.constant 0 : i32
        %dma_wait3A_296 = arith.constant 0 : i32
        %dma_wait3A_297 = arith.constant 0 : i32
        %dma_wait3A_298 = tpu.memref_slice %arg3[%dma_wait3A_295, %dma_wait3A_296, %dma_wait3A_297] : memref<4000x2x80xi32, #tpu.memory_space<hbm>> -> memref<1x2x80xi32, #tpu.memory_space<hbm>>
        %dma_wait3A_299 = tpu.memref_squeeze %dma_wait3A_298 : memref<1x2x80xi32, #tpu.memory_space<hbm>> -> memref<2x80xi32, #tpu.memory_space<hbm>>
        %dma_wait3A_300 = arith.constant 0 : i32
        %dma_wait3A_301 = arith.constant 0 : i32
        %dma_wait3A_302 = tpu.memref_slice %arg3[%dma_wait3A_295, %dma_wait3A_300, %dma_wait3A_301] : memref<4000x2x80xi32, #tpu.memory_space<hbm>> -> memref<1x2x80xi32, #tpu.memory_space<hbm>>
        %dma_wait3A_303 = tpu.memref_squeeze %dma_wait3A_302 : memref<1x2x80xi32, #tpu.memory_space<hbm>> -> memref<2x80xi32, #tpu.memory_space<hbm>>
        tpu.wait_dma2 semaphore(%arg17 : memref<!tpu.dma_semaphore, #tpu.memory_space<semaphore_mem>>) src(%dma_wait3A_303 : memref<2x80xi32, #tpu.memory_space<hbm>>) dst(%arg8 : memref<2x80xi32, #tpu.memory_space<vmem>>)
        %dma_start3A_304 = arith.constant 0 : i32
        %dma_start3A_305 = tpu.memref_slice %arg8[%scan3A_125, %dma_start3A_304] : memref<2x80xi32, #tpu.memory_space<vmem>> -> memref<1x80xi32, #tpu.memory_space<vmem>>
        %dma_start3A_306 = tpu.memref_squeeze %dma_start3A_305 : memref<1x80xi32, #tpu.memory_space<vmem>> -> memref<80xi32, #tpu.memory_space<vmem>>
        %dma_start3A_307 = arith.constant 0 : i32
        %dma_start3A_308 = arith.constant 0 : i32
        %dma_start3A_309 = tpu.memref_slice %arg2[%dma_start3A_307, %dma_start3A_308] : memref<10000x128xf32, #tpu.memory_space<hbm>> -> memref<10000x128xf32, #tpu.memory_space<hbm>>
        tpu.enqueue_indirect_dma source(%dma_start3A_309 : memref<10000x128xf32, #tpu.memory_space<hbm>>) target(%arg12 : memref<80x128xf32, #tpu.memory_space<vmem>>) offsets(%dma_start3A_306 : memref<80xi32, #tpu.memory_space<vmem>>) semaphore(%arg21 : memref<!tpu.dma_semaphore, #tpu.memory_space<semaphore_mem>>)
      } else {
      }
    }
    %scan3A_130 = arith.constant 31 : i32
    %dma_wait3A_131 = arith.constant 0 : i32
    %dma_wait3A_132 = arith.constant 0 : i32
    %dma_wait3A_133 = tpu.memref_slice %arg2[%dma_wait3A_131, %dma_wait3A_132] : memref<10000x128xf32, #tpu.memory_space<hbm>> -> memref<80x128xf32, #tpu.memory_space<hbm>>
    %dma_wait3A_134 = arith.constant 0 : i32
    %dma_wait3A_135 = arith.constant 0 : i32
    %dma_wait3A_136 = tpu.memref_slice %arg2[%dma_wait3A_134, %dma_wait3A_135] : memref<10000x128xf32, #tpu.memory_space<hbm>> -> memref<80x128xf32, #tpu.memory_space<hbm>>
    tpu.wait_dma2 semaphore(%arg18 : memref<!tpu.dma_semaphore, #tpu.memory_space<semaphore_mem>>) src(%dma_wait3A_136 : memref<80x128xf32, #tpu.memory_space<hbm>>) dst(%arg9 : memref<80x128xf32, #tpu.memory_space<vmem>>)
    %run_scoped3A = arith.constant 1 : i32
    "tpu.region"() ({
      %run_scoped3A_148 = tpu.sem_alloc : memref<!tpu.dma_semaphore, #tpu.memory_space<semaphore_mem>>
      %dma_start3A_149 = arith.constant 0 : i32
      %dma_start3A_150 = tpu.memref_slice %arg5[%run_scoped3A, %dma_start3A_149] : memref<2x80xi32, #tpu.memory_space<vmem>> -> memref<1x80xi32, #tpu.memory_space<vmem>>
      %dma_start3A_151 = tpu.memref_squeeze %dma_start3A_150 : memref<1x80xi32, #tpu.memory_space<vmem>> -> memref<80xi32, #tpu.memory_space<vmem>>
      %dma_start3A_152 = arith.constant 0 : i32
      %dma_start3A_153 = arith.constant 0 : i32
      %dma_start3A_154 = tpu.memref_slice %arg13[%dma_start3A_152, %dma_start3A_153] : memref<10000x128xf32, #tpu.memory_space<vmem_shared>> -> memref<10000x128xf32, #tpu.memory_space<vmem_shared>>
      tpu.enqueue_indirect_dma source(%arg9 : memref<80x128xf32, #tpu.memory_space<vmem>>) target(%dma_start3A_154 : memref<10000x128xf32, #tpu.memory_space<vmem_shared>>) offsets(%dma_start3A_151 : memref<80xi32, #tpu.memory_space<vmem>>) semaphore(%run_scoped3A_148 : memref<!tpu.dma_semaphore, #tpu.memory_space<semaphore_mem>>) {add = true}
      %dma_wait3A_155 = arith.constant 0 : i32
      %dma_wait3A_156 = tpu.memref_slice %arg5[%run_scoped3A, %dma_wait3A_155] : memref<2x80xi32, #tpu.memory_space<vmem>> -> memref<1x80xi32, #tpu.memory_space<vmem>>
      %dma_wait3A_157 = tpu.memref_squeeze %dma_wait3A_156 : memref<1x80xi32, #tpu.memory_space<vmem>> -> memref<80xi32, #tpu.memory_space<vmem>>
      %dma_wait3A_158 = arith.constant 0 : i32
      %dma_wait3A_159 = arith.constant 0 : i32
      %dma_wait3A_160 = tpu.memref_slice %arg13[%dma_wait3A_158, %dma_wait3A_159] : memref<10000x128xf32, #tpu.memory_space<vmem_shared>> -> memref<10000x128xf32, #tpu.memory_space<vmem_shared>>
      tpu.wait_indirect_dma semaphore(%run_scoped3A_148 : memref<!tpu.dma_semaphore, #tpu.memory_space<semaphore_mem>>) src(%arg9 : memref<80x128xf32, #tpu.memory_space<vmem>>) dst(%dma_wait3A_160 : memref<10000x128xf32, #tpu.memory_space<vmem_shared>>)
      tpu.yield
    }) : () -> ()
    %barrier3A_137 = arith.constant 0 : index
    tpu.barrier barrier_id(%barrier3A_137)
    %lt3A_138 = arith.constant 15 : i32
    %lt3A_139 = arith.cmpi slt, %arg1, %lt3A_138 : i32
    %convert_element_type3A_140 = arith.extui %lt3A_139 : i1 to i32
    %cond3A_141 = arith.constant 0 : i32
    %cond3A_142 = arith.cmpi ne, %convert_element_type3A_140, %cond3A_141 : i32
    scf.if %cond3A_142 {
      %mul3A_148 = arith.constant 624 : i32
      %mul3A_149 = arith.muli %arg1, %mul3A_148 : i32
      %mul3A_150 = arith.constant 624 : i32
      %mul3A_151 = arith.muli %arg1, %mul3A_150 : i32
      "tpu.region"() ({
        %run_scoped3A_152 = tpu.sem_alloc : memref<!tpu.dma_semaphore, #tpu.memory_space<semaphore_mem>>
        %dma_start3A_153 = arith.constant 0 : i32
        %dma_start3A_154 = tpu.memref_slice %arg4[%arg0, %mul3A_151, %dma_start3A_153] : memref<2x10000x128xf32, #tpu.memory_space<hbm>> -> memref<1x624x128xf32, #tpu.memory_space<hbm>>
        %dma_start3A_155 = tpu.memref_squeeze %dma_start3A_154 : memref<1x624x128xf32, #tpu.memory_space<hbm>> -> memref<624x128xf32, #tpu.memory_space<hbm>>
        %dma_start3A_156 = arith.constant 0 : i32
        %dma_start3A_157 = tpu.memref_slice %arg13[%mul3A_149, %dma_start3A_156] : memref<10000x128xf32, #tpu.memory_space<vmem_shared>> -> memref<624x128xf32, #tpu.memory_space<vmem_shared>>
        tpu.enqueue_dma source(%dma_start3A_157 : memref<624x128xf32, #tpu.memory_space<vmem_shared>>) target(%dma_start3A_155 : memref<624x128xf32, #tpu.memory_space<hbm>>) target_semaphore(%run_scoped3A_152 : memref<!tpu.dma_semaphore, #tpu.memory_space<semaphore_mem>>)
        %dma_wait3A_158 = arith.constant 0 : i32
        %dma_wait3A_159 = tpu.memref_slice %arg4[%arg0, %mul3A_151, %dma_wait3A_158] : memref<2x10000x128xf32, #tpu.memory_space<hbm>> -> memref<1x624x128xf32, #tpu.memory_space<hbm>>
        %dma_wait3A_160 = tpu.memref_squeeze %dma_wait3A_159 : memref<1x624x128xf32, #tpu.memory_space<hbm>> -> memref<624x128xf32, #tpu.memory_space<hbm>>
        %dma_wait3A_161 = arith.constant 0 : i32
        %dma_wait3A_162 = tpu.memref_slice %arg13[%mul3A_149, %dma_wait3A_161] : memref<10000x128xf32, #tpu.memory_space<vmem_shared>> -> memref<624x128xf32, #tpu.memory_space<vmem_shared>>
        tpu.wait_dma2 semaphore(%run_scoped3A_152 : memref<!tpu.dma_semaphore, #tpu.memory_space<semaphore_mem>>) src(%dma_wait3A_162 : memref<624x128xf32, #tpu.memory_space<vmem_shared>>) dst(%dma_wait3A_160 : memref<624x128xf32, #tpu.memory_space<hbm>>)
        tpu.yield
      }) : () -> ()
    } else {
    }
    %eq3A_143 = arith.constant 15 : i32
    %eq3A_144 = arith.cmpi eq, %arg1, %eq3A_143 : i32
    %convert_element_type3A_145 = arith.extui %eq3A_144 : i1 to i32
    %cond3A_146 = arith.constant 0 : i32
    %cond3A_147 = arith.cmpi ne, %convert_element_type3A_145, %cond3A_146 : i32
    scf.if %cond3A_147 {
      "tpu.region"() ({
        %run_scoped3A_148 = tpu.sem_alloc : memref<!tpu.dma_semaphore, #tpu.memory_space<semaphore_mem>>
        %dma_start3A_149 = arith.constant 9360 : i32
        %dma_start3A_150 = arith.constant 0 : i32
        %dma_start3A_151 = tpu.memref_slice %arg4[%arg0, %dma_start3A_149, %dma_start3A_150] : memref<2x10000x128xf32, #tpu.memory_space<hbm>> -> memref<1x640x128xf32, #tpu.memory_space<hbm>>
        %dma_start3A_152 = tpu.memref_squeeze %dma_start3A_151 : memref<1x640x128xf32, #tpu.memory_space<hbm>> -> memref<640x128xf32, #tpu.memory_space<hbm>>
        %dma_start3A_153 = arith.constant 9360 : i32
        %dma_start3A_154 = arith.constant 0 : i32
        %dma_start3A_155 = tpu.memref_slice %arg13[%dma_start3A_153, %dma_start3A_154] : memref<10000x128xf32, #tpu.memory_space<vmem_shared>> -> memref<640x128xf32, #tpu.memory_space<vmem_shared>>
        tpu.enqueue_dma source(%dma_start3A_155 : memref<640x128xf32, #tpu.memory_space<vmem_shared>>) target(%dma_start3A_152 : memref<640x128xf32, #tpu.memory_space<hbm>>) target_semaphore(%run_scoped3A_148 : memref<!tpu.dma_semaphore, #tpu.memory_space<semaphore_mem>>)
        %dma_wait3A_156 = arith.constant 9360 : i32
        %dma_wait3A_157 = arith.constant 0 : i32
        %dma_wait3A_158 = tpu.memref_slice %arg4[%arg0, %dma_wait3A_156, %dma_wait3A_157] : memref<2x10000x128xf32, #tpu.memory_space<hbm>> -> memref<1x640x128xf32, #tpu.memory_space<hbm>>
        %dma_wait3A_159 = tpu.memref_squeeze %dma_wait3A_158 : memref<1x640x128xf32, #tpu.memory_space<hbm>> -> memref<640x128xf32, #tpu.memory_space<hbm>>
        %dma_wait3A_160 = arith.constant 9360 : i32
        %dma_wait3A_161 = arith.constant 0 : i32
        %dma_wait3A_162 = tpu.memref_slice %arg13[%dma_wait3A_160, %dma_wait3A_161] : memref<10000x128xf32, #tpu.memory_space<vmem_shared>> -> memref<640x128xf32, #tpu.memory_space<vmem_shared>>
        tpu.wait_dma2 semaphore(%run_scoped3A_148 : memref<!tpu.dma_semaphore, #tpu.memory_space<semaphore_mem>>) src(%dma_wait3A_162 : memref<640x128xf32, #tpu.memory_space<vmem_shared>>) dst(%dma_wait3A_159 : memref<640x128xf32, #tpu.memory_space<hbm>>)
        tpu.yield
      }) : () -> ()
    } else {
    }
    return
  }
}

#map = affine_map<(d0, d1) -> (0, 0)>
#map1 = affine_map<(d0, d1) -> (0, 0, 0)>
module attributes {stable_mosaic.version = 14 : i64} {
  func.func @agg_kernel(%arg0: i32, %arg1: i32, %arg2: memref<10000x128xf32, #tpu.memory_space<hbm>>, %arg3: memref<4000x2x80xi32, #tpu.memory_space<hbm>>, %arg4: memref<2x10000x128xf32, #tpu.memory_space<hbm>>, %arg5: memref<2x80xi32, #tpu.memory_space<vmem>>, %arg6: memref<2x80xi32, #tpu.memory_space<vmem>>, %arg7: memref<2x80xi32, #tpu.memory_space<vmem>>, %arg8: memref<2x80xi32, #tpu.memory_space<vmem>>, %arg9: memref<80x128xf32, #tpu.memory_space<vmem>>, %arg10: memref<80x128xf32, #tpu.memory_space<vmem>>, %arg11: memref<80x128xf32, #tpu.memory_space<vmem>>, %arg12: memref<80x128xf32, #tpu.memory_space<vmem>>, %arg13: memref<10000x128xf32, #tpu.memory_space<vmem_shared>>, %arg14: memref<!tpu.dma_semaphore, #tpu.memory_space<semaphore_mem>>, %arg15: memref<!tpu.dma_semaphore, #tpu.memory_space<semaphore_mem>>, %arg16: memref<!tpu.dma_semaphore, #tpu.memory_space<semaphore_mem>>, %arg17: memref<!tpu.dma_semaphore, #tpu.memory_space<semaphore_mem>>, %arg18: memref<!tpu.dma_semaphore, #tpu.memory_space<semaphore_mem>>, %arg19: memref<!tpu.dma_semaphore, #tpu.memory_space<semaphore_mem>>, %arg20: memref<!tpu.dma_semaphore, #tpu.memory_space<semaphore_mem>>, %arg21: memref<!tpu.dma_semaphore, #tpu.memory_space<semaphore_mem>>, %arg22: memref<!tpu.dma_semaphore, #tpu.memory_space<semaphore_mem>>, %arg23: memref<!tpu.dma_semaphore, #tpu.memory_space<semaphore_mem>>, %arg24: memref<!tpu.dma_semaphore, #tpu.memory_space<semaphore_mem>>, %arg25: memref<!tpu.dma_semaphore, #tpu.memory_space<semaphore_mem>>) attributes {dimension_semantics = [#tpu.dimension_semantics<core_parallel>, #tpu.dimension_semantics<subcore_parallel>], iteration_bounds = array<i64: 2, 16>, scalar_prefetch = 0 : i64, scratch_operands = 21 : i64, tpu.core_type = #tpu.core_type<sc_vector_subcore>, window_params = [{transform_indices = #map}, {transform_indices = #map1}, {transform_indices = #map1}]} {
    %mul3A = arith.constant 16 : i32
    %mul3A_0 = arith.muli %arg0, %mul3A : i32
    %add3A = arith.addi %mul3A_0, %arg1 : i32
    %mul3A_1 = arith.constant 125 : i32
    %mul3A_2 = arith.muli %add3A, %mul3A_1 : i32
    %add3A_3 = arith.constant 0 : i32
    %add3A_4 = arith.addi %mul3A_2, %add3A_3 : i32
    %dma_start3A = arith.constant 0 : i32
    %dma_start3A_5 = arith.constant 0 : i32
    %dma_start3A_6 = tpu.memref_slice %arg3[%add3A_4, %dma_start3A, %dma_start3A_5] : memref<4000x2x80xi32, #tpu.memory_space<hbm>> -> memref<1x2x80xi32, #tpu.memory_space<hbm>>
    %dma_start3A_7 = tpu.memref_squeeze %dma_start3A_6 : memref<1x2x80xi32, #tpu.memory_space<hbm>> -> memref<2x80xi32, #tpu.memory_space<hbm>>
    %dma_start3A_8 = arith.constant 0 : i32
    %dma_start3A_9 = arith.constant 0 : i32
    %dma_start3A_10 = tpu.memref_slice %arg3[%add3A_4, %dma_start3A_8, %dma_start3A_9] : memref<4000x2x80xi32, #tpu.memory_space<hbm>> -> memref<1x2x80xi32, #tpu.memory_space<hbm>>
    %dma_start3A_11 = tpu.memref_squeeze %dma_start3A_10 : memref<1x2x80xi32, #tpu.memory_space<hbm>> -> memref<2x80xi32, #tpu.memory_space<hbm>>
    tpu.enqueue_dma source(%dma_start3A_11 : memref<2x80xi32, #tpu.memory_space<hbm>>) target(%arg5 : memref<2x80xi32, #tpu.memory_space<vmem>>) target_semaphore(%arg14 : memref<!tpu.dma_semaphore, #tpu.memory_space<semaphore_mem>>)
    %add3A_12 = arith.constant 1 : i32
    %add3A_13 = arith.addi %mul3A_2, %add3A_12 : i32
    %dma_start3A_14 = arith.constant 0 : i32
    %dma_start3A_15 = arith.constant 0 : i32
    %dma_start3A_16 = tpu.memref_slice %arg3[%add3A_13, %dma_start3A_14, %dma_start3A_15] : memref<4000x2x80xi32, #tpu.memory_space<hbm>> -> memref<1x2x80xi32, #tpu.memory_space<hbm>>
    %dma_start3A_17 = tpu.memref_squeeze %dma_start3A_16 : memref<1x2x80xi32, #tpu.memory_space<hbm>> -> memref<2x80xi32, #tpu.memory_space<hbm>>
    %dma_start3A_18 = arith.constant 0 : i32
    %dma_start3A_19 = arith.constant 0 : i32
    %dma_start3A_20 = tpu.memref_slice %arg3[%add3A_13, %dma_start3A_18, %dma_start3A_19] : memref<4000x2x80xi32, #tpu.memory_space<hbm>> -> memref<1x2x80xi32, #tpu.memory_space<hbm>>
    %dma_start3A_21 = tpu.memref_squeeze %dma_start3A_20 : memref<1x2x80xi32, #tpu.memory_space<hbm>> -> memref<2x80xi32, #tpu.memory_space<hbm>>
    tpu.enqueue_dma source(%dma_start3A_21 : memref<2x80xi32, #tpu.memory_space<hbm>>) target(%arg6 : memref<2x80xi32, #tpu.memory_space<vmem>>) target_semaphore(%arg15 : memref<!tpu.dma_semaphore, #tpu.memory_space<semaphore_mem>>)
    %add3A_22 = arith.constant 2 : i32
    %add3A_23 = arith.addi %mul3A_2, %add3A_22 : i32
    %dma_start3A_24 = arith.constant 0 : i32
    %dma_start3A_25 = arith.constant 0 : i32
    %dma_start3A_26 = tpu.memref_slice %arg3[%add3A_23, %dma_start3A_24, %dma_start3A_25] : memref<4000x2x80xi32, #tpu.memory_space<hbm>> -> memref<1x2x80xi32, #tpu.memory_space<hbm>>
    %dma_start3A_27 = tpu.memref_squeeze %dma_start3A_26 : memref<1x2x80xi32, #tpu.memory_space<hbm>> -> memref<2x80xi32, #tpu.memory_space<hbm>>
    %dma_start3A_28 = arith.constant 0 : i32
    %dma_start3A_29 = arith.constant 0 : i32
    %dma_start3A_30 = tpu.memref_slice %arg3[%add3A_23, %dma_start3A_28, %dma_start3A_29] : memref<4000x2x80xi32, #tpu.memory_space<hbm>> -> memref<1x2x80xi32, #tpu.memory_space<hbm>>
    %dma_start3A_31 = tpu.memref_squeeze %dma_start3A_30 : memref<1x2x80xi32, #tpu.memory_space<hbm>> -> memref<2x80xi32, #tpu.memory_space<hbm>>
    tpu.enqueue_dma source(%dma_start3A_31 : memref<2x80xi32, #tpu.memory_space<hbm>>) target(%arg7 : memref<2x80xi32, #tpu.memory_space<vmem>>) target_semaphore(%arg16 : memref<!tpu.dma_semaphore, #tpu.memory_space<semaphore_mem>>)
    %add3A_32 = arith.constant 3 : i32
    %add3A_33 = arith.addi %mul3A_2, %add3A_32 : i32
    %dma_start3A_34 = arith.constant 0 : i32
    %dma_start3A_35 = arith.constant 0 : i32
    %dma_start3A_36 = tpu.memref_slice %arg3[%add3A_33, %dma_start3A_34, %dma_start3A_35] : memref<4000x2x80xi32, #tpu.memory_space<hbm>> -> memref<1x2x80xi32, #tpu.memory_space<hbm>>
    %dma_start3A_37 = tpu.memref_squeeze %dma_start3A_36 : memref<1x2x80xi32, #tpu.memory_space<hbm>> -> memref<2x80xi32, #tpu.memory_space<hbm>>
    %dma_start3A_38 = arith.constant 0 : i32
    %dma_start3A_39 = arith.constant 0 : i32
    %dma_start3A_40 = tpu.memref_slice %arg3[%add3A_33, %dma_start3A_38, %dma_start3A_39] : memref<4000x2x80xi32, #tpu.memory_space<hbm>> -> memref<1x2x80xi32, #tpu.memory_space<hbm>>
    %dma_start3A_41 = tpu.memref_squeeze %dma_start3A_40 : memref<1x2x80xi32, #tpu.memory_space<hbm>> -> memref<2x80xi32, #tpu.memory_space<hbm>>
    tpu.enqueue_dma source(%dma_start3A_41 : memref<2x80xi32, #tpu.memory_space<hbm>>) target(%arg8 : memref<2x80xi32, #tpu.memory_space<vmem>>) target_semaphore(%arg17 : memref<!tpu.dma_semaphore, #tpu.memory_space<semaphore_mem>>)
    %broadcast_in_dim3A = arith.constant 0.000000e+00 : f32
    %broadcast_in_dim3A_42 = vector.broadcast %broadcast_in_dim3A : f32 to vector<16xf32>
    %scan3A = arith.constant 0 : i32
    %scan3A_43 = arith.constant 0 : i32
    %scan3A_44 = arith.constant 80 : i32
    %scan3A_45 = arith.addi %scan3A_43, %scan3A_44 : i32
    %scan3A_46 = arith.constant 1 : i32
    scf.for %scan3A_148 = %scan3A_43 to %scan3A_45 step %scan3A_46  : i32 {
      %swap3A = arith.index_cast %scan3A_148 : i32 to index
      %swap3A_149 = arith.constant 0 : index
      %swap3A_150 = tpu.vector_load %arg9[%swap3A, %swap3A_149] {strides = array<i32>} : memref<80x128xf32, #tpu.memory_space<vmem>>, vector<1x16xf32>,
      %swap3A_151 = vector.shape_cast %swap3A_150 : vector<1x16xf32> to vector<16xf32>
      %swap3A_152 = vector.shape_cast %broadcast_in_dim3A_42 : vector<16xf32> to vector<1x16xf32>
      tpu.vector_store %arg9[%swap3A, %swap3A_149], %swap3A_152 {strides = array<i32>} : memref<80x128xf32, #tpu.memory_space<vmem>>, vector<1x16xf32>,
      %swap3A_153 = arith.index_cast %scan3A_148 : i32 to index
      %swap3A_154 = arith.constant 16 : index
      %swap3A_155 = tpu.vector_load %arg9[%swap3A_153, %swap3A_154] {strides = array<i32>} : memref<80x128xf32, #tpu.memory_space<vmem>>, vector<1x16xf32>,
      %swap3A_156 = vector.shape_cast %swap3A_155 : vector<1x16xf32> to vector<16xf32>
      %swap3A_157 = vector.shape_cast %broadcast_in_dim3A_42 : vector<16xf32> to vector<1x16xf32>
      tpu.vector_store %arg9[%swap3A_153, %swap3A_154], %swap3A_157 {strides = array<i32>} : memref<80x128xf32, #tpu.memory_space<vmem>>, vector<1x16xf32>,
      %swap3A_158 = arith.index_cast %scan3A_148 : i32 to index
      %swap3A_159 = arith.constant 32 : index
      %swap3A_160 = tpu.vector_load %arg9[%swap3A_158, %swap3A_159] {strides = array<i32>} : memref<80x128xf32, #tpu.memory_space<vmem>>, vector<1x16xf32>,
      %swap3A_161 = vector.shape_cast %swap3A_160 : vector<1x16xf32> to vector<16xf32>
      %swap3A_162 = vector.shape_cast %broadcast_in_dim3A_42 : vector<16xf32> to vector<1x16xf32>
      tpu.vector_store %arg9[%swap3A_158, %swap3A_159], %swap3A_162 {strides = array<i32>} : memref<80x128xf32, #tpu.memory_space<vmem>>, vector<1x16xf32>,
      %swap3A_163 = arith.index_cast %scan3A_148 : i32 to index
      %swap3A_164 = arith.constant 48 : index
      %swap3A_165 = tpu.vector_load %arg9[%swap3A_163, %swap3A_164] {strides = array<i32>} : memref<80x128xf32, #tpu.memory_space<vmem>>, vector<1x16xf32>,
      %swap3A_166 = vector.shape_cast %swap3A_165 : vector<1x16xf32> to vector<16xf32>
      %swap3A_167 = vector.shape_cast %broadcast_in_dim3A_42 : vector<16xf32> to vector<1x16xf32>
      tpu.vector_store %arg9[%swap3A_163, %swap3A_164], %swap3A_167 {strides = array<i32>} : memref<80x128xf32, #tpu.memory_space<vmem>>, vector<1x16xf32>,
      %swap3A_168 = arith.index_cast %scan3A_148 : i32 to index
      %swap3A_169 = arith.constant 64 : index
      %swap3A_170 = tpu.vector_load %arg9[%swap3A_168, %swap3A_169] {strides = array<i32>} : memref<80x128xf32, #tpu.memory_space<vmem>>, vector<1x16xf32>,
      %swap3A_171 = vector.shape_cast %swap3A_170 : vector<1x16xf32> to vector<16xf32>
      %swap3A_172 = vector.shape_cast %broadcast_in_dim3A_42 : vector<16xf32> to vector<1x16xf32>
      tpu.vector_store %arg9[%swap3A_168, %swap3A_169], %swap3A_172 {strides = array<i32>} : memref<80x128xf32, #tpu.memory_space<vmem>>, vector<1x16xf32>,
      %swap3A_173 = arith.index_cast %scan3A_148 : i32 to index
      %swap3A_174 = arith.constant 80 : index
      %swap3A_175 = tpu.vector_load %arg9[%swap3A_173, %swap3A_174] {strides = array<i32>} : memref<80x128xf32, #tpu.memory_space<vmem>>, vector<1x16xf32>,
      %swap3A_176 = vector.shape_cast %swap3A_175 : vector<1x16xf32> to vector<16xf32>
      %swap3A_177 = vector.shape_cast %broadcast_in_dim3A_42 : vector<16xf32> to vector<1x16xf32>
      tpu.vector_store %arg9[%swap3A_173, %swap3A_174], %swap3A_177 {strides = array<i32>} : memref<80x128xf32, #tpu.memory_space<vmem>>, vector<1x16xf32>,
      %swap3A_178 = arith.index_cast %scan3A_148 : i32 to index
      %swap3A_179 = arith.constant 96 : index
      %swap3A_180 = tpu.vector_load %arg9[%swap3A_178, %swap3A_179] {strides = array<i32>} : memref<80x128xf32, #tpu.memory_space<vmem>>, vector<1x16xf32>,
      %swap3A_181 = vector.shape_cast %swap3A_180 : vector<1x16xf32> to vector<16xf32>
      %swap3A_182 = vector.shape_cast %broadcast_in_dim3A_42 : vector<16xf32> to vector<1x16xf32>
      tpu.vector_store %arg9[%swap3A_178, %swap3A_179], %swap3A_182 {strides = array<i32>} : memref<80x128xf32, #tpu.memory_space<vmem>>, vector<1x16xf32>,
      %swap3A_183 = arith.index_cast %scan3A_148 : i32 to index
      %swap3A_184 = arith.constant 112 : index
      %swap3A_185 = tpu.vector_load %arg9[%swap3A_183, %swap3A_184] {strides = array<i32>} : memref<80x128xf32, #tpu.memory_space<vmem>>, vector<1x16xf32>,
      %swap3A_186 = vector.shape_cast %swap3A_185 : vector<1x16xf32> to vector<16xf32>
      %swap3A_187 = vector.shape_cast %broadcast_in_dim3A_42 : vector<16xf32> to vector<1x16xf32>
      tpu.vector_store %arg9[%swap3A_183, %swap3A_184], %swap3A_187 {strides = array<i32>} : memref<80x128xf32, #tpu.memory_space<vmem>>, vector<1x16xf32>,
    }
    %scan3A_47 = arith.constant 80 : i32
    %lt3A = arith.constant 15 : i32
    %lt3A_48 = arith.cmpi slt, %arg1, %lt3A : i32
    %convert_element_type3A = arith.extui %lt3A_48 : i1 to i32
    %cond3A = arith.constant 0 : i32
    %cond3A_49 = arith.cmpi ne, %convert_element_type3A, %cond3A : i32
    scf.if %cond3A_49 {
      %mul3A_148 = arith.constant 624 : i32
      %mul3A_149 = arith.muli %arg1, %mul3A_148 : i32
      %add3A_150 = arith.constant 0 : i32
      %add3A_151 = arith.addi %mul3A_149, %add3A_150 : i32
      "tpu.region"() ({
        %run_scoped3A_180 = tpu.sem_alloc : memref<!tpu.dma_semaphore, #tpu.memory_space<semaphore_mem>>
        %dma_start3A_181 = arith.constant 0 : i32
        %dma_start3A_182 = tpu.memref_slice %arg13[%add3A_151, %dma_start3A_181] : memref<10000x128xf32, #tpu.memory_space<vmem_shared>> -> memref<80x128xf32, #tpu.memory_space<vmem_shared>>
        %dma_start3A_183 = arith.constant 0 : i32
        %dma_start3A_184 = tpu.memref_slice %arg13[%add3A_151, %dma_start3A_183] : memref<10000x128xf32, #tpu.memory_space<vmem_shared>> -> memref<80x128xf32, #tpu.memory_space<vmem_shared>>
        tpu.enqueue_dma source(%arg9 : memref<80x128xf32, #tpu.memory_space<vmem>>) target(%dma_start3A_184 : memref<80x128xf32, #tpu.memory_space<vmem_shared>>) target_semaphore(%run_scoped3A_180 : memref<!tpu.dma_semaphore, #tpu.memory_space<semaphore_mem>>)
        %dma_wait3A_185 = arith.constant 0 : i32
        %dma_wait3A_186 = tpu.memref_slice %arg13[%add3A_151, %dma_wait3A_185] : memref<10000x128xf32, #tpu.memory_space<vmem_shared>> -> memref<80x128xf32, #tpu.memory_space<vmem_shared>>
        %dma_wait3A_187 = arith.constant 0 : i32
        %dma_wait3A_188 = tpu.memref_slice %arg13[%add3A_151, %dma_wait3A_187] : memref<10000x128xf32, #tpu.memory_space<vmem_shared>> -> memref<80x128xf32, #tpu.memory_space<vmem_shared>>
        tpu.wait_dma2 semaphore(%run_scoped3A_180 : memref<!tpu.dma_semaphore, #tpu.memory_space<semaphore_mem>>) src(%arg9 : memref<80x128xf32, #tpu.memory_space<vmem>>) dst(%dma_wait3A_188 : memref<80x128xf32, #tpu.memory_space<vmem_shared>>)
        tpu.yield
      }) : () -> ()
      %mul3A_152 = arith.constant 624 : i32
      %mul3A_153 = arith.muli %arg1, %mul3A_152 : i32
      %add3A_154 = arith.constant 80 : i32
      %add3A_155 = arith.addi %mul3A_153, %add3A_154 : i32
      "tpu.region"() ({
        %run_scoped3A_180 = tpu.sem_alloc : memref<!tpu.dma_semaphore, #tpu.memory_space<semaphore_mem>>
        %dma_start3A_181 = arith.constant 0 : i32
        %dma_start3A_182 = tpu.memref_slice %arg13[%add3A_155, %dma_start3A_181] : memref<10000x128xf32, #tpu.memory_space<vmem_shared>> -> memref<80x128xf32, #tpu.memory_space<vmem_shared>>
        %dma_start3A_183 = arith.constant 0 : i32
        %dma_start3A_184 = tpu.memref_slice %arg13[%add3A_155, %dma_start3A_183] : memref<10000x128xf32, #tpu.memory_space<vmem_shared>> -> memref<80x128xf32, #tpu.memory_space<vmem_shared>>
        tpu.enqueue_dma source(%arg9 : memref<80x128xf32, #tpu.memory_space<vmem>>) target(%dma_start3A_184 : memref<80x128xf32, #tpu.memory_space<vmem_shared>>) target_semaphore(%run_scoped3A_180 : memref<!tpu.dma_semaphore, #tpu.memory_space<semaphore_mem>>)
        %dma_wait3A_185 = arith.constant 0 : i32
        %dma_wait3A_186 = tpu.memref_slice %arg13[%add3A_155, %dma_wait3A_185] : memref<10000x128xf32, #tpu.memory_space<vmem_shared>> -> memref<80x128xf32, #tpu.memory_space<vmem_shared>>
        %dma_wait3A_187 = arith.constant 0 : i32
        %dma_wait3A_188 = tpu.memref_slice %arg13[%add3A_155, %dma_wait3A_187] : memref<10000x128xf32, #tpu.memory_space<vmem_shared>> -> memref<80x128xf32, #tpu.memory_space<vmem_shared>>
        tpu.wait_dma2 semaphore(%run_scoped3A_180 : memref<!tpu.dma_semaphore, #tpu.memory_space<semaphore_mem>>) src(%arg9 : memref<80x128xf32, #tpu.memory_space<vmem>>) dst(%dma_wait3A_188 : memref<80x128xf32, #tpu.memory_space<vmem_shared>>)
        tpu.yield
      }) : () -> ()
      %mul3A_156 = arith.constant 624 : i32
      %mul3A_157 = arith.muli %arg1, %mul3A_156 : i32
      %add3A_158 = arith.constant 160 : i32
      %add3A_159 = arith.addi %mul3A_157, %add3A_158 : i32
      "tpu.region"() ({
        %run_scoped3A_180 = tpu.sem_alloc : memref<!tpu.dma_semaphore, #tpu.memory_space<semaphore_mem>>
        %dma_start3A_181 = arith.constant 0 : i32
        %dma_start3A_182 = tpu.memref_slice %arg13[%add3A_159, %dma_start3A_181] : memref<10000x128xf32, #tpu.memory_space<vmem_shared>> -> memref<80x128xf32, #tpu.memory_space<vmem_shared>>
        %dma_start3A_183 = arith.constant 0 : i32
        %dma_start3A_184 = tpu.memref_slice %arg13[%add3A_159, %dma_start3A_183] : memref<10000x128xf32, #tpu.memory_space<vmem_shared>> -> memref<80x128xf32, #tpu.memory_space<vmem_shared>>
        tpu.enqueue_dma source(%arg9 : memref<80x128xf32, #tpu.memory_space<vmem>>) target(%dma_start3A_184 : memref<80x128xf32, #tpu.memory_space<vmem_shared>>) target_semaphore(%run_scoped3A_180 : memref<!tpu.dma_semaphore, #tpu.memory_space<semaphore_mem>>)
        %dma_wait3A_185 = arith.constant 0 : i32
        %dma_wait3A_186 = tpu.memref_slice %arg13[%add3A_159, %dma_wait3A_185] : memref<10000x128xf32, #tpu.memory_space<vmem_shared>> -> memref<80x128xf32, #tpu.memory_space<vmem_shared>>
        %dma_wait3A_187 = arith.constant 0 : i32
        %dma_wait3A_188 = tpu.memref_slice %arg13[%add3A_159, %dma_wait3A_187] : memref<10000x128xf32, #tpu.memory_space<vmem_shared>> -> memref<80x128xf32, #tpu.memory_space<vmem_shared>>
        tpu.wait_dma2 semaphore(%run_scoped3A_180 : memref<!tpu.dma_semaphore, #tpu.memory_space<semaphore_mem>>) src(%arg9 : memref<80x128xf32, #tpu.memory_space<vmem>>) dst(%dma_wait3A_188 : memref<80x128xf32, #tpu.memory_space<vmem_shared>>)
        tpu.yield
      }) : () -> ()
      %mul3A_160 = arith.constant 624 : i32
      %mul3A_161 = arith.muli %arg1, %mul3A_160 : i32
      %add3A_162 = arith.constant 240 : i32
      %add3A_163 = arith.addi %mul3A_161, %add3A_162 : i32
      "tpu.region"() ({
        %run_scoped3A_180 = tpu.sem_alloc : memref<!tpu.dma_semaphore, #tpu.memory_space<semaphore_mem>>
        %dma_start3A_181 = arith.constant 0 : i32
        %dma_start3A_182 = tpu.memref_slice %arg13[%add3A_163, %dma_start3A_181] : memref<10000x128xf32, #tpu.memory_space<vmem_shared>> -> memref<80x128xf32, #tpu.memory_space<vmem_shared>>
        %dma_start3A_183 = arith.constant 0 : i32
        %dma_start3A_184 = tpu.memref_slice %arg13[%add3A_163, %dma_start3A_183] : memref<10000x128xf32, #tpu.memory_space<vmem_shared>> -> memref<80x128xf32, #tpu.memory_space<vmem_shared>>
        tpu.enqueue_dma source(%arg9 : memref<80x128xf32, #tpu.memory_space<vmem>>) target(%dma_start3A_184 : memref<80x128xf32, #tpu.memory_space<vmem_shared>>) target_semaphore(%run_scoped3A_180 : memref<!tpu.dma_semaphore, #tpu.memory_space<semaphore_mem>>)
        %dma_wait3A_185 = arith.constant 0 : i32
        %dma_wait3A_186 = tpu.memref_slice %arg13[%add3A_163, %dma_wait3A_185] : memref<10000x128xf32, #tpu.memory_space<vmem_shared>> -> memref<80x128xf32, #tpu.memory_space<vmem_shared>>
        %dma_wait3A_187 = arith.constant 0 : i32
        %dma_wait3A_188 = tpu.memref_slice %arg13[%add3A_163, %dma_wait3A_187] : memref<10000x128xf32, #tpu.memory_space<vmem_shared>> -> memref<80x128xf32, #tpu.memory_space<vmem_shared>>
        tpu.wait_dma2 semaphore(%run_scoped3A_180 : memref<!tpu.dma_semaphore, #tpu.memory_space<semaphore_mem>>) src(%arg9 : memref<80x128xf32, #tpu.memory_space<vmem>>) dst(%dma_wait3A_188 : memref<80x128xf32, #tpu.memory_space<vmem_shared>>)
        tpu.yield
      }) : () -> ()
      %mul3A_164 = arith.constant 624 : i32
      %mul3A_165 = arith.muli %arg1, %mul3A_164 : i32
      %add3A_166 = arith.constant 320 : i32
      %add3A_167 = arith.addi %mul3A_165, %add3A_166 : i32
      "tpu.region"() ({
        %run_scoped3A_180 = tpu.sem_alloc : memref<!tpu.dma_semaphore, #tpu.memory_space<semaphore_mem>>
        %dma_start3A_181 = arith.constant 0 : i32
        %dma_start3A_182 = tpu.memref_slice %arg13[%add3A_167, %dma_start3A_181] : memref<10000x128xf32, #tpu.memory_space<vmem_shared>> -> memref<80x128xf32, #tpu.memory_space<vmem_shared>>
        %dma_start3A_183 = arith.constant 0 : i32
        %dma_start3A_184 = tpu.memref_slice %arg13[%add3A_167, %dma_start3A_183] : memref<10000x128xf32, #tpu.memory_space<vmem_shared>> -> memref<80x128xf32, #tpu.memory_space<vmem_shared>>
        tpu.enqueue_dma source(%arg9 : memref<80x128xf32, #tpu.memory_space<vmem>>) target(%dma_start3A_184 : memref<80x128xf32, #tpu.memory_space<vmem_shared>>) target_semaphore(%run_scoped3A_180 : memref<!tpu.dma_semaphore, #tpu.memory_space<semaphore_mem>>)
        %dma_wait3A_185 = arith.constant 0 : i32
        %dma_wait3A_186 = tpu.memref_slice %arg13[%add3A_167, %dma_wait3A_185] : memref<10000x128xf32, #tpu.memory_space<vmem_shared>> -> memref<80x128xf32, #tpu.memory_space<vmem_shared>>
        %dma_wait3A_187 = arith.constant 0 : i32
        %dma_wait3A_188 = tpu.memref_slice %arg13[%add3A_167, %dma_wait3A_187] : memref<10000x128xf32, #tpu.memory_space<vmem_shared>> -> memref<80x128xf32, #tpu.memory_space<vmem_shared>>
        tpu.wait_dma2 semaphore(%run_scoped3A_180 : memref<!tpu.dma_semaphore, #tpu.memory_space<semaphore_mem>>) src(%arg9 : memref<80x128xf32, #tpu.memory_space<vmem>>) dst(%dma_wait3A_188 : memref<80x128xf32, #tpu.memory_space<vmem_shared>>)
        tpu.yield
      }) : () -> ()
      %mul3A_168 = arith.constant 624 : i32
      %mul3A_169 = arith.muli %arg1, %mul3A_168 : i32
      %add3A_170 = arith.constant 400 : i32
      %add3A_171 = arith.addi %mul3A_169, %add3A_170 : i32
      "tpu.region"() ({
        %run_scoped3A_180 = tpu.sem_alloc : memref<!tpu.dma_semaphore, #tpu.memory_space<semaphore_mem>>
        %dma_start3A_181 = arith.constant 0 : i32
        %dma_start3A_182 = tpu.memref_slice %arg13[%add3A_171, %dma_start3A_181] : memref<10000x128xf32, #tpu.memory_space<vmem_shared>> -> memref<80x128xf32, #tpu.memory_space<vmem_shared>>
        %dma_start3A_183 = arith.constant 0 : i32
        %dma_start3A_184 = tpu.memref_slice %arg13[%add3A_171, %dma_start3A_183] : memref<10000x128xf32, #tpu.memory_space<vmem_shared>> -> memref<80x128xf32, #tpu.memory_space<vmem_shared>>
        tpu.enqueue_dma source(%arg9 : memref<80x128xf32, #tpu.memory_space<vmem>>) target(%dma_start3A_184 : memref<80x128xf32, #tpu.memory_space<vmem_shared>>) target_semaphore(%run_scoped3A_180 : memref<!tpu.dma_semaphore, #tpu.memory_space<semaphore_mem>>)
        %dma_wait3A_185 = arith.constant 0 : i32
        %dma_wait3A_186 = tpu.memref_slice %arg13[%add3A_171, %dma_wait3A_185] : memref<10000x128xf32, #tpu.memory_space<vmem_shared>> -> memref<80x128xf32, #tpu.memory_space<vmem_shared>>
        %dma_wait3A_187 = arith.constant 0 : i32
        %dma_wait3A_188 = tpu.memref_slice %arg13[%add3A_171, %dma_wait3A_187] : memref<10000x128xf32, #tpu.memory_space<vmem_shared>> -> memref<80x128xf32, #tpu.memory_space<vmem_shared>>
        tpu.wait_dma2 semaphore(%run_scoped3A_180 : memref<!tpu.dma_semaphore, #tpu.memory_space<semaphore_mem>>) src(%arg9 : memref<80x128xf32, #tpu.memory_space<vmem>>) dst(%dma_wait3A_188 : memref<80x128xf32, #tpu.memory_space<vmem_shared>>)
        tpu.yield
      }) : () -> ()
      %mul3A_172 = arith.constant 624 : i32
      %mul3A_173 = arith.muli %arg1, %mul3A_172 : i32
      %add3A_174 = arith.constant 480 : i32
      %add3A_175 = arith.addi %mul3A_173, %add3A_174 : i32
      "tpu.region"() ({
        %run_scoped3A_180 = tpu.sem_alloc : memref<!tpu.dma_semaphore, #tpu.memory_space<semaphore_mem>>
        %dma_start3A_181 = arith.constant 0 : i32
        %dma_start3A_182 = tpu.memref_slice %arg13[%add3A_175, %dma_start3A_181] : memref<10000x128xf32, #tpu.memory_space<vmem_shared>> -> memref<80x128xf32, #tpu.memory_space<vmem_shared>>
        %dma_start3A_183 = arith.constant 0 : i32
        %dma_start3A_184 = tpu.memref_slice %arg13[%add3A_175, %dma_start3A_183] : memref<10000x128xf32, #tpu.memory_space<vmem_shared>> -> memref<80x128xf32, #tpu.memory_space<vmem_shared>>
        tpu.enqueue_dma source(%arg9 : memref<80x128xf32, #tpu.memory_space<vmem>>) target(%dma_start3A_184 : memref<80x128xf32, #tpu.memory_space<vmem_shared>>) target_semaphore(%run_scoped3A_180 : memref<!tpu.dma_semaphore, #tpu.memory_space<semaphore_mem>>)
        %dma_wait3A_185 = arith.constant 0 : i32
        %dma_wait3A_186 = tpu.memref_slice %arg13[%add3A_175, %dma_wait3A_185] : memref<10000x128xf32, #tpu.memory_space<vmem_shared>> -> memref<80x128xf32, #tpu.memory_space<vmem_shared>>
        %dma_wait3A_187 = arith.constant 0 : i32
        %dma_wait3A_188 = tpu.memref_slice %arg13[%add3A_175, %dma_wait3A_187] : memref<10000x128xf32, #tpu.memory_space<vmem_shared>> -> memref<80x128xf32, #tpu.memory_space<vmem_shared>>
        tpu.wait_dma2 semaphore(%run_scoped3A_180 : memref<!tpu.dma_semaphore, #tpu.memory_space<semaphore_mem>>) src(%arg9 : memref<80x128xf32, #tpu.memory_space<vmem>>) dst(%dma_wait3A_188 : memref<80x128xf32, #tpu.memory_space<vmem_shared>>)
        tpu.yield
      }) : () -> ()
      %mul3A_176 = arith.constant 624 : i32
      %mul3A_177 = arith.muli %arg1, %mul3A_176 : i32
      %add3A_178 = arith.constant 560 : i32
      %add3A_179 = arith.addi %mul3A_177, %add3A_178 : i32
      "tpu.region"() ({
        %run_scoped3A_180 = tpu.sem_alloc : memref<!tpu.dma_semaphore, #tpu.memory_space<semaphore_mem>>
        %dma_start3A_181 = arith.constant 0 : i32
        %dma_start3A_182 = arith.constant 0 : i32
        %dma_start3A_183 = tpu.memref_slice %arg9[%dma_start3A_181, %dma_start3A_182] : memref<80x128xf32, #tpu.memory_space<vmem>> -> memref<64x128xf32, #tpu.memory_space<vmem>>
        %dma_start3A_184 = arith.constant 0 : i32
        %dma_start3A_185 = tpu.memref_slice %arg13[%add3A_179, %dma_start3A_184] : memref<10000x128xf32, #tpu.memory_space<vmem_shared>> -> memref<64x128xf32, #tpu.memory_space<vmem_shared>>
        %dma_start3A_186 = arith.constant 0 : i32
        %dma_start3A_187 = tpu.memref_slice %arg13[%add3A_179, %dma_start3A_186] : memref<10000x128xf32, #tpu.memory_space<vmem_shared>> -> memref<64x128xf32, #tpu.memory_space<vmem_shared>>
        %dma_start3A_188 = arith.constant 0 : i32
        %dma_start3A_189 = arith.constant 0 : i32
        %dma_start3A_190 = tpu.memref_slice %arg9[%dma_start3A_188, %dma_start3A_189] : memref<80x128xf32, #tpu.memory_space<vmem>> -> memref<64x128xf32, #tpu.memory_space<vmem>>
        tpu.enqueue_dma source(%dma_start3A_190 : memref<64x128xf32, #tpu.memory_space<vmem>>) target(%dma_start3A_187 : memref<64x128xf32, #tpu.memory_space<vmem_shared>>) target_semaphore(%run_scoped3A_180 : memref<!tpu.dma_semaphore, #tpu.memory_space<semaphore_mem>>)
        %dma_wait3A_191 = arith.constant 0 : i32
        %dma_wait3A_192 = arith.constant 0 : i32
        %dma_wait3A_193 = tpu.memref_slice %arg9[%dma_wait3A_191, %dma_wait3A_192] : memref<80x128xf32, #tpu.memory_space<vmem>> -> memref<64x128xf32, #tpu.memory_space<vmem>>
        %dma_wait3A_194 = arith.constant 0 : i32
        %dma_wait3A_195 = tpu.memref_slice %arg13[%add3A_179, %dma_wait3A_194] : memref<10000x128xf32, #tpu.memory_space<vmem_shared>> -> memref<64x128xf32, #tpu.memory_space<vmem_shared>>
        %dma_wait3A_196 = arith.constant 0 : i32
        %dma_wait3A_197 = tpu.memref_slice %arg13[%add3A_179, %dma_wait3A_196] : memref<10000x128xf32, #tpu.memory_space<vmem_shared>> -> memref<64x128xf32, #tpu.memory_space<vmem_shared>>
        %dma_wait3A_198 = arith.constant 0 : i32
        %dma_wait3A_199 = arith.constant 0 : i32
        %dma_wait3A_200 = tpu.memref_slice %arg9[%dma_wait3A_198, %dma_wait3A_199] : memref<80x128xf32, #tpu.memory_space<vmem>> -> memref<64x128xf32, #tpu.memory_space<vmem>>
        tpu.wait_dma2 semaphore(%run_scoped3A_180 : memref<!tpu.dma_semaphore, #tpu.memory_space<semaphore_mem>>) src(%dma_wait3A_200 : memref<64x128xf32, #tpu.memory_space<vmem>>) dst(%dma_wait3A_197 : memref<64x128xf32, #tpu.memory_space<vmem_shared>>)
        tpu.yield
      }) : () -> ()
    } else {
    }
    %eq3A = arith.constant 15 : i32
    %eq3A_50 = arith.cmpi eq, %arg1, %eq3A : i32
    %convert_element_type3A_51 = arith.extui %eq3A_50 : i1 to i32
    %cond3A_52 = arith.constant 0 : i32
    %cond3A_53 = arith.cmpi ne, %convert_element_type3A_51, %cond3A_52 : i32
    scf.if %cond3A_53 {
      "tpu.region"() ({
        %run_scoped3A_148 = tpu.sem_alloc : memref<!tpu.dma_semaphore, #tpu.memory_space<semaphore_mem>>
        %dma_start3A_149 = arith.constant 9360 : i32
        %dma_start3A_150 = arith.constant 0 : i32
        %dma_start3A_151 = tpu.memref_slice %arg13[%dma_start3A_149, %dma_start3A_150] : memref<10000x128xf32, #tpu.memory_space<vmem_shared>> -> memref<80x128xf32, #tpu.memory_space<vmem_shared>>
        %dma_start3A_152 = arith.constant 9360 : i32
        %dma_start3A_153 = arith.constant 0 : i32
        %dma_start3A_154 = tpu.memref_slice %arg13[%dma_start3A_152, %dma_start3A_153] : memref<10000x128xf32, #tpu.memory_space<vmem_shared>> -> memref<80x128xf32, #tpu.memory_space<vmem_shared>>
        tpu.enqueue_dma source(%arg9 : memref<80x128xf32, #tpu.memory_space<vmem>>) target(%dma_start3A_154 : memref<80x128xf32, #tpu.memory_space<vmem_shared>>) target_semaphore(%run_scoped3A_148 : memref<!tpu.dma_semaphore, #tpu.memory_space<semaphore_mem>>)
        %dma_wait3A_155 = arith.constant 9360 : i32
        %dma_wait3A_156 = arith.constant 0 : i32
        %dma_wait3A_157 = tpu.memref_slice %arg13[%dma_wait3A_155, %dma_wait3A_156] : memref<10000x128xf32, #tpu.memory_space<vmem_shared>> -> memref<80x128xf32, #tpu.memory_space<vmem_shared>>
        %dma_wait3A_158 = arith.constant 9360 : i32
        %dma_wait3A_159 = arith.constant 0 : i32
        %dma_wait3A_160 = tpu.memref_slice %arg13[%dma_wait3A_158, %dma_wait3A_159] : memref<10000x128xf32, #tpu.memory_space<vmem_shared>> -> memref<80x128xf32, #tpu.memory_space<vmem_shared>>
        tpu.wait_dma2 semaphore(%run_scoped3A_148 : memref<!tpu.dma_semaphore, #tpu.memory_space<semaphore_mem>>) src(%arg9 : memref<80x128xf32, #tpu.memory_space<vmem>>) dst(%dma_wait3A_160 : memref<80x128xf32, #tpu.memory_space<vmem_shared>>)
        tpu.yield
      }) : () -> ()
      "tpu.region"() ({
        %run_scoped3A_148 = tpu.sem_alloc : memref<!tpu.dma_semaphore, #tpu.memory_space<semaphore_mem>>
        %dma_start3A_149 = arith.constant 9440 : i32
        %dma_start3A_150 = arith.constant 0 : i32
        %dma_start3A_151 = tpu.memref_slice %arg13[%dma_start3A_149, %dma_start3A_150] : memref<10000x128xf32, #tpu.memory_space<vmem_shared>> -> memref<80x128xf32, #tpu.memory_space<vmem_shared>>
        %dma_start3A_152 = arith.constant 9440 : i32
        %dma_start3A_153 = arith.constant 0 : i32
        %dma_start3A_154 = tpu.memref_slice %arg13[%dma_start3A_152, %dma_start3A_153] : memref<10000x128xf32, #tpu.memory_space<vmem_shared>> -> memref<80x128xf32, #tpu.memory_space<vmem_shared>>
        tpu.enqueue_dma source(%arg9 : memref<80x128xf32, #tpu.memory_space<vmem>>) target(%dma_start3A_154 : memref<80x128xf32, #tpu.memory_space<vmem_shared>>) target_semaphore(%run_scoped3A_148 : memref<!tpu.dma_semaphore, #tpu.memory_space<semaphore_mem>>)
        %dma_wait3A_155 = arith.constant 9440 : i32
        %dma_wait3A_156 = arith.constant 0 : i32
        %dma_wait3A_157 = tpu.memref_slice %arg13[%dma_wait3A_155, %dma_wait3A_156] : memref<10000x128xf32, #tpu.memory_space<vmem_shared>> -> memref<80x128xf32, #tpu.memory_space<vmem_shared>>
        %dma_wait3A_158 = arith.constant 9440 : i32
        %dma_wait3A_159 = arith.constant 0 : i32
        %dma_wait3A_160 = tpu.memref_slice %arg13[%dma_wait3A_158, %dma_wait3A_159] : memref<10000x128xf32, #tpu.memory_space<vmem_shared>> -> memref<80x128xf32, #tpu.memory_space<vmem_shared>>
        tpu.wait_dma2 semaphore(%run_scoped3A_148 : memref<!tpu.dma_semaphore, #tpu.memory_space<semaphore_mem>>) src(%arg9 : memref<80x128xf32, #tpu.memory_space<vmem>>) dst(%dma_wait3A_160 : memref<80x128xf32, #tpu.memory_space<vmem_shared>>)
        tpu.yield
      }) : () -> ()
      "tpu.region"() ({
        %run_scoped3A_148 = tpu.sem_alloc : memref<!tpu.dma_semaphore, #tpu.memory_space<semaphore_mem>>
        %dma_start3A_149 = arith.constant 9520 : i32
        %dma_start3A_150 = arith.constant 0 : i32
        %dma_start3A_151 = tpu.memref_slice %arg13[%dma_start3A_149, %dma_start3A_150] : memref<10000x128xf32, #tpu.memory_space<vmem_shared>> -> memref<80x128xf32, #tpu.memory_space<vmem_shared>>
        %dma_start3A_152 = arith.constant 9520 : i32
        %dma_start3A_153 = arith.constant 0 : i32
        %dma_start3A_154 = tpu.memref_slice %arg13[%dma_start3A_152, %dma_start3A_153] : memref<10000x128xf32, #tpu.memory_space<vmem_shared>> -> memref<80x128xf32, #tpu.memory_space<vmem_shared>>
        tpu.enqueue_dma source(%arg9 : memref<80x128xf32, #tpu.memory_space<vmem>>) target(%dma_start3A_154 : memref<80x128xf32, #tpu.memory_space<vmem_shared>>) target_semaphore(%run_scoped3A_148 : memref<!tpu.dma_semaphore, #tpu.memory_space<semaphore_mem>>)
        %dma_wait3A_155 = arith.constant 9520 : i32
        %dma_wait3A_156 = arith.constant 0 : i32
        %dma_wait3A_157 = tpu.memref_slice %arg13[%dma_wait3A_155, %dma_wait3A_156] : memref<10000x128xf32, #tpu.memory_space<vmem_shared>> -> memref<80x128xf32, #tpu.memory_space<vmem_shared>>
        %dma_wait3A_158 = arith.constant 9520 : i32
        %dma_wait3A_159 = arith.constant 0 : i32
        %dma_wait3A_160 = tpu.memref_slice %arg13[%dma_wait3A_158, %dma_wait3A_159] : memref<10000x128xf32, #tpu.memory_space<vmem_shared>> -> memref<80x128xf32, #tpu.memory_space<vmem_shared>>
        tpu.wait_dma2 semaphore(%run_scoped3A_148 : memref<!tpu.dma_semaphore, #tpu.memory_space<semaphore_mem>>) src(%arg9 : memref<80x128xf32, #tpu.memory_space<vmem>>) dst(%dma_wait3A_160 : memref<80x128xf32, #tpu.memory_space<vmem_shared>>)
        tpu.yield
      }) : () -> ()
      "tpu.region"() ({
        %run_scoped3A_148 = tpu.sem_alloc : memref<!tpu.dma_semaphore, #tpu.memory_space<semaphore_mem>>
        %dma_start3A_149 = arith.constant 9600 : i32
        %dma_start3A_150 = arith.constant 0 : i32
        %dma_start3A_151 = tpu.memref_slice %arg13[%dma_start3A_149, %dma_start3A_150] : memref<10000x128xf32, #tpu.memory_space<vmem_shared>> -> memref<80x128xf32, #tpu.memory_space<vmem_shared>>
        %dma_start3A_152 = arith.constant 9600 : i32
        %dma_start3A_153 = arith.constant 0 : i32
        %dma_start3A_154 = tpu.memref_slice %arg13[%dma_start3A_152, %dma_start3A_153] : memref<10000x128xf32, #tpu.memory_space<vmem_shared>> -> memref<80x128xf32, #tpu.memory_space<vmem_shared>>
        tpu.enqueue_dma source(%arg9 : memref<80x128xf32, #tpu.memory_space<vmem>>) target(%dma_start3A_154 : memref<80x128xf32, #tpu.memory_space<vmem_shared>>) target_semaphore(%run_scoped3A_148 : memref<!tpu.dma_semaphore, #tpu.memory_space<semaphore_mem>>)
        %dma_wait3A_155 = arith.constant 9600 : i32
        %dma_wait3A_156 = arith.constant 0 : i32
        %dma_wait3A_157 = tpu.memref_slice %arg13[%dma_wait3A_155, %dma_wait3A_156] : memref<10000x128xf32, #tpu.memory_space<vmem_shared>> -> memref<80x128xf32, #tpu.memory_space<vmem_shared>>
        %dma_wait3A_158 = arith.constant 9600 : i32
        %dma_wait3A_159 = arith.constant 0 : i32
        %dma_wait3A_160 = tpu.memref_slice %arg13[%dma_wait3A_158, %dma_wait3A_159] : memref<10000x128xf32, #tpu.memory_space<vmem_shared>> -> memref<80x128xf32, #tpu.memory_space<vmem_shared>>
        tpu.wait_dma2 semaphore(%run_scoped3A_148 : memref<!tpu.dma_semaphore, #tpu.memory_space<semaphore_mem>>) src(%arg9 : memref<80x128xf32, #tpu.memory_space<vmem>>) dst(%dma_wait3A_160 : memref<80x128xf32, #tpu.memory_space<vmem_shared>>)
        tpu.yield
      }) : () -> ()
      "tpu.region"() ({
        %run_scoped3A_148 = tpu.sem_alloc : memref<!tpu.dma_semaphore, #tpu.memory_space<semaphore_mem>>
        %dma_start3A_149 = arith.constant 9680 : i32
        %dma_start3A_150 = arith.constant 0 : i32
        %dma_start3A_151 = tpu.memref_slice %arg13[%dma_start3A_149, %dma_start3A_150] : memref<10000x128xf32, #tpu.memory_space<vmem_shared>> -> memref<80x128xf32, #tpu.memory_space<vmem_shared>>
        %dma_start3A_152 = arith.constant 9680 : i32
        %dma_start3A_153 = arith.constant 0 : i32
        %dma_start3A_154 = tpu.memref_slice %arg13[%dma_start3A_152, %dma_start3A_153] : memref<10000x128xf32, #tpu.memory_space<vmem_shared>> -> memref<80x128xf32, #tpu.memory_space<vmem_shared>>
        tpu.enqueue_dma source(%arg9 : memref<80x128xf32, #tpu.memory_space<vmem>>) target(%dma_start3A_154 : memref<80x128xf32, #tpu.memory_space<vmem_shared>>) target_semaphore(%run_scoped3A_148 : memref<!tpu.dma_semaphore, #tpu.memory_space<semaphore_mem>>)
        %dma_wait3A_155 = arith.constant 9680 : i32
        %dma_wait3A_156 = arith.constant 0 : i32
        %dma_wait3A_157 = tpu.memref_slice %arg13[%dma_wait3A_155, %dma_wait3A_156] : memref<10000x128xf32, #tpu.memory_space<vmem_shared>> -> memref<80x128xf32, #tpu.memory_space<vmem_shared>>
        %dma_wait3A_158 = arith.constant 9680 : i32
        %dma_wait3A_159 = arith.constant 0 : i32
        %dma_wait3A_160 = tpu.memref_slice %arg13[%dma_wait3A_158, %dma_wait3A_159] : memref<10000x128xf32, #tpu.memory_space<vmem_shared>> -> memref<80x128xf32, #tpu.memory_space<vmem_shared>>
        tpu.wait_dma2 semaphore(%run_scoped3A_148 : memref<!tpu.dma_semaphore, #tpu.memory_space<semaphore_mem>>) src(%arg9 : memref<80x128xf32, #tpu.memory_space<vmem>>) dst(%dma_wait3A_160 : memref<80x128xf32, #tpu.memory_space<vmem_shared>>)
        tpu.yield
      }) : () -> ()
      "tpu.region"() ({
        %run_scoped3A_148 = tpu.sem_alloc : memref<!tpu.dma_semaphore, #tpu.memory_space<semaphore_mem>>
        %dma_start3A_149 = arith.constant 9760 : i32
        %dma_start3A_150 = arith.constant 0 : i32
        %dma_start3A_151 = tpu.memref_slice %arg13[%dma_start3A_149, %dma_start3A_150] : memref<10000x128xf32, #tpu.memory_space<vmem_shared>> -> memref<80x128xf32, #tpu.memory_space<vmem_shared>>
        %dma_start3A_152 = arith.constant 9760 : i32
        %dma_start3A_153 = arith.constant 0 : i32
        %dma_start3A_154 = tpu.memref_slice %arg13[%dma_start3A_152, %dma_start3A_153] : memref<10000x128xf32, #tpu.memory_space<vmem_shared>> -> memref<80x128xf32, #tpu.memory_space<vmem_shared>>
        tpu.enqueue_dma source(%arg9 : memref<80x128xf32, #tpu.memory_space<vmem>>) target(%dma_start3A_154 : memref<80x128xf32, #tpu.memory_space<vmem_shared>>) target_semaphore(%run_scoped3A_148 : memref<!tpu.dma_semaphore, #tpu.memory_space<semaphore_mem>>)
        %dma_wait3A_155 = arith.constant 9760 : i32
        %dma_wait3A_156 = arith.constant 0 : i32
        %dma_wait3A_157 = tpu.memref_slice %arg13[%dma_wait3A_155, %dma_wait3A_156] : memref<10000x128xf32, #tpu.memory_space<vmem_shared>> -> memref<80x128xf32, #tpu.memory_space<vmem_shared>>
        %dma_wait3A_158 = arith.constant 9760 : i32
        %dma_wait3A_159 = arith.constant 0 : i32
        %dma_wait3A_160 = tpu.memref_slice %arg13[%dma_wait3A_158, %dma_wait3A_159] : memref<10000x128xf32, #tpu.memory_space<vmem_shared>> -> memref<80x128xf32, #tpu.memory_space<vmem_shared>>
        tpu.wait_dma2 semaphore(%run_scoped3A_148 : memref<!tpu.dma_semaphore, #tpu.memory_space<semaphore_mem>>) src(%arg9 : memref<80x128xf32, #tpu.memory_space<vmem>>) dst(%dma_wait3A_160 : memref<80x128xf32, #tpu.memory_space<vmem_shared>>)
        tpu.yield
      }) : () -> ()
      "tpu.region"() ({
        %run_scoped3A_148 = tpu.sem_alloc : memref<!tpu.dma_semaphore, #tpu.memory_space<semaphore_mem>>
        %dma_start3A_149 = arith.constant 9840 : i32
        %dma_start3A_150 = arith.constant 0 : i32
        %dma_start3A_151 = tpu.memref_slice %arg13[%dma_start3A_149, %dma_start3A_150] : memref<10000x128xf32, #tpu.memory_space<vmem_shared>> -> memref<80x128xf32, #tpu.memory_space<vmem_shared>>
        %dma_start3A_152 = arith.constant 9840 : i32
        %dma_start3A_153 = arith.constant 0 : i32
        %dma_start3A_154 = tpu.memref_slice %arg13[%dma_start3A_152, %dma_start3A_153] : memref<10000x128xf32, #tpu.memory_space<vmem_shared>> -> memref<80x128xf32, #tpu.memory_space<vmem_shared>>
        tpu.enqueue_dma source(%arg9 : memref<80x128xf32, #tpu.memory_space<vmem>>) target(%dma_start3A_154 : memref<80x128xf32, #tpu.memory_space<vmem_shared>>) target_semaphore(%run_scoped3A_148 : memref<!tpu.dma_semaphore, #tpu.memory_space<semaphore_mem>>)
        %dma_wait3A_155 = arith.constant 9840 : i32
        %dma_wait3A_156 = arith.constant 0 : i32
        %dma_wait3A_157 = tpu.memref_slice %arg13[%dma_wait3A_155, %dma_wait3A_156] : memref<10000x128xf32, #tpu.memory_space<vmem_shared>> -> memref<80x128xf32, #tpu.memory_space<vmem_shared>>
        %dma_wait3A_158 = arith.constant 9840 : i32
        %dma_wait3A_159 = arith.constant 0 : i32
        %dma_wait3A_160 = tpu.memref_slice %arg13[%dma_wait3A_158, %dma_wait3A_159] : memref<10000x128xf32, #tpu.memory_space<vmem_shared>> -> memref<80x128xf32, #tpu.memory_space<vmem_shared>>
        tpu.wait_dma2 semaphore(%run_scoped3A_148 : memref<!tpu.dma_semaphore, #tpu.memory_space<semaphore_mem>>) src(%arg9 : memref<80x128xf32, #tpu.memory_space<vmem>>) dst(%dma_wait3A_160 : memref<80x128xf32, #tpu.memory_space<vmem_shared>>)
        tpu.yield
      }) : () -> ()
      "tpu.region"() ({
        %run_scoped3A_148 = tpu.sem_alloc : memref<!tpu.dma_semaphore, #tpu.memory_space<semaphore_mem>>
        %dma_start3A_149 = arith.constant 9920 : i32
        %dma_start3A_150 = arith.constant 0 : i32
        %dma_start3A_151 = tpu.memref_slice %arg13[%dma_start3A_149, %dma_start3A_150] : memref<10000x128xf32, #tpu.memory_space<vmem_shared>> -> memref<80x128xf32, #tpu.memory_space<vmem_shared>>
        %dma_start3A_152 = arith.constant 9920 : i32
        %dma_start3A_153 = arith.constant 0 : i32
        %dma_start3A_154 = tpu.memref_slice %arg13[%dma_start3A_152, %dma_start3A_153] : memref<10000x128xf32, #tpu.memory_space<vmem_shared>> -> memref<80x128xf32, #tpu.memory_space<vmem_shared>>
        tpu.enqueue_dma source(%arg9 : memref<80x128xf32, #tpu.memory_space<vmem>>) target(%dma_start3A_154 : memref<80x128xf32, #tpu.memory_space<vmem_shared>>) target_semaphore(%run_scoped3A_148 : memref<!tpu.dma_semaphore, #tpu.memory_space<semaphore_mem>>)
        %dma_wait3A_155 = arith.constant 9920 : i32
        %dma_wait3A_156 = arith.constant 0 : i32
        %dma_wait3A_157 = tpu.memref_slice %arg13[%dma_wait3A_155, %dma_wait3A_156] : memref<10000x128xf32, #tpu.memory_space<vmem_shared>> -> memref<80x128xf32, #tpu.memory_space<vmem_shared>>
        %dma_wait3A_158 = arith.constant 9920 : i32
        %dma_wait3A_159 = arith.constant 0 : i32
        %dma_wait3A_160 = tpu.memref_slice %arg13[%dma_wait3A_158, %dma_wait3A_159] : memref<10000x128xf32, #tpu.memory_space<vmem_shared>> -> memref<80x128xf32, #tpu.memory_space<vmem_shared>>
        tpu.wait_dma2 semaphore(%run_scoped3A_148 : memref<!tpu.dma_semaphore, #tpu.memory_space<semaphore_mem>>) src(%arg9 : memref<80x128xf32, #tpu.memory_space<vmem>>) dst(%dma_wait3A_160 : memref<80x128xf32, #tpu.memory_space<vmem_shared>>)
        tpu.yield
      }) : () -> ()
    } else {
    }
    %barrier3A = arith.constant 0 : index
    tpu.barrier barrier_id(%barrier3A)
    %dma_wait3A = arith.constant 0 : i32
    %dma_wait3A_54 = arith.constant 0 : i32
    %dma_wait3A_55 = arith.constant 0 : i32
    %dma_wait3A_56 = tpu.memref_slice %arg3[%dma_wait3A, %dma_wait3A_54, %dma_wait3A_55] : memref<4000x2x80xi32, #tpu.memory_space<hbm>> -> memref<1x2x80xi32, #tpu.memory_space<hbm>>
    %dma_wait3A_57 = tpu.memref_squeeze %dma_wait3A_56 : memref<1x2x80xi32, #tpu.memory_space<hbm>> -> memref<2x80xi32, #tpu.memory_space<hbm>>
    %dma_wait3A_58 = arith.constant 0 : i32
    %dma_wait3A_59 = arith.constant 0 : i32
    %dma_wait3A_60 = tpu.memref_slice %arg3[%dma_wait3A, %dma_wait3A_58, %dma_wait3A_59] : memref<4000x2x80xi32, #tpu.memory_space<hbm>> -> memref<1x2x80xi32, #tpu.memory_space<hbm>>
    %dma_wait3A_61 = tpu.memref_squeeze %dma_wait3A_60 : memref<1x2x80xi32, #tpu.memory_space<hbm>> -> memref<2x80xi32, #tpu.memory_space<hbm>>
    tpu.wait_dma2 semaphore(%arg14 : memref<!tpu.dma_semaphore, #tpu.memory_space<semaphore_mem>>) src(%dma_wait3A_61 : memref<2x80xi32, #tpu.memory_space<hbm>>) dst(%arg5 : memref<2x80xi32, #tpu.memory_space<vmem>>)
    %dma_start3A_62 = arith.constant 0 : i32
    %dma_start3A_63 = arith.constant 0 : i32
    %dma_start3A_64 = tpu.memref_slice %arg5[%dma_start3A_62, %dma_start3A_63] : memref<2x80xi32, #tpu.memory_space<vmem>> -> memref<1x80xi32, #tpu.memory_space<vmem>>
    %dma_start3A_65 = tpu.memref_squeeze %dma_start3A_64 : memref<1x80xi32, #tpu.memory_space<vmem>> -> memref<80xi32, #tpu.memory_space<vmem>>
    %dma_start3A_66 = arith.constant 0 : i32
    %dma_start3A_67 = arith.constant 0 : i32
    %dma_start3A_68 = tpu.memref_slice %arg2[%dma_start3A_66, %dma_start3A_67] : memref<10000x128xf32, #tpu.memory_space<hbm>> -> memref<10000x128xf32, #tpu.memory_space<hbm>>
    tpu.enqueue_indirect_dma source(%dma_start3A_68 : memref<10000x128xf32, #tpu.memory_space<hbm>>) target(%arg9 : memref<80x128xf32, #tpu.memory_space<vmem>>) offsets(%dma_start3A_65 : memref<80xi32, #tpu.memory_space<vmem>>) semaphore(%arg18 : memref<!tpu.dma_semaphore, #tpu.memory_space<semaphore_mem>>)
    %dma_wait3A_69 = arith.constant 0 : i32
    %dma_wait3A_70 = arith.constant 0 : i32
    %dma_wait3A_71 = arith.constant 0 : i32
    %dma_wait3A_72 = tpu.memref_slice %arg3[%dma_wait3A_69, %dma_wait3A_70, %dma_wait3A_71] : memref<4000x2x80xi32, #tpu.memory_space<hbm>> -> memref<1x2x80xi32, #tpu.memory_space<hbm>>
    %dma_wait3A_73 = tpu.memref_squeeze %dma_wait3A_72 : memref<1x2x80xi32, #tpu.memory_space<hbm>> -> memref<2x80xi32, #tpu.memory_space<hbm>>
    %dma_wait3A_74 = arith.constant 0 : i32
    %dma_wait3A_75 = arith.constant 0 : i32
    %dma_wait3A_76 = tpu.memref_slice %arg3[%dma_wait3A_69, %dma_wait3A_74, %dma_wait3A_75] : memref<4000x2x80xi32, #tpu.memory_space<hbm>> -> memref<1x2x80xi32, #tpu.memory_space<hbm>>
    %dma_wait3A_77 = tpu.memref_squeeze %dma_wait3A_76 : memref<1x2x80xi32, #tpu.memory_space<hbm>> -> memref<2x80xi32, #tpu.memory_space<hbm>>
    tpu.wait_dma2 semaphore(%arg15 : memref<!tpu.dma_semaphore, #tpu.memory_space<semaphore_mem>>) src(%dma_wait3A_77 : memref<2x80xi32, #tpu.memory_space<hbm>>) dst(%arg6 : memref<2x80xi32, #tpu.memory_space<vmem>>)
    %dma_start3A_78 = arith.constant 0 : i32
    %dma_start3A_79 = arith.constant 0 : i32
    %dma_start3A_80 = tpu.memref_slice %arg6[%dma_start3A_78, %dma_start3A_79] : memref<2x80xi32, #tpu.memory_space<vmem>> -> memref<1x80xi32, #tpu.memory_space<vmem>>
    %dma_start3A_81 = tpu.memref_squeeze %dma_start3A_80 : memref<1x80xi32, #tpu.memory_space<vmem>> -> memref<80xi32, #tpu.memory_space<vmem>>
    %dma_start3A_82 = arith.constant 0 : i32
    %dma_start3A_83 = arith.constant 0 : i32
    %dma_start3A_84 = tpu.memref_slice %arg2[%dma_start3A_82, %dma_start3A_83] : memref<10000x128xf32, #tpu.memory_space<hbm>> -> memref<10000x128xf32, #tpu.memory_space<hbm>>
    tpu.enqueue_indirect_dma source(%dma_start3A_84 : memref<10000x128xf32, #tpu.memory_space<hbm>>) target(%arg10 : memref<80x128xf32, #tpu.memory_space<vmem>>) offsets(%dma_start3A_81 : memref<80xi32, #tpu.memory_space<vmem>>) semaphore(%arg19 : memref<!tpu.dma_semaphore, #tpu.memory_space<semaphore_mem>>)
    %dma_wait3A_85 = arith.constant 0 : i32
    %dma_wait3A_86 = arith.constant 0 : i32
    %dma_wait3A_87 = arith.constant 0 : i32
    %dma_wait3A_88 = tpu.memref_slice %arg3[%dma_wait3A_85, %dma_wait3A_86, %dma_wait3A_87] : memref<4000x2x80xi32, #tpu.memory_space<hbm>> -> memref<1x2x80xi32, #tpu.memory_space<hbm>>
    %dma_wait3A_89 = tpu.memref_squeeze %dma_wait3A_88 : memref<1x2x80xi32, #tpu.memory_space<hbm>> -> memref<2x80xi32, #tpu.memory_space<hbm>>
    %dma_wait3A_90 = arith.constant 0 : i32
    %dma_wait3A_91 = arith.constant 0 : i32
    %dma_wait3A_92 = tpu.memref_slice %arg3[%dma_wait3A_85, %dma_wait3A_90, %dma_wait3A_91] : memref<4000x2x80xi32, #tpu.memory_space<hbm>> -> memref<1x2x80xi32, #tpu.memory_space<hbm>>
    %dma_wait3A_93 = tpu.memref_squeeze %dma_wait3A_92 : memref<1x2x80xi32, #tpu.memory_space<hbm>> -> memref<2x80xi32, #tpu.memory_space<hbm>>
    tpu.wait_dma2 semaphore(%arg16 : memref<!tpu.dma_semaphore, #tpu.memory_space<semaphore_mem>>) src(%dma_wait3A_93 : memref<2x80xi32, #tpu.memory_space<hbm>>) dst(%arg7 : memref<2x80xi32, #tpu.memory_space<vmem>>)
    %dma_start3A_94 = arith.constant 0 : i32
    %dma_start3A_95 = arith.constant 0 : i32
    %dma_start3A_96 = tpu.memref_slice %arg7[%dma_start3A_94, %dma_start3A_95] : memref<2x80xi32, #tpu.memory_space<vmem>> -> memref<1x80xi32, #tpu.memory_space<vmem>>
    %dma_start3A_97 = tpu.memref_squeeze %dma_start3A_96 : memref<1x80xi32, #tpu.memory_space<vmem>> -> memref<80xi32, #tpu.memory_space<vmem>>
    %dma_start3A_98 = arith.constant 0 : i32
    %dma_start3A_99 = arith.constant 0 : i32
    %dma_start3A_100 = tpu.memref_slice %arg2[%dma_start3A_98, %dma_start3A_99] : memref<10000x128xf32, #tpu.memory_space<hbm>> -> memref<10000x128xf32, #tpu.memory_space<hbm>>
    tpu.enqueue_indirect_dma source(%dma_start3A_100 : memref<10000x128xf32, #tpu.memory_space<hbm>>) target(%arg11 : memref<80x128xf32, #tpu.memory_space<vmem>>) offsets(%dma_start3A_97 : memref<80xi32, #tpu.memory_space<vmem>>) semaphore(%arg20 : memref<!tpu.dma_semaphore, #tpu.memory_space<semaphore_mem>>)
    %dma_wait3A_101 = arith.constant 0 : i32
    %dma_wait3A_102 = arith.constant 0 : i32
    %dma_wait3A_103 = arith.constant 0 : i32
    %dma_wait3A_104 = tpu.memref_slice %arg3[%dma_wait3A_101, %dma_wait3A_102, %dma_wait3A_103] : memref<4000x2x80xi32, #tpu.memory_space<hbm>> -> memref<1x2x80xi32, #tpu.memory_space<hbm>>
    %dma_wait3A_105 = tpu.memref_squeeze %dma_wait3A_104 : memref<1x2x80xi32, #tpu.memory_space<hbm>> -> memref<2x80xi32, #tpu.memory_space<hbm>>
    %dma_wait3A_106 = arith.constant 0 : i32
    %dma_wait3A_107 = arith.constant 0 : i32
    %dma_wait3A_108 = tpu.memref_slice %arg3[%dma_wait3A_101, %dma_wait3A_106, %dma_wait3A_107] : memref<4000x2x80xi32, #tpu.memory_space<hbm>> -> memref<1x2x80xi32, #tpu.memory_space<hbm>>
    %dma_wait3A_109 = tpu.memref_squeeze %dma_wait3A_108 : memref<1x2x80xi32, #tpu.memory_space<hbm>> -> memref<2x80xi32, #tpu.memory_space<hbm>>
    tpu.wait_dma2 semaphore(%arg17 : memref<!tpu.dma_semaphore, #tpu.memory_space<semaphore_mem>>) src(%dma_wait3A_109 : memref<2x80xi32, #tpu.memory_space<hbm>>) dst(%arg8 : memref<2x80xi32, #tpu.memory_space<vmem>>)
    %dma_start3A_110 = arith.constant 0 : i32
    %dma_start3A_111 = arith.constant 0 : i32
    %dma_start3A_112 = tpu.memref_slice %arg8[%dma_start3A_110, %dma_start3A_111] : memref<2x80xi32, #tpu.memory_space<vmem>> -> memref<1x80xi32, #tpu.memory_space<vmem>>
    %dma_start3A_113 = tpu.memref_squeeze %dma_start3A_112 : memref<1x80xi32, #tpu.memory_space<vmem>> -> memref<80xi32, #tpu.memory_space<vmem>>
    %dma_start3A_114 = arith.constant 0 : i32
    %dma_start3A_115 = arith.constant 0 : i32
    %dma_start3A_116 = tpu.memref_slice %arg2[%dma_start3A_114, %dma_start3A_115] : memref<10000x128xf32, #tpu.memory_space<hbm>> -> memref<10000x128xf32, #tpu.memory_space<hbm>>
    tpu.enqueue_indirect_dma source(%dma_start3A_116 : memref<10000x128xf32, #tpu.memory_space<hbm>>) target(%arg12 : memref<80x128xf32, #tpu.memory_space<vmem>>) offsets(%dma_start3A_113 : memref<80xi32, #tpu.memory_space<vmem>>) semaphore(%arg21 : memref<!tpu.dma_semaphore, #tpu.memory_space<semaphore_mem>>)
    %scan3A_117 = arith.constant 0 : i32
    %scan3A_118 = arith.constant 1 : i32
    %scan3A_119 = arith.constant 1 : i32
    %scan3A_120 = arith.constant 1 : i32
    %scan3A_121 = arith.constant 1 : i32
    %scan3A_122 = arith.constant 0 : i32
    %scan3A_123 = arith.constant 0 : i32
    %scan3A_124 = arith.constant 0 : i32
    %scan3A_125 = arith.constant 0 : i32
    %scan3A_126 = arith.constant 0 : i32
    %scan3A_127 = arith.constant 31 : i32
    %scan3A_128 = arith.addi %scan3A_126, %scan3A_127 : i32
    %scan3A_129 = arith.constant 1 : i32
    scf.for %scan3A_148 = %scan3A_126 to %scan3A_128 step %scan3A_129  : i32 {
      %mul3A_149 = arith.constant 4 : i32
      %mul3A_150 = arith.muli %mul3A_149, %scan3A_148 : i32
      %dma_wait3A_151 = arith.constant 0 : i32
      %dma_wait3A_152 = arith.constant 0 : i32
      %dma_wait3A_153 = tpu.memref_slice %arg2[%dma_wait3A_151, %dma_wait3A_152] : memref<10000x128xf32, #tpu.memory_space<hbm>> -> memref<80x128xf32, #tpu.memory_space<hbm>>
      %dma_wait3A_154 = arith.constant 0 : i32
      %dma_wait3A_155 = arith.constant 0 : i32
      %dma_wait3A_156 = tpu.memref_slice %arg2[%dma_wait3A_154, %dma_wait3A_155] : memref<10000x128xf32, #tpu.memory_space<hbm>> -> memref<80x128xf32, #tpu.memory_space<hbm>>
      tpu.wait_dma2 semaphore(%arg18 : memref<!tpu.dma_semaphore, #tpu.memory_space<semaphore_mem>>) src(%dma_wait3A_156 : memref<80x128xf32, #tpu.memory_space<hbm>>) dst(%arg9 : memref<80x128xf32, #tpu.memory_space<vmem>>)
      %dma_start3A_157 = arith.constant 0 : i32
      %dma_start3A_158 = tpu.memref_slice %arg5[%scan3A_118, %dma_start3A_157] : memref<2x80xi32, #tpu.memory_space<vmem>> -> memref<1x80xi32, #tpu.memory_space<vmem>>
      %dma_start3A_159 = tpu.memref_squeeze %dma_start3A_158 : memref<1x80xi32, #tpu.memory_space<vmem>> -> memref<80xi32, #tpu.memory_space<vmem>>
      %dma_start3A_160 = arith.constant 0 : i32
      %dma_start3A_161 = arith.constant 0 : i32
      %dma_start3A_162 = tpu.memref_slice %arg13[%dma_start3A_160, %dma_start3A_161] : memref<10000x128xf32, #tpu.memory_space<vmem_shared>> -> memref<10000x128xf32, #tpu.memory_space<vmem_shared>>
      tpu.enqueue_indirect_dma source(%arg9 : memref<80x128xf32, #tpu.memory_space<vmem>>) target(%dma_start3A_162 : memref<10000x128xf32, #tpu.memory_space<vmem_shared>>) offsets(%dma_start3A_159 : memref<80xi32, #tpu.memory_space<vmem>>) semaphore(%arg22 : memref<!tpu.dma_semaphore, #tpu.memory_space<semaphore_mem>>) {add = true}
      %dma_wait3A_163 = arith.constant 0 : i32
      %dma_wait3A_164 = arith.constant 0 : i32
      %dma_wait3A_165 = tpu.memref_slice %arg2[%dma_wait3A_163, %dma_wait3A_164] : memref<10000x128xf32, #tpu.memory_space<hbm>> -> memref<80x128xf32, #tpu.memory_space<hbm>>
      %dma_wait3A_166 = arith.constant 0 : i32
      %dma_wait3A_167 = arith.constant 0 : i32
      %dma_wait3A_168 = tpu.memref_slice %arg2[%dma_wait3A_166, %dma_wait3A_167] : memref<10000x128xf32, #tpu.memory_space<hbm>> -> memref<80x128xf32, #tpu.memory_space<hbm>>
      tpu.wait_dma2 semaphore(%arg19 : memref<!tpu.dma_semaphore, #tpu.memory_space<semaphore_mem>>) src(%dma_wait3A_168 : memref<80x128xf32, #tpu.memory_space<hbm>>) dst(%arg10 : memref<80x128xf32, #tpu.memory_space<vmem>>)
      %dma_start3A_169 = arith.constant 0 : i32
      %dma_start3A_170 = tpu.memref_slice %arg6[%scan3A_119, %dma_start3A_169] : memref<2x80xi32, #tpu.memory_space<vmem>> -> memref<1x80xi32, #tpu.memory_space<vmem>>
      %dma_start3A_171 = tpu.memref_squeeze %dma_start3A_170 : memref<1x80xi32, #tpu.memory_space<vmem>> -> memref<80xi32, #tpu.memory_space<vmem>>
      %dma_start3A_172 = arith.constant 0 : i32
      %dma_start3A_173 = arith.constant 0 : i32
      %dma_start3A_174 = tpu.memref_slice %arg13[%dma_start3A_172, %dma_start3A_173] : memref<10000x128xf32, #tpu.memory_space<vmem_shared>> -> memref<10000x128xf32, #tpu.memory_space<vmem_shared>>
      tpu.enqueue_indirect_dma source(%arg10 : memref<80x128xf32, #tpu.memory_space<vmem>>) target(%dma_start3A_174 : memref<10000x128xf32, #tpu.memory_space<vmem_shared>>) offsets(%dma_start3A_171 : memref<80xi32, #tpu.memory_space<vmem>>) semaphore(%arg23 : memref<!tpu.dma_semaphore, #tpu.memory_space<semaphore_mem>>) {add = true}
      %dma_wait3A_175 = arith.constant 0 : i32
      %dma_wait3A_176 = arith.constant 0 : i32
      %dma_wait3A_177 = tpu.memref_slice %arg2[%dma_wait3A_175, %dma_wait3A_176] : memref<10000x128xf32, #tpu.memory_space<hbm>> -> memref<80x128xf32, #tpu.memory_space<hbm>>
      %dma_wait3A_178 = arith.constant 0 : i32
      %dma_wait3A_179 = arith.constant 0 : i32
      %dma_wait3A_180 = tpu.memref_slice %arg2[%dma_wait3A_178, %dma_wait3A_179] : memref<10000x128xf32, #tpu.memory_space<hbm>> -> memref<80x128xf32, #tpu.memory_space<hbm>>
      tpu.wait_dma2 semaphore(%arg20 : memref<!tpu.dma_semaphore, #tpu.memory_space<semaphore_mem>>) src(%dma_wait3A_180 : memref<80x128xf32, #tpu.memory_space<hbm>>) dst(%arg11 : memref<80x128xf32, #tpu.memory_space<vmem>>)
      %dma_start3A_181 = arith.constant 0 : i32
      %dma_start3A_182 = tpu.memref_slice %arg7[%scan3A_120, %dma_start3A_181] : memref<2x80xi32, #tpu.memory_space<vmem>> -> memref<1x80xi32, #tpu.memory_space<vmem>>
      %dma_start3A_183 = tpu.memref_squeeze %dma_start3A_182 : memref<1x80xi32, #tpu.memory_space<vmem>> -> memref<80xi32, #tpu.memory_space<vmem>>
      %dma_start3A_184 = arith.constant 0 : i32
      %dma_start3A_185 = arith.constant 0 : i32
      %dma_start3A_186 = tpu.memref_slice %arg13[%dma_start3A_184, %dma_start3A_185] : memref<10000x128xf32, #tpu.memory_space<vmem_shared>> -> memref<10000x128xf32, #tpu.memory_space<vmem_shared>>
      tpu.enqueue_indirect_dma source(%arg11 : memref<80x128xf32, #tpu.memory_space<vmem>>) target(%dma_start3A_186 : memref<10000x128xf32, #tpu.memory_space<vmem_shared>>) offsets(%dma_start3A_183 : memref<80xi32, #tpu.memory_space<vmem>>) semaphore(%arg24 : memref<!tpu.dma_semaphore, #tpu.memory_space<semaphore_mem>>) {add = true}
      %dma_wait3A_187 = arith.constant 0 : i32
      %dma_wait3A_188 = arith.constant 0 : i32
      %dma_wait3A_189 = tpu.memref_slice %arg2[%dma_wait3A_187, %dma_wait3A_188] : memref<10000x128xf32, #tpu.memory_space<hbm>> -> memref<80x128xf32, #tpu.memory_space<hbm>>
      %dma_wait3A_190 = arith.constant 0 : i32
      %dma_wait3A_191 = arith.constant 0 : i32
      %dma_wait3A_192 = tpu.memref_slice %arg2[%dma_wait3A_190, %dma_wait3A_191] : memref<10000x128xf32, #tpu.memory_space<hbm>> -> memref<80x128xf32, #tpu.memory_space<hbm>>
      tpu.wait_dma2 semaphore(%arg21 : memref<!tpu.dma_semaphore, #tpu.memory_space<semaphore_mem>>) src(%dma_wait3A_192 : memref<80x128xf32, #tpu.memory_space<hbm>>) dst(%arg12 : memref<80x128xf32, #tpu.memory_space<vmem>>)
      %dma_start3A_193 = arith.constant 0 : i32
      %dma_start3A_194 = tpu.memref_slice %arg8[%scan3A_121, %dma_start3A_193] : memref<2x80xi32, #tpu.memory_space<vmem>> -> memref<1x80xi32, #tpu.memory_space<vmem>>
      %dma_start3A_195 = tpu.memref_squeeze %dma_start3A_194 : memref<1x80xi32, #tpu.memory_space<vmem>> -> memref<80xi32, #tpu.memory_space<vmem>>
      %dma_start3A_196 = arith.constant 0 : i32
      %dma_start3A_197 = arith.constant 0 : i32
      %dma_start3A_198 = tpu.memref_slice %arg13[%dma_start3A_196, %dma_start3A_197] : memref<10000x128xf32, #tpu.memory_space<vmem_shared>> -> memref<10000x128xf32, #tpu.memory_space<vmem_shared>>
      tpu.enqueue_indirect_dma source(%arg12 : memref<80x128xf32, #tpu.memory_space<vmem>>) target(%dma_start3A_198 : memref<10000x128xf32, #tpu.memory_space<vmem_shared>>) offsets(%dma_start3A_195 : memref<80xi32, #tpu.memory_space<vmem>>) semaphore(%arg25 : memref<!tpu.dma_semaphore, #tpu.memory_space<semaphore_mem>>) {add = true}
      %dma_wait3A_199 = arith.constant 0 : i32
      %dma_wait3A_200 = tpu.memref_slice %arg5[%scan3A_118, %dma_wait3A_199] : memref<2x80xi32, #tpu.memory_space<vmem>> -> memref<1x80xi32, #tpu.memory_space<vmem>>
      %dma_wait3A_201 = tpu.memref_squeeze %dma_wait3A_200 : memref<1x80xi32, #tpu.memory_space<vmem>> -> memref<80xi32, #tpu.memory_space<vmem>>
      %dma_wait3A_202 = arith.constant 0 : i32
      %dma_wait3A_203 = arith.constant 0 : i32
      %dma_wait3A_204 = tpu.memref_slice %arg13[%dma_wait3A_202, %dma_wait3A_203] : memref<10000x128xf32, #tpu.memory_space<vmem_shared>> -> memref<10000x128xf32, #tpu.memory_space<vmem_shared>>
      tpu.wait_indirect_dma semaphore(%arg22 : memref<!tpu.dma_semaphore, #tpu.memory_space<semaphore_mem>>) src(%arg9 : memref<80x128xf32, #tpu.memory_space<vmem>>) dst(%dma_wait3A_204 : memref<10000x128xf32, #tpu.memory_space<vmem_shared>>)
      %add3A_205 = arith.constant 0 : i32
      %add3A_206 = arith.addi %mul3A_150, %add3A_205 : i32
      %add3A_207 = arith.constant 4 : i32
      %add3A_208 = arith.addi %add3A_206, %add3A_207 : i32
      %lt3A_209 = arith.constant 125 : i32
      %lt3A_210 = arith.cmpi slt, %add3A_208, %lt3A_209 : i32
      %convert_element_type3A_211 = arith.extui %lt3A_210 : i1 to i32
      %cond3A_212 = arith.constant 0 : i32
      %cond3A_213 = arith.cmpi ne, %convert_element_type3A_211, %cond3A_212 : i32
      scf.if %cond3A_213 {
        %add3A_295 = arith.constant 0 : i32
        %add3A_296 = arith.addi %mul3A_150, %add3A_295 : i32
        %add3A_297 = arith.constant 4 : i32
        %add3A_298 = arith.addi %add3A_296, %add3A_297 : i32
        %add3A_299 = arith.addi %mul3A_2, %add3A_298 : i32
        %dma_start3A_300 = arith.constant 0 : i32
        %dma_start3A_301 = arith.constant 0 : i32
        %dma_start3A_302 = tpu.memref_slice %arg3[%add3A_299, %dma_start3A_300, %dma_start3A_301] : memref<4000x2x80xi32, #tpu.memory_space<hbm>> -> memref<1x2x80xi32, #tpu.memory_space<hbm>>
        %dma_start3A_303 = tpu.memref_squeeze %dma_start3A_302 : memref<1x2x80xi32, #tpu.memory_space<hbm>> -> memref<2x80xi32, #tpu.memory_space<hbm>>
        %dma_start3A_304 = arith.constant 0 : i32
        %dma_start3A_305 = arith.constant 0 : i32
        %dma_start3A_306 = tpu.memref_slice %arg3[%add3A_299, %dma_start3A_304, %dma_start3A_305] : memref<4000x2x80xi32, #tpu.memory_space<hbm>> -> memref<1x2x80xi32, #tpu.memory_space<hbm>>
        %dma_start3A_307 = tpu.memref_squeeze %dma_start3A_306 : memref<1x2x80xi32, #tpu.memory_space<hbm>> -> memref<2x80xi32, #tpu.memory_space<hbm>>
        tpu.enqueue_dma source(%dma_start3A_307 : memref<2x80xi32, #tpu.memory_space<hbm>>) target(%arg5 : memref<2x80xi32, #tpu.memory_space<vmem>>) target_semaphore(%arg14 : memref<!tpu.dma_semaphore, #tpu.memory_space<semaphore_mem>>)
      } else {
      }
      %dma_wait3A_214 = arith.constant 0 : i32
      %dma_wait3A_215 = tpu.memref_slice %arg6[%scan3A_119, %dma_wait3A_214] : memref<2x80xi32, #tpu.memory_space<vmem>> -> memref<1x80xi32, #tpu.memory_space<vmem>>
      %dma_wait3A_216 = tpu.memref_squeeze %dma_wait3A_215 : memref<1x80xi32, #tpu.memory_space<vmem>> -> memref<80xi32, #tpu.memory_space<vmem>>
      %dma_wait3A_217 = arith.constant 0 : i32
      %dma_wait3A_218 = arith.constant 0 : i32
      %dma_wait3A_219 = tpu.memref_slice %arg13[%dma_wait3A_217, %dma_wait3A_218] : memref<10000x128xf32, #tpu.memory_space<vmem_shared>> -> memref<10000x128xf32, #tpu.memory_space<vmem_shared>>
      tpu.wait_indirect_dma semaphore(%arg23 : memref<!tpu.dma_semaphore, #tpu.memory_space<semaphore_mem>>) src(%arg10 : memref<80x128xf32, #tpu.memory_space<vmem>>) dst(%dma_wait3A_219 : memref<10000x128xf32, #tpu.memory_space<vmem_shared>>)
      %add3A_220 = arith.constant 1 : i32
      %add3A_221 = arith.addi %mul3A_150, %add3A_220 : i32
      %add3A_222 = arith.constant 4 : i32
      %add3A_223 = arith.addi %add3A_221, %add3A_222 : i32
      %lt3A_224 = arith.constant 125 : i32
      %lt3A_225 = arith.cmpi slt, %add3A_223, %lt3A_224 : i32
      %convert_element_type3A_226 = arith.extui %lt3A_225 : i1 to i32
      %cond3A_227 = arith.constant 0 : i32
      %cond3A_228 = arith.cmpi ne, %convert_element_type3A_226, %cond3A_227 : i32
      scf.if %cond3A_228 {
        %add3A_295 = arith.constant 1 : i32
        %add3A_296 = arith.addi %mul3A_150, %add3A_295 : i32
        %add3A_297 = arith.constant 4 : i32
        %add3A_298 = arith.addi %add3A_296, %add3A_297 : i32
        %add3A_299 = arith.addi %mul3A_2, %add3A_298 : i32
        %dma_start3A_300 = arith.constant 0 : i32
        %dma_start3A_301 = arith.constant 0 : i32
        %dma_start3A_302 = tpu.memref_slice %arg3[%add3A_299, %dma_start3A_300, %dma_start3A_301] : memref<4000x2x80xi32, #tpu.memory_space<hbm>> -> memref<1x2x80xi32, #tpu.memory_space<hbm>>
        %dma_start3A_303 = tpu.memref_squeeze %dma_start3A_302 : memref<1x2x80xi32, #tpu.memory_space<hbm>> -> memref<2x80xi32, #tpu.memory_space<hbm>>
        %dma_start3A_304 = arith.constant 0 : i32
        %dma_start3A_305 = arith.constant 0 : i32
        %dma_start3A_306 = tpu.memref_slice %arg3[%add3A_299, %dma_start3A_304, %dma_start3A_305] : memref<4000x2x80xi32, #tpu.memory_space<hbm>> -> memref<1x2x80xi32, #tpu.memory_space<hbm>>
        %dma_start3A_307 = tpu.memref_squeeze %dma_start3A_306 : memref<1x2x80xi32, #tpu.memory_space<hbm>> -> memref<2x80xi32, #tpu.memory_space<hbm>>
        tpu.enqueue_dma source(%dma_start3A_307 : memref<2x80xi32, #tpu.memory_space<hbm>>) target(%arg6 : memref<2x80xi32, #tpu.memory_space<vmem>>) target_semaphore(%arg15 : memref<!tpu.dma_semaphore, #tpu.memory_space<semaphore_mem>>)
      } else {
      }
      %dma_wait3A_229 = arith.constant 0 : i32
      %dma_wait3A_230 = tpu.memref_slice %arg7[%scan3A_120, %dma_wait3A_229] : memref<2x80xi32, #tpu.memory_space<vmem>> -> memref<1x80xi32, #tpu.memory_space<vmem>>
      %dma_wait3A_231 = tpu.memref_squeeze %dma_wait3A_230 : memref<1x80xi32, #tpu.memory_space<vmem>> -> memref<80xi32, #tpu.memory_space<vmem>>
      %dma_wait3A_232 = arith.constant 0 : i32
      %dma_wait3A_233 = arith.constant 0 : i32
      %dma_wait3A_234 = tpu.memref_slice %arg13[%dma_wait3A_232, %dma_wait3A_233] : memref<10000x128xf32, #tpu.memory_space<vmem_shared>> -> memref<10000x128xf32, #tpu.memory_space<vmem_shared>>
      tpu.wait_indirect_dma semaphore(%arg24 : memref<!tpu.dma_semaphore, #tpu.memory_space<semaphore_mem>>) src(%arg11 : memref<80x128xf32, #tpu.memory_space<vmem>>) dst(%dma_wait3A_234 : memref<10000x128xf32, #tpu.memory_space<vmem_shared>>)
      %add3A_235 = arith.constant 2 : i32
      %add3A_236 = arith.addi %mul3A_150, %add3A_235 : i32
      %add3A_237 = arith.constant 4 : i32
      %add3A_238 = arith.addi %add3A_236, %add3A_237 : i32
      %lt3A_239 = arith.constant 125 : i32
      %lt3A_240 = arith.cmpi slt, %add3A_238, %lt3A_239 : i32
      %convert_element_type3A_241 = arith.extui %lt3A_240 : i1 to i32
      %cond3A_242 = arith.constant 0 : i32
      %cond3A_243 = arith.cmpi ne, %convert_element_type3A_241, %cond3A_242 : i32
      scf.if %cond3A_243 {
        %add3A_295 = arith.constant 2 : i32
        %add3A_296 = arith.addi %mul3A_150, %add3A_295 : i32
        %add3A_297 = arith.constant 4 : i32
        %add3A_298 = arith.addi %add3A_296, %add3A_297 : i32
        %add3A_299 = arith.addi %mul3A_2, %add3A_298 : i32
        %dma_start3A_300 = arith.constant 0 : i32
        %dma_start3A_301 = arith.constant 0 : i32
        %dma_start3A_302 = tpu.memref_slice %arg3[%add3A_299, %dma_start3A_300, %dma_start3A_301] : memref<4000x2x80xi32, #tpu.memory_space<hbm>> -> memref<1x2x80xi32, #tpu.memory_space<hbm>>
        %dma_start3A_303 = tpu.memref_squeeze %dma_start3A_302 : memref<1x2x80xi32, #tpu.memory_space<hbm>> -> memref<2x80xi32, #tpu.memory_space<hbm>>
        %dma_start3A_304 = arith.constant 0 : i32
        %dma_start3A_305 = arith.constant 0 : i32
        %dma_start3A_306 = tpu.memref_slice %arg3[%add3A_299, %dma_start3A_304, %dma_start3A_305] : memref<4000x2x80xi32, #tpu.memory_space<hbm>> -> memref<1x2x80xi32, #tpu.memory_space<hbm>>
        %dma_start3A_307 = tpu.memref_squeeze %dma_start3A_306 : memref<1x2x80xi32, #tpu.memory_space<hbm>> -> memref<2x80xi32, #tpu.memory_space<hbm>>
        tpu.enqueue_dma source(%dma_start3A_307 : memref<2x80xi32, #tpu.memory_space<hbm>>) target(%arg7 : memref<2x80xi32, #tpu.memory_space<vmem>>) target_semaphore(%arg16 : memref<!tpu.dma_semaphore, #tpu.memory_space<semaphore_mem>>)
      } else {
      }
      %dma_wait3A_244 = arith.constant 0 : i32
      %dma_wait3A_245 = tpu.memref_slice %arg8[%scan3A_121, %dma_wait3A_244] : memref<2x80xi32, #tpu.memory_space<vmem>> -> memref<1x80xi32, #tpu.memory_space<vmem>>
      %dma_wait3A_246 = tpu.memref_squeeze %dma_wait3A_245 : memref<1x80xi32, #tpu.memory_space<vmem>> -> memref<80xi32, #tpu.memory_space<vmem>>
      %dma_wait3A_247 = arith.constant 0 : i32
      %dma_wait3A_248 = arith.constant 0 : i32
      %dma_wait3A_249 = tpu.memref_slice %arg13[%dma_wait3A_247, %dma_wait3A_248] : memref<10000x128xf32, #tpu.memory_space<vmem_shared>> -> memref<10000x128xf32, #tpu.memory_space<vmem_shared>>
      tpu.wait_indirect_dma semaphore(%arg25 : memref<!tpu.dma_semaphore, #tpu.memory_space<semaphore_mem>>) src(%arg12 : memref<80x128xf32, #tpu.memory_space<vmem>>) dst(%dma_wait3A_249 : memref<10000x128xf32, #tpu.memory_space<vmem_shared>>)
      %add3A_250 = arith.constant 3 : i32
      %add3A_251 = arith.addi %mul3A_150, %add3A_250 : i32
      %add3A_252 = arith.constant 4 : i32
      %add3A_253 = arith.addi %add3A_251, %add3A_252 : i32
      %lt3A_254 = arith.constant 125 : i32
      %lt3A_255 = arith.cmpi slt, %add3A_253, %lt3A_254 : i32
      %convert_element_type3A_256 = arith.extui %lt3A_255 : i1 to i32
      %cond3A_257 = arith.constant 0 : i32
      %cond3A_258 = arith.cmpi ne, %convert_element_type3A_256, %cond3A_257 : i32
      scf.if %cond3A_258 {
        %add3A_295 = arith.constant 3 : i32
        %add3A_296 = arith.addi %mul3A_150, %add3A_295 : i32
        %add3A_297 = arith.constant 4 : i32
        %add3A_298 = arith.addi %add3A_296, %add3A_297 : i32
        %add3A_299 = arith.addi %mul3A_2, %add3A_298 : i32
        %dma_start3A_300 = arith.constant 0 : i32
        %dma_start3A_301 = arith.constant 0 : i32
        %dma_start3A_302 = tpu.memref_slice %arg3[%add3A_299, %dma_start3A_300, %dma_start3A_301] : memref<4000x2x80xi32, #tpu.memory_space<hbm>> -> memref<1x2x80xi32, #tpu.memory_space<hbm>>
        %dma_start3A_303 = tpu.memref_squeeze %dma_start3A_302 : memref<1x2x80xi32, #tpu.memory_space<hbm>> -> memref<2x80xi32, #tpu.memory_space<hbm>>
        %dma_start3A_304 = arith.constant 0 : i32
        %dma_start3A_305 = arith.constant 0 : i32
        %dma_start3A_306 = tpu.memref_slice %arg3[%add3A_299, %dma_start3A_304, %dma_start3A_305] : memref<4000x2x80xi32, #tpu.memory_space<hbm>> -> memref<1x2x80xi32, #tpu.memory_space<hbm>>
        %dma_start3A_307 = tpu.memref_squeeze %dma_start3A_306 : memref<1x2x80xi32, #tpu.memory_space<hbm>> -> memref<2x80xi32, #tpu.memory_space<hbm>>
        tpu.enqueue_dma source(%dma_start3A_307 : memref<2x80xi32, #tpu.memory_space<hbm>>) target(%arg8 : memref<2x80xi32, #tpu.memory_space<vmem>>) target_semaphore(%arg17 : memref<!tpu.dma_semaphore, #tpu.memory_space<semaphore_mem>>)
      } else {
      }
      %add3A_259 = arith.constant 0 : i32
      %add3A_260 = arith.addi %mul3A_150, %add3A_259 : i32
      %add3A_261 = arith.constant 4 : i32
      %add3A_262 = arith.addi %add3A_260, %add3A_261 : i32
      %lt3A_263 = arith.constant 125 : i32
      %lt3A_264 = arith.cmpi slt, %add3A_262, %lt3A_263 : i32
      %convert_element_type3A_265 = arith.extui %lt3A_264 : i1 to i32
      %cond3A_266 = arith.constant 0 : i32
      %cond3A_267 = arith.cmpi ne, %convert_element_type3A_265, %cond3A_266 : i32
      scf.if %cond3A_267 {
        %dma_wait3A_295 = arith.constant 0 : i32
        %dma_wait3A_296 = arith.constant 0 : i32
        %dma_wait3A_297 = arith.constant 0 : i32
        %dma_wait3A_298 = tpu.memref_slice %arg3[%dma_wait3A_295, %dma_wait3A_296, %dma_wait3A_297] : memref<4000x2x80xi32, #tpu.memory_space<hbm>> -> memref<1x2x80xi32, #tpu.memory_space<hbm>>
        %dma_wait3A_299 = tpu.memref_squeeze %dma_wait3A_298 : memref<1x2x80xi32, #tpu.memory_space<hbm>> -> memref<2x80xi32, #tpu.memory_space<hbm>>
        %dma_wait3A_300 = arith.constant 0 : i32
        %dma_wait3A_301 = arith.constant 0 : i32
        %dma_wait3A_302 = tpu.memref_slice %arg3[%dma_wait3A_295, %dma_wait3A_300, %dma_wait3A_301] : memref<4000x2x80xi32, #tpu.memory_space<hbm>> -> memref<1x2x80xi32, #tpu.memory_space<hbm>>
        %dma_wait3A_303 = tpu.memref_squeeze %dma_wait3A_302 : memref<1x2x80xi32, #tpu.memory_space<hbm>> -> memref<2x80xi32, #tpu.memory_space<hbm>>
        tpu.wait_dma2 semaphore(%arg14 : memref<!tpu.dma_semaphore, #tpu.memory_space<semaphore_mem>>) src(%dma_wait3A_303 : memref<2x80xi32, #tpu.memory_space<hbm>>) dst(%arg5 : memref<2x80xi32, #tpu.memory_space<vmem>>)
        %dma_start3A_304 = arith.constant 0 : i32
        %dma_start3A_305 = tpu.memref_slice %arg5[%scan3A_122, %dma_start3A_304] : memref<2x80xi32, #tpu.memory_space<vmem>> -> memref<1x80xi32, #tpu.memory_space<vmem>>
        %dma_start3A_306 = tpu.memref_squeeze %dma_start3A_305 : memref<1x80xi32, #tpu.memory_space<vmem>> -> memref<80xi32, #tpu.memory_space<vmem>>
        %dma_start3A_307 = arith.constant 0 : i32
        %dma_start3A_308 = arith.constant 0 : i32
        %dma_start3A_309 = tpu.memref_slice %arg2[%dma_start3A_307, %dma_start3A_308] : memref<10000x128xf32, #tpu.memory_space<hbm>> -> memref<10000x128xf32, #tpu.memory_space<hbm>>
        tpu.enqueue_indirect_dma source(%dma_start3A_309 : memref<10000x128xf32, #tpu.memory_space<hbm>>) target(%arg9 : memref<80x128xf32, #tpu.memory_space<vmem>>) offsets(%dma_start3A_306 : memref<80xi32, #tpu.memory_space<vmem>>) semaphore(%arg18 : memref<!tpu.dma_semaphore, #tpu.memory_space<semaphore_mem>>)
      } else {
      }
      %add3A_268 = arith.constant 1 : i32
      %add3A_269 = arith.addi %mul3A_150, %add3A_268 : i32
      %add3A_270 = arith.constant 4 : i32
      %add3A_271 = arith.addi %add3A_269, %add3A_270 : i32
      %lt3A_272 = arith.constant 125 : i32
      %lt3A_273 = arith.cmpi slt, %add3A_271, %lt3A_272 : i32
      %convert_element_type3A_274 = arith.extui %lt3A_273 : i1 to i32
      %cond3A_275 = arith.constant 0 : i32
      %cond3A_276 = arith.cmpi ne, %convert_element_type3A_274, %cond3A_275 : i32
      scf.if %cond3A_276 {
        %dma_wait3A_295 = arith.constant 0 : i32
        %dma_wait3A_296 = arith.constant 0 : i32
        %dma_wait3A_297 = arith.constant 0 : i32
        %dma_wait3A_298 = tpu.memref_slice %arg3[%dma_wait3A_295, %dma_wait3A_296, %dma_wait3A_297] : memref<4000x2x80xi32, #tpu.memory_space<hbm>> -> memref<1x2x80xi32, #tpu.memory_space<hbm>>
        %dma_wait3A_299 = tpu.memref_squeeze %dma_wait3A_298 : memref<1x2x80xi32, #tpu.memory_space<hbm>> -> memref<2x80xi32, #tpu.memory_space<hbm>>
        %dma_wait3A_300 = arith.constant 0 : i32
        %dma_wait3A_301 = arith.constant 0 : i32
        %dma_wait3A_302 = tpu.memref_slice %arg3[%dma_wait3A_295, %dma_wait3A_300, %dma_wait3A_301] : memref<4000x2x80xi32, #tpu.memory_space<hbm>> -> memref<1x2x80xi32, #tpu.memory_space<hbm>>
        %dma_wait3A_303 = tpu.memref_squeeze %dma_wait3A_302 : memref<1x2x80xi32, #tpu.memory_space<hbm>> -> memref<2x80xi32, #tpu.memory_space<hbm>>
        tpu.wait_dma2 semaphore(%arg15 : memref<!tpu.dma_semaphore, #tpu.memory_space<semaphore_mem>>) src(%dma_wait3A_303 : memref<2x80xi32, #tpu.memory_space<hbm>>) dst(%arg6 : memref<2x80xi32, #tpu.memory_space<vmem>>)
        %dma_start3A_304 = arith.constant 0 : i32
        %dma_start3A_305 = tpu.memref_slice %arg6[%scan3A_123, %dma_start3A_304] : memref<2x80xi32, #tpu.memory_space<vmem>> -> memref<1x80xi32, #tpu.memory_space<vmem>>
        %dma_start3A_306 = tpu.memref_squeeze %dma_start3A_305 : memref<1x80xi32, #tpu.memory_space<vmem>> -> memref<80xi32, #tpu.memory_space<vmem>>
        %dma_start3A_307 = arith.constant 0 : i32
        %dma_start3A_308 = arith.constant 0 : i32
        %dma_start3A_309 = tpu.memref_slice %arg2[%dma_start3A_307, %dma_start3A_308] : memref<10000x128xf32, #tpu.memory_space<hbm>> -> memref<10000x128xf32, #tpu.memory_space<hbm>>
        tpu.enqueue_indirect_dma source(%dma_start3A_309 : memref<10000x128xf32, #tpu.memory_space<hbm>>) target(%arg10 : memref<80x128xf32, #tpu.memory_space<vmem>>) offsets(%dma_start3A_306 : memref<80xi32, #tpu.memory_space<vmem>>) semaphore(%arg19 : memref<!tpu.dma_semaphore, #tpu.memory_space<semaphore_mem>>)
      } else {
      }
      %add3A_277 = arith.constant 2 : i32
      %add3A_278 = arith.addi %mul3A_150, %add3A_277 : i32
      %add3A_279 = arith.constant 4 : i32
      %add3A_280 = arith.addi %add3A_278, %add3A_279 : i32
      %lt3A_281 = arith.constant 125 : i32
      %lt3A_282 = arith.cmpi slt, %add3A_280, %lt3A_281 : i32
      %convert_element_type3A_283 = arith.extui %lt3A_282 : i1 to i32
      %cond3A_284 = arith.constant 0 : i32
      %cond3A_285 = arith.cmpi ne, %convert_element_type3A_283, %cond3A_284 : i32
      scf.if %cond3A_285 {
        %dma_wait3A_295 = arith.constant 0 : i32
        %dma_wait3A_296 = arith.constant 0 : i32
        %dma_wait3A_297 = arith.constant 0 : i32
        %dma_wait3A_298 = tpu.memref_slice %arg3[%dma_wait3A_295, %dma_wait3A_296, %dma_wait3A_297] : memref<4000x2x80xi32, #tpu.memory_space<hbm>> -> memref<1x2x80xi32, #tpu.memory_space<hbm>>
        %dma_wait3A_299 = tpu.memref_squeeze %dma_wait3A_298 : memref<1x2x80xi32, #tpu.memory_space<hbm>> -> memref<2x80xi32, #tpu.memory_space<hbm>>
        %dma_wait3A_300 = arith.constant 0 : i32
        %dma_wait3A_301 = arith.constant 0 : i32
        %dma_wait3A_302 = tpu.memref_slice %arg3[%dma_wait3A_295, %dma_wait3A_300, %dma_wait3A_301] : memref<4000x2x80xi32, #tpu.memory_space<hbm>> -> memref<1x2x80xi32, #tpu.memory_space<hbm>>
        %dma_wait3A_303 = tpu.memref_squeeze %dma_wait3A_302 : memref<1x2x80xi32, #tpu.memory_space<hbm>> -> memref<2x80xi32, #tpu.memory_space<hbm>>
        tpu.wait_dma2 semaphore(%arg16 : memref<!tpu.dma_semaphore, #tpu.memory_space<semaphore_mem>>) src(%dma_wait3A_303 : memref<2x80xi32, #tpu.memory_space<hbm>>) dst(%arg7 : memref<2x80xi32, #tpu.memory_space<vmem>>)
        %dma_start3A_304 = arith.constant 0 : i32
        %dma_start3A_305 = tpu.memref_slice %arg7[%scan3A_124, %dma_start3A_304] : memref<2x80xi32, #tpu.memory_space<vmem>> -> memref<1x80xi32, #tpu.memory_space<vmem>>
        %dma_start3A_306 = tpu.memref_squeeze %dma_start3A_305 : memref<1x80xi32, #tpu.memory_space<vmem>> -> memref<80xi32, #tpu.memory_space<vmem>>
        %dma_start3A_307 = arith.constant 0 : i32
        %dma_start3A_308 = arith.constant 0 : i32
        %dma_start3A_309 = tpu.memref_slice %arg2[%dma_start3A_307, %dma_start3A_308] : memref<10000x128xf32, #tpu.memory_space<hbm>> -> memref<10000x128xf32, #tpu.memory_space<hbm>>
        tpu.enqueue_indirect_dma source(%dma_start3A_309 : memref<10000x128xf32, #tpu.memory_space<hbm>>) target(%arg11 : memref<80x128xf32, #tpu.memory_space<vmem>>) offsets(%dma_start3A_306 : memref<80xi32, #tpu.memory_space<vmem>>) semaphore(%arg20 : memref<!tpu.dma_semaphore, #tpu.memory_space<semaphore_mem>>)
      } else {
      }
      %add3A_286 = arith.constant 3 : i32
      %add3A_287 = arith.addi %mul3A_150, %add3A_286 : i32
      %add3A_288 = arith.constant 4 : i32
      %add3A_289 = arith.addi %add3A_287, %add3A_288 : i32
      %lt3A_290 = arith.constant 125 : i32
      %lt3A_291 = arith.cmpi slt, %add3A_289, %lt3A_290 : i32
      %convert_element_type3A_292 = arith.extui %lt3A_291 : i1 to i32
      %cond3A_293 = arith.constant 0 : i32
      %cond3A_294 = arith.cmpi ne, %convert_element_type3A_292, %cond3A_293 : i32
      scf.if %cond3A_294 {
        %dma_wait3A_295 = arith.constant 0 : i32
        %dma_wait3A_296 = arith.constant 0 : i32
        %dma_wait3A_297 = arith.constant 0 : i32
        %dma_wait3A_298 = tpu.memref_slice %arg3[%dma_wait3A_295, %dma_wait3A_296, %dma_wait3A_297] : memref<4000x2x80xi32, #tpu.memory_space<hbm>> -> memref<1x2x80xi32, #tpu.memory_space<hbm>>
        %dma_wait3A_299 = tpu.memref_squeeze %dma_wait3A_298 : memref<1x2x80xi32, #tpu.memory_space<hbm>> -> memref<2x80xi32, #tpu.memory_space<hbm>>
        %dma_wait3A_300 = arith.constant 0 : i32
        %dma_wait3A_301 = arith.constant 0 : i32
        %dma_wait3A_302 = tpu.memref_slice %arg3[%dma_wait3A_295, %dma_wait3A_300, %dma_wait3A_301] : memref<4000x2x80xi32, #tpu.memory_space<hbm>> -> memref<1x2x80xi32, #tpu.memory_space<hbm>>
        %dma_wait3A_303 = tpu.memref_squeeze %dma_wait3A_302 : memref<1x2x80xi32, #tpu.memory_space<hbm>> -> memref<2x80xi32, #tpu.memory_space<hbm>>
        tpu.wait_dma2 semaphore(%arg17 : memref<!tpu.dma_semaphore, #tpu.memory_space<semaphore_mem>>) src(%dma_wait3A_303 : memref<2x80xi32, #tpu.memory_space<hbm>>) dst(%arg8 : memref<2x80xi32, #tpu.memory_space<vmem>>)
        %dma_start3A_304 = arith.constant 0 : i32
        %dma_start3A_305 = tpu.memref_slice %arg8[%scan3A_125, %dma_start3A_304] : memref<2x80xi32, #tpu.memory_space<vmem>> -> memref<1x80xi32, #tpu.memory_space<vmem>>
        %dma_start3A_306 = tpu.memref_squeeze %dma_start3A_305 : memref<1x80xi32, #tpu.memory_space<vmem>> -> memref<80xi32, #tpu.memory_space<vmem>>
        %dma_start3A_307 = arith.constant 0 : i32
        %dma_start3A_308 = arith.constant 0 : i32
        %dma_start3A_309 = tpu.memref_slice %arg2[%dma_start3A_307, %dma_start3A_308] : memref<10000x128xf32, #tpu.memory_space<hbm>> -> memref<10000x128xf32, #tpu.memory_space<hbm>>
        tpu.enqueue_indirect_dma source(%dma_start3A_309 : memref<10000x128xf32, #tpu.memory_space<hbm>>) target(%arg12 : memref<80x128xf32, #tpu.memory_space<vmem>>) offsets(%dma_start3A_306 : memref<80xi32, #tpu.memory_space<vmem>>) semaphore(%arg21 : memref<!tpu.dma_semaphore, #tpu.memory_space<semaphore_mem>>)
      } else {
      }
    }
    %scan3A_130 = arith.constant 31 : i32
    %dma_wait3A_131 = arith.constant 0 : i32
    %dma_wait3A_132 = arith.constant 0 : i32
    %dma_wait3A_133 = tpu.memref_slice %arg2[%dma_wait3A_131, %dma_wait3A_132] : memref<10000x128xf32, #tpu.memory_space<hbm>> -> memref<80x128xf32, #tpu.memory_space<hbm>>
    %dma_wait3A_134 = arith.constant 0 : i32
    %dma_wait3A_135 = arith.constant 0 : i32
    %dma_wait3A_136 = tpu.memref_slice %arg2[%dma_wait3A_134, %dma_wait3A_135] : memref<10000x128xf32, #tpu.memory_space<hbm>> -> memref<80x128xf32, #tpu.memory_space<hbm>>
    tpu.wait_dma2 semaphore(%arg18 : memref<!tpu.dma_semaphore, #tpu.memory_space<semaphore_mem>>) src(%dma_wait3A_136 : memref<80x128xf32, #tpu.memory_space<hbm>>) dst(%arg9 : memref<80x128xf32, #tpu.memory_space<vmem>>)
    %run_scoped3A = arith.constant 1 : i32
    "tpu.region"() ({
      %run_scoped3A_148 = tpu.sem_alloc : memref<!tpu.dma_semaphore, #tpu.memory_space<semaphore_mem>>
      %dma_start3A_149 = arith.constant 0 : i32
      %dma_start3A_150 = tpu.memref_slice %arg5[%run_scoped3A, %dma_start3A_149] : memref<2x80xi32, #tpu.memory_space<vmem>> -> memref<1x80xi32, #tpu.memory_space<vmem>>
      %dma_start3A_151 = tpu.memref_squeeze %dma_start3A_150 : memref<1x80xi32, #tpu.memory_space<vmem>> -> memref<80xi32, #tpu.memory_space<vmem>>
      %dma_start3A_152 = arith.constant 0 : i32
      %dma_start3A_153 = arith.constant 0 : i32
      %dma_start3A_154 = tpu.memref_slice %arg13[%dma_start3A_152, %dma_start3A_153] : memref<10000x128xf32, #tpu.memory_space<vmem_shared>> -> memref<10000x128xf32, #tpu.memory_space<vmem_shared>>
      tpu.enqueue_indirect_dma source(%arg9 : memref<80x128xf32, #tpu.memory_space<vmem>>) target(%dma_start3A_154 : memref<10000x128xf32, #tpu.memory_space<vmem_shared>>) offsets(%dma_start3A_151 : memref<80xi32, #tpu.memory_space<vmem>>) semaphore(%run_scoped3A_148 : memref<!tpu.dma_semaphore, #tpu.memory_space<semaphore_mem>>) {add = true}
      %dma_wait3A_155 = arith.constant 0 : i32
      %dma_wait3A_156 = tpu.memref_slice %arg5[%run_scoped3A, %dma_wait3A_155] : memref<2x80xi32, #tpu.memory_space<vmem>> -> memref<1x80xi32, #tpu.memory_space<vmem>>
      %dma_wait3A_157 = tpu.memref_squeeze %dma_wait3A_156 : memref<1x80xi32, #tpu.memory_space<vmem>> -> memref<80xi32, #tpu.memory_space<vmem>>
      %dma_wait3A_158 = arith.constant 0 : i32
      %dma_wait3A_159 = arith.constant 0 : i32
      %dma_wait3A_160 = tpu.memref_slice %arg13[%dma_wait3A_158, %dma_wait3A_159] : memref<10000x128xf32, #tpu.memory_space<vmem_shared>> -> memref<10000x128xf32, #tpu.memory_space<vmem_shared>>
      tpu.wait_indirect_dma semaphore(%run_scoped3A_148 : memref<!tpu.dma_semaphore, #tpu.memory_space<semaphore_mem>>) src(%arg9 : memref<80x128xf32, #tpu.memory_space<vmem>>) dst(%dma_wait3A_160 : memref<10000x128xf32, #tpu.memory_space<vmem_shared>>)
      tpu.yield
    }) : () -> ()
    %barrier3A_137 = arith.constant 0 : index
    tpu.barrier barrier_id(%barrier3A_137)
    %lt3A_138 = arith.constant 15 : i32
    %lt3A_139 = arith.cmpi slt, %arg1, %lt3A_138 : i32
    %convert_element_type3A_140 = arith.extui %lt3A_139 : i1 to i32
    %cond3A_141 = arith.constant 0 : i32
    %cond3A_142 = arith.cmpi ne, %convert_element_type3A_140, %cond3A_141 : i32
    scf.if %cond3A_142 {
      %mul3A_148 = arith.constant 624 : i32
      %mul3A_149 = arith.muli %arg1, %mul3A_148 : i32
      %mul3A_150 = arith.constant 624 : i32
      %mul3A_151 = arith.muli %arg1, %mul3A_150 : i32
      "tpu.region"() ({
        %run_scoped3A_152 = tpu.sem_alloc : memref<!tpu.dma_semaphore, #tpu.memory_space<semaphore_mem>>
        %dma_start3A_153 = arith.constant 0 : i32
        %dma_start3A_154 = tpu.memref_slice %arg4[%arg0, %mul3A_151, %dma_start3A_153] : memref<2x10000x128xf32, #tpu.memory_space<hbm>> -> memref<1x624x128xf32, #tpu.memory_space<hbm>>
        %dma_start3A_155 = tpu.memref_squeeze %dma_start3A_154 : memref<1x624x128xf32, #tpu.memory_space<hbm>> -> memref<624x128xf32, #tpu.memory_space<hbm>>
        %dma_start3A_156 = arith.constant 0 : i32
        %dma_start3A_157 = tpu.memref_slice %arg13[%mul3A_149, %dma_start3A_156] : memref<10000x128xf32, #tpu.memory_space<vmem_shared>> -> memref<624x128xf32, #tpu.memory_space<vmem_shared>>
        tpu.enqueue_dma source(%dma_start3A_157 : memref<624x128xf32, #tpu.memory_space<vmem_shared>>) target(%dma_start3A_155 : memref<624x128xf32, #tpu.memory_space<hbm>>) target_semaphore(%run_scoped3A_152 : memref<!tpu.dma_semaphore, #tpu.memory_space<semaphore_mem>>)
        %dma_wait3A_158 = arith.constant 0 : i32
        %dma_wait3A_159 = tpu.memref_slice %arg4[%arg0, %mul3A_151, %dma_wait3A_158] : memref<2x10000x128xf32, #tpu.memory_space<hbm>> -> memref<1x624x128xf32, #tpu.memory_space<hbm>>
        %dma_wait3A_160 = tpu.memref_squeeze %dma_wait3A_159 : memref<1x624x128xf32, #tpu.memory_space<hbm>> -> memref<624x128xf32, #tpu.memory_space<hbm>>
        %dma_wait3A_161 = arith.constant 0 : i32
        %dma_wait3A_162 = tpu.memref_slice %arg13[%mul3A_149, %dma_wait3A_161] : memref<10000x128xf32, #tpu.memory_space<vmem_shared>> -> memref<624x128xf32, #tpu.memory_space<vmem_shared>>
        tpu.wait_dma2 semaphore(%run_scoped3A_152 : memref<!tpu.dma_semaphore, #tpu.memory_space<semaphore_mem>>) src(%dma_wait3A_162 : memref<624x128xf32, #tpu.memory_space<vmem_shared>>) dst(%dma_wait3A_160 : memref<624x128xf32, #tpu.memory_space<hbm>>)
        tpu.yield
      }) : () -> ()
    } else {
    }
    %eq3A_143 = arith.constant 15 : i32
    %eq3A_144 = arith.cmpi eq, %arg1, %eq3A_143 : i32
    %convert_element_type3A_145 = arith.extui %eq3A_144 : i1 to i32
    %cond3A_146 = arith.constant 0 : i32
    %cond3A_147 = arith.cmpi ne, %convert_element_type3A_145, %cond3A_146 : i32
    scf.if %cond3A_147 {
      "tpu.region"() ({
        %run_scoped3A_148 = tpu.sem_alloc : memref<!tpu.dma_semaphore, #tpu.memory_space<semaphore_mem>>
        %dma_start3A_149 = arith.constant 9360 : i32
        %dma_start3A_150 = arith.constant 0 : i32
        %dma_start3A_151 = tpu.memref_slice %arg4[%arg0, %dma_start3A_149, %dma_start3A_150] : memref<2x10000x128xf32, #tpu.memory_space<hbm>> -> memref<1x640x128xf32, #tpu.memory_space<hbm>>
        %dma_start3A_152 = tpu.memref_squeeze %dma_start3A_151 : memref<1x640x128xf32, #tpu.memory_space<hbm>> -> memref<640x128xf32, #tpu.memory_space<hbm>>
        %dma_start3A_153 = arith.constant 9360 : i32
        %dma_start3A_154 = arith.constant 0 : i32
        %dma_start3A_155 = tpu.memref_slice %arg13[%dma_start3A_153, %dma_start3A_154] : memref<10000x128xf32, #tpu.memory_space<vmem_shared>> -> memref<640x128xf32, #tpu.memory_space<vmem_shared>>
        tpu.enqueue_dma source(%dma_start3A_155 : memref<640x128xf32, #tpu.memory_space<vmem_shared>>) target(%dma_start3A_152 : memref<640x128xf32, #tpu.memory_space<hbm>>) target_semaphore(%run_scoped3A_148 : memref<!tpu.dma_semaphore, #tpu.memory_space<semaphore_mem>>)
        %dma_wait3A_156 = arith.constant 9360 : i32
        %dma_wait3A_157 = arith.constant 0 : i32
        %dma_wait3A_158 = tpu.memref_slice %arg4[%arg0, %dma_wait3A_156, %dma_wait3A_157] : memref<2x10000x128xf32, #tpu.memory_space<hbm>> -> memref<1x640x128xf32, #tpu.memory_space<hbm>>
        %dma_wait3A_159 = tpu.memref_squeeze %dma_wait3A_158 : memref<1x640x128xf32, #tpu.memory_space<hbm>> -> memref<640x128xf32, #tpu.memory_space<hbm>>
        %dma_wait3A_160 = arith.constant 9360 : i32
        %dma_wait3A_161 = arith.constant 0 : i32
        %dma_wait3A_162 = tpu.memref_slice %arg13[%dma_wait3A_160, %dma_wait3A_161] : memref<10000x128xf32, #tpu.memory_space<vmem_shared>> -> memref<640x128xf32, #tpu.memory_space<vmem_shared>>
        tpu.wait_dma2 semaphore(%run_scoped3A_148 : memref<!tpu.dma_semaphore, #tpu.memory_space<semaphore_mem>>) src(%dma_wait3A_162 : memref<640x128xf32, #tpu.memory_space<vmem_shared>>) dst(%dma_wait3A_159 : memref<640x128xf32, #tpu.memory_space<hbm>>)
        tpu.yield
      }) : () -> ()
    } else {
    }
    return
  }
}

#map = affine_map<(d0, d1) -> (0, 0)>
#map1 = affine_map<(d0, d1) -> (0)>
module attributes {stable_mosaic.version = 14 : i64} {
  func.func @gather_kernel(%arg0: i32, %arg1: i32, %arg2: memref<10000x128xf32, #tpu.memory_space<hbm>>, %arg3: memref<1280xi32, #tpu.memory_space<hbm>>, %arg4: memref<1280xi32, #tpu.memory_space<hbm>>, %arg5: memref<1280x128xf32, #tpu.memory_space<hbm>>, %arg6: memref<1280x128xf32, #tpu.memory_space<hbm>>, %arg7: memref<40xi32, #tpu.memory_space<vmem>>, %arg8: memref<40x128xf32, #tpu.memory_space<vmem>>, %arg9: memref<!tpu.dma_semaphore, #tpu.memory_space<semaphore_mem>>) attributes {dimension_semantics = [#tpu.dimension_semantics<core_parallel>, #tpu.dimension_semantics<subcore_parallel>], iteration_bounds = array<i64: 2, 16>, scalar_prefetch = 0 : i64, scratch_operands = 3 : i64, tpu.core_type = #tpu.core_type<sc_vector_subcore>, window_params = [{transform_indices = #map}, {transform_indices = #map1}, {transform_indices = #map1}, {transform_indices = #map}, {transform_indices = #map}]} {
    %mul3A = arith.constant 16 : i32
    %mul3A_0 = arith.muli %arg0, %mul3A : i32
    %add3A = arith.addi %mul3A_0, %arg1 : i32
    %mul3A_1 = arith.constant 40 : i32
    %mul3A_2 = arith.muli %add3A, %mul3A_1 : i32
    "tpu.region"() ({
      %run_scoped3A = tpu.sem_alloc : memref<!tpu.dma_semaphore, #tpu.memory_space<semaphore_mem>>
      %dma_start3A_13 = tpu.memref_slice %arg3[%mul3A_2] : memref<1280xi32, #tpu.memory_space<hbm>> -> memref<40xi32, #tpu.memory_space<hbm>>
      %dma_start3A_14 = tpu.memref_slice %arg3[%mul3A_2] : memref<1280xi32, #tpu.memory_space<hbm>> -> memref<40xi32, #tpu.memory_space<hbm>>
      tpu.enqueue_dma source(%dma_start3A_14 : memref<40xi32, #tpu.memory_space<hbm>>) target(%arg7 : memref<40xi32, #tpu.memory_space<vmem>>) target_semaphore(%run_scoped3A : memref<!tpu.dma_semaphore, #tpu.memory_space<semaphore_mem>>)
      %dma_wait3A_15 = tpu.memref_slice %arg3[%mul3A_2] : memref<1280xi32, #tpu.memory_space<hbm>> -> memref<40xi32, #tpu.memory_space<hbm>>
      %dma_wait3A_16 = tpu.memref_slice %arg3[%mul3A_2] : memref<1280xi32, #tpu.memory_space<hbm>> -> memref<40xi32, #tpu.memory_space<hbm>>
      tpu.wait_dma2 semaphore(%run_scoped3A : memref<!tpu.dma_semaphore, #tpu.memory_space<semaphore_mem>>) src(%dma_wait3A_16 : memref<40xi32, #tpu.memory_space<hbm>>) dst(%arg7 : memref<40xi32, #tpu.memory_space<vmem>>)
      tpu.yield
    }) : () -> ()
    %dma_start3A = arith.constant 0 : i32
    %dma_start3A_3 = arith.constant 0 : i32
    %dma_start3A_4 = tpu.memref_slice %arg2[%dma_start3A, %dma_start3A_3] : memref<10000x128xf32, #tpu.memory_space<hbm>> -> memref<10000x128xf32, #tpu.memory_space<hbm>>
    tpu.enqueue_indirect_dma source(%dma_start3A_4 : memref<10000x128xf32, #tpu.memory_space<hbm>>) target(%arg8 : memref<40x128xf32, #tpu.memory_space<vmem>>) offsets(%arg7 : memref<40xi32, #tpu.memory_space<vmem>>) semaphore(%arg9 : memref<!tpu.dma_semaphore, #tpu.memory_space<semaphore_mem>>)
    %dma_wait3A = arith.constant 0 : i32
    %dma_wait3A_5 = arith.constant 0 : i32
    %dma_wait3A_6 = tpu.memref_slice %arg2[%dma_wait3A, %dma_wait3A_5] : memref<10000x128xf32, #tpu.memory_space<hbm>> -> memref<10000x128xf32, #tpu.memory_space<hbm>>
    tpu.wait_indirect_dma semaphore(%arg9 : memref<!tpu.dma_semaphore, #tpu.memory_space<semaphore_mem>>) src(%dma_wait3A_6 : memref<10000x128xf32, #tpu.memory_space<hbm>>) dst(%arg8 : memref<40x128xf32, #tpu.memory_space<vmem>>)
    "tpu.region"() ({
      %run_scoped3A = tpu.sem_alloc : memref<!tpu.dma_semaphore, #tpu.memory_space<semaphore_mem>>
      %dma_start3A_13 = arith.constant 0 : i32
      %dma_start3A_14 = tpu.memref_slice %arg5[%mul3A_2, %dma_start3A_13] : memref<1280x128xf32, #tpu.memory_space<hbm>> -> memref<40x128xf32, #tpu.memory_space<hbm>>
      %dma_start3A_15 = arith.constant 0 : i32
      %dma_start3A_16 = tpu.memref_slice %arg5[%mul3A_2, %dma_start3A_15] : memref<1280x128xf32, #tpu.memory_space<hbm>> -> memref<40x128xf32, #tpu.memory_space<hbm>>
      tpu.enqueue_dma source(%arg8 : memref<40x128xf32, #tpu.memory_space<vmem>>) target(%dma_start3A_16 : memref<40x128xf32, #tpu.memory_space<hbm>>) target_semaphore(%run_scoped3A : memref<!tpu.dma_semaphore, #tpu.memory_space<semaphore_mem>>)
      %dma_wait3A_17 = arith.constant 0 : i32
      %dma_wait3A_18 = tpu.memref_slice %arg5[%mul3A_2, %dma_wait3A_17] : memref<1280x128xf32, #tpu.memory_space<hbm>> -> memref<40x128xf32, #tpu.memory_space<hbm>>
      %dma_wait3A_19 = arith.constant 0 : i32
      %dma_wait3A_20 = tpu.memref_slice %arg5[%mul3A_2, %dma_wait3A_19] : memref<1280x128xf32, #tpu.memory_space<hbm>> -> memref<40x128xf32, #tpu.memory_space<hbm>>
      tpu.wait_dma2 semaphore(%run_scoped3A : memref<!tpu.dma_semaphore, #tpu.memory_space<semaphore_mem>>) src(%arg8 : memref<40x128xf32, #tpu.memory_space<vmem>>) dst(%dma_wait3A_20 : memref<40x128xf32, #tpu.memory_space<hbm>>)
      tpu.yield
    }) : () -> ()
    "tpu.region"() ({
      %run_scoped3A = tpu.sem_alloc : memref<!tpu.dma_semaphore, #tpu.memory_space<semaphore_mem>>
      %dma_start3A_13 = tpu.memref_slice %arg4[%mul3A_2] : memref<1280xi32, #tpu.memory_space<hbm>> -> memref<40xi32, #tpu.memory_space<hbm>>
      %dma_start3A_14 = tpu.memref_slice %arg4[%mul3A_2] : memref<1280xi32, #tpu.memory_space<hbm>> -> memref<40xi32, #tpu.memory_space<hbm>>
      tpu.enqueue_dma source(%dma_start3A_14 : memref<40xi32, #tpu.memory_space<hbm>>) target(%arg7 : memref<40xi32, #tpu.memory_space<vmem>>) target_semaphore(%run_scoped3A : memref<!tpu.dma_semaphore, #tpu.memory_space<semaphore_mem>>)
      %dma_wait3A_15 = tpu.memref_slice %arg4[%mul3A_2] : memref<1280xi32, #tpu.memory_space<hbm>> -> memref<40xi32, #tpu.memory_space<hbm>>
      %dma_wait3A_16 = tpu.memref_slice %arg4[%mul3A_2] : memref<1280xi32, #tpu.memory_space<hbm>> -> memref<40xi32, #tpu.memory_space<hbm>>
      tpu.wait_dma2 semaphore(%run_scoped3A : memref<!tpu.dma_semaphore, #tpu.memory_space<semaphore_mem>>) src(%dma_wait3A_16 : memref<40xi32, #tpu.memory_space<hbm>>) dst(%arg7 : memref<40xi32, #tpu.memory_space<vmem>>)
      tpu.yield
    }) : () -> ()
    %dma_start3A_7 = arith.constant 0 : i32
    %dma_start3A_8 = arith.constant 0 : i32
    %dma_start3A_9 = tpu.memref_slice %arg2[%dma_start3A_7, %dma_start3A_8] : memref<10000x128xf32, #tpu.memory_space<hbm>> -> memref<10000x128xf32, #tpu.memory_space<hbm>>
    tpu.enqueue_indirect_dma source(%dma_start3A_9 : memref<10000x128xf32, #tpu.memory_space<hbm>>) target(%arg8 : memref<40x128xf32, #tpu.memory_space<vmem>>) offsets(%arg7 : memref<40xi32, #tpu.memory_space<vmem>>) semaphore(%arg9 : memref<!tpu.dma_semaphore, #tpu.memory_space<semaphore_mem>>)
    %dma_wait3A_10 = arith.constant 0 : i32
    %dma_wait3A_11 = arith.constant 0 : i32
    %dma_wait3A_12 = tpu.memref_slice %arg2[%dma_wait3A_10, %dma_wait3A_11] : memref<10000x128xf32, #tpu.memory_space<hbm>> -> memref<10000x128xf32, #tpu.memory_space<hbm>>
    tpu.wait_indirect_dma semaphore(%arg9 : memref<!tpu.dma_semaphore, #tpu.memory_space<semaphore_mem>>) src(%dma_wait3A_12 : memref<10000x128xf32, #tpu.memory_space<hbm>>) dst(%arg8 : memref<40x128xf32, #tpu.memory_space<vmem>>)
    "tpu.region"() ({
      %run_scoped3A = tpu.sem_alloc : memref<!tpu.dma_semaphore, #tpu.memory_space<semaphore_mem>>
      %dma_start3A_13 = arith.constant 0 : i32
      %dma_start3A_14 = tpu.memref_slice %arg6[%mul3A_2, %dma_start3A_13] : memref<1280x128xf32, #tpu.memory_space<hbm>> -> memref<40x128xf32, #tpu.memory_space<hbm>>
      %dma_start3A_15 = arith.constant 0 : i32
      %dma_start3A_16 = tpu.memref_slice %arg6[%mul3A_2, %dma_start3A_15] : memref<1280x128xf32, #tpu.memory_space<hbm>> -> memref<40x128xf32, #tpu.memory_space<hbm>>
      tpu.enqueue_dma source(%arg8 : memref<40x128xf32, #tpu.memory_space<vmem>>) target(%dma_start3A_16 : memref<40x128xf32, #tpu.memory_space<hbm>>) target_semaphore(%run_scoped3A : memref<!tpu.dma_semaphore, #tpu.memory_space<semaphore_mem>>)
      %dma_wait3A_17 = arith.constant 0 : i32
      %dma_wait3A_18 = tpu.memref_slice %arg6[%mul3A_2, %dma_wait3A_17] : memref<1280x128xf32, #tpu.memory_space<hbm>> -> memref<40x128xf32, #tpu.memory_space<hbm>>
      %dma_wait3A_19 = arith.constant 0 : i32
      %dma_wait3A_20 = tpu.memref_slice %arg6[%mul3A_2, %dma_wait3A_19] : memref<1280x128xf32, #tpu.memory_space<hbm>> -> memref<40x128xf32, #tpu.memory_space<hbm>>
      tpu.wait_dma2 semaphore(%run_scoped3A : memref<!tpu.dma_semaphore, #tpu.memory_space<semaphore_mem>>) src(%arg8 : memref<40x128xf32, #tpu.memory_space<vmem>>) dst(%dma_wait3A_20 : memref<40x128xf32, #tpu.memory_space<hbm>>)
      tpu.yield
    }) : () -> ()
    return
  }
}

module attributes {stable_mosaic.version = 14 : i64} {
  func.func @body(%arg0: i32, %arg1: memref<2000x128xf32, #tpu.memory_space<vmem>>, %arg2: memref<2x2000x128xf32, #tpu.memory_space<vmem>>, %arg3: memref<128x128xf32, #tpu.memory_space<vmem>>, %arg4: memref<1x128xf32, #tpu.memory_space<vmem>>, %arg5: memref<128x128xf32, #tpu.memory_space<vmem>>, %arg6: memref<1x128xf32, #tpu.memory_space<vmem>>, %arg7: memref<2000x128xf32, #tpu.memory_space<vmem>>) attributes {dimension_semantics = [#tpu.dimension_semantics<arbitrary>], iteration_bounds = array<i64: 5>, scalar_prefetch = 0 : i64, scratch_operands = 0 : i64, tpu.core_type = #tpu.core_type<tc>, window_params = [{transform_indices = @transform_0, window_bounds = array<i64: 2000, 128>}, {transform_indices = @transform_1, window_bounds = array<i64: 2, 2000, 128>}, {pipeline_mode = #tpu.pipeline_mode<synchronous>, transform_indices = @transform_2, window_bounds = array<i64: 128, 128>}, {pipeline_mode = #tpu.pipeline_mode<synchronous>, transform_indices = @transform_3, window_bounds = array<i64: 1, 128>}, {pipeline_mode = #tpu.pipeline_mode<synchronous>, transform_indices = @transform_4, window_bounds = array<i64: 128, 128>}, {pipeline_mode = #tpu.pipeline_mode<synchronous>, transform_indices = @transform_5, window_bounds = array<i64: 1, 128>}, {transform_indices = @transform_6, window_bounds = array<i64: 2000, 128>}]} {
    %get3A = arith.constant 0 : index
    %get3A_0 = arith.constant 0 : index
    %get3A_1 = vector.load %arg1[%get3A, %get3A_0] : memref<2000x128xf32, #tpu.memory_space<vmem>>, vector<2000x128xf32>
    %get3A_2 = arith.constant 0 : index
    %get3A_3 = arith.constant 0 : index
    %get3A_4 = arith.constant 0 : index
    %get3A_5 = vector.load %arg2[%get3A_2, %get3A_3, %get3A_4] : memref<2x2000x128xf32, #tpu.memory_space<vmem>>, vector<1x2000x128xf32>
    %get3A_6 = vector.shape_cast %get3A_5 : vector<1x2000x128xf32> to vector<2000x128xf32>
    %add3A = arith.addf %get3A_1, %get3A_6 : vector<2000x128xf32>
    %get3A_7 = arith.constant 1 : index
    %get3A_8 = arith.constant 0 : index
    %get3A_9 = arith.constant 0 : index
    %get3A_10 = vector.load %arg2[%get3A_7, %get3A_8, %get3A_9] : memref<2x2000x128xf32, #tpu.memory_space<vmem>>, vector<1x2000x128xf32>
    %get3A_11 = vector.shape_cast %get3A_10 : vector<1x2000x128xf32> to vector<2000x128xf32>
    %add3A_12 = arith.addf %add3A, %get3A_11 : vector<2000x128xf32>
    %convert_element_type3A = arith.truncf %add3A_12 : vector<2000x128xf32> to vector<2000x128xbf16>
    %convert_element_type3A_13 = arith.extf %convert_element_type3A : vector<2000x128xbf16> to vector<2000x128xf32>
    %get3A_14 = arith.constant 0 : index
    %get3A_15 = arith.constant 0 : index
    %get3A_16 = vector.load %arg3[%get3A_14, %get3A_15] : memref<128x128xf32, #tpu.memory_space<vmem>>, vector<128x128xf32>
    %dot_general3A = arith.constant dense<0.000000e+00> : vector<2000x128xf32>
    %dot_general3A_17 = tpu.matmul %convert_element_type3A_13, %get3A_16, %dot_general3A {dimension_numbers = #tpu.dot_dimension_numbers<[1], [0], [0], [1], [0, 0, 1, 1], [], []>, transpose_lhs_hint = false} : vector<2000x128xf32>, vector<128x128xf32>, vector<2000x128xf32> -> vector<2000x128xf32>
    %get3A_18 = arith.constant 0 : index
    %get3A_19 = arith.constant 0 : index
    %get3A_20 = vector.load %arg4[%get3A_18, %get3A_19] : memref<1x128xf32, #tpu.memory_space<vmem>>, vector<1x128xf32>
    %add3A_21 = vector.broadcast %get3A_20 : vector<1x128xf32> to vector<2000x128xf32>
    %add3A_22 = arith.addf %dot_general3A_17, %add3A_21 : vector<2000x128xf32>
    %max3A = arith.constant 0.000000e+00 : f32
    %max3A_23 = vector.broadcast %max3A : f32 to vector<2000x128xf32>
    %max3A_24 = arith.maximumf %add3A_22, %max3A_23 : vector<2000x128xf32>
    %convert_element_type3A_25 = arith.truncf %max3A_24 : vector<2000x128xf32> to vector<2000x128xbf16>
    %convert_element_type3A_26 = arith.extf %convert_element_type3A_25 : vector<2000x128xbf16> to vector<2000x128xf32>
    %get3A_27 = arith.constant 0 : index
    %get3A_28 = arith.constant 0 : index
    %get3A_29 = vector.load %arg5[%get3A_27, %get3A_28] : memref<128x128xf32, #tpu.memory_space<vmem>>, vector<128x128xf32>
    %dot_general3A_30 = arith.constant dense<0.000000e+00> : vector<2000x128xf32>
    %dot_general3A_31 = tpu.matmul %convert_element_type3A_26, %get3A_29, %dot_general3A_30 {dimension_numbers = #tpu.dot_dimension_numbers<[1], [0], [0], [1], [0, 0, 1, 1], [], []>, transpose_lhs_hint = false} : vector<2000x128xf32>, vector<128x128xf32>, vector<2000x128xf32> -> vector<2000x128xf32>
    %get3A_32 = arith.constant 0 : index
    %get3A_33 = arith.constant 0 : index
    %get3A_34 = vector.load %arg6[%get3A_32, %get3A_33] : memref<1x128xf32, #tpu.memory_space<vmem>>, vector<1x128xf32>
    %add3A_35 = vector.broadcast %get3A_34 : vector<1x128xf32> to vector<2000x128xf32>
    %add3A_36 = arith.addf %dot_general3A_31, %add3A_35 : vector<2000x128xf32>
    %swap3A = arith.constant 0 : index
    %swap3A_37 = arith.constant 0 : index
    %swap3A_38 = vector.load %arg7[%swap3A, %swap3A_37] : memref<2000x128xf32, #tpu.memory_space<vmem>>, vector<2000x128xf32>
    tpu.vector_store %arg7[%swap3A, %swap3A_37], %add3A_36 {strides = array<i32>} : memref<2000x128xf32, #tpu.memory_space<vmem>>, vector<2000x128xf32>,
    return
  }
  func.func @transform_0(%arg0: i32) -> (i32, i32) {
    %c0_i32 = arith.constant 0 : i32
    %c0_i32_0 = arith.constant 0 : i32
    return %arg0, %c0_i32 : i32, i32
  }
  func.func @transform_1(%arg0: i32) -> (i32, i32, i32) {
    %c0_i32 = arith.constant 0 : i32
    %c0_i32_0 = arith.constant 0 : i32
    %c0_i32_1 = arith.constant 0 : i32
    return %c0_i32, %arg0, %c0_i32_0 : i32, i32, i32
  }
  func.func @transform_2(%arg0: i32) -> (i32, i32) {
    %c0_i32 = arith.constant 0 : i32
    %c0_i32_0 = arith.constant 0 : i32
    %c0_i32_1 = arith.constant 0 : i32
    return %c0_i32, %c0_i32_0 : i32, i32
  }
  func.func @transform_3(%arg0: i32) -> (i32, i32) {
    %c0_i32 = arith.constant 0 : i32
    %c0_i32_0 = arith.constant 0 : i32
    %c0_i32_1 = arith.constant 0 : i32
    return %c0_i32, %c0_i32_0 : i32, i32
  }
  func.func @transform_4(%arg0: i32) -> (i32, i32) {
    %c0_i32 = arith.constant 0 : i32
    %c0_i32_0 = arith.constant 0 : i32
    %c0_i32_1 = arith.constant 0 : i32
    return %c0_i32, %c0_i32_0 : i32, i32
  }
  func.func @transform_5(%arg0: i32) -> (i32, i32) {
    %c0_i32 = arith.constant 0 : i32
    %c0_i32_0 = arith.constant 0 : i32
    %c0_i32_1 = arith.constant 0 : i32
    return %c0_i32, %c0_i32_0 : i32, i32
  }
  func.func @transform_6(%arg0: i32) -> (i32, i32) {
    %c0_i32 = arith.constant 0 : i32
    %c0_i32_0 = arith.constant 0 : i32
    return %arg0, %c0_i32 : i32, i32
  }
}

module attributes {stable_mosaic.version = 14 : i64} {
  func.func @body(%arg0: memref<1024x128xf32, #tpu.memory_space<vmem>>, %arg1: memref<1024x128xf32, #tpu.memory_space<vmem>>, %arg2: memref<1x128xf32, #tpu.memory_space<vmem>>, %arg3: memref<1x128xf32, #tpu.memory_space<vmem>>, %arg4: memref<1x128xf32, #tpu.memory_space<vmem>>, %arg5: memref<640x128xf32, #tpu.memory_space<vmem>>, %arg6: memref<1x128xf32, #tpu.memory_space<vmem>>, %arg7: memref<128x1xf32, #tpu.memory_space<vmem>>, %arg8: memref<1x1xf32, #tpu.memory_space<vmem>>, %arg9: memref<1x128xf32, #tpu.memory_space<vmem>>, %arg10: memref<1x128xf32, #tpu.memory_space<vmem>>, %arg11: memref<128x128xf32, #tpu.memory_space<vmem>>, %arg12: memref<1x128xf32, #tpu.memory_space<vmem>>, %arg13: memref<1024x1xf32, #tpu.memory_space<vmem>>) attributes {dimension_semantics = [], scalar_prefetch = 0 : i64, scratch_operands = 0 : i64, tpu.core_type = #tpu.core_type<tc>} {
    %get3A = arith.constant 0 : index
    %get3A_0 = arith.constant 0 : index
    %get3A_1 = vector.load %arg5[%get3A, %get3A_0] : memref<640x128xf32, #tpu.memory_space<vmem>>, vector<640x128xf32>
    %get3A_2 = arith.constant 0 : index
    %get3A_3 = arith.constant 0 : index
    %get3A_4 = vector.load %arg0[%get3A_2, %get3A_3] : memref<1024x128xf32, #tpu.memory_space<vmem>>, vector<1024x128xf32>
    %get3A_5 = arith.constant 0 : index
    %get3A_6 = arith.constant 0 : index
    %get3A_7 = vector.load %arg1[%get3A_5, %get3A_6] : memref<1024x128xf32, #tpu.memory_space<vmem>>, vector<1024x128xf32>
    %add3A = arith.addf %get3A_4, %get3A_7 : vector<1024x128xf32>
    %convert_element_type3A = arith.truncf %add3A : vector<1024x128xf32> to vector<1024x128xbf16>
    %convert_element_type3A_8 = arith.extf %convert_element_type3A : vector<1024x128xbf16> to vector<1024x128xf32>
    %get3A_9 = arith.constant 0 : index
    %get3A_10 = arith.constant 0 : index
    %get3A_11 = vector.load %arg0[%get3A_9, %get3A_10] : memref<1024x128xf32, #tpu.memory_space<vmem>>, vector<1024x128xf32>
    %get3A_12 = arith.constant 0 : index
    %get3A_13 = arith.constant 0 : index
    %get3A_14 = vector.load %arg1[%get3A_12, %get3A_13] : memref<1024x128xf32, #tpu.memory_space<vmem>>, vector<1024x128xf32>
    %sub3A = arith.subf %get3A_11, %get3A_14 : vector<1024x128xf32>
    %abs3A = math.absf %sub3A : vector<1024x128xf32>
    %convert_element_type3A_15 = arith.truncf %abs3A : vector<1024x128xf32> to vector<1024x128xbf16>
    %convert_element_type3A_16 = arith.extf %convert_element_type3A_15 : vector<1024x128xbf16> to vector<1024x128xf32>
    %get3A_17 = arith.constant 0 : index
    %get3A_18 = arith.constant 0 : index
    %get3A_19 = vector.load %arg2[%get3A_17, %get3A_18] : memref<1x128xf32, #tpu.memory_space<vmem>>, vector<1x128xf32>
    %get3A_20 = arith.constant 0 : index
    %get3A_21 = arith.constant 0 : index
    %get3A_22 = vector.load %arg3[%get3A_20, %get3A_21] : memref<1x128xf32, #tpu.memory_space<vmem>>, vector<1x128xf32>
    %add3A_23 = arith.addf %get3A_19, %get3A_22 : vector<1x128xf32>
    %convert_element_type3A_24 = arith.truncf %add3A_23 : vector<1x128xf32> to vector<1x128xbf16>
    %convert_element_type3A_25 = arith.extf %convert_element_type3A_24 : vector<1x128xbf16> to vector<1x128xf32>
    %get3A_26 = arith.constant 0 : index
    %get3A_27 = arith.constant 0 : index
    %get3A_28 = vector.load %arg2[%get3A_26, %get3A_27] : memref<1x128xf32, #tpu.memory_space<vmem>>, vector<1x128xf32>
    %get3A_29 = arith.constant 0 : index
    %get3A_30 = arith.constant 0 : index
    %get3A_31 = vector.load %arg3[%get3A_29, %get3A_30] : memref<1x128xf32, #tpu.memory_space<vmem>>, vector<1x128xf32>
    %sub3A_32 = arith.subf %get3A_28, %get3A_31 : vector<1x128xf32>
    %abs3A_33 = math.absf %sub3A_32 : vector<1x128xf32>
    %convert_element_type3A_34 = arith.truncf %abs3A_33 : vector<1x128xf32> to vector<1x128xbf16>
    %convert_element_type3A_35 = arith.extf %convert_element_type3A_34 : vector<1x128xbf16> to vector<1x128xf32>
    %get3A_36 = arith.constant 0 : index
    %get3A_37 = arith.constant 0 : index
    %get3A_38 = vector.load %arg4[%get3A_36, %get3A_37] : memref<1x128xf32, #tpu.memory_space<vmem>>, vector<1x128xf32>
    %get3A_39 = arith.constant 0 : index
    %get3A_40 = arith.constant 0 : index
    %get3A_41 = vector.load %arg9[%get3A_39, %get3A_40] : memref<1x128xf32, #tpu.memory_space<vmem>>, vector<1x128xf32>
    %mul3A = arith.mulf %get3A_38, %get3A_41 : vector<1x128xf32>
    %get3A_42 = arith.constant 0 : index
    %get3A_43 = arith.constant 0 : index
    %get3A_44 = vector.load %arg10[%get3A_42, %get3A_43] : memref<1x128xf32, #tpu.memory_space<vmem>>, vector<1x128xf32>
    %add3A_45 = arith.addf %mul3A, %get3A_44 : vector<1x128xf32>
    %max3A = arith.constant 0.000000e+00 : f32
    %max3A_46 = vector.broadcast %max3A : f32 to vector<1x128xf32>
    %max3A_47 = arith.maximumf %add3A_45, %max3A_46 : vector<1x128xf32>
    %convert_element_type3A_48 = arith.truncf %max3A_47 : vector<1x128xf32> to vector<1x128xbf16>
    %convert_element_type3A_49 = arith.extf %convert_element_type3A_48 : vector<1x128xbf16> to vector<1x128xf32>
    %get3A_50 = arith.constant 0 : index
    %get3A_51 = arith.constant 0 : index
    %get3A_52 = vector.load %arg11[%get3A_50, %get3A_51] : memref<128x128xf32, #tpu.memory_space<vmem>>, vector<128x128xf32>
    %dot_general3A = arith.constant dense<0.000000e+00> : vector<1x128xf32>
    %dot_general3A_53 = tpu.matmul %convert_element_type3A_49, %get3A_52, %dot_general3A {dimension_numbers = #tpu.dot_dimension_numbers<[1], [0], [0], [1], [0, 0, 1, 1], [], []>, transpose_lhs_hint = false} : vector<1x128xf32>, vector<128x128xf32>, vector<1x128xf32> -> vector<1x128xf32>
    %get3A_54 = arith.constant 0 : index
    %get3A_55 = arith.constant 0 : index
    %get3A_56 = vector.load %arg12[%get3A_54, %get3A_55] : memref<1x128xf32, #tpu.memory_space<vmem>>, vector<1x128xf32>
    %add3A_57 = arith.addf %dot_general3A_53, %get3A_56 : vector<1x128xf32>
    %convert_element_type3A_58 = arith.truncf %add3A_57 : vector<1x128xf32> to vector<1x128xbf16>
    %convert_element_type3A_59 = arith.extf %convert_element_type3A_58 : vector<1x128xbf16> to vector<1x128xf32>
    %slice3A = vector.extract_strided_slice %get3A_1 {offsets = [0, 0], sizes = [128, 128], strides = [1, 1]} : vector<640x128xf32> to vector<128x128xf32>
    %dot_general3A_60 = arith.constant dense<0.000000e+00> : vector<1x128xf32>
    %dot_general3A_61 = tpu.matmul %convert_element_type3A_25, %slice3A, %dot_general3A_60 {dimension_numbers = #tpu.dot_dimension_numbers<[1], [0], [0], [1], [0, 0, 1, 1], [], []>, transpose_lhs_hint = false} : vector<1x128xf32>, vector<128x128xf32>, vector<1x128xf32> -> vector<1x128xf32>
    %slice3A_62 = vector.extract_strided_slice %get3A_1 {offsets = [128, 0], sizes = [128, 128], strides = [1, 1]} : vector<640x128xf32> to vector<128x128xf32>
    %dot_general3A_63 = arith.constant dense<0.000000e+00> : vector<1x128xf32>
    %dot_general3A_64 = tpu.matmul %convert_element_type3A_35, %slice3A_62, %dot_general3A_63 {dimension_numbers = #tpu.dot_dimension_numbers<[1], [0], [0], [1], [0, 0, 1, 1], [], []>, transpose_lhs_hint = false} : vector<1x128xf32>, vector<128x128xf32>, vector<1x128xf32> -> vector<1x128xf32>
    %add3A_65 = arith.addf %dot_general3A_61, %dot_general3A_64 : vector<1x128xf32>
    %slice3A_66 = vector.extract_strided_slice %get3A_1 {offsets = [512, 0], sizes = [128, 128], strides = [1, 1]} : vector<640x128xf32> to vector<128x128xf32>
    %dot_general3A_67 = arith.constant dense<0.000000e+00> : vector<1x128xf32>
    %dot_general3A_68 = tpu.matmul %convert_element_type3A_59, %slice3A_66, %dot_general3A_67 {dimension_numbers = #tpu.dot_dimension_numbers<[1], [0], [0], [1], [0, 0, 1, 1], [], []>, transpose_lhs_hint = false} : vector<1x128xf32>, vector<128x128xf32>, vector<1x128xf32> -> vector<1x128xf32>
    %add3A_69 = arith.addf %add3A_65, %dot_general3A_68 : vector<1x128xf32>
    %get3A_70 = arith.constant 0 : index
    %get3A_71 = arith.constant 0 : index
    %get3A_72 = vector.load %arg6[%get3A_70, %get3A_71] : memref<1x128xf32, #tpu.memory_space<vmem>>, vector<1x128xf32>
    %add3A_73 = arith.addf %add3A_69, %get3A_72 : vector<1x128xf32>
    %slice3A_74 = vector.extract_strided_slice %get3A_1 {offsets = [256, 0], sizes = [128, 128], strides = [1, 1]} : vector<640x128xf32> to vector<128x128xf32>
    %dot_general3A_75 = arith.constant dense<0.000000e+00> : vector<1024x128xf32>
    %dot_general3A_76 = tpu.matmul %convert_element_type3A_8, %slice3A_74, %dot_general3A_75 {dimension_numbers = #tpu.dot_dimension_numbers<[1], [0], [0], [1], [0, 0, 1, 1], [], []>, transpose_lhs_hint = false} : vector<1024x128xf32>, vector<128x128xf32>, vector<1024x128xf32> -> vector<1024x128xf32>
    %slice3A_77 = vector.extract_strided_slice %get3A_1 {offsets = [384, 0], sizes = [128, 128], strides = [1, 1]} : vector<640x128xf32> to vector<128x128xf32>
    %dot_general3A_78 = arith.constant dense<0.000000e+00> : vector<1024x128xf32>
    %dot_general3A_79 = tpu.matmul %convert_element_type3A_16, %slice3A_77, %dot_general3A_78 {dimension_numbers = #tpu.dot_dimension_numbers<[1], [0], [0], [1], [0, 0, 1, 1], [], []>, transpose_lhs_hint = false} : vector<1024x128xf32>, vector<128x128xf32>, vector<1024x128xf32> -> vector<1024x128xf32>
    %add3A_80 = arith.addf %dot_general3A_76, %dot_general3A_79 : vector<1024x128xf32>
    %add3A_81 = vector.broadcast %add3A_73 : vector<1x128xf32> to vector<1024x128xf32>
    %add3A_82 = arith.addf %add3A_80, %add3A_81 : vector<1024x128xf32>
    %max3A_83 = arith.constant 0.000000e+00 : f32
    %max3A_84 = vector.broadcast %max3A_83 : f32 to vector<1024x128xf32>
    %max3A_85 = arith.maximumf %add3A_82, %max3A_84 : vector<1024x128xf32>
    %convert_element_type3A_86 = arith.truncf %max3A_85 : vector<1024x128xf32> to vector<1024x128xbf16>
    %convert_element_type3A_87 = arith.extf %convert_element_type3A_86 : vector<1024x128xbf16> to vector<1024x128xf32>
    %get3A_88 = arith.constant 0 : index
    %get3A_89 = arith.constant 0 : index
    %get3A_90 = vector.load %arg7[%get3A_88, %get3A_89] : memref<128x1xf32, #tpu.memory_space<vmem>>, vector<128x1xf32>
    %dot_general3A_91 = arith.constant dense<0.000000e+00> : vector<1024x1xf32>
    %dot_general3A_92 = tpu.matmul %convert_element_type3A_87, %get3A_90, %dot_general3A_91 {dimension_numbers = #tpu.dot_dimension_numbers<[1], [0], [0], [1], [0, 0, 1, 1], [], []>, transpose_lhs_hint = false} : vector<1024x128xf32>, vector<128x1xf32>, vector<1024x1xf32> -> vector<1024x1xf32>
    %get3A_93 = arith.constant 0 : index
    %get3A_94 = arith.constant 0 : index
    %get3A_95 = vector.load %arg8[%get3A_93, %get3A_94] : memref<1x1xf32, #tpu.memory_space<vmem>>, vector<1x1xf32>
    %add3A_96 = vector.broadcast %get3A_95 : vector<1x1xf32> to vector<1024x1xf32>
    %add3A_97 = arith.addf %dot_general3A_92, %add3A_96 : vector<1024x1xf32>
    %swap3A = arith.constant 0 : index
    %swap3A_98 = arith.constant 0 : index
    %swap3A_99 = vector.load %arg13[%swap3A, %swap3A_98] : memref<1024x1xf32, #tpu.memory_space<vmem>>, vector<1024x1xf32>
    tpu.vector_store %arg13[%swap3A, %swap3A_98], %add3A_97 {strides = array<i32>} : memref<1024x1xf32, #tpu.memory_space<vmem>>, vector<1024x1xf32>,
    return
  }
}

</mosaic_0001>

<sc_bundles>
// kernel: kernel.10.cloned.1.call-start
scs
__scs_entry_jumppad:
0x0: {  	(pc) =	sbr.rel $0x88, $3  }
0x1: {  	(tag) =	ssettag $0x0;
	lr =	simm.s32 $0x1  }
0x2: {  	[smem:$0x3F88] =	sst lr;
	_ =	strace $0xD0000000  }
0x3: {  	_ = 	snop  }
0x4: {  	_ = 	snop  }
0x5: {  	_ = 	snop  }
0x6: {  	_ = 	snop  }
0x7: {  	_ = 	snop  }
__scs_overlays_trampoline_lowered:
0x8: {  	[smem:$0x3F97] =	sst s0  }
0x9: {  	[smem:$0x3F98] =	sst s1  }
0xa: {  	[smem:$0x3F99] =	sst s2  }
0xb: {  	[smem:$0x3F9A] =	sst s3  }
0xc: {  	[smem:$0x3F9B] =	sst s4  }
0xd: {  	[smem:$0x3F9C] =	sst s5  }
0xe: {  	[smem:$0x3F9D] =	sst s6  }
0xf: {  	[smem:$0x3F9E] =	sst s7  }
0x10: {  	[smem:$0x3F9F] =	sst s8  }
0x11: {  	[smem:$0x3FA0] =	sst s9;
	s0 =	simm.s32 @!p0 $0x0  }
0x12: {  	s1 =	sld [smem:$0x3F86];
	s0 =	simm.s32 @p0 $0x1  }
0x13: {  	[smem:$0x3FA1] =	sst s0;
	s0 =	simm.s32 @!p1 $0x0  }
0x14: {  	s2 =	sld [smem:$0x3F85];
	s0 =	simm.s32 @p1 $0x1  }
0x15: {  	[smem:$0x3FA2] =	sst s0;
	s0 =	simm.s32 @!p2 $0x0  }
0x16: {  	s3 =	sld [smem:$0x3FDB];
	s0 =	simm.s32 @p2 $0x1  }
0x17: {  	s4 =	simm.s32 $0x1BF5;
	[smem:$0x3FA4] =	sst s0  }
0x18: {  	s0 =	sld [smem:$0x3F87];
	_ =	swait.ge [sflag:s4], $0x0  }
0x19: {  	s7 =	sld [smem:$0x3F88]  }
0x1a: {  	s8 =	sadd.s32 $0xFFFFE003, lr  }
0x1b: {  	s9 =	sadd.s32 $0xFFFFFEF7, lr;
	s5 =	simm.s32 $0xFFFFFFFF;
	p2 =	slt.u32 s8, $0xFFFFF086  }
0x1c: {  	p1 =	slt.u32 s9, $0xF7A;
	s5 =	simm.s32 @!p2 $0x0  }
0x1d: {  	s5 =	simm.s32 @p1 $0x1;
	p0 =	seq.s32 s7, s2  }
0x1e: {  	s7 =	smul.u32 @!p0 $0xF7A, s2;
	p2 =	seq.s32 @!p0 s5, $0x0  }
0x1f: {  	s9 =	smul.u32 $0xF7A, s1;
	s8 =	simm.s32 @!p0 $0x1BF5;
	p2 =	por !p2, p0  }
0x20: {  	[sflag:s8] =	ssyncset.s32 @!p0 $0xFFFFF086;
	s6 =	sadd.s32 @!p0 s3, s7;
	s7 =	simm.s32 @!p0 $0x108  }
0x21: {  	s3 =	sadd.s32 s3, s9;
	s6 =	sadd.s32 @!p0 $0x88, s6;
	s7 =	simm.s32 @p2 $0x1082  }
0x22: {  	[simem:s7], [sflag:s8] =	dma.local @!p0 [hbm:s6], $0xF7A  }
0x23: {  	s9 =	sor.u32 $0xD0000000, s2;
	s6 =	simm.s32 $0x108;
	_ =	swait.ge @!p0 [sflag:s8], $0x0  }
0x24: {  	s3 =	sadd.s32 $0x88, s3;
	s6 =	simm.s32 @!p1 $0x1082;
	[sflag:s4] =	ssyncset.s32 $0xFFFFF086  }
0x25: {  	[simem:s6], [sflag:s4] =	dma.local [hbm:s3], $0xF7A  }
0x26: {  	[smem:$0x3F88] =	sst s1;
	(tag) =	ssettag s2;
	_ =	strace s9  }
0x27: {  	s1 =	sld [smem:$0x3F98]  }
0x28: {  	s2 =	sld [smem:$0x3F99]  }
0x29: {  	s4 =	sld [smem:$0x3F9B]  }
0x2a: {  	p0 =	seq.s32 s5, $0x0;
	s5 =	sld [smem:$0x3F9C]  }
0x2b: {  	s6 =	sld [smem:$0x3F9D]  }
0x2c: {  	s7 =	sld [smem:$0x3F9E]  }
0x2d: {  	s3 =	simm.s32 $0x108;
	s8 =	sld [smem:$0x3F9F]  }
0x2e: {  	s3 =	simm.s32 @!p0 $0x1082;
	s9 =	sld [smem:$0x3FA0]  }
0x2f: {  	lr =	sadd.s32 s0, s3;
	s0 =	sld [smem:$0x3F97]  }
0x30: {  	s3 =	sld [smem:$0x3F9A]  }
0x31: {  	[smem:$0x3FA3] =	sst s10  }
0x32: {  	s10 =	sld [smem:$0x3FA1];
	_ =	sdelay $0x3  }
0x33: {  	p0 =	seq.s32 s10, $0x1;
	s10 =	sld [smem:$0x3FA3];
	_ =	sdelay $0x3  }
0x34: {  	[smem:$0x3FA3] =	sst s10  }
0x35: {  	s10 =	sld [smem:$0x3FA2];
	_ =	sdelay $0x3  }
0x36: {  	p1 =	seq.s32 s10, $0x1;
	s10 =	sld [smem:$0x3FA3];
	_ =	sdelay $0x3  }
0x37: {  	[smem:$0x3FA3] =	sst s10  }
0x38: {  	s10 =	sld [smem:$0x3FA4]  }
0x39: {  	_ = 	snop;
	(pc) =	sbr.ind lr, $3  }
0x3a: {  	_ = 	snop  }
0x3b: {  	_ = 	snop  }
0x3c: {  	p2 =	seq.s32 s10, $0x1;
	s10 =	sld [smem:$0x3FA3]  }
0x3d: {  	_ =	shalt  }
0x3e: {  	_ =	shalt  }
0x3f: {  	_ =	shalt  }
0x40: {  	_ =	shalt  }
0x41: {  	_ =	shalt  }
0x42: {  	_ =	shalt  }
0x43: {  	_ =	shalt  }
0x44: {  	_ =	shalt  }
0x45: {  	_ =	shalt  }
0x46: {  	_ =	shalt  }
0x47: {  	_ =	shalt  }
0x48: {  	_ =	shalt  }
0x49: {  	_ =	shalt  }
0x4a: {  	_ =	shalt  }
0x4b: {  	_ =	shalt  }
0x4c: {  	_ =	shalt  }
0x4d: {  	_ =	shalt  }
0x4e: {  	_ =	shalt  }
0x4f: {  	_ =	shalt  }
0x50: {  	_ =	shalt  }
0x51: {  	_ =	shalt  }
0x52: {  	_ =	shalt  }
0x53: {  	_ =	shalt  }
0x54: {  	_ =	shalt  }
0x55: {  	_ =	shalt  }
0x56: {  	_ =	shalt  }
0x57: {  	_ =	shalt  }
0x58: {  	_ =	shalt  }
0x59: {  	_ =	shalt  }
0x5a: {  	_ =	shalt  }
0x5b: {  	_ =	shalt  }
0x5c: {  	_ =	shalt  }
0x5d: {  	_ =	shalt  }
0x5e: {  	_ =	shalt  }
0x5f: {  	_ =	shalt  }
0x60: {  	_ =	shalt  }
0x61: {  	_ =	shalt  }
0x62: {  	_ =	shalt  }
0x63: {  	_ =	shalt  }
0x64: {  	_ =	shalt  }
0x65: {  	_ =	shalt  }
0x66: {  	_ =	shalt  }
0x67: {  	_ =	shalt  }
0x68: {  	_ =	shalt  }
0x69: {  	_ =	shalt  }
0x6a: {  	_ =	shalt  }
0x6b: {  	_ =	shalt  }
0x6c: {  	_ =	shalt  }
0x6d: {  	_ =	shalt  }
0x6e: {  	_ =	shalt  }
0x6f: {  	_ =	shalt  }
0x70: {  	_ =	shalt  }
0x71: {  	_ =	shalt  }
0x72: {  	_ =	shalt  }
0x73: {  	_ =	shalt  }
0x74: {  	_ =	shalt  }
0x75: {  	_ =	shalt  }
0x76: {  	_ =	shalt  }
0x77: {  	_ =	shalt  }
0x78: {  	_ =	shalt  }
0x79: {  	_ =	shalt  }
0x7a: {  	_ =	shalt  }
0x7b: {  	_ =	shalt  }
0x7c: {  	_ =	shalt  }
0x7d: {  	_ =	shalt  }
0x7e: {  	_ =	shalt  }
0x7f: {  	_ =	shalt  }
0x80: {  	_ =	shalt  }
0x81: {  	_ =	shalt  }
0x82: {  	_ =	shalt  }
0x83: {  	_ =	shalt  }
0x84: {  	_ =	shalt  }
0x85: {  	_ =	shalt  }
0x86: {  	_ =	shalt  }
0x87: {  	_ =	shalt  }
.Lfunc_end0:
.L_simem_size_0:
called_computation_lowered:
.L_overlay_start_0:
0x88: {  	s2 =	sld [smem:$0x3FD9]  }
0x89: {  	s3 =	sld [smem:$0x3FFE];
	_ =	sdelay $0x1  }
0x8a: {  	s1 =	srdreg.scid  }
0x8b: {  	s0 =	sand.u32 $0x1, s1  }
0x8c: {  	s17 =	sshll.u32 s0, $0xA;
	s2 =	sadd.s32 s3, s2  }
0x8d: {  	s2 =	sadd.s32 s2, s17  }
0x8e: {  	[smem:$0x3FAF] =	sst s2  }
0x8f: {  	_ = 	snop  }
0x90: {  	s2 =	sld [smem:$0x3FC9];
	(tm) =	ssettm $0x1  }
0x91: {  	s18 =	sld [smem:$0x3FFB];
	_ =	sdelay $0x3  }
0x92: {  	_ =	strace s18  }
0x93: {  	s3 =	sld [smem:$0x3FFC];
	_ =	sdelay $0x3  }
0x94: {  	_ =	strace s3  }
0x95: {  	s3 =	sld [smem:$0x3FFD];
	_ =	sdelay $0x3  }
0x96: {  	_ =	strace s3  }
0x97: {  	_ =	strace $0x8FFFFFFF  }
0x98: {  	s19 =	sld [smem:$0x3FDB];
	_ =	sdelay $0x1  }
0x99: {  	s4 =	simm.s32 $_scs_section_size  }
0x9a: {  	s5 =	simm.s32 $_size__tile_overlayer_lowered;
	s6 =	simm.s32 $_tile_overlayer_lowered  }
0x9b: {  	s22 =	simm.s32 $0x1BFF;
	s21 =	sshll.u32 s6, $0x1;
	s3 =	sadd.s32 s4, s19  }
0x9c: {  	s7 =	simm.s32 $0x0;
	s20 =	sshll.u32 s5, $0x1;
	s5 =	sadd.s32 s21, s3  }
0x9d: {  	[timem:s7], [sflag:s22] =	dma.local [hbm:s5], s20  }
0x9e: {  	_ =	swait.ge [sflag:s22], s20  }
0x9f: {  	s4 =	ssub.s32 $0x0, s20;
	[sflag:s22] =	ssyncset.done $0x0  }
0xa0: {  	[sflag:s22] =	ssyncadd.s32 s4;
	_ =	sdelay $0x1  }
0xa1: {  	s23 =	simm.s32 $0x1B8B  }
0xa2: {  	_ =	swait.ge [sflag:s23], $0x1  }
0xa3: {  	[sflag:s23] =	ssyncset.done $0x0  }
0xa4: {  	s25 =	simm.s32 $0x1B8E;
	s24 =	sld [smem:$0x3FFE];
	[sflag:s23] =	ssyncadd.s32 $0xFFFFFFFF  }
0xa5: {  	s26 =	simm.s32 $execute0_lowered;
	[smem:$0x3FD2] =	sst s25  }
0xa6: {  	s5 =	sshll.u32 s26, $0x1;
	_ =	strace $0x80000046;
	[dreg:$0x1] =	wrdreg $0xFFFFFFFF  }
0xa7: {  	s28 =	simm.s32 $_size_execute0_lowered;
	s3 =	sadd.s32 s3, s5;
	[dreg:$0x0] =	wrdreg $0x0  }
0xa8: {  	s5 =	sshll.u32 s28, $0x1;
	[dreg:$0x2] =	wrdreg s3  }
0xa9: {  	[dreg:$0x3] =	wrdreg s5  }
0xaa: {  	[dreg:$0x4] =	wrdreg $0xC0  }
0xab: {  	_ =	task [dreg:s7], $0x5FFFF  }
0xac: {  	[dreg:$0x1] =	wrdreg $0xFFFFFFFF  }
0xad: {  	[dreg:$0x0] =	wrdreg $0x60  }
0xae: {  	[dreg:$0x2] =	wrdreg s2  }
0xaf: {  	[dreg:$0x3] =	wrdreg s24  }
0xb0: {  	[dreg:$0x4] =	wrdreg $0xA4000  }
0xb1: {  	[dreg:$0x5] =	wrdreg $0x9  }
0xb2: {  	_ =	task.clear_ibuf [dreg:s7], $0x6FFFF;
	_ =	strace $0x90000046  }
0xb3: {  	s29 =	simm.s32 $0x9;
	_ =	strace $0x80000048  }
0xb4: {  	_ =	swait.ge [sflag:s29], $0x1  }
0xb5: {  	[sflag:s29] =	ssyncadd.s32 $0xFFFFFFFF  }
0xb6: {  	_ =	strace $0x90000048  }
0xb7: {  	_ =	sfence  }
0xb8: {  	s30 =	sld [smem:$0x0];
	_ =	sdelay $0x2  }
0xb9: {  	s31 =	sshll.u32 s1, $0xD;
	s1 =	sshrl.u32 s1, $0x2  }
0xba: {  	s3 =	sand.u32 $0x4000, s31;
	s1 =	sadd.s32 s1, s30  }
0xbb: {  	s0 =	sor.u32 s3, s0;
	s1 =	sshll.u32 s1, $0x11  }
0xbc: {  	s0 =	sor.u32 s1, s0  }
0xbd: {  	s0 =	sadd.s32 $0x8F2B, s0  }
0xbe: {  	[sflag:s0] =	ssyncadd.remote.s32 $0x1  }
0xbf: {  	_ =	sfence.sel $0xFFFF  }
0xc0: {  	[dreg:$0x0] =	wrdreg $0xFFFFFFFF;
	(pc) =	sbr.abs _section_cstart, $3  }
0xc1: {  	[dreg:$0x1] =	wrdreg $0xFFFFFFFF  }
0xc2: {  	_ =	task.clear_ibuf [dreg:s7], $0x2FFFF;
	_ =	strace $0x9FFFFFFF  }
0xc3: {  	(tm) =	ssettm $0x7FFFFFFF  }
tec
execute0_lowered:
.L_overlay_start_1:
0x0: {  	(tag) =	ssettag $0x1  }
0x1: {  	s1 =	rddreg [dreg:$0x0]  }
0x2: {  	s0 =	rddreg [dreg:$0x1]  }
0x3: {  	s2 =	rddreg [dreg:$0x2];
	s3 =	srdreg.scid  }
0x4: {  	s4 =	simm.s32 $0x0;
	s11 =	stileid.u32;
	s28 =	simm.s32 $0x280  }
0x5: {  	s29 =	simm.s32 $0x8;
	s30 =	simm.s32 $0x380;
	s31 =	simm.s32 $0x9  }
0x6: {  	s3 =	sand.u32 $0x1, s3;
	[smem:$0x7FF] =	sst s4;
	s9 =	smul.u32 $0x4E000, s11  }
0x7: {  	s6 =	sadd.s32 $0x4C00, s0;
	s0 =	sadd.s32 $0x24000, s0;
	s22 =	smul.u32 $0x13800, s11  }
0x8: {  	s25 =	smul.u32 $0x7D, s11;
	s26 =	sadd.s32 $0x124800, s2;
	p0 =	seq.s32 s11, $0xF  }
0x9: {  	s5 =	sshll.u32 s3, $0x4;
	_ =	strace $0x80000047;
	s20 =	smul.u32 $0x138800, s3  }
0xa: {  	s8 =	ssub.s32 $0x2, s3;
	s3 =	smul.u32 $0x7D0, s3;
	[dreg:$0x10] =	wrdreg s26  }
0xb: {  	s26 =	sadd.s32 $0x136000, s2;
	s5 =	sor.u32 s11, s5;
	s10 =	sshrl.u32 s8, $0x1  }
0xc: {  	s9 =	sshrl.u32 s9, $0x2;
	[dreg:$0x1a] =	wrdreg s26;
	s11 =	simm.s32 $0x2  }
0xd: {  	s26 =	simm.s32 $0x7;
	s7 =	smul.u32 $0x7D00, s5;
	s17 =	sadd.s32 s9, s2  }
0xe: {  	s5 =	smul.u32 $0xFA0, s5;
	s19 =	sadd.s32 $0x2800, s17;
	[dreg:$0x6] =	wrdreg s17  }
0xf: {  	s8 =	ssub.s32 s8, s10;
	s9 =	sadd.s32 $0x5000, s17;
	[dreg:$0x8] =	wrdreg s19  }
0x10: {  	s13 =	sadd.s32 s22, s20;
	s21 =	sadd.s32 $0x7800, s17;
	[dreg:$0x9] =	wrdreg s9  }
0x11: {  	s3 =	sadd.s32 s25, s3;
	s12 =	sadd.s32 $0xA000, s17;
	[dreg:$0xa] =	wrdreg s21  }
0x12: {  	s23 =	sadd.s32 $0xC800, s17;
	s24 =	sadd.s32 $0xF000, s17;
	[dreg:$0xb] =	wrdreg s12  }
0x13: {  	s10 =	sadd.s32 $0x11800, s17;
	s3 =	sshll.u32 s3, $0x5;
	[dreg:$0xc] =	wrdreg s23  }
0x14: {  	s17 =	sadd.s32 $0x127000, s2;
	s7 =	sshrl.u32 s7, $0x3;
	[dreg:$0xd] =	wrdreg s24  }
0x15: {  	s5 =	sadd.s32 s6, s5;
	[dreg:$0xe] =	wrdreg s10;
	s12 =	sadd.s32 $0x129800, s2  }
0x16: {  	s15 =	sadd.s32 s3, s6;
	[dreg:$0x15] =	wrdreg s17;
	s19 =	sadd.s32 $0x12E800, s2  }
0x17: {  	s21 =	sadd.s32 $0x133800, s2;
	s9 =	simm.s32 $0x50;
	[dreg:$0x4] =	wrdreg s5  }
0x18: {  	s10 =	simm.s32 $0x400;
	s7 =	sadd.s32 s6, s7;
	[dreg:$0x11] =	wrdreg s12  }
0x19: {  	s5 =	sshrl.u32 s20, $0x3;
	s22 =	sadd.s32 $0xE0, s15;
	s23 =	sadd.s32 $0xC0, s15  }
0x1a: {  	s24 =	sadd.s32 $0xA0, s15;
	s25 =	sadd.s32 $0x80, s15;
	[dreg:$0x17] =	wrdreg s19  }
0x1b: {  	s20 =	sadd.s32 $0x131000, s2;
	[dreg:$0x19] =	wrdreg s21;
	s6 =	simm.s32 $0x300  }
0x1c: {  	s12 =	simm.s32 $0x2C00;
	s15 =	simm.s32 $0x4;
	s19 =	simm.s32 $0x80  }
0x1d: {  	s21 =	simm.s32 $0x180;
	s16 =	sadd.s32 $0x20, s7;
	[dreg:$0x18] =	wrdreg s20  }
0x1e: {  	s18 =	sadd.s32 $0x40, s7;
	s7 =	sadd.s32 $0x60, s7;
	[dreg:$0x5] =	wrdreg s16  }
0x1f: {  	s5 =	sadd.s32 s0, s5;
	s20 =	simm.s32 $0x6;
	[dreg:$0x7] =	wrdreg s18  }
0x20: {  	[dreg:$0xf] =	wrdreg s7;
	s7 =	sshrl.u32 s13, $0x3;
	s14 =	sadd.s32 $0x24900, s5  }
.Ltmp0:
0x21: {  	s16 =	smax.u32 s8, $0x1;
	[dreg:$0x13] =	wrdreg s14;
	(pc) =	sbr.rel .LBB2_1-.Ltmp0, $4  }
0x22: {  	s18 =	sadd.s32 $0x12C000, s2;
	s8 =	simm.s32 $0x1;
	[dreg:$0x14] =	wrdreg s16  }
0x23: {  	s13 =	simm.s32 $0x3;
	s0 =	sadd.s32 s0, s7;
	[dreg:$0x16] =	wrdreg s18  }
0x24: {  	s14 =	simm.s32 $0x5400;
	s16 =	simm.s32 $0x7C00;
	s18 =	simm.s32 $0x5  }
0x25: {  	v0 =	vimm.f32 $0.0e+00;
	s7 =	simm.s32 $0x0;
	[dreg:$0x12] =	wrdreg s0;
	s0 =	simm.s32 $0xA  }
.LBB2_6:
0x26: {  	_ =	swait.ge [sflag:s18], $0x2800  }
0x27: {  	[sflag:s18] =	ssyncset.done $0x0  }
0x28: {  	s3 =	simm.s32 $0xD;
	[sflag:s18] =	ssyncadd.s32 $0xFFFFD800  }
0x29: {  	[spmem:s2] =	stream.indirect.scatter.add.f32 [tilespmem:s10], [sflag:$0xD], $0x80, s19, s9, $0xb8;
	[tilespmem:$0x1DC80] =	vst v63  }
0x2a: {  	_ =	swait.ge [sflag:s3], $0x2800  }
0x2b: {  	[sflag:s3] =	ssyncset.done $0x0  }
0x2c: {  	[sflag:s3] =	ssyncadd.s32 $0xFFFFD800  }
0x2d: {  	[bflag:$0x0] =	sbarrier.arrive $0xFFFF  }
0x2e: {  	s3 =	rddreg [dreg:$0x10]  }
0x2f: {  	s5 =	simm.s32 @p0 $0x1FCD;
	s7 =	rddreg [dreg:$0x13];
	s3 =	sshrl.u32 @p0 s3, $0x3  }
0x30: {  	[hbm:s7], [sflag:s5] =	dma.local @p0 [spmem:s3], $0x2800  }
0x31: {  	s3 =	simm.s32 @p0 $0xD  }
0x32: {  	s5 =	stileid.u32;
	_ =	swait.ge @p0 [sflag:s3], $0x2800  }
0x33: {  	s5 =	sshll.u32 @!p0 s5, $0x6;
	[sflag:s3] =	ssyncset.done @p0 $0x0  }
0x34: {  	[sflag:s3] =	ssyncadd.s32 @p0 $0xFFFFD800;
	s3 =	sor.u32 @!p0 $0x1C0D, s5;
	s5 =	rddreg [dreg:$0x6]  }
0x35: {  	s7 =	rddreg [dreg:$0x12];
	s5 =	sshrl.u32 @!p0 s5, $0x3  }
0x36: {  	[hbm:s7], [sflag:s3] =	dma.local @!p0 [spmem:s5], $0x2700  }
0x37: {  	s3 =	simm.s32 @!p0 $0xD  }
0x38: {  	_ =	swait.ge @!p0 [sflag:s3], $0x2700  }
0x39: {  	s5 =	rddreg [dreg:$0x1b]  }
0x3a: {  	s17 =	rddreg [dreg:$0x14];
	s7 =	sadd.s32 $0x1, s5  }
0x3b: {  	p1 =	sne.s32 s7, s17  }
.Ltmp1:
0x3c: {  	_ = 	snop;
	(pc) =	sbr.rel @!p1 .LBB2_7-.Ltmp1, $3  }
0x3d: {  	_ =	sdelay $0x1  }
0x3e: {  	[sflag:s3] =	ssyncset.done @!p0 $0x0  }
0x3f: {  	[sflag:s3] =	ssyncadd.s32 @!p0 $0xFFFFD900  }
.LBB2_1:
0x40: {  	[dreg:$0x1b] =	wrdreg s7  }
0x41: {  	s3 =	rddreg [dreg:$0x4]  }
0x42: {  	[tilespmem:s4], [sflag:$0x1] =	stream.linear.gather [hbm4b:s3+s4], $0x100, $0x38;
	[tilespmem:$0x1DC80] =	vst v63  }
0x43: {  	s17 =	rddreg [dreg:$0x5];
	s5 =	simm.s32 $0x100  }
0x44: {  	[tilespmem:s5], [sflag:$0x2] =	stream.linear.gather [hbm4b:s17+s4], $0x100, $0x38;
	[tilespmem:$0x1DC80] =	vst v63  }
0x45: {  	s7 =	simm.s32 $0x200;
	s5 =	rddreg [dreg:$0x7]  }
0x46: {  	[tilespmem:s7], [sflag:$0x3] =	stream.linear.gather [hbm4b:s5+s4], $0x100, $0x38;
	[tilespmem:$0x1DC80] =	vst v63  }
0x47: {  	s17 =	rddreg [dreg:$0xf]  }
0x48: {  	[tilespmem:s6], [sflag:$0x4] =	stream.linear.gather [hbm4b:s17+s4], $0x100, $0x38;
	[tilespmem:$0x1DC80] =	vst v63  }
0x49: {  	s7 =	simm.s32 $0x0;
	s17 =	simm.s32 $0x200  }
.LBB2_2:
0x4a: {  	p1 =	sne.s32 s17, $0x9E00;
	[tilespmem:s7+$0x470] =	vst v0  }
0x4b: {  	[tilespmem:s7+$0x400] =	vst v0  }
0x4c: {  	[tilespmem:s7+$0x410] =	vst v0  }
.Ltmp2:
0x4d: {  	[tilespmem:s7+$0x420] =	vst v0;
	(pc) =	sbr.rel @p1 .LBB2_2-.Ltmp2, $4  }
0x4e: {  	[tilespmem:s7+$0x430] =	vst v0  }
0x4f: {  	[tilespmem:s7+$0x440] =	vst v0  }
0x50: {  	[tilespmem:s7+$0x450] =	vst v0  }
0x51: {  	[tilespmem:s7+$0x460] =	vst v0;
	s7 =	sshra.s32 s17, $0x2;
	s17 =	sadd.s32 $0x200, s17  }
0x52: {  	[tilespmem:s7+$0x470] =	vst v0  }
0x53: {  	[tilespmem:s7+$0x400] =	vst v0  }
0x54: {  	[tilespmem:s7+$0x410] =	vst v0  }
0x55: {  	[tilespmem:s7+$0x420] =	vst v0  }
0x56: {  	[tilespmem:s7+$0x430] =	vst v0  }
0x57: {  	[tilespmem:s7+$0x440] =	vst v0  }
0x58: {  	[tilespmem:s7+$0x450] =	vst v0  }
0x59: {  	[tilespmem:s7+$0x460] =	vst v0;
	s7 =	simm.s32 @p0 $0x400;
	s3 =	rddreg [dreg:$0x10];
	s17 =	simm.s32 @p0 $0xD  }
0x5a: {  	[spmem:s3] =	stream.linear.scatter @p0 [tilespmem:s7], [sflag:$0xD], $0x2800, $0x38;
	[tilespmem:$0x1DC80] =	vst v63  }
0x5b: {  	_ =	swait.ge @p0 [sflag:s17], $0x2800  }
0x5c: {  	[sflag:s17] =	ssyncset.done @p0 $0x0  }
0x5d: {  	s3 =	rddreg [dreg:$0x15];
	[sflag:s17] =	ssyncadd.s32 @p0 $0xFFFFD800  }
0x5e: {  	[spmem:s3] =	stream.linear.scatter @p0 [tilespmem:s7], [sflag:$0xD], $0x2800, $0x38;
	[tilespmem:$0x1DC80] =	vst v63  }
0x5f: {  	_ =	swait.ge @p0 [sflag:s17], $0x2800  }
0x60: {  	[sflag:s17] =	ssyncset.done @p0 $0x0  }
0x61: {  	s3 =	rddreg [dreg:$0x11];
	[sflag:s17] =	ssyncadd.s32 @p0 $0xFFFFD800  }
0x62: {  	[spmem:s3] =	stream.linear.scatter @p0 [tilespmem:s7], [sflag:$0xD], $0x2800, $0x38;
	[tilespmem:$0x1DC80] =	vst v63  }
0x63: {  	_ =	swait.ge @p0 [sflag:s17], $0x2800  }
0x64: {  	[sflag:s17] =	ssyncset.done @p0 $0x0  }
0x65: {  	s3 =	rddreg [dreg:$0x16];
	[sflag:s17] =	ssyncadd.s32 @p0 $0xFFFFD800  }
0x66: {  	[spmem:s3] =	stream.linear.scatter @p0 [tilespmem:s7], [sflag:$0xD], $0x2800, $0x38;
	[tilespmem:$0x1DC80] =	vst v63  }
0x67: {  	_ =	swait.ge @p0 [sflag:s17], $0x2800  }
0x68: {  	[sflag:s17] =	ssyncset.done @p0 $0x0  }
0x69: {  	s3 =	rddreg [dreg:$0x17];
	[sflag:s17] =	ssyncadd.s32 @p0 $0xFFFFD800  }
0x6a: {  	[spmem:s3] =	stream.linear.scatter @p0 [tilespmem:s7], [sflag:$0xD], $0x2800, $0x38;
	[tilespmem:$0x1DC80] =	vst v63  }
0x6b: {  	_ =	swait.ge @p0 [sflag:s17], $0x2800  }
0x6c: {  	[sflag:s17] =	ssyncset.done @p0 $0x0  }
0x6d: {  	s3 =	rddreg [dreg:$0x18];
	[sflag:s17] =	ssyncadd.s32 @p0 $0xFFFFD800  }
0x6e: {  	[spmem:s3] =	stream.linear.scatter @p0 [tilespmem:s7], [sflag:$0xD], $0x2800, $0x38;
	[tilespmem:$0x1DC80] =	vst v63  }
0x6f: {  	_ =	swait.ge @p0 [sflag:s17], $0x2800  }
0x70: {  	[sflag:s17] =	ssyncset.done @p0 $0x0  }
0x71: {  	s3 =	rddreg [dreg:$0x19];
	[sflag:s17] =	ssyncadd.s32 @p0 $0xFFFFD800  }
0x72: {  	[spmem:s3] =	stream.linear.scatter @p0 [tilespmem:s7], [sflag:$0xD], $0x2800, $0x38;
	[tilespmem:$0x1DC80] =	vst v63  }
0x73: {  	_ =	swait.ge @p0 [sflag:s17], $0x2800  }
0x74: {  	[sflag:s17] =	ssyncset.done @p0 $0x0  }
0x75: {  	s3 =	rddreg [dreg:$0x1a];
	[sflag:s17] =	ssyncadd.s32 @p0 $0xFFFFD800  }
0x76: {  	[spmem:s3] =	stream.linear.scatter @p0 [tilespmem:s7], [sflag:$0xD], $0x2800, $0x38;
	[tilespmem:$0x1DC80] =	vst v63  }
0x77: {  	_ =	swait.ge @p0 [sflag:s17], $0x2800  }
0x78: {  	s7 =	simm.s32 @!p0 $0x400;
	[sflag:s17] =	ssyncset.done @p0 $0x0  }
0x79: {  	s3 =	rddreg [dreg:$0x6];
	[sflag:s17] =	ssyncadd.s32 @p0 $0xFFFFD800;
	s17 =	simm.s32 @!p0 $0xD  }
0x7a: {  	[spmem:s3] =	stream.linear.scatter @!p0 [tilespmem:s7], [sflag:$0xD], $0x2800, $0x38;
	[tilespmem:$0x1DC80] =	vst v63  }
0x7b: {  	_ =	swait.ge @!p0 [sflag:s17], $0x2800  }
0x7c: {  	[sflag:s17] =	ssyncset.done @!p0 $0x0  }
0x7d: {  	s3 =	rddreg [dreg:$0x8];
	[sflag:s17] =	ssyncadd.s32 @!p0 $0xFFFFD800  }
0x7e: {  	[spmem:s3] =	stream.linear.scatter @!p0 [tilespmem:s7], [sflag:$0xD], $0x2800, $0x38;
	[tilespmem:$0x1DC80] =	vst v63  }
0x7f: {  	_ =	swait.ge @!p0 [sflag:s17], $0x2800  }
0x80: {  	[sflag:s17] =	ssyncset.done @!p0 $0x0  }
0x81: {  	s3 =	rddreg [dreg:$0x9];
	[sflag:s17] =	ssyncadd.s32 @!p0 $0xFFFFD800  }
0x82: {  	[spmem:s3] =	stream.linear.scatter @!p0 [tilespmem:s7], [sflag:$0xD], $0x2800, $0x38;
	[tilespmem:$0x1DC80] =	vst v63  }
0x83: {  	_ =	swait.ge @!p0 [sflag:s17], $0x2800  }
0x84: {  	[sflag:s17] =	ssyncset.done @!p0 $0x0  }
0x85: {  	s3 =	rddreg [dreg:$0xa];
	[sflag:s17] =	ssyncadd.s32 @!p0 $0xFFFFD800  }
0x86: {  	[spmem:s3] =	stream.linear.scatter @!p0 [tilespmem:s7], [sflag:$0xD], $0x2800, $0x38;
	[tilespmem:$0x1DC80] =	vst v63  }
0x87: {  	_ =	swait.ge @!p0 [sflag:s17], $0x2800  }
0x88: {  	[sflag:s17] =	ssyncset.done @!p0 $0x0  }
0x89: {  	s3 =	rddreg [dreg:$0xb];
	[sflag:s17] =	ssyncadd.s32 @!p0 $0xFFFFD800  }
0x8a: {  	[spmem:s3] =	stream.linear.scatter @!p0 [tilespmem:s7], [sflag:$0xD], $0x2800, $0x38;
	[tilespmem:$0x1DC80] =	vst v63  }
0x8b: {  	_ =	swait.ge @!p0 [sflag:s17], $0x2800  }
0x8c: {  	[sflag:s17] =	ssyncset.done @!p0 $0x0  }
0x8d: {  	s3 =	rddreg [dreg:$0xc];
	[sflag:s17] =	ssyncadd.s32 @!p0 $0xFFFFD800  }
0x8e: {  	[spmem:s3] =	stream.linear.scatter @!p0 [tilespmem:s7], [sflag:$0xD], $0x2800, $0x38;
	[tilespmem:$0x1DC80] =	vst v63  }
0x8f: {  	_ =	swait.ge @!p0 [sflag:s17], $0x2800  }
0x90: {  	[sflag:s17] =	ssyncset.done @!p0 $0x0  }
0x91: {  	s3 =	rddreg [dreg:$0xd];
	[sflag:s17] =	ssyncadd.s32 @!p0 $0xFFFFD800  }
0x92: {  	[spmem:s3] =	stream.linear.scatter @!p0 [tilespmem:s7], [sflag:$0xD], $0x2800, $0x38;
	[tilespmem:$0x1DC80] =	vst v63  }
0x93: {  	_ =	swait.ge @!p0 [sflag:s17], $0x2800  }
0x94: {  	[sflag:s17] =	ssyncset.done @!p0 $0x0  }
0x95: {  	s3 =	rddreg [dreg:$0xe];
	[sflag:s17] =	ssyncadd.s32 @!p0 $0xFFFFD800  }
0x96: {  	[spmem:s3] =	stream.linear.scatter @!p0 [tilespmem:s7], [sflag:$0xD], $0x2000, $0x38;
	[tilespmem:$0x1DC80] =	vst v63  }
0x97: {  	_ =	swait.ge @!p0 [sflag:s17], $0x2000  }
0x98: {  	[sflag:s17] =	ssyncset.done @!p0 $0x0  }
0x99: {  	[sflag:s17] =	ssyncadd.s32 @!p0 $0xFFFFE000  }
0x9a: {  	[bflag:$0x0] =	sbarrier.arrive $0xFFFF  }
0x9b: {  	_ =	swait.ge [sflag:s8], $0x100  }
0x9c: {  	[sflag:s8] =	ssyncset.done $0x0  }
0x9d: {  	s7 =	simm.s32 $0x0;
	[sflag:s8] =	ssyncadd.s32 $0xFFFFFF00  }
0x9e: {  	[tilespmem:s10], [sflag:$0x5] =	stream.indirect.gather [hbm4b:s1+s9], $0x80, s7, s9, $0xb8;
	[tilespmem:$0x1DC80] =	vst v63  }
0x9f: {  	_ =	swait.ge [sflag:s11], $0x100  }
0xa0: {  	[sflag:s11] =	ssyncset.done $0x0  }
0xa1: {  	s5 =	simm.s32 $0x100;
	[sflag:s11] =	ssyncadd.s32 $0xFFFFFF00  }
0xa2: {  	[tilespmem:s12], [sflag:$0x6] =	stream.indirect.gather [hbm4b:s1+s9], $0x80, s5, s9, $0xb8;
	[tilespmem:$0x1DC80] =	vst v63  }
0xa3: {  	_ =	swait.ge [sflag:s13], $0x100  }
0xa4: {  	[sflag:s13] =	ssyncset.done $0x0  }
0xa5: {  	s17 =	simm.s32 $0x200;
	[sflag:s13] =	ssyncadd.s32 $0xFFFFFF00  }
0xa6: {  	[tilespmem:s14], [sflag:$0x7] =	stream.indirect.gather [hbm4b:s1+s9], $0x80, s17, s9, $0xb8;
	[tilespmem:$0x1DC80] =	vst v63  }
0xa7: {  	_ =	swait.ge [sflag:s15], $0x100  }
0xa8: {  	[sflag:s15] =	ssyncset.done $0x0  }
0xa9: {  	[sflag:s15] =	ssyncadd.s32 $0xFFFFFF00  }
0xaa: {  	[tilespmem:s16], [sflag:$0x8] =	stream.indirect.gather [hbm4b:s1+s9], $0x80, s6, s9, $0xb8;
	[tilespmem:$0x1DC80] =	vst v63  }
.LBB2_4:
0xab: {  	_ =	swait.ge [sflag:s18], $0x2800  }
0xac: {  	[sflag:s18] =	ssyncset.done $0x0  }
0xad: {  	[sflag:s18] =	ssyncadd.s32 $0xFFFFD800  }
0xae: {  	[spmem:s2] =	stream.indirect.scatter.add.f32 [tilespmem:s10], [sflag:$0x9], $0x80, s19, s9, $0xb8;
	[tilespmem:$0x1DC80] =	vst v63  }
0xaf: {  	_ =	swait.ge [sflag:s20], $0x2800  }
0xb0: {  	[sflag:s20] =	ssyncset.done $0x0  }
0xb1: {  	[sflag:s20] =	ssyncadd.s32 $0xFFFFD800  }
0xb2: {  	[spmem:s2] =	stream.indirect.scatter.add.f32 [tilespmem:s12], [sflag:$0xA], $0x80, s21, s9, $0xb8;
	[tilespmem:$0x1DC80] =	vst v63  }
0xb3: {  	_ =	swait.ge [sflag:s26], $0x2800  }
0xb4: {  	[sflag:s26] =	ssyncset.done $0x0  }
0xb5: {  	[sflag:s26] =	ssyncadd.s32 $0xFFFFD800  }
0xb6: {  	[spmem:s2] =	stream.indirect.scatter.add.f32 [tilespmem:s14], [sflag:$0xB], $0x80, s28, s9, $0xb8;
	[tilespmem:$0x1DC80] =	vst v63  }
0xb7: {  	_ =	swait.ge [sflag:s29], $0x2800  }
0xb8: {  	[sflag:s29] =	ssyncset.done $0x0  }
0xb9: {  	[sflag:s29] =	ssyncadd.s32 $0xFFFFD800  }
0xba: {  	[spmem:s2] =	stream.indirect.scatter.add.f32 [tilespmem:s16], [sflag:$0xC], $0x80, s30, s9, $0xb8;
	[tilespmem:$0x1DC80] =	vst v63  }
0xbb: {  	_ =	swait.ge [sflag:s31], $0x2800  }
0xbc: {  	[sflag:s31] =	ssyncset.done $0x0  }
0xbd: {  	s17 =	sadd.s32 s7, s25;
	[sflag:s31] =	ssyncadd.s32 $0xFFFFD800  }
0xbe: {  	[tilespmem:s4], [sflag:$0x1] =	stream.linear.gather [hbm4b:s17+s4], $0x100, $0x38;
	[tilespmem:$0x1DC80] =	vst v63  }
0xbf: {  	p1 =	sne.s32 s7, $0xF00;
	_ =	swait.ge [sflag:s0], $0x2800  }
0xc0: {  	s3 =	simm.s32 @p1 $0x0;
	[sflag:s0] =	ssyncset.done $0x0  }
0xc1: {  	s5 =	simm.s32 @p1 $0x100;
	s17 =	sadd.s32 @p1 s7, s24;
	[sflag:s0] =	ssyncadd.s32 $0xFFFFD800  }
0xc2: {  	[tilespmem:s5], [sflag:$0x2] =	stream.linear.gather @p1 [hbm4b:s17+s3], $0x100, $0x38;
	[tilespmem:$0x1DC80] =	vst v63  }
0xc3: {  	s5 =	simm.s32 @p1 $0xB  }
0xc4: {  	_ =	swait.ge @p1 [sflag:s5], $0x2800  }
0xc5: {  	[sflag:s5] =	ssyncset.done @p1 $0x0  }
0xc6: {  	s17 =	simm.s32 @p1 $0x200;
	[sflag:s5] =	ssyncadd.s32 @p1 $0xFFFFD800;
	s5 =	sadd.s32 @p1 s7, s23  }
0xc7: {  	[tilespmem:s17], [sflag:$0x3] =	stream.linear.gather @p1 [hbm4b:s5+s3], $0x100, $0x38;
	[tilespmem:$0x1DC80] =	vst v63  }
0xc8: {  	s5 =	simm.s32 @p1 $0xC  }
0xc9: {  	_ =	swait.ge @p1 [sflag:s5], $0x2800  }
0xca: {  	[sflag:s5] =	ssyncset.done @p1 $0x0  }
0xcb: {  	s17 =	simm.s32 @p1 $0x300;
	[sflag:s5] =	ssyncadd.s32 @p1 $0xFFFFD800;
	s5 =	sadd.s32 @p1 s7, s22  }
0xcc: {  	[tilespmem:s17], [sflag:$0x4] =	stream.linear.gather @p1 [hbm4b:s5+s3], $0x100, $0x38;
	[tilespmem:$0x1DC80] =	vst v63  }
0xcd: {  	s3 =	simm.s32 @!p1 $0xB  }
0xce: {  	_ =	swait.ge @!p1 [sflag:s3], $0x2800  }
0xcf: {  	[sflag:s3] =	ssyncset.done @!p1 $0x0  }
0xd0: {  	[sflag:s3] =	ssyncadd.s32 @!p1 $0xFFFFD800;
	s3 =	simm.s32 @!p1 $0xC  }
0xd1: {  	_ =	swait.ge @!p1 [sflag:s3], $0x2800  }
0xd2: {  	[sflag:s3] =	ssyncset.done @!p1 $0x0  }
0xd3: {  	[sflag:s3] =	ssyncadd.s32 @!p1 $0xFFFFD800;
	p1 =	seq.s32 s7, $0xF00  }
.Ltmp3:
0xd4: {  	_ = 	snop;
	(pc) =	sbr.rel @p1 .LBB2_6-.Ltmp3, $4  }
0xd5: {  	_ =	swait.ge [sflag:s8], $0x100  }
0xd6: {  	[sflag:s8] =	ssyncset.done $0x0  }
0xd7: {  	[sflag:s8] =	ssyncadd.s32 $0xFFFFFF00  }
0xd8: {  	[tilespmem:s10], [sflag:$0x5] =	stream.indirect.gather [hbm4b:s1+s9], $0x80, s4, s9, $0xb8;
	[tilespmem:$0x1DC80] =	vst v63  }
0xd9: {  	_ =	swait.ge [sflag:s11], $0x100  }
0xda: {  	[sflag:s11] =	ssyncset.done $0x0  }
0xdb: {  	s3 =	simm.s32 $0x100;
	[sflag:s11] =	ssyncadd.s32 $0xFFFFFF00  }
0xdc: {  	[tilespmem:s12], [sflag:$0x6] =	stream.indirect.gather [hbm4b:s1+s9], $0x80, s3, s9, $0xb8;
	[tilespmem:$0x1DC80] =	vst v63  }
0xdd: {  	_ =	swait.ge [sflag:s13], $0x100  }
0xde: {  	[sflag:s13] =	ssyncset.done $0x0  }
0xdf: {  	s17 =	simm.s32 $0x200;
	[sflag:s13] =	ssyncadd.s32 $0xFFFFFF00  }
0xe0: {  	[tilespmem:s14], [sflag:$0x7] =	stream.indirect.gather [hbm4b:s1+s9], $0x80, s17, s9, $0xb8;
	[tilespmem:$0x1DC80] =	vst v63  }
.Ltmp4:
0xe1: {  	_ = 	snop;
	(pc) =	sbr.rel .LBB2_4-.Ltmp4, $4  }
0xe2: {  	_ =	swait.ge [sflag:s15], $0x100  }
0xe3: {  	[sflag:s15] =	ssyncset.done $0x0  }
0xe4: {  	s7 =	sadd.s32 $0x80, s7;
	[sflag:s15] =	ssyncadd.s32 $0xFFFFFF00  }
0xe5: {  	[tilespmem:s16], [sflag:$0x8] =	stream.indirect.gather [hbm4b:s1+s9], $0x80, s6, s9, $0xb8;
	[tilespmem:$0x1DC80] =	vst v63  }
.LBB2_7:
0xe6: {  	_ =	sfence.sel $0x180000  }
0xe7: {  	[bflag:$0x0] =	sbarrier.arrive $0xFFFF  }
0xe8: {  	_ =	strace $0x90000047  }
0xe9: {  	s0 =	stileid.u32;
	[bflag:$0x2] =	sbarrier.arrive $0xFFFF  }
0xea: {  	p0 =	sne.s32 s0, $0x0;
	s0 =	rddreg [dreg:$0x3]  }
0xeb: {  	s0 =	sadd.s32 @!p0 $0x100000, s0  }
0xec: {  	[sflag:s0] =	ssyncadd.tile.s32 @!p0 $0x1;
	_ =	shalt  }
.Lfunc_end2:
_tile_overlayer_lowered:
.L_overlay_start_2:
0xed: {  	(tag) =	ssettag $0x2  }
0xee: {  	s0 =	rddreg [dreg:$0x0];
	s2 =	stileid.u32  }
0xef: {  	s1 =	rddreg [dreg:$0x1];
	p0 =	sne.s32 s2, $0x0  }
0xf0: {  	s3 =	rddreg [dreg:$0x2];
	[bflag:$0x3] =	sbarrier.arrive $0xFFFF;
	s2 =	simm.s32 @!p0 $0x1C0D  }
0xf1: {  	[timem:s3], [sflag:s2] =	dma.local @!p0 [hbm:s0], s1  }
0xf2: {  	s0 =	simm.s32 @!p0 $0xD  }
0xf3: {  	_ =	swait.ge @!p0 [sflag:s0], s1  }
0xf4: {  	s1 =	ssub.s32 @!p0 $0x0, s1;
	[sflag:s0] =	ssyncset.done @!p0 $0x0  }
0xf5: {  	[sflag:s0] =	ssyncadd.s32 @!p0 s1  }
0xf6: {  	[bflag:$0x3] =	sbarrier.arrive $0xFFFF  }
0xf7: {  	_ =	shalt  }

// kernel: kernel.13.cloned.1.call-start
scs
__scs_entry_jumppad:
0x0: {  	(pc) =	sbr.rel $0x88, $3  }
0x1: {  	(tag) =	ssettag $0x0;
	lr =	simm.s32 $0x1  }
0x2: {  	[smem:$0x3F88] =	sst lr;
	_ =	strace $0xD0000000  }
0x3: {  	_ = 	snop  }
0x4: {  	_ = 	snop  }
0x5: {  	_ = 	snop  }
0x6: {  	_ = 	snop  }
0x7: {  	_ = 	snop  }
__scs_overlays_trampoline_lowered:
0x8: {  	[smem:$0x3F97] =	sst s0  }
0x9: {  	[smem:$0x3F98] =	sst s1  }
0xa: {  	[smem:$0x3F99] =	sst s2  }
0xb: {  	[smem:$0x3F9A] =	sst s3  }
0xc: {  	[smem:$0x3F9B] =	sst s4  }
0xd: {  	[smem:$0x3F9C] =	sst s5  }
0xe: {  	[smem:$0x3F9D] =	sst s6  }
0xf: {  	[smem:$0x3F9E] =	sst s7  }
0x10: {  	[smem:$0x3F9F] =	sst s8  }
0x11: {  	[smem:$0x3FA0] =	sst s9;
	s0 =	simm.s32 @!p0 $0x0  }
0x12: {  	s1 =	sld [smem:$0x3F86];
	s0 =	simm.s32 @p0 $0x1  }
0x13: {  	[smem:$0x3FA1] =	sst s0;
	s0 =	simm.s32 @!p1 $0x0  }
0x14: {  	s2 =	sld [smem:$0x3F85];
	s0 =	simm.s32 @p1 $0x1  }
0x15: {  	[smem:$0x3FA2] =	sst s0;
	s0 =	simm.s32 @!p2 $0x0  }
0x16: {  	s3 =	sld [smem:$0x3FDB];
	s0 =	simm.s32 @p2 $0x1  }
0x17: {  	s4 =	simm.s32 $0x1BF5;
	[smem:$0x3FA4] =	sst s0  }
0x18: {  	s0 =	sld [smem:$0x3F87];
	_ =	swait.ge [sflag:s4], $0x0  }
0x19: {  	s7 =	sld [smem:$0x3F88]  }
0x1a: {  	s8 =	sadd.s32 $0xFFFFE003, lr  }
0x1b: {  	s9 =	sadd.s32 $0xFFFFFEF7, lr;
	s5 =	simm.s32 $0xFFFFFFFF;
	p2 =	slt.u32 s8, $0xFFFFF086  }
0x1c: {  	p1 =	slt.u32 s9, $0xF7A;
	s5 =	simm.s32 @!p2 $0x0  }
0x1d: {  	s5 =	simm.s32 @p1 $0x1;
	p0 =	seq.s32 s7, s2  }
0x1e: {  	s7 =	smul.u32 @!p0 $0xF7A, s2;
	p2 =	seq.s32 @!p0 s5, $0x0  }
0x1f: {  	s9 =	smul.u32 $0xF7A, s1;
	s8 =	simm.s32 @!p0 $0x1BF5;
	p2 =	por !p2, p0  }
0x20: {  	[sflag:s8] =	ssyncset.s32 @!p0 $0xFFFFF086;
	s6 =	sadd.s32 @!p0 s3, s7;
	s7 =	simm.s32 @!p0 $0x108  }
0x21: {  	s3 =	sadd.s32 s3, s9;
	s6 =	sadd.s32 @!p0 $0x88, s6;
	s7 =	simm.s32 @p2 $0x1082  }
0x22: {  	[simem:s7], [sflag:s8] =	dma.local @!p0 [hbm:s6], $0xF7A  }
0x23: {  	s9 =	sor.u32 $0xD0000000, s2;
	s6 =	simm.s32 $0x108;
	_ =	swait.ge @!p0 [sflag:s8], $0x0  }
0x24: {  	s3 =	sadd.s32 $0x88, s3;
	s6 =	simm.s32 @!p1 $0x1082;
	[sflag:s4] =	ssyncset.s32 $0xFFFFF086  }
0x25: {  	[simem:s6], [sflag:s4] =	dma.local [hbm:s3], $0xF7A  }
0x26: {  	[smem:$0x3F88] =	sst s1;
	(tag) =	ssettag s2;
	_ =	strace s9  }
0x27: {  	s1 =	sld [smem:$0x3F98]  }
0x28: {  	s2 =	sld [smem:$0x3F99]  }
0x29: {  	s4 =	sld [smem:$0x3F9B]  }
0x2a: {  	p0 =	seq.s32 s5, $0x0;
	s5 =	sld [smem:$0x3F9C]  }
0x2b: {  	s6 =	sld [smem:$0x3F9D]  }
0x2c: {  	s7 =	sld [smem:$0x3F9E]  }
0x2d: {  	s3 =	simm.s32 $0x108;
	s8 =	sld [smem:$0x3F9F]  }
0x2e: {  	s3 =	simm.s32 @!p0 $0x1082;
	s9 =	sld [smem:$0x3FA0]  }
0x2f: {  	lr =	sadd.s32 s0, s3;
	s0 =	sld [smem:$0x3F97]  }
0x30: {  	s3 =	sld [smem:$0x3F9A]  }
0x31: {  	[smem:$0x3FA3] =	sst s10  }
0x32: {  	s10 =	sld [smem:$0x3FA1];
	_ =	sdelay $0x3  }
0x33: {  	p0 =	seq.s32 s10, $0x1;
	s10 =	sld [smem:$0x3FA3];
	_ =	sdelay $0x3  }
0x34: {  	[smem:$0x3FA3] =	sst s10  }
0x35: {  	s10 =	sld [smem:$0x3FA2];
	_ =	sdelay $0x3  }
0x36: {  	p1 =	seq.s32 s10, $0x1;
	s10 =	sld [smem:$0x3FA3];
	_ =	sdelay $0x3  }
0x37: {  	[smem:$0x3FA3] =	sst s10  }
0x38: {  	s10 =	sld [smem:$0x3FA4]  }
0x39: {  	_ = 	snop;
	(pc) =	sbr.ind lr, $3  }
0x3a: {  	_ = 	snop  }
0x3b: {  	_ = 	snop  }
0x3c: {  	p2 =	seq.s32 s10, $0x1;
	s10 =	sld [smem:$0x3FA3]  }
0x3d: {  	_ =	shalt  }
0x3e: {  	_ =	shalt  }
0x3f: {  	_ =	shalt  }
0x40: {  	_ =	shalt  }
0x41: {  	_ =	shalt  }
0x42: {  	_ =	shalt  }
0x43: {  	_ =	shalt  }
0x44: {  	_ =	shalt  }
0x45: {  	_ =	shalt  }
0x46: {  	_ =	shalt  }
0x47: {  	_ =	shalt  }
0x48: {  	_ =	shalt  }
0x49: {  	_ =	shalt  }
0x4a: {  	_ =	shalt  }
0x4b: {  	_ =	shalt  }
0x4c: {  	_ =	shalt  }
0x4d: {  	_ =	shalt  }
0x4e: {  	_ =	shalt  }
0x4f: {  	_ =	shalt  }
0x50: {  	_ =	shalt  }
0x51: {  	_ =	shalt  }
0x52: {  	_ =	shalt  }
0x53: {  	_ =	shalt  }
0x54: {  	_ =	shalt  }
0x55: {  	_ =	shalt  }
0x56: {  	_ =	shalt  }
0x57: {  	_ =	shalt  }
0x58: {  	_ =	shalt  }
0x59: {  	_ =	shalt  }
0x5a: {  	_ =	shalt  }
0x5b: {  	_ =	shalt  }
0x5c: {  	_ =	shalt  }
0x5d: {  	_ =	shalt  }
0x5e: {  	_ =	shalt  }
0x5f: {  	_ =	shalt  }
0x60: {  	_ =	shalt  }
0x61: {  	_ =	shalt  }
0x62: {  	_ =	shalt  }
0x63: {  	_ =	shalt  }
0x64: {  	_ =	shalt  }
0x65: {  	_ =	shalt  }
0x66: {  	_ =	shalt  }
0x67: {  	_ =	shalt  }
0x68: {  	_ =	shalt  }
0x69: {  	_ =	shalt  }
0x6a: {  	_ =	shalt  }
0x6b: {  	_ =	shalt  }
0x6c: {  	_ =	shalt  }
0x6d: {  	_ =	shalt  }
0x6e: {  	_ =	shalt  }
0x6f: {  	_ =	shalt  }
0x70: {  	_ =	shalt  }
0x71: {  	_ =	shalt  }
0x72: {  	_ =	shalt  }
0x73: {  	_ =	shalt  }
0x74: {  	_ =	shalt  }
0x75: {  	_ =	shalt  }
0x76: {  	_ =	shalt  }
0x77: {  	_ =	shalt  }
0x78: {  	_ =	shalt  }
0x79: {  	_ =	shalt  }
0x7a: {  	_ =	shalt  }
0x7b: {  	_ =	shalt  }
0x7c: {  	_ =	shalt  }
0x7d: {  	_ =	shalt  }
0x7e: {  	_ =	shalt  }
0x7f: {  	_ =	shalt  }
0x80: {  	_ =	shalt  }
0x81: {  	_ =	shalt  }
0x82: {  	_ =	shalt  }
0x83: {  	_ =	shalt  }
0x84: {  	_ =	shalt  }
0x85: {  	_ =	shalt  }
0x86: {  	_ =	shalt  }
0x87: {  	_ =	shalt  }
.Lfunc_end0:
.L_simem_size_0:
called_computation.1_lowered:
.L_overlay_start_0:
0x88: {  	s2 =	sld [smem:$0x3FD9]  }
0x89: {  	s3 =	sld [smem:$0x3FFE];
	_ =	sdelay $0x1  }
0x8a: {  	s1 =	srdreg.scid  }
0x8b: {  	s0 =	sand.u32 $0x1, s1  }
0x8c: {  	s16 =	sshll.u32 s0, $0xA;
	s2 =	sadd.s32 s3, s2  }
0x8d: {  	s2 =	sadd.s32 s2, s16  }
0x8e: {  	[smem:$0x3FAF] =	sst s2  }
0x8f: {  	_ = 	snop  }
0x90: {  	(tm) =	ssettm $0x1  }
0x91: {  	s17 =	sld [smem:$0x3FFB];
	_ =	sdelay $0x3  }
0x92: {  	_ =	strace s17  }
0x93: {  	s2 =	sld [smem:$0x3FFC];
	_ =	sdelay $0x3  }
0x94: {  	_ =	strace s2  }
0x95: {  	s2 =	sld [smem:$0x3FFD];
	_ =	sdelay $0x3  }
0x96: {  	_ =	strace s2  }
0x97: {  	_ =	strace $0x8FFFFFFF  }
0x98: {  	s18 =	sld [smem:$0x3FDB];
	_ =	sdelay $0x1  }
0x99: {  	s19 =	simm.s32 $_scs_section_size  }
0x9a: {  	s4 =	simm.s32 $_size__tile_overlayer_lowered;
	s5 =	simm.s32 $_tile_overlayer_lowered  }
0x9b: {  	s22 =	simm.s32 $0x1BFF;
	s21 =	sshll.u32 s5, $0x1;
	s2 =	sadd.s32 s19, s18  }
0x9c: {  	s6 =	simm.s32 $0x0;
	s20 =	sshll.u32 s4, $0x1;
	s4 =	sadd.s32 s21, s2  }
0x9d: {  	[timem:s6], [sflag:s22] =	dma.local [hbm:s4], s20  }
0x9e: {  	_ =	swait.ge [sflag:s22], s20  }
0x9f: {  	s3 =	ssub.s32 $0x0, s20;
	[sflag:s22] =	ssyncset.done $0x0  }
0xa0: {  	[sflag:s22] =	ssyncadd.s32 s3;
	_ =	sdelay $0x1  }
0xa1: {  	s23 =	simm.s32 $0x1B8B  }
0xa2: {  	_ =	swait.ge [sflag:s23], $0x1  }
0xa3: {  	[sflag:s23] =	ssyncset.done $0x0  }
0xa4: {  	s25 =	simm.s32 $0x1B8E;
	s24 =	sld [smem:$0x3FFE];
	[sflag:s23] =	ssyncadd.s32 $0xFFFFFFFF  }
0xa5: {  	s26 =	simm.s32 $execute0_lowered;
	[smem:$0x3FD2] =	sst s25  }
0xa6: {  	s4 =	sshll.u32 s26, $0x1;
	_ =	strace $0x80000049;
	[dreg:$0x1] =	wrdreg $0xFFFFFFFF  }
0xa7: {  	s28 =	simm.s32 $_size_execute0_lowered;
	s2 =	sadd.s32 s2, s4;
	[dreg:$0x0] =	wrdreg $0x0  }
0xa8: {  	s4 =	sshll.u32 s28, $0x1;
	[dreg:$0x2] =	wrdreg s2  }
0xa9: {  	[dreg:$0x3] =	wrdreg s4  }
0xaa: {  	[dreg:$0x4] =	wrdreg $0xC0  }
0xab: {  	_ =	task [dreg:s6], $0x5FFFF  }
0xac: {  	[dreg:$0x1] =	wrdreg $0xFFFFFFFF  }
0xad: {  	[dreg:$0x0] =	wrdreg $0x60  }
0xae: {  	[dreg:$0x2] =	wrdreg s24  }
0xaf: {  	[dreg:$0x3] =	wrdreg $0xA4000  }
0xb0: {  	[dreg:$0x4] =	wrdreg $0x9  }
0xb1: {  	_ =	task.clear_ibuf [dreg:s6], $0x5FFFF;
	_ =	strace $0x90000049  }
0xb2: {  	s29 =	simm.s32 $0x9;
	_ =	strace $0x8000004B  }
0xb3: {  	_ =	swait.ge [sflag:s29], $0x1  }
0xb4: {  	[sflag:s29] =	ssyncadd.s32 $0xFFFFFFFF  }
0xb5: {  	_ =	strace $0x9000004B  }
0xb6: {  	_ =	sfence  }
0xb7: {  	s30 =	sld [smem:$0x0];
	_ =	sdelay $0x2  }
0xb8: {  	s31 =	sshll.u32 s1, $0xD;
	s1 =	sshrl.u32 s1, $0x2  }
0xb9: {  	s3 =	sand.u32 $0x4000, s31;
	s1 =	sadd.s32 s1, s30  }
0xba: {  	s0 =	sor.u32 s3, s0;
	s1 =	sshll.u32 s1, $0x11  }
0xbb: {  	s0 =	sor.u32 s1, s0  }
0xbc: {  	s0 =	sadd.s32 $0x8F2B, s0  }
0xbd: {  	[sflag:s0] =	ssyncadd.remote.s32 $0x1  }
0xbe: {  	_ =	sfence.sel $0xFFFF  }
0xbf: {  	[dreg:$0x0] =	wrdreg $0xFFFFFFFF;
	(pc) =	sbr.abs _section_cstart, $3  }
0xc0: {  	[dreg:$0x1] =	wrdreg $0xFFFFFFFF  }
0xc1: {  	_ =	task.clear_ibuf [dreg:s6], $0x2FFFF;
	_ =	strace $0x9FFFFFFF  }
0xc2: {  	(tm) =	ssettm $0x7FFFFFFF  }
0xc3: {  	_ =	shalt  }
tec
execute0_lowered:
.L_overlay_start_1:
0x0: {  	(tag) =	ssettag $0x1  }
0x1: {  	s0 =	rddreg [dreg:$0x0]  }
0x2: {  	s1 =	rddreg [dreg:$0x1];
	s2 =	srdreg.scid;
	s3 =	simm.s32 $0x0  }
0x3: {  	s11 =	stileid.u32;
	s28 =	simm.s32 $0x280;
	s29 =	simm.s32 $0x8  }
0x4: {  	s30 =	simm.s32 $0x380;
	s31 =	simm.s32 $0x9;
	s9 =	smul.u32 $0x4E000, s11  }
0x5: {  	s2 =	sand.u32 $0x1, s2;
	[smem:$0x7FF] =	sst s3;
	s22 =	smul.u32 $0x13800, s11  }
0x6: {  	s6 =	sadd.s32 $0x4C00, s0;
	s25 =	smul.u32 $0x7D, s11;
	s26 =	sadd.s32 $0x124800, s1  }
0x7: {  	p0 =	seq.s32 s11, $0xF;
	s4 =	sshll.u32 s2, $0x4;
	s20 =	smul.u32 $0x138800, s2  }
0x8: {  	_ =	strace $0x8000004A;
	s8 =	ssub.s32 $0x2, s2;
	s2 =	smul.u32 $0x7D0, s2  }
0x9: {  	[dreg:$0xf] =	wrdreg s26;
	s26 =	sadd.s32 $0x136000, s1;
	s5 =	sor.u32 s11, s4  }
0xa: {  	s4 =	sadd.s32 $0x24000, s0;
	s0 =	sadd.s32 $0x4B200, s0;
	s10 =	sshrl.u32 s8, $0x1  }
0xb: {  	s9 =	sshrl.u32 s9, $0x2;
	[dreg:$0x19] =	wrdreg s26;
	s11 =	simm.s32 $0x2  }
0xc: {  	s26 =	simm.s32 $0x7;
	s7 =	smul.u32 $0x7D00, s5;
	s17 =	sadd.s32 s9, s1  }
0xd: {  	s5 =	smul.u32 $0xFA0, s5;
	s19 =	sadd.s32 $0x2800, s17;
	[dreg:$0x5] =	wrdreg s17  }
0xe: {  	s8 =	ssub.s32 s8, s10;
	s9 =	sadd.s32 $0x5000, s17;
	[dreg:$0x7] =	wrdreg s19  }
0xf: {  	s13 =	sadd.s32 s22, s20;
	s21 =	sadd.s32 $0x7800, s17;
	[dreg:$0x8] =	wrdreg s9  }
0x10: {  	s2 =	sadd.s32 s25, s2;
	s12 =	sadd.s32 $0xA000, s17;
	[dreg:$0x9] =	wrdreg s21  }
0x11: {  	s23 =	sadd.s32 $0xC800, s17;
	s24 =	sadd.s32 $0xF000, s17;
	[dreg:$0xa] =	wrdreg s12  }
0x12: {  	s10 =	sadd.s32 $0x11800, s17;
	s2 =	sshll.u32 s2, $0x5;
	[dreg:$0xb] =	wrdreg s23  }
0x13: {  	s17 =	sadd.s32 $0x127000, s1;
	s7 =	sshrl.u32 s7, $0x3;
	[dreg:$0xc] =	wrdreg s24  }
0x14: {  	s5 =	sadd.s32 s6, s5;
	[dreg:$0xd] =	wrdreg s10;
	s12 =	sadd.s32 $0x129800, s1  }
0x15: {  	s15 =	sadd.s32 s2, s6;
	[dreg:$0x14] =	wrdreg s17;
	s19 =	sadd.s32 $0x12E800, s1  }
0x16: {  	s21 =	sadd.s32 $0x133800, s1;
	s9 =	simm.s32 $0x50;
	[dreg:$0x3] =	wrdreg s5  }
0x17: {  	s10 =	simm.s32 $0x400;
	s7 =	sadd.s32 s6, s7;
	[dreg:$0x10] =	wrdreg s12  }
0x18: {  	s5 =	sshrl.u32 s20, $0x3;
	s22 =	sadd.s32 $0xE0, s15;
	s23 =	sadd.s32 $0xC0, s15  }
0x19: {  	s24 =	sadd.s32 $0xA0, s15;
	s25 =	sadd.s32 $0x80, s15;
	[dreg:$0x16] =	wrdreg s19  }
0x1a: {  	s20 =	sadd.s32 $0x131000, s1;
	[dreg:$0x18] =	wrdreg s21;
	s6 =	simm.s32 $0x300  }
0x1b: {  	s12 =	simm.s32 $0x2C00;
	s15 =	simm.s32 $0x4;
	s19 =	simm.s32 $0x80  }
0x1c: {  	s21 =	simm.s32 $0x180;
	s16 =	sadd.s32 $0x20, s7;
	[dreg:$0x17] =	wrdreg s20  }
0x1d: {  	s18 =	sadd.s32 $0x40, s7;
	s7 =	sadd.s32 $0x60, s7;
	[dreg:$0x4] =	wrdreg s16  }
0x1e: {  	s5 =	sadd.s32 s0, s5;
	s20 =	simm.s32 $0x6;
	[dreg:$0x6] =	wrdreg s18  }
0x1f: {  	[dreg:$0xe] =	wrdreg s7;
	s7 =	sshrl.u32 s13, $0x3;
	s14 =	sadd.s32 $0x24900, s5  }
.Ltmp0:
0x20: {  	s16 =	smax.u32 s8, $0x1;
	[dreg:$0x12] =	wrdreg s14;
	(pc) =	sbr.rel .LBB2_1-.Ltmp0, $4  }
0x21: {  	s18 =	sadd.s32 $0x12C000, s1;
	s8 =	simm.s32 $0x1;
	[dreg:$0x13] =	wrdreg s16  }
0x22: {  	s13 =	simm.s32 $0x3;
	s0 =	sadd.s32 s0, s7;
	[dreg:$0x15] =	wrdreg s18  }
0x23: {  	s14 =	simm.s32 $0x5400;
	s16 =	simm.s32 $0x7C00;
	s18 =	simm.s32 $0x5  }
0x24: {  	v0 =	vimm.f32 $0.0e+00;
	s7 =	simm.s32 $0x0;
	[dreg:$0x11] =	wrdreg s0;
	s0 =	simm.s32 $0xA  }
.LBB2_6:
0x25: {  	_ =	swait.ge [sflag:s18], $0x2800  }
0x26: {  	[sflag:s18] =	ssyncset.done $0x0  }
0x27: {  	s2 =	simm.s32 $0xD;
	[sflag:s18] =	ssyncadd.s32 $0xFFFFD800  }
0x28: {  	[spmem:s1] =	stream.indirect.scatter.add.f32 [tilespmem:s10], [sflag:$0xD], $0x80, s19, s9, $0xb8;
	[tilespmem:$0x1DC80] =	vst v63  }
0x29: {  	_ =	swait.ge [sflag:s2], $0x2800  }
0x2a: {  	[sflag:s2] =	ssyncset.done $0x0  }
0x2b: {  	[sflag:s2] =	ssyncadd.s32 $0xFFFFD800  }
0x2c: {  	[bflag:$0x0] =	sbarrier.arrive $0xFFFF  }
0x2d: {  	s2 =	rddreg [dreg:$0xf]  }
0x2e: {  	s5 =	simm.s32 @p0 $0x1FCD;
	s7 =	rddreg [dreg:$0x12];
	s2 =	sshrl.u32 @p0 s2, $0x3  }
0x2f: {  	[hbm:s7], [sflag:s5] =	dma.local @p0 [spmem:s2], $0x2800  }
0x30: {  	s2 =	simm.s32 @p0 $0xD  }
0x31: {  	s5 =	stileid.u32;
	_ =	swait.ge @p0 [sflag:s2], $0x2800  }
0x32: {  	s5 =	sshll.u32 @!p0 s5, $0x6;
	[sflag:s2] =	ssyncset.done @p0 $0x0  }
0x33: {  	[sflag:s2] =	ssyncadd.s32 @p0 $0xFFFFD800;
	s2 =	sor.u32 @!p0 $0x1C0D, s5;
	s5 =	rddreg [dreg:$0x5]  }
0x34: {  	s7 =	rddreg [dreg:$0x11];
	s5 =	sshrl.u32 @!p0 s5, $0x3  }
0x35: {  	[hbm:s7], [sflag:s2] =	dma.local @!p0 [spmem:s5], $0x2700  }
0x36: {  	s2 =	simm.s32 @!p0 $0xD  }
0x37: {  	_ =	swait.ge @!p0 [sflag:s2], $0x2700  }
0x38: {  	s5 =	rddreg [dreg:$0x1a]  }
0x39: {  	s17 =	rddreg [dreg:$0x13];
	s7 =	sadd.s32 $0x1, s5  }
0x3a: {  	p1 =	sne.s32 s7, s17  }
.Ltmp1:
0x3b: {  	_ = 	snop;
	(pc) =	sbr.rel @!p1 .LBB2_7-.Ltmp1, $3  }
0x3c: {  	_ =	sdelay $0x1  }
0x3d: {  	[sflag:s2] =	ssyncset.done @!p0 $0x0  }
0x3e: {  	[sflag:s2] =	ssyncadd.s32 @!p0 $0xFFFFD900  }
.LBB2_1:
0x3f: {  	[dreg:$0x1a] =	wrdreg s7  }
0x40: {  	s2 =	rddreg [dreg:$0x3]  }
0x41: {  	[tilespmem:s3], [sflag:$0x1] =	stream.linear.gather [hbm4b:s2+s3], $0x100, $0x38;
	[tilespmem:$0x1DC80] =	vst v63  }
0x42: {  	s17 =	rddreg [dreg:$0x4];
	s5 =	simm.s32 $0x100  }
0x43: {  	[tilespmem:s5], [sflag:$0x2] =	stream.linear.gather [hbm4b:s17+s3], $0x100, $0x38;
	[tilespmem:$0x1DC80] =	vst v63  }
0x44: {  	s7 =	simm.s32 $0x200;
	s5 =	rddreg [dreg:$0x6]  }
0x45: {  	[tilespmem:s7], [sflag:$0x3] =	stream.linear.gather [hbm4b:s5+s3], $0x100, $0x38;
	[tilespmem:$0x1DC80] =	vst v63  }
0x46: {  	s17 =	rddreg [dreg:$0xe]  }
0x47: {  	[tilespmem:s6], [sflag:$0x4] =	stream.linear.gather [hbm4b:s17+s3], $0x100, $0x38;
	[tilespmem:$0x1DC80] =	vst v63  }
0x48: {  	s7 =	simm.s32 $0x0;
	s17 =	simm.s32 $0x200  }
.LBB2_2:
0x49: {  	p1 =	sne.s32 s17, $0x9E00;
	[tilespmem:s7+$0x470] =	vst v0  }
0x4a: {  	[tilespmem:s7+$0x400] =	vst v0  }
0x4b: {  	[tilespmem:s7+$0x410] =	vst v0  }
.Ltmp2:
0x4c: {  	[tilespmem:s7+$0x420] =	vst v0;
	(pc) =	sbr.rel @p1 .LBB2_2-.Ltmp2, $4  }
0x4d: {  	[tilespmem:s7+$0x430] =	vst v0  }
0x4e: {  	[tilespmem:s7+$0x440] =	vst v0  }
0x4f: {  	[tilespmem:s7+$0x450] =	vst v0  }
0x50: {  	[tilespmem:s7+$0x460] =	vst v0;
	s7 =	sshra.s32 s17, $0x2;
	s17 =	sadd.s32 $0x200, s17  }
0x51: {  	[tilespmem:s7+$0x470] =	vst v0  }
0x52: {  	[tilespmem:s7+$0x400] =	vst v0  }
0x53: {  	[tilespmem:s7+$0x410] =	vst v0  }
0x54: {  	[tilespmem:s7+$0x420] =	vst v0  }
0x55: {  	[tilespmem:s7+$0x430] =	vst v0  }
0x56: {  	[tilespmem:s7+$0x440] =	vst v0  }
0x57: {  	[tilespmem:s7+$0x450] =	vst v0  }
0x58: {  	[tilespmem:s7+$0x460] =	vst v0;
	s7 =	simm.s32 @p0 $0x400;
	s2 =	rddreg [dreg:$0xf];
	s17 =	simm.s32 @p0 $0xD  }
0x59: {  	[spmem:s2] =	stream.linear.scatter @p0 [tilespmem:s7], [sflag:$0xD], $0x2800, $0x38;
	[tilespmem:$0x1DC80] =	vst v63  }
0x5a: {  	_ =	swait.ge @p0 [sflag:s17], $0x2800  }
0x5b: {  	[sflag:s17] =	ssyncset.done @p0 $0x0  }
0x5c: {  	s2 =	rddreg [dreg:$0x14];
	[sflag:s17] =	ssyncadd.s32 @p0 $0xFFFFD800  }
0x5d: {  	[spmem:s2] =	stream.linear.scatter @p0 [tilespmem:s7], [sflag:$0xD], $0x2800, $0x38;
	[tilespmem:$0x1DC80] =	vst v63  }
0x5e: {  	_ =	swait.ge @p0 [sflag:s17], $0x2800  }
0x5f: {  	[sflag:s17] =	ssyncset.done @p0 $0x0  }
0x60: {  	s2 =	rddreg [dreg:$0x10];
	[sflag:s17] =	ssyncadd.s32 @p0 $0xFFFFD800  }
0x61: {  	[spmem:s2] =	stream.linear.scatter @p0 [tilespmem:s7], [sflag:$0xD], $0x2800, $0x38;
	[tilespmem:$0x1DC80] =	vst v63  }
0x62: {  	_ =	swait.ge @p0 [sflag:s17], $0x2800  }
0x63: {  	[sflag:s17] =	ssyncset.done @p0 $0x0  }
0x64: {  	s2 =	rddreg [dreg:$0x15];
	[sflag:s17] =	ssyncadd.s32 @p0 $0xFFFFD800  }
0x65: {  	[spmem:s2] =	stream.linear.scatter @p0 [tilespmem:s7], [sflag:$0xD], $0x2800, $0x38;
	[tilespmem:$0x1DC80] =	vst v63  }
0x66: {  	_ =	swait.ge @p0 [sflag:s17], $0x2800  }
0x67: {  	[sflag:s17] =	ssyncset.done @p0 $0x0  }
0x68: {  	s2 =	rddreg [dreg:$0x16];
	[sflag:s17] =	ssyncadd.s32 @p0 $0xFFFFD800  }
0x69: {  	[spmem:s2] =	stream.linear.scatter @p0 [tilespmem:s7], [sflag:$0xD], $0x2800, $0x38;
	[tilespmem:$0x1DC80] =	vst v63  }
0x6a: {  	_ =	swait.ge @p0 [sflag:s17], $0x2800  }
0x6b: {  	[sflag:s17] =	ssyncset.done @p0 $0x0  }
0x6c: {  	s2 =	rddreg [dreg:$0x17];
	[sflag:s17] =	ssyncadd.s32 @p0 $0xFFFFD800  }
0x6d: {  	[spmem:s2] =	stream.linear.scatter @p0 [tilespmem:s7], [sflag:$0xD], $0x2800, $0x38;
	[tilespmem:$0x1DC80] =	vst v63  }
0x6e: {  	_ =	swait.ge @p0 [sflag:s17], $0x2800  }
0x6f: {  	[sflag:s17] =	ssyncset.done @p0 $0x0  }
0x70: {  	s2 =	rddreg [dreg:$0x18];
	[sflag:s17] =	ssyncadd.s32 @p0 $0xFFFFD800  }
0x71: {  	[spmem:s2] =	stream.linear.scatter @p0 [tilespmem:s7], [sflag:$0xD], $0x2800, $0x38;
	[tilespmem:$0x1DC80] =	vst v63  }
0x72: {  	_ =	swait.ge @p0 [sflag:s17], $0x2800  }
0x73: {  	[sflag:s17] =	ssyncset.done @p0 $0x0  }
0x74: {  	s2 =	rddreg [dreg:$0x19];
	[sflag:s17] =	ssyncadd.s32 @p0 $0xFFFFD800  }
0x75: {  	[spmem:s2] =	stream.linear.scatter @p0 [tilespmem:s7], [sflag:$0xD], $0x2800, $0x38;
	[tilespmem:$0x1DC80] =	vst v63  }
0x76: {  	_ =	swait.ge @p0 [sflag:s17], $0x2800  }
0x77: {  	s7 =	simm.s32 @!p0 $0x400;
	[sflag:s17] =	ssyncset.done @p0 $0x0  }
0x78: {  	s2 =	rddreg [dreg:$0x5];
	[sflag:s17] =	ssyncadd.s32 @p0 $0xFFFFD800;
	s17 =	simm.s32 @!p0 $0xD  }
0x79: {  	[spmem:s2] =	stream.linear.scatter @!p0 [tilespmem:s7], [sflag:$0xD], $0x2800, $0x38;
	[tilespmem:$0x1DC80] =	vst v63  }
0x7a: {  	_ =	swait.ge @!p0 [sflag:s17], $0x2800  }
0x7b: {  	[sflag:s17] =	ssyncset.done @!p0 $0x0  }
0x7c: {  	s2 =	rddreg [dreg:$0x7];
	[sflag:s17] =	ssyncadd.s32 @!p0 $0xFFFFD800  }
0x7d: {  	[spmem:s2] =	stream.linear.scatter @!p0 [tilespmem:s7], [sflag:$0xD], $0x2800, $0x38;
	[tilespmem:$0x1DC80] =	vst v63  }
0x7e: {  	_ =	swait.ge @!p0 [sflag:s17], $0x2800  }
0x7f: {  	[sflag:s17] =	ssyncset.done @!p0 $0x0  }
0x80: {  	s2 =	rddreg [dreg:$0x8];
	[sflag:s17] =	ssyncadd.s32 @!p0 $0xFFFFD800  }
0x81: {  	[spmem:s2] =	stream.linear.scatter @!p0 [tilespmem:s7], [sflag:$0xD], $0x2800, $0x38;
	[tilespmem:$0x1DC80] =	vst v63  }
0x82: {  	_ =	swait.ge @!p0 [sflag:s17], $0x2800  }
0x83: {  	[sflag:s17] =	ssyncset.done @!p0 $0x0  }
0x84: {  	s2 =	rddreg [dreg:$0x9];
	[sflag:s17] =	ssyncadd.s32 @!p0 $0xFFFFD800  }
0x85: {  	[spmem:s2] =	stream.linear.scatter @!p0 [tilespmem:s7], [sflag:$0xD], $0x2800, $0x38;
	[tilespmem:$0x1DC80] =	vst v63  }
0x86: {  	_ =	swait.ge @!p0 [sflag:s17], $0x2800  }
0x87: {  	[sflag:s17] =	ssyncset.done @!p0 $0x0  }
0x88: {  	s2 =	rddreg [dreg:$0xa];
	[sflag:s17] =	ssyncadd.s32 @!p0 $0xFFFFD800  }
0x89: {  	[spmem:s2] =	stream.linear.scatter @!p0 [tilespmem:s7], [sflag:$0xD], $0x2800, $0x38;
	[tilespmem:$0x1DC80] =	vst v63  }
0x8a: {  	_ =	swait.ge @!p0 [sflag:s17], $0x2800  }
0x8b: {  	[sflag:s17] =	ssyncset.done @!p0 $0x0  }
0x8c: {  	s2 =	rddreg [dreg:$0xb];
	[sflag:s17] =	ssyncadd.s32 @!p0 $0xFFFFD800  }
0x8d: {  	[spmem:s2] =	stream.linear.scatter @!p0 [tilespmem:s7], [sflag:$0xD], $0x2800, $0x38;
	[tilespmem:$0x1DC80] =	vst v63  }
0x8e: {  	_ =	swait.ge @!p0 [sflag:s17], $0x2800  }
0x8f: {  	[sflag:s17] =	ssyncset.done @!p0 $0x0  }
0x90: {  	s2 =	rddreg [dreg:$0xc];
	[sflag:s17] =	ssyncadd.s32 @!p0 $0xFFFFD800  }
0x91: {  	[spmem:s2] =	stream.linear.scatter @!p0 [tilespmem:s7], [sflag:$0xD], $0x2800, $0x38;
	[tilespmem:$0x1DC80] =	vst v63  }
0x92: {  	_ =	swait.ge @!p0 [sflag:s17], $0x2800  }
0x93: {  	[sflag:s17] =	ssyncset.done @!p0 $0x0  }
0x94: {  	s2 =	rddreg [dreg:$0xd];
	[sflag:s17] =	ssyncadd.s32 @!p0 $0xFFFFD800  }
0x95: {  	[spmem:s2] =	stream.linear.scatter @!p0 [tilespmem:s7], [sflag:$0xD], $0x2000, $0x38;
	[tilespmem:$0x1DC80] =	vst v63  }
0x96: {  	_ =	swait.ge @!p0 [sflag:s17], $0x2000  }
0x97: {  	[sflag:s17] =	ssyncset.done @!p0 $0x0  }
0x98: {  	[sflag:s17] =	ssyncadd.s32 @!p0 $0xFFFFE000  }
0x99: {  	[bflag:$0x0] =	sbarrier.arrive $0xFFFF  }
0x9a: {  	_ =	swait.ge [sflag:s8], $0x100  }
0x9b: {  	[sflag:s8] =	ssyncset.done $0x0  }
0x9c: {  	s7 =	simm.s32 $0x0;
	[sflag:s8] =	ssyncadd.s32 $0xFFFFFF00  }
0x9d: {  	[tilespmem:s10], [sflag:$0x5] =	stream.indirect.gather [hbm4b:s4+s9], $0x80, s7, s9, $0xb8;
	[tilespmem:$0x1DC80] =	vst v63  }
0x9e: {  	_ =	swait.ge [sflag:s11], $0x100  }
0x9f: {  	[sflag:s11] =	ssyncset.done $0x0  }
0xa0: {  	s5 =	simm.s32 $0x100;
	[sflag:s11] =	ssyncadd.s32 $0xFFFFFF00  }
0xa1: {  	[tilespmem:s12], [sflag:$0x6] =	stream.indirect.gather [hbm4b:s4+s9], $0x80, s5, s9, $0xb8;
	[tilespmem:$0x1DC80] =	vst v63  }
0xa2: {  	_ =	swait.ge [sflag:s13], $0x100  }
0xa3: {  	[sflag:s13] =	ssyncset.done $0x0  }
0xa4: {  	s17 =	simm.s32 $0x200;
	[sflag:s13] =	ssyncadd.s32 $0xFFFFFF00  }
0xa5: {  	[tilespmem:s14], [sflag:$0x7] =	stream.indirect.gather [hbm4b:s4+s9], $0x80, s17, s9, $0xb8;
	[tilespmem:$0x1DC80] =	vst v63  }
0xa6: {  	_ =	swait.ge [sflag:s15], $0x100  }
0xa7: {  	[sflag:s15] =	ssyncset.done $0x0  }
0xa8: {  	[sflag:s15] =	ssyncadd.s32 $0xFFFFFF00  }
0xa9: {  	[tilespmem:s16], [sflag:$0x8] =	stream.indirect.gather [hbm4b:s4+s9], $0x80, s6, s9, $0xb8;
	[tilespmem:$0x1DC80] =	vst v63  }
.LBB2_4:
0xaa: {  	_ =	swait.ge [sflag:s18], $0x2800  }
0xab: {  	[sflag:s18] =	ssyncset.done $0x0  }
0xac: {  	[sflag:s18] =	ssyncadd.s32 $0xFFFFD800  }
0xad: {  	[spmem:s1] =	stream.indirect.scatter.add.f32 [tilespmem:s10], [sflag:$0x9], $0x80, s19, s9, $0xb8;
	[tilespmem:$0x1DC80] =	vst v63  }
0xae: {  	_ =	swait.ge [sflag:s20], $0x2800  }
0xaf: {  	[sflag:s20] =	ssyncset.done $0x0  }
0xb0: {  	[sflag:s20] =	ssyncadd.s32 $0xFFFFD800  }
0xb1: {  	[spmem:s1] =	stream.indirect.scatter.add.f32 [tilespmem:s12], [sflag:$0xA], $0x80, s21, s9, $0xb8;
	[tilespmem:$0x1DC80] =	vst v63  }
0xb2: {  	_ =	swait.ge [sflag:s26], $0x2800  }
0xb3: {  	[sflag:s26] =	ssyncset.done $0x0  }
0xb4: {  	[sflag:s26] =	ssyncadd.s32 $0xFFFFD800  }
0xb5: {  	[spmem:s1] =	stream.indirect.scatter.add.f32 [tilespmem:s14], [sflag:$0xB], $0x80, s28, s9, $0xb8;
	[tilespmem:$0x1DC80] =	vst v63  }
0xb6: {  	_ =	swait.ge [sflag:s29], $0x2800  }
0xb7: {  	[sflag:s29] =	ssyncset.done $0x0  }
0xb8: {  	[sflag:s29] =	ssyncadd.s32 $0xFFFFD800  }
0xb9: {  	[spmem:s1] =	stream.indirect.scatter.add.f32 [tilespmem:s16], [sflag:$0xC], $0x80, s30, s9, $0xb8;
	[tilespmem:$0x1DC80] =	vst v63  }
0xba: {  	_ =	swait.ge [sflag:s31], $0x2800  }
0xbb: {  	[sflag:s31] =	ssyncset.done $0x0  }
0xbc: {  	s17 =	sadd.s32 s7, s25;
	[sflag:s31] =	ssyncadd.s32 $0xFFFFD800  }
0xbd: {  	[tilespmem:s3], [sflag:$0x1] =	stream.linear.gather [hbm4b:s17+s3], $0x100, $0x38;
	[tilespmem:$0x1DC80] =	vst v63  }
0xbe: {  	p1 =	sne.s32 s7, $0xF00;
	_ =	swait.ge [sflag:s0], $0x2800  }
0xbf: {  	s2 =	simm.s32 @p1 $0x0;
	[sflag:s0] =	ssyncset.done $0x0  }
0xc0: {  	s5 =	simm.s32 @p1 $0x100;
	s17 =	sadd.s32 @p1 s7, s24;
	[sflag:s0] =	ssyncadd.s32 $0xFFFFD800  }
0xc1: {  	[tilespmem:s5], [sflag:$0x2] =	stream.linear.gather @p1 [hbm4b:s17+s2], $0x100, $0x38;
	[tilespmem:$0x1DC80] =	vst v63  }
0xc2: {  	s5 =	simm.s32 @p1 $0xB  }
0xc3: {  	_ =	swait.ge @p1 [sflag:s5], $0x2800  }
0xc4: {  	[sflag:s5] =	ssyncset.done @p1 $0x0  }
0xc5: {  	s17 =	simm.s32 @p1 $0x200;
	[sflag:s5] =	ssyncadd.s32 @p1 $0xFFFFD800;
	s5 =	sadd.s32 @p1 s7, s23  }
0xc6: {  	[tilespmem:s17], [sflag:$0x3] =	stream.linear.gather @p1 [hbm4b:s5+s2], $0x100, $0x38;
	[tilespmem:$0x1DC80] =	vst v63  }
0xc7: {  	s5 =	simm.s32 @p1 $0xC  }
0xc8: {  	_ =	swait.ge @p1 [sflag:s5], $0x2800  }
0xc9: {  	[sflag:s5] =	ssyncset.done @p1 $0x0  }
0xca: {  	s17 =	simm.s32 @p1 $0x300;
	[sflag:s5] =	ssyncadd.s32 @p1 $0xFFFFD800;
	s5 =	sadd.s32 @p1 s7, s22  }
0xcb: {  	[tilespmem:s17], [sflag:$0x4] =	stream.linear.gather @p1 [hbm4b:s5+s2], $0x100, $0x38;
	[tilespmem:$0x1DC80] =	vst v63  }
0xcc: {  	s2 =	simm.s32 @!p1 $0xB  }
0xcd: {  	_ =	swait.ge @!p1 [sflag:s2], $0x2800  }
0xce: {  	[sflag:s2] =	ssyncset.done @!p1 $0x0  }
0xcf: {  	[sflag:s2] =	ssyncadd.s32 @!p1 $0xFFFFD800;
	s2 =	simm.s32 @!p1 $0xC  }
0xd0: {  	_ =	swait.ge @!p1 [sflag:s2], $0x2800  }
0xd1: {  	[sflag:s2] =	ssyncset.done @!p1 $0x0  }
0xd2: {  	[sflag:s2] =	ssyncadd.s32 @!p1 $0xFFFFD800;
	p1 =	seq.s32 s7, $0xF00  }
.Ltmp3:
0xd3: {  	_ = 	snop;
	(pc) =	sbr.rel @p1 .LBB2_6-.Ltmp3, $4  }
0xd4: {  	_ =	swait.ge [sflag:s8], $0x100  }
0xd5: {  	[sflag:s8] =	ssyncset.done $0x0  }
0xd6: {  	[sflag:s8] =	ssyncadd.s32 $0xFFFFFF00  }
0xd7: {  	[tilespmem:s10], [sflag:$0x5] =	stream.indirect.gather [hbm4b:s4+s9], $0x80, s3, s9, $0xb8;
	[tilespmem:$0x1DC80] =	vst v63  }
0xd8: {  	_ =	swait.ge [sflag:s11], $0x100  }
0xd9: {  	[sflag:s11] =	ssyncset.done $0x0  }
0xda: {  	s2 =	simm.s32 $0x100;
	[sflag:s11] =	ssyncadd.s32 $0xFFFFFF00  }
0xdb: {  	[tilespmem:s12], [sflag:$0x6] =	stream.indirect.gather [hbm4b:s4+s9], $0x80, s2, s9, $0xb8;
	[tilespmem:$0x1DC80] =	vst v63  }
0xdc: {  	_ =	swait.ge [sflag:s13], $0x100  }
0xdd: {  	[sflag:s13] =	ssyncset.done $0x0  }
0xde: {  	s17 =	simm.s32 $0x200;
	[sflag:s13] =	ssyncadd.s32 $0xFFFFFF00  }
0xdf: {  	[tilespmem:s14], [sflag:$0x7] =	stream.indirect.gather [hbm4b:s4+s9], $0x80, s17, s9, $0xb8;
	[tilespmem:$0x1DC80] =	vst v63  }
.Ltmp4:
0xe0: {  	_ = 	snop;
	(pc) =	sbr.rel .LBB2_4-.Ltmp4, $4  }
0xe1: {  	_ =	swait.ge [sflag:s15], $0x100  }
0xe2: {  	[sflag:s15] =	ssyncset.done $0x0  }
0xe3: {  	s7 =	sadd.s32 $0x80, s7;
	[sflag:s15] =	ssyncadd.s32 $0xFFFFFF00  }
0xe4: {  	[tilespmem:s16], [sflag:$0x8] =	stream.indirect.gather [hbm4b:s4+s9], $0x80, s6, s9, $0xb8;
	[tilespmem:$0x1DC80] =	vst v63  }
.LBB2_7:
0xe5: {  	_ =	sfence.sel $0x180000  }
0xe6: {  	[bflag:$0x0] =	sbarrier.arrive $0xFFFF  }
0xe7: {  	_ =	strace $0x9000004A  }
0xe8: {  	s0 =	stileid.u32;
	[bflag:$0x2] =	sbarrier.arrive $0xFFFF  }
0xe9: {  	p0 =	sne.s32 s0, $0x0;
	s0 =	rddreg [dreg:$0x2]  }
0xea: {  	s0 =	sadd.s32 @!p0 $0x100000, s0  }
0xeb: {  	[sflag:s0] =	ssyncadd.tile.s32 @!p0 $0x1;
	_ =	shalt  }
.Lfunc_end2:
_tile_overlayer_lowered:
.L_overlay_start_2:
0xec: {  	(tag) =	ssettag $0x2  }
0xed: {  	s0 =	rddreg [dreg:$0x0];
	s2 =	stileid.u32  }
0xee: {  	s1 =	rddreg [dreg:$0x1];
	p0 =	sne.s32 s2, $0x0  }
0xef: {  	s3 =	rddreg [dreg:$0x2];
	[bflag:$0x3] =	sbarrier.arrive $0xFFFF;
	s2 =	simm.s32 @!p0 $0x1C0D  }
0xf0: {  	[timem:s3], [sflag:s2] =	dma.local @!p0 [hbm:s0], s1  }
0xf1: {  	s0 =	simm.s32 @!p0 $0xD  }
0xf2: {  	_ =	swait.ge @!p0 [sflag:s0], s1  }
0xf3: {  	s1 =	ssub.s32 @!p0 $0x0, s1;
	[sflag:s0] =	ssyncset.done @!p0 $0x0  }
0xf4: {  	[sflag:s0] =	ssyncadd.s32 @!p0 s1  }
0xf5: {  	[bflag:$0x3] =	sbarrier.arrive $0xFFFF  }
0xf6: {  	_ =	shalt  }

// kernel: kernel.16.cloned.1.call-start
scs
__scs_entry_jumppad:
0x0: {  	(pc) =	sbr.rel $0x88, $3  }
0x1: {  	(tag) =	ssettag $0x0;
	lr =	simm.s32 $0x1  }
0x2: {  	[smem:$0x3F88] =	sst lr;
	_ =	strace $0xD0000000  }
0x3: {  	_ = 	snop  }
0x4: {  	_ = 	snop  }
0x5: {  	_ = 	snop  }
0x6: {  	_ = 	snop  }
0x7: {  	_ = 	snop  }
__scs_overlays_trampoline_lowered:
0x8: {  	[smem:$0x3F97] =	sst s0  }
0x9: {  	[smem:$0x3F98] =	sst s1  }
0xa: {  	[smem:$0x3F99] =	sst s2  }
0xb: {  	[smem:$0x3F9A] =	sst s3  }
0xc: {  	[smem:$0x3F9B] =	sst s4  }
0xd: {  	[smem:$0x3F9C] =	sst s5  }
0xe: {  	[smem:$0x3F9D] =	sst s6  }
0xf: {  	[smem:$0x3F9E] =	sst s7  }
0x10: {  	[smem:$0x3F9F] =	sst s8  }
0x11: {  	[smem:$0x3FA0] =	sst s9;
	s0 =	simm.s32 @!p0 $0x0  }
0x12: {  	s1 =	sld [smem:$0x3F86];
	s0 =	simm.s32 @p0 $0x1  }
0x13: {  	[smem:$0x3FA1] =	sst s0;
	s0 =	simm.s32 @!p1 $0x0  }
0x14: {  	s2 =	sld [smem:$0x3F85];
	s0 =	simm.s32 @p1 $0x1  }
0x15: {  	[smem:$0x3FA2] =	sst s0;
	s0 =	simm.s32 @!p2 $0x0  }
0x16: {  	s3 =	sld [smem:$0x3FDB];
	s0 =	simm.s32 @p2 $0x1  }
0x17: {  	s4 =	simm.s32 $0x1BF5;
	[smem:$0x3FA4] =	sst s0  }
0x18: {  	s0 =	sld [smem:$0x3F87];
	_ =	swait.ge [sflag:s4], $0x0  }
0x19: {  	s7 =	sld [smem:$0x3F88]  }
0x1a: {  	s8 =	sadd.s32 $0xFFFFE003, lr  }
0x1b: {  	s9 =	sadd.s32 $0xFFFFFEF7, lr;
	s5 =	simm.s32 $0xFFFFFFFF;
	p2 =	slt.u32 s8, $0xFFFFF086  }
0x1c: {  	p1 =	slt.u32 s9, $0xF7A;
	s5 =	simm.s32 @!p2 $0x0  }
0x1d: {  	s5 =	simm.s32 @p1 $0x1;
	p0 =	seq.s32 s7, s2  }
0x1e: {  	s7 =	smul.u32 @!p0 $0xF7A, s2;
	p2 =	seq.s32 @!p0 s5, $0x0  }
0x1f: {  	s9 =	smul.u32 $0xF7A, s1;
	s8 =	simm.s32 @!p0 $0x1BF5;
	p2 =	por !p2, p0  }
0x20: {  	[sflag:s8] =	ssyncset.s32 @!p0 $0xFFFFF086;
	s6 =	sadd.s32 @!p0 s3, s7;
	s7 =	simm.s32 @!p0 $0x108  }
0x21: {  	s3 =	sadd.s32 s3, s9;
	s6 =	sadd.s32 @!p0 $0x88, s6;
	s7 =	simm.s32 @p2 $0x1082  }
0x22: {  	[simem:s7], [sflag:s8] =	dma.local @!p0 [hbm:s6], $0xF7A  }
0x23: {  	s9 =	sor.u32 $0xD0000000, s2;
	s6 =	simm.s32 $0x108;
	_ =	swait.ge @!p0 [sflag:s8], $0x0  }
0x24: {  	s3 =	sadd.s32 $0x88, s3;
	s6 =	simm.s32 @!p1 $0x1082;
	[sflag:s4] =	ssyncset.s32 $0xFFFFF086  }
0x25: {  	[simem:s6], [sflag:s4] =	dma.local [hbm:s3], $0xF7A  }
0x26: {  	[smem:$0x3F88] =	sst s1;
	(tag) =	ssettag s2;
	_ =	strace s9  }
0x27: {  	s1 =	sld [smem:$0x3F98]  }
0x28: {  	s2 =	sld [smem:$0x3F99]  }
0x29: {  	s4 =	sld [smem:$0x3F9B]  }
0x2a: {  	p0 =	seq.s32 s5, $0x0;
	s5 =	sld [smem:$0x3F9C]  }
0x2b: {  	s6 =	sld [smem:$0x3F9D]  }
0x2c: {  	s7 =	sld [smem:$0x3F9E]  }
0x2d: {  	s3 =	simm.s32 $0x108;
	s8 =	sld [smem:$0x3F9F]  }
0x2e: {  	s3 =	simm.s32 @!p0 $0x1082;
	s9 =	sld [smem:$0x3FA0]  }
0x2f: {  	lr =	sadd.s32 s0, s3;
	s0 =	sld [smem:$0x3F97]  }
0x30: {  	s3 =	sld [smem:$0x3F9A]  }
0x31: {  	[smem:$0x3FA3] =	sst s10  }
0x32: {  	s10 =	sld [smem:$0x3FA1];
	_ =	sdelay $0x3  }
0x33: {  	p0 =	seq.s32 s10, $0x1;
	s10 =	sld [smem:$0x3FA3];
	_ =	sdelay $0x3  }
0x34: {  	[smem:$0x3FA3] =	sst s10  }
0x35: {  	s10 =	sld [smem:$0x3FA2];
	_ =	sdelay $0x3  }
0x36: {  	p1 =	seq.s32 s10, $0x1;
	s10 =	sld [smem:$0x3FA3];
	_ =	sdelay $0x3  }
0x37: {  	[smem:$0x3FA3] =	sst s10  }
0x38: {  	s10 =	sld [smem:$0x3FA4]  }
0x39: {  	_ = 	snop;
	(pc) =	sbr.ind lr, $3  }
0x3a: {  	_ = 	snop  }
0x3b: {  	_ = 	snop  }
0x3c: {  	p2 =	seq.s32 s10, $0x1;
	s10 =	sld [smem:$0x3FA3]  }
0x3d: {  	_ =	shalt  }
0x3e: {  	_ =	shalt  }
0x3f: {  	_ =	shalt  }
0x40: {  	_ =	shalt  }
0x41: {  	_ =	shalt  }
0x42: {  	_ =	shalt  }
0x43: {  	_ =	shalt  }
0x44: {  	_ =	shalt  }
0x45: {  	_ =	shalt  }
0x46: {  	_ =	shalt  }
0x47: {  	_ =	shalt  }
0x48: {  	_ =	shalt  }
0x49: {  	_ =	shalt  }
0x4a: {  	_ =	shalt  }
0x4b: {  	_ =	shalt  }
0x4c: {  	_ =	shalt  }
0x4d: {  	_ =	shalt  }
0x4e: {  	_ =	shalt  }
0x4f: {  	_ =	shalt  }
0x50: {  	_ =	shalt  }
0x51: {  	_ =	shalt  }
0x52: {  	_ =	shalt  }
0x53: {  	_ =	shalt  }
0x54: {  	_ =	shalt  }
0x55: {  	_ =	shalt  }
0x56: {  	_ =	shalt  }
0x57: {  	_ =	shalt  }
0x58: {  	_ =	shalt  }
0x59: {  	_ =	shalt  }
0x5a: {  	_ =	shalt  }
0x5b: {  	_ =	shalt  }
0x5c: {  	_ =	shalt  }
0x5d: {  	_ =	shalt  }
0x5e: {  	_ =	shalt  }
0x5f: {  	_ =	shalt  }
0x60: {  	_ =	shalt  }
0x61: {  	_ =	shalt  }
0x62: {  	_ =	shalt  }
0x63: {  	_ =	shalt  }
0x64: {  	_ =	shalt  }
0x65: {  	_ =	shalt  }
0x66: {  	_ =	shalt  }
0x67: {  	_ =	shalt  }
0x68: {  	_ =	shalt  }
0x69: {  	_ =	shalt  }
0x6a: {  	_ =	shalt  }
0x6b: {  	_ =	shalt  }
0x6c: {  	_ =	shalt  }
0x6d: {  	_ =	shalt  }
0x6e: {  	_ =	shalt  }
0x6f: {  	_ =	shalt  }
0x70: {  	_ =	shalt  }
0x71: {  	_ =	shalt  }
0x72: {  	_ =	shalt  }
0x73: {  	_ =	shalt  }
0x74: {  	_ =	shalt  }
0x75: {  	_ =	shalt  }
0x76: {  	_ =	shalt  }
0x77: {  	_ =	shalt  }
0x78: {  	_ =	shalt  }
0x79: {  	_ =	shalt  }
0x7a: {  	_ =	shalt  }
0x7b: {  	_ =	shalt  }
0x7c: {  	_ =	shalt  }
0x7d: {  	_ =	shalt  }
0x7e: {  	_ =	shalt  }
0x7f: {  	_ =	shalt  }
0x80: {  	_ =	shalt  }
0x81: {  	_ =	shalt  }
0x82: {  	_ =	shalt  }
0x83: {  	_ =	shalt  }
0x84: {  	_ =	shalt  }
0x85: {  	_ =	shalt  }
0x86: {  	_ =	shalt  }
0x87: {  	_ =	shalt  }
.Lfunc_end0:
.L_simem_size_0:
called_computation.2_lowered:
.L_overlay_start_0:
0x88: {  	s2 =	sld [smem:$0x3FD9]  }
0x89: {  	s3 =	sld [smem:$0x3FFE];
	_ =	sdelay $0x1  }
0x8a: {  	s1 =	srdreg.scid  }
0x8b: {  	s0 =	sand.u32 $0x1, s1  }
0x8c: {  	s16 =	sshll.u32 s0, $0xA;
	s2 =	sadd.s32 s3, s2  }
0x8d: {  	s2 =	sadd.s32 s2, s16  }
0x8e: {  	[smem:$0x3FAF] =	sst s2  }
0x8f: {  	_ = 	snop  }
0x90: {  	(tm) =	ssettm $0x1  }
0x91: {  	s17 =	sld [smem:$0x3FFB];
	_ =	sdelay $0x3  }
0x92: {  	_ =	strace s17  }
0x93: {  	s2 =	sld [smem:$0x3FFC];
	_ =	sdelay $0x3  }
0x94: {  	_ =	strace s2  }
0x95: {  	s2 =	sld [smem:$0x3FFD];
	_ =	sdelay $0x3  }
0x96: {  	_ =	strace s2  }
0x97: {  	_ =	strace $0x8FFFFFFF  }
0x98: {  	s18 =	sld [smem:$0x3FDB];
	_ =	sdelay $0x1  }
0x99: {  	s19 =	simm.s32 $_scs_section_size  }
0x9a: {  	s4 =	simm.s32 $_size__tile_overlayer_lowered;
	s5 =	simm.s32 $_tile_overlayer_lowered  }
0x9b: {  	s22 =	simm.s32 $0x1BFF;
	s21 =	sshll.u32 s5, $0x1;
	s2 =	sadd.s32 s19, s18  }
0x9c: {  	s6 =	simm.s32 $0x0;
	s20 =	sshll.u32 s4, $0x1;
	s4 =	sadd.s32 s21, s2  }
0x9d: {  	[timem:s6], [sflag:s22] =	dma.local [hbm:s4], s20  }
0x9e: {  	_ =	swait.ge [sflag:s22], s20  }
0x9f: {  	s3 =	ssub.s32 $0x0, s20;
	[sflag:s22] =	ssyncset.done $0x0  }
0xa0: {  	[sflag:s22] =	ssyncadd.s32 s3;
	_ =	sdelay $0x1  }
0xa1: {  	s23 =	simm.s32 $0x1B8B  }
0xa2: {  	_ =	swait.ge [sflag:s23], $0x1  }
0xa3: {  	[sflag:s23] =	ssyncset.done $0x0  }
0xa4: {  	s25 =	simm.s32 $0x1B8E;
	s24 =	sld [smem:$0x3FFE];
	[sflag:s23] =	ssyncadd.s32 $0xFFFFFFFF  }
0xa5: {  	s26 =	simm.s32 $execute0_lowered;
	[smem:$0x3FD2] =	sst s25  }
0xa6: {  	s4 =	sshll.u32 s26, $0x1;
	_ =	strace $0x8000004C;
	[dreg:$0x1] =	wrdreg $0xFFFFFFFF  }
0xa7: {  	s28 =	simm.s32 $_size_execute0_lowered;
	s2 =	sadd.s32 s2, s4;
	[dreg:$0x0] =	wrdreg $0x0  }
0xa8: {  	s4 =	sshll.u32 s28, $0x1;
	[dreg:$0x2] =	wrdreg s2  }
0xa9: {  	[dreg:$0x3] =	wrdreg s4  }
0xaa: {  	[dreg:$0x4] =	wrdreg $0xC0  }
0xab: {  	_ =	task [dreg:s6], $0x5FFFF  }
0xac: {  	[dreg:$0x1] =	wrdreg $0xFFFFFFFF  }
0xad: {  	[dreg:$0x0] =	wrdreg $0x60  }
0xae: {  	[dreg:$0x2] =	wrdreg s24  }
0xaf: {  	[dreg:$0x3] =	wrdreg $0xA4000  }
0xb0: {  	[dreg:$0x4] =	wrdreg $0x9  }
0xb1: {  	_ =	task.clear_ibuf [dreg:s6], $0x5FFFF;
	_ =	strace $0x9000004C  }
0xb2: {  	s29 =	simm.s32 $0x9;
	_ =	strace $0x8000004E  }
0xb3: {  	_ =	swait.ge [sflag:s29], $0x1  }
0xb4: {  	[sflag:s29] =	ssyncadd.s32 $0xFFFFFFFF  }
0xb5: {  	_ =	strace $0x9000004E  }
0xb6: {  	_ =	sfence  }
0xb7: {  	s30 =	sld [smem:$0x0];
	_ =	sdelay $0x2  }
0xb8: {  	s31 =	sshll.u32 s1, $0xD;
	s1 =	sshrl.u32 s1, $0x2  }
0xb9: {  	s3 =	sand.u32 $0x4000, s31;
	s1 =	sadd.s32 s1, s30  }
0xba: {  	s0 =	sor.u32 s3, s0;
	s1 =	sshll.u32 s1, $0x11  }
0xbb: {  	s0 =	sor.u32 s1, s0  }
0xbc: {  	s0 =	sadd.s32 $0x8F2B, s0  }
0xbd: {  	[sflag:s0] =	ssyncadd.remote.s32 $0x1  }
0xbe: {  	_ =	sfence.sel $0xFFFF  }
0xbf: {  	[dreg:$0x0] =	wrdreg $0xFFFFFFFF;
	(pc) =	sbr.abs _section_cstart, $3  }
0xc0: {  	[dreg:$0x1] =	wrdreg $0xFFFFFFFF  }
0xc1: {  	_ =	task.clear_ibuf [dreg:s6], $0x2FFFF;
	_ =	strace $0x9FFFFFFF  }
0xc2: {  	(tm) =	ssettm $0x7FFFFFFF  }
0xc3: {  	_ =	shalt  }
tec
execute0_lowered:
.L_overlay_start_1:
0x0: {  	(tag) =	ssettag $0x1  }
0x1: {  	s0 =	rddreg [dreg:$0x0]  }
0x2: {  	s1 =	rddreg [dreg:$0x1];
	s2 =	srdreg.scid;
	s3 =	simm.s32 $0x0  }
0x3: {  	s11 =	stileid.u32;
	s28 =	simm.s32 $0x280;
	s29 =	simm.s32 $0x8  }
0x4: {  	s30 =	simm.s32 $0x380;
	s31 =	simm.s32 $0x9;
	s9 =	smul.u32 $0x4E000, s11  }
0x5: {  	s2 =	sand.u32 $0x1, s2;
	[smem:$0x7FF] =	sst s3;
	s22 =	smul.u32 $0x13800, s11  }
0x6: {  	s6 =	sadd.s32 $0x4C00, s0;
	s25 =	smul.u32 $0x7D, s11;
	s26 =	sadd.s32 $0x124800, s1  }
0x7: {  	p0 =	seq.s32 s11, $0xF;
	s4 =	sshll.u32 s2, $0x4;
	s20 =	smul.u32 $0x138800, s2  }
0x8: {  	_ =	strace $0x8000004D;
	s8 =	ssub.s32 $0x2, s2;
	s2 =	smul.u32 $0x7D0, s2  }
0x9: {  	[dreg:$0xf] =	wrdreg s26;
	s26 =	sadd.s32 $0x136000, s1;
	s5 =	sor.u32 s11, s4  }
0xa: {  	s4 =	sadd.s32 $0x24000, s0;
	s0 =	sadd.s32 $0x4B200, s0;
	s10 =	sshrl.u32 s8, $0x1  }
0xb: {  	s9 =	sshrl.u32 s9, $0x2;
	[dreg:$0x19] =	wrdreg s26;
	s11 =	simm.s32 $0x2  }
0xc: {  	s26 =	simm.s32 $0x7;
	s7 =	smul.u32 $0x7D00, s5;
	s17 =	sadd.s32 s9, s1  }
0xd: {  	s5 =	smul.u32 $0xFA0, s5;
	s19 =	sadd.s32 $0x2800, s17;
	[dreg:$0x5] =	wrdreg s17  }
0xe: {  	s8 =	ssub.s32 s8, s10;
	s9 =	sadd.s32 $0x5000, s17;
	[dreg:$0x7] =	wrdreg s19  }
0xf: {  	s13 =	sadd.s32 s22, s20;
	s21 =	sadd.s32 $0x7800, s17;
	[dreg:$0x8] =	wrdreg s9  }
0x10: {  	s2 =	sadd.s32 s25, s2;
	s12 =	sadd.s32 $0xA000, s17;
	[dreg:$0x9] =	wrdreg s21  }
0x11: {  	s23 =	sadd.s32 $0xC800, s17;
	s24 =	sadd.s32 $0xF000, s17;
	[dreg:$0xa] =	wrdreg s12  }
0x12: {  	s10 =	sadd.s32 $0x11800, s17;
	s2 =	sshll.u32 s2, $0x5;
	[dreg:$0xb] =	wrdreg s23  }
0x13: {  	s17 =	sadd.s32 $0x127000, s1;
	s7 =	sshrl.u32 s7, $0x3;
	[dreg:$0xc] =	wrdreg s24  }
0x14: {  	s5 =	sadd.s32 s6, s5;
	[dreg:$0xd] =	wrdreg s10;
	s12 =	sadd.s32 $0x129800, s1  }
0x15: {  	s15 =	sadd.s32 s2, s6;
	[dreg:$0x14] =	wrdreg s17;
	s19 =	sadd.s32 $0x12E800, s1  }
0x16: {  	s21 =	sadd.s32 $0x133800, s1;
	s9 =	simm.s32 $0x50;
	[dreg:$0x3] =	wrdreg s5  }
0x17: {  	s10 =	simm.s32 $0x400;
	s7 =	sadd.s32 s6, s7;
	[dreg:$0x10] =	wrdreg s12  }
0x18: {  	s5 =	sshrl.u32 s20, $0x3;
	s22 =	sadd.s32 $0xE0, s15;
	s23 =	sadd.s32 $0xC0, s15  }
0x19: {  	s24 =	sadd.s32 $0xA0, s15;
	s25 =	sadd.s32 $0x80, s15;
	[dreg:$0x16] =	wrdreg s19  }
0x1a: {  	s20 =	sadd.s32 $0x131000, s1;
	[dreg:$0x18] =	wrdreg s21;
	s6 =	simm.s32 $0x300  }
0x1b: {  	s12 =	simm.s32 $0x2C00;
	s15 =	simm.s32 $0x4;
	s19 =	simm.s32 $0x80  }
0x1c: {  	s21 =	simm.s32 $0x180;
	s16 =	sadd.s32 $0x20, s7;
	[dreg:$0x17] =	wrdreg s20  }
0x1d: {  	s18 =	sadd.s32 $0x40, s7;
	s7 =	sadd.s32 $0x60, s7;
	[dreg:$0x4] =	wrdreg s16  }
0x1e: {  	s5 =	sadd.s32 s0, s5;
	s20 =	simm.s32 $0x6;
	[dreg:$0x6] =	wrdreg s18  }
0x1f: {  	[dreg:$0xe] =	wrdreg s7;
	s7 =	sshrl.u32 s13, $0x3;
	s14 =	sadd.s32 $0x24900, s5  }
.Ltmp0:
0x20: {  	s16 =	smax.u32 s8, $0x1;
	[dreg:$0x12] =	wrdreg s14;
	(pc) =	sbr.rel .LBB2_1-.Ltmp0, $4  }
0x21: {  	s18 =	sadd.s32 $0x12C000, s1;
	s8 =	simm.s32 $0x1;
	[dreg:$0x13] =	wrdreg s16  }
0x22: {  	s13 =	simm.s32 $0x3;
	s0 =	sadd.s32 s0, s7;
	[dreg:$0x15] =	wrdreg s18  }
0x23: {  	s14 =	simm.s32 $0x5400;
	s16 =	simm.s32 $0x7C00;
	s18 =	simm.s32 $0x5  }
0x24: {  	v0 =	vimm.f32 $0.0e+00;
	s7 =	simm.s32 $0x0;
	[dreg:$0x11] =	wrdreg s0;
	s0 =	simm.s32 $0xA  }
.LBB2_6:
0x25: {  	_ =	swait.ge [sflag:s18], $0x2800  }
0x26: {  	[sflag:s18] =	ssyncset.done $0x0  }
0x27: {  	s2 =	simm.s32 $0xD;
	[sflag:s18] =	ssyncadd.s32 $0xFFFFD800  }
0x28: {  	[spmem:s1] =	stream.indirect.scatter.add.f32 [tilespmem:s10], [sflag:$0xD], $0x80, s19, s9, $0xb8;
	[tilespmem:$0x1DC80] =	vst v63  }
0x29: {  	_ =	swait.ge [sflag:s2], $0x2800  }
0x2a: {  	[sflag:s2] =	ssyncset.done $0x0  }
0x2b: {  	[sflag:s2] =	ssyncadd.s32 $0xFFFFD800  }
0x2c: {  	[bflag:$0x0] =	sbarrier.arrive $0xFFFF  }
0x2d: {  	s2 =	rddreg [dreg:$0xf]  }
0x2e: {  	s5 =	simm.s32 @p0 $0x1FCD;
	s7 =	rddreg [dreg:$0x12];
	s2 =	sshrl.u32 @p0 s2, $0x3  }
0x2f: {  	[hbm:s7], [sflag:s5] =	dma.local @p0 [spmem:s2], $0x2800  }
0x30: {  	s2 =	simm.s32 @p0 $0xD  }
0x31: {  	s5 =	stileid.u32;
	_ =	swait.ge @p0 [sflag:s2], $0x2800  }
0x32: {  	s5 =	sshll.u32 @!p0 s5, $0x6;
	[sflag:s2] =	ssyncset.done @p0 $0x0  }
0x33: {  	[sflag:s2] =	ssyncadd.s32 @p0 $0xFFFFD800;
	s2 =	sor.u32 @!p0 $0x1C0D, s5;
	s5 =	rddreg [dreg:$0x5]  }
0x34: {  	s7 =	rddreg [dreg:$0x11];
	s5 =	sshrl.u32 @!p0 s5, $0x3  }
0x35: {  	[hbm:s7], [sflag:s2] =	dma.local @!p0 [spmem:s5], $0x2700  }
0x36: {  	s2 =	simm.s32 @!p0 $0xD  }
0x37: {  	_ =	swait.ge @!p0 [sflag:s2], $0x2700  }
0x38: {  	s5 =	rddreg [dreg:$0x1a]  }
0x39: {  	s17 =	rddreg [dreg:$0x13];
	s7 =	sadd.s32 $0x1, s5  }
0x3a: {  	p1 =	sne.s32 s7, s17  }
.Ltmp1:
0x3b: {  	_ = 	snop;
	(pc) =	sbr.rel @!p1 .LBB2_7-.Ltmp1, $3  }
0x3c: {  	_ =	sdelay $0x1  }
0x3d: {  	[sflag:s2] =	ssyncset.done @!p0 $0x0  }
0x3e: {  	[sflag:s2] =	ssyncadd.s32 @!p0 $0xFFFFD900  }
.LBB2_1:
0x3f: {  	[dreg:$0x1a] =	wrdreg s7  }
0x40: {  	s2 =	rddreg [dreg:$0x3]  }
0x41: {  	[tilespmem:s3], [sflag:$0x1] =	stream.linear.gather [hbm4b:s2+s3], $0x100, $0x38;
	[tilespmem:$0x1DC80] =	vst v63  }
0x42: {  	s17 =	rddreg [dreg:$0x4];
	s5 =	simm.s32 $0x100  }
0x43: {  	[tilespmem:s5], [sflag:$0x2] =	stream.linear.gather [hbm4b:s17+s3], $0x100, $0x38;
	[tilespmem:$0x1DC80] =	vst v63  }
0x44: {  	s7 =	simm.s32 $0x200;
	s5 =	rddreg [dreg:$0x6]  }
0x45: {  	[tilespmem:s7], [sflag:$0x3] =	stream.linear.gather [hbm4b:s5+s3], $0x100, $0x38;
	[tilespmem:$0x1DC80] =	vst v63  }
0x46: {  	s17 =	rddreg [dreg:$0xe]  }
0x47: {  	[tilespmem:s6], [sflag:$0x4] =	stream.linear.gather [hbm4b:s17+s3], $0x100, $0x38;
	[tilespmem:$0x1DC80] =	vst v63  }
0x48: {  	s7 =	simm.s32 $0x0;
	s17 =	simm.s32 $0x200  }
.LBB2_2:
0x49: {  	p1 =	sne.s32 s17, $0x9E00;
	[tilespmem:s7+$0x470] =	vst v0  }
0x4a: {  	[tilespmem:s7+$0x400] =	vst v0  }
0x4b: {  	[tilespmem:s7+$0x410] =	vst v0  }
.Ltmp2:
0x4c: {  	[tilespmem:s7+$0x420] =	vst v0;
	(pc) =	sbr.rel @p1 .LBB2_2-.Ltmp2, $4  }
0x4d: {  	[tilespmem:s7+$0x430] =	vst v0  }
0x4e: {  	[tilespmem:s7+$0x440] =	vst v0  }
0x4f: {  	[tilespmem:s7+$0x450] =	vst v0  }
0x50: {  	[tilespmem:s7+$0x460] =	vst v0;
	s7 =	sshra.s32 s17, $0x2;
	s17 =	sadd.s32 $0x200, s17  }
0x51: {  	[tilespmem:s7+$0x470] =	vst v0  }
0x52: {  	[tilespmem:s7+$0x400] =	vst v0  }
0x53: {  	[tilespmem:s7+$0x410] =	vst v0  }
0x54: {  	[tilespmem:s7+$0x420] =	vst v0  }
0x55: {  	[tilespmem:s7+$0x430] =	vst v0  }
0x56: {  	[tilespmem:s7+$0x440] =	vst v0  }
0x57: {  	[tilespmem:s7+$0x450] =	vst v0  }
0x58: {  	[tilespmem:s7+$0x460] =	vst v0;
	s7 =	simm.s32 @p0 $0x400;
	s2 =	rddreg [dreg:$0xf];
	s17 =	simm.s32 @p0 $0xD  }
0x59: {  	[spmem:s2] =	stream.linear.scatter @p0 [tilespmem:s7], [sflag:$0xD], $0x2800, $0x38;
	[tilespmem:$0x1DC80] =	vst v63  }
0x5a: {  	_ =	swait.ge @p0 [sflag:s17], $0x2800  }
0x5b: {  	[sflag:s17] =	ssyncset.done @p0 $0x0  }
0x5c: {  	s2 =	rddreg [dreg:$0x14];
	[sflag:s17] =	ssyncadd.s32 @p0 $0xFFFFD800  }
0x5d: {  	[spmem:s2] =	stream.linear.scatter @p0 [tilespmem:s7], [sflag:$0xD], $0x2800, $0x38;
	[tilespmem:$0x1DC80] =	vst v63  }
0x5e: {  	_ =	swait.ge @p0 [sflag:s17], $0x2800  }
0x5f: {  	[sflag:s17] =	ssyncset.done @p0 $0x0  }
0x60: {  	s2 =	rddreg [dreg:$0x10];
	[sflag:s17] =	ssyncadd.s32 @p0 $0xFFFFD800  }
0x61: {  	[spmem:s2] =	stream.linear.scatter @p0 [tilespmem:s7], [sflag:$0xD], $0x2800, $0x38;
	[tilespmem:$0x1DC80] =	vst v63  }
0x62: {  	_ =	swait.ge @p0 [sflag:s17], $0x2800  }
0x63: {  	[sflag:s17] =	ssyncset.done @p0 $0x0  }
0x64: {  	s2 =	rddreg [dreg:$0x15];
	[sflag:s17] =	ssyncadd.s32 @p0 $0xFFFFD800  }
0x65: {  	[spmem:s2] =	stream.linear.scatter @p0 [tilespmem:s7], [sflag:$0xD], $0x2800, $0x38;
	[tilespmem:$0x1DC80] =	vst v63  }
0x66: {  	_ =	swait.ge @p0 [sflag:s17], $0x2800  }
0x67: {  	[sflag:s17] =	ssyncset.done @p0 $0x0  }
0x68: {  	s2 =	rddreg [dreg:$0x16];
	[sflag:s17] =	ssyncadd.s32 @p0 $0xFFFFD800  }
0x69: {  	[spmem:s2] =	stream.linear.scatter @p0 [tilespmem:s7], [sflag:$0xD], $0x2800, $0x38;
	[tilespmem:$0x1DC80] =	vst v63  }
0x6a: {  	_ =	swait.ge @p0 [sflag:s17], $0x2800  }
0x6b: {  	[sflag:s17] =	ssyncset.done @p0 $0x0  }
0x6c: {  	s2 =	rddreg [dreg:$0x17];
	[sflag:s17] =	ssyncadd.s32 @p0 $0xFFFFD800  }
0x6d: {  	[spmem:s2] =	stream.linear.scatter @p0 [tilespmem:s7], [sflag:$0xD], $0x2800, $0x38;
	[tilespmem:$0x1DC80] =	vst v63  }
0x6e: {  	_ =	swait.ge @p0 [sflag:s17], $0x2800  }
0x6f: {  	[sflag:s17] =	ssyncset.done @p0 $0x0  }
0x70: {  	s2 =	rddreg [dreg:$0x18];
	[sflag:s17] =	ssyncadd.s32 @p0 $0xFFFFD800  }
0x71: {  	[spmem:s2] =	stream.linear.scatter @p0 [tilespmem:s7], [sflag:$0xD], $0x2800, $0x38;
	[tilespmem:$0x1DC80] =	vst v63  }
0x72: {  	_ =	swait.ge @p0 [sflag:s17], $0x2800  }
0x73: {  	[sflag:s17] =	ssyncset.done @p0 $0x0  }
0x74: {  	s2 =	rddreg [dreg:$0x19];
	[sflag:s17] =	ssyncadd.s32 @p0 $0xFFFFD800  }
0x75: {  	[spmem:s2] =	stream.linear.scatter @p0 [tilespmem:s7], [sflag:$0xD], $0x2800, $0x38;
	[tilespmem:$0x1DC80] =	vst v63  }
0x76: {  	_ =	swait.ge @p0 [sflag:s17], $0x2800  }
0x77: {  	s7 =	simm.s32 @!p0 $0x400;
	[sflag:s17] =	ssyncset.done @p0 $0x0  }
0x78: {  	s2 =	rddreg [dreg:$0x5];
	[sflag:s17] =	ssyncadd.s32 @p0 $0xFFFFD800;
	s17 =	simm.s32 @!p0 $0xD  }
0x79: {  	[spmem:s2] =	stream.linear.scatter @!p0 [tilespmem:s7], [sflag:$0xD], $0x2800, $0x38;
	[tilespmem:$0x1DC80] =	vst v63  }
0x7a: {  	_ =	swait.ge @!p0 [sflag:s17], $0x2800  }
0x7b: {  	[sflag:s17] =	ssyncset.done @!p0 $0x0  }
0x7c: {  	s2 =	rddreg [dreg:$0x7];
	[sflag:s17] =	ssyncadd.s32 @!p0 $0xFFFFD800  }
0x7d: {  	[spmem:s2] =	stream.linear.scatter @!p0 [tilespmem:s7], [sflag:$0xD], $0x2800, $0x38;
	[tilespmem:$0x1DC80] =	vst v63  }
0x7e: {  	_ =	swait.ge @!p0 [sflag:s17], $0x2800  }
0x7f: {  	[sflag:s17] =	ssyncset.done @!p0 $0x0  }
0x80: {  	s2 =	rddreg [dreg:$0x8];
	[sflag:s17] =	ssyncadd.s32 @!p0 $0xFFFFD800  }
0x81: {  	[spmem:s2] =	stream.linear.scatter @!p0 [tilespmem:s7], [sflag:$0xD], $0x2800, $0x38;
	[tilespmem:$0x1DC80] =	vst v63  }
0x82: {  	_ =	swait.ge @!p0 [sflag:s17], $0x2800  }
0x83: {  	[sflag:s17] =	ssyncset.done @!p0 $0x0  }
0x84: {  	s2 =	rddreg [dreg:$0x9];
	[sflag:s17] =	ssyncadd.s32 @!p0 $0xFFFFD800  }
0x85: {  	[spmem:s2] =	stream.linear.scatter @!p0 [tilespmem:s7], [sflag:$0xD], $0x2800, $0x38;
	[tilespmem:$0x1DC80] =	vst v63  }
0x86: {  	_ =	swait.ge @!p0 [sflag:s17], $0x2800  }
0x87: {  	[sflag:s17] =	ssyncset.done @!p0 $0x0  }
0x88: {  	s2 =	rddreg [dreg:$0xa];
	[sflag:s17] =	ssyncadd.s32 @!p0 $0xFFFFD800  }
0x89: {  	[spmem:s2] =	stream.linear.scatter @!p0 [tilespmem:s7], [sflag:$0xD], $0x2800, $0x38;
	[tilespmem:$0x1DC80] =	vst v63  }
0x8a: {  	_ =	swait.ge @!p0 [sflag:s17], $0x2800  }
0x8b: {  	[sflag:s17] =	ssyncset.done @!p0 $0x0  }
0x8c: {  	s2 =	rddreg [dreg:$0xb];
	[sflag:s17] =	ssyncadd.s32 @!p0 $0xFFFFD800  }
0x8d: {  	[spmem:s2] =	stream.linear.scatter @!p0 [tilespmem:s7], [sflag:$0xD], $0x2800, $0x38;
	[tilespmem:$0x1DC80] =	vst v63  }
0x8e: {  	_ =	swait.ge @!p0 [sflag:s17], $0x2800  }
0x8f: {  	[sflag:s17] =	ssyncset.done @!p0 $0x0  }
0x90: {  	s2 =	rddreg [dreg:$0xc];
	[sflag:s17] =	ssyncadd.s32 @!p0 $0xFFFFD800  }
0x91: {  	[spmem:s2] =	stream.linear.scatter @!p0 [tilespmem:s7], [sflag:$0xD], $0x2800, $0x38;
	[tilespmem:$0x1DC80] =	vst v63  }
0x92: {  	_ =	swait.ge @!p0 [sflag:s17], $0x2800  }
0x93: {  	[sflag:s17] =	ssyncset.done @!p0 $0x0  }
0x94: {  	s2 =	rddreg [dreg:$0xd];
	[sflag:s17] =	ssyncadd.s32 @!p0 $0xFFFFD800  }
0x95: {  	[spmem:s2] =	stream.linear.scatter @!p0 [tilespmem:s7], [sflag:$0xD], $0x2000, $0x38;
	[tilespmem:$0x1DC80] =	vst v63  }
0x96: {  	_ =	swait.ge @!p0 [sflag:s17], $0x2000  }
0x97: {  	[sflag:s17] =	ssyncset.done @!p0 $0x0  }
0x98: {  	[sflag:s17] =	ssyncadd.s32 @!p0 $0xFFFFE000  }
0x99: {  	[bflag:$0x0] =	sbarrier.arrive $0xFFFF  }
0x9a: {  	_ =	swait.ge [sflag:s8], $0x100  }
0x9b: {  	[sflag:s8] =	ssyncset.done $0x0  }
0x9c: {  	s7 =	simm.s32 $0x0;
	[sflag:s8] =	ssyncadd.s32 $0xFFFFFF00  }
0x9d: {  	[tilespmem:s10], [sflag:$0x5] =	stream.indirect.gather [hbm4b:s4+s9], $0x80, s7, s9, $0xb8;
	[tilespmem:$0x1DC80] =	vst v63  }
0x9e: {  	_ =	swait.ge [sflag:s11], $0x100  }
0x9f: {  	[sflag:s11] =	ssyncset.done $0x0  }
0xa0: {  	s5 =	simm.s32 $0x100;
	[sflag:s11] =	ssyncadd.s32 $0xFFFFFF00  }
0xa1: {  	[tilespmem:s12], [sflag:$0x6] =	stream.indirect.gather [hbm4b:s4+s9], $0x80, s5, s9, $0xb8;
	[tilespmem:$0x1DC80] =	vst v63  }
0xa2: {  	_ =	swait.ge [sflag:s13], $0x100  }
0xa3: {  	[sflag:s13] =	ssyncset.done $0x0  }
0xa4: {  	s17 =	simm.s32 $0x200;
	[sflag:s13] =	ssyncadd.s32 $0xFFFFFF00  }
0xa5: {  	[tilespmem:s14], [sflag:$0x7] =	stream.indirect.gather [hbm4b:s4+s9], $0x80, s17, s9, $0xb8;
	[tilespmem:$0x1DC80] =	vst v63  }
0xa6: {  	_ =	swait.ge [sflag:s15], $0x100  }
0xa7: {  	[sflag:s15] =	ssyncset.done $0x0  }
0xa8: {  	[sflag:s15] =	ssyncadd.s32 $0xFFFFFF00  }
0xa9: {  	[tilespmem:s16], [sflag:$0x8] =	stream.indirect.gather [hbm4b:s4+s9], $0x80, s6, s9, $0xb8;
	[tilespmem:$0x1DC80] =	vst v63  }
.LBB2_4:
0xaa: {  	_ =	swait.ge [sflag:s18], $0x2800  }
0xab: {  	[sflag:s18] =	ssyncset.done $0x0  }
0xac: {  	[sflag:s18] =	ssyncadd.s32 $0xFFFFD800  }
0xad: {  	[spmem:s1] =	stream.indirect.scatter.add.f32 [tilespmem:s10], [sflag:$0x9], $0x80, s19, s9, $0xb8;
	[tilespmem:$0x1DC80] =	vst v63  }
0xae: {  	_ =	swait.ge [sflag:s20], $0x2800  }
0xaf: {  	[sflag:s20] =	ssyncset.done $0x0  }
0xb0: {  	[sflag:s20] =	ssyncadd.s32 $0xFFFFD800  }
0xb1: {  	[spmem:s1] =	stream.indirect.scatter.add.f32 [tilespmem:s12], [sflag:$0xA], $0x80, s21, s9, $0xb8;
	[tilespmem:$0x1DC80] =	vst v63  }
0xb2: {  	_ =	swait.ge [sflag:s26], $0x2800  }
0xb3: {  	[sflag:s26] =	ssyncset.done $0x0  }
0xb4: {  	[sflag:s26] =	ssyncadd.s32 $0xFFFFD800  }
0xb5: {  	[spmem:s1] =	stream.indirect.scatter.add.f32 [tilespmem:s14], [sflag:$0xB], $0x80, s28, s9, $0xb8;
	[tilespmem:$0x1DC80] =	vst v63  }
0xb6: {  	_ =	swait.ge [sflag:s29], $0x2800  }
0xb7: {  	[sflag:s29] =	ssyncset.done $0x0  }
0xb8: {  	[sflag:s29] =	ssyncadd.s32 $0xFFFFD800  }
0xb9: {  	[spmem:s1] =	stream.indirect.scatter.add.f32 [tilespmem:s16], [sflag:$0xC], $0x80, s30, s9, $0xb8;
	[tilespmem:$0x1DC80] =	vst v63  }
0xba: {  	_ =	swait.ge [sflag:s31], $0x2800  }
0xbb: {  	[sflag:s31] =	ssyncset.done $0x0  }
0xbc: {  	s17 =	sadd.s32 s7, s25;
	[sflag:s31] =	ssyncadd.s32 $0xFFFFD800  }
0xbd: {  	[tilespmem:s3], [sflag:$0x1] =	stream.linear.gather [hbm4b:s17+s3], $0x100, $0x38;
	[tilespmem:$0x1DC80] =	vst v63  }
0xbe: {  	p1 =	sne.s32 s7, $0xF00;
	_ =	swait.ge [sflag:s0], $0x2800  }
0xbf: {  	s2 =	simm.s32 @p1 $0x0;
	[sflag:s0] =	ssyncset.done $0x0  }
0xc0: {  	s5 =	simm.s32 @p1 $0x100;
	s17 =	sadd.s32 @p1 s7, s24;
	[sflag:s0] =	ssyncadd.s32 $0xFFFFD800  }
0xc1: {  	[tilespmem:s5], [sflag:$0x2] =	stream.linear.gather @p1 [hbm4b:s17+s2], $0x100, $0x38;
	[tilespmem:$0x1DC80] =	vst v63  }
0xc2: {  	s5 =	simm.s32 @p1 $0xB  }
0xc3: {  	_ =	swait.ge @p1 [sflag:s5], $0x2800  }
0xc4: {  	[sflag:s5] =	ssyncset.done @p1 $0x0  }
0xc5: {  	s17 =	simm.s32 @p1 $0x200;
	[sflag:s5] =	ssyncadd.s32 @p1 $0xFFFFD800;
	s5 =	sadd.s32 @p1 s7, s23  }
0xc6: {  	[tilespmem:s17], [sflag:$0x3] =	stream.linear.gather @p1 [hbm4b:s5+s2], $0x100, $0x38;
	[tilespmem:$0x1DC80] =	vst v63  }
0xc7: {  	s5 =	simm.s32 @p1 $0xC  }
0xc8: {  	_ =	swait.ge @p1 [sflag:s5], $0x2800  }
0xc9: {  	[sflag:s5] =	ssyncset.done @p1 $0x0  }
0xca: {  	s17 =	simm.s32 @p1 $0x300;
	[sflag:s5] =	ssyncadd.s32 @p1 $0xFFFFD800;
	s5 =	sadd.s32 @p1 s7, s22  }
0xcb: {  	[tilespmem:s17], [sflag:$0x4] =	stream.linear.gather @p1 [hbm4b:s5+s2], $0x100, $0x38;
	[tilespmem:$0x1DC80] =	vst v63  }
0xcc: {  	s2 =	simm.s32 @!p1 $0xB  }
0xcd: {  	_ =	swait.ge @!p1 [sflag:s2], $0x2800  }
0xce: {  	[sflag:s2] =	ssyncset.done @!p1 $0x0  }
0xcf: {  	[sflag:s2] =	ssyncadd.s32 @!p1 $0xFFFFD800;
	s2 =	simm.s32 @!p1 $0xC  }
0xd0: {  	_ =	swait.ge @!p1 [sflag:s2], $0x2800  }
0xd1: {  	[sflag:s2] =	ssyncset.done @!p1 $0x0  }
0xd2: {  	[sflag:s2] =	ssyncadd.s32 @!p1 $0xFFFFD800;
	p1 =	seq.s32 s7, $0xF00  }
.Ltmp3:
0xd3: {  	_ = 	snop;
	(pc) =	sbr.rel @p1 .LBB2_6-.Ltmp3, $4  }
0xd4: {  	_ =	swait.ge [sflag:s8], $0x100  }
0xd5: {  	[sflag:s8] =	ssyncset.done $0x0  }
0xd6: {  	[sflag:s8] =	ssyncadd.s32 $0xFFFFFF00  }
0xd7: {  	[tilespmem:s10], [sflag:$0x5] =	stream.indirect.gather [hbm4b:s4+s9], $0x80, s3, s9, $0xb8;
	[tilespmem:$0x1DC80] =	vst v63  }
0xd8: {  	_ =	swait.ge [sflag:s11], $0x100  }
0xd9: {  	[sflag:s11] =	ssyncset.done $0x0  }
0xda: {  	s2 =	simm.s32 $0x100;
	[sflag:s11] =	ssyncadd.s32 $0xFFFFFF00  }
0xdb: {  	[tilespmem:s12], [sflag:$0x6] =	stream.indirect.gather [hbm4b:s4+s9], $0x80, s2, s9, $0xb8;
	[tilespmem:$0x1DC80] =	vst v63  }
0xdc: {  	_ =	swait.ge [sflag:s13], $0x100  }
0xdd: {  	[sflag:s13] =	ssyncset.done $0x0  }
0xde: {  	s17 =	simm.s32 $0x200;
	[sflag:s13] =	ssyncadd.s32 $0xFFFFFF00  }
0xdf: {  	[tilespmem:s14], [sflag:$0x7] =	stream.indirect.gather [hbm4b:s4+s9], $0x80, s17, s9, $0xb8;
	[tilespmem:$0x1DC80] =	vst v63  }
.Ltmp4:
0xe0: {  	_ = 	snop;
	(pc) =	sbr.rel .LBB2_4-.Ltmp4, $4  }
0xe1: {  	_ =	swait.ge [sflag:s15], $0x100  }
0xe2: {  	[sflag:s15] =	ssyncset.done $0x0  }
0xe3: {  	s7 =	sadd.s32 $0x80, s7;
	[sflag:s15] =	ssyncadd.s32 $0xFFFFFF00  }
0xe4: {  	[tilespmem:s16], [sflag:$0x8] =	stream.indirect.gather [hbm4b:s4+s9], $0x80, s6, s9, $0xb8;
	[tilespmem:$0x1DC80] =	vst v63  }
.LBB2_7:
0xe5: {  	_ =	sfence.sel $0x180000  }
0xe6: {  	[bflag:$0x0] =	sbarrier.arrive $0xFFFF  }
0xe7: {  	_ =	strace $0x9000004D  }
0xe8: {  	s0 =	stileid.u32;
	[bflag:$0x2] =	sbarrier.arrive $0xFFFF  }
0xe9: {  	p0 =	sne.s32 s0, $0x0;
	s0 =	rddreg [dreg:$0x2]  }
0xea: {  	s0 =	sadd.s32 @!p0 $0x100000, s0  }
0xeb: {  	[sflag:s0] =	ssyncadd.tile.s32 @!p0 $0x1;
	_ =	shalt  }
.Lfunc_end2:
_tile_overlayer_lowered:
.L_overlay_start_2:
0xec: {  	(tag) =	ssettag $0x2  }
0xed: {  	s0 =	rddreg [dreg:$0x0];
	s2 =	stileid.u32  }
0xee: {  	s1 =	rddreg [dreg:$0x1];
	p0 =	sne.s32 s2, $0x0  }
0xef: {  	s3 =	rddreg [dreg:$0x2];
	[bflag:$0x3] =	sbarrier.arrive $0xFFFF;
	s2 =	simm.s32 @!p0 $0x1C0D  }
0xf0: {  	[timem:s3], [sflag:s2] =	dma.local @!p0 [hbm:s0], s1  }
0xf1: {  	s0 =	simm.s32 @!p0 $0xD  }
0xf2: {  	_ =	swait.ge @!p0 [sflag:s0], s1  }
0xf3: {  	s1 =	ssub.s32 @!p0 $0x0, s1;
	[sflag:s0] =	ssyncset.done @!p0 $0x0  }
0xf4: {  	[sflag:s0] =	ssyncadd.s32 @!p0 s1  }
0xf5: {  	[bflag:$0x3] =	sbarrier.arrive $0xFFFF  }
0xf6: {  	_ =	shalt  }

// kernel: kernel.19.cloned.1.call-start
scs
__scs_entry_jumppad:
0x0: {  	(pc) =	sbr.rel $0x88, $3  }
0x1: {  	(tag) =	ssettag $0x0;
	lr =	simm.s32 $0x1  }
0x2: {  	[smem:$0x3F88] =	sst lr;
	_ =	strace $0xD0000000  }
0x3: {  	_ = 	snop  }
0x4: {  	_ = 	snop  }
0x5: {  	_ = 	snop  }
0x6: {  	_ = 	snop  }
0x7: {  	_ = 	snop  }
__scs_overlays_trampoline_lowered:
0x8: {  	[smem:$0x3F97] =	sst s0  }
0x9: {  	[smem:$0x3F98] =	sst s1  }
0xa: {  	[smem:$0x3F99] =	sst s2  }
0xb: {  	[smem:$0x3F9A] =	sst s3  }
0xc: {  	[smem:$0x3F9B] =	sst s4  }
0xd: {  	[smem:$0x3F9C] =	sst s5  }
0xe: {  	[smem:$0x3F9D] =	sst s6  }
0xf: {  	[smem:$0x3F9E] =	sst s7  }
0x10: {  	[smem:$0x3F9F] =	sst s8  }
0x11: {  	[smem:$0x3FA0] =	sst s9;
	s0 =	simm.s32 @!p0 $0x0  }
0x12: {  	s1 =	sld [smem:$0x3F86];
	s0 =	simm.s32 @p0 $0x1  }
0x13: {  	[smem:$0x3FA1] =	sst s0;
	s0 =	simm.s32 @!p1 $0x0  }
0x14: {  	s2 =	sld [smem:$0x3F85];
	s0 =	simm.s32 @p1 $0x1  }
0x15: {  	[smem:$0x3FA2] =	sst s0;
	s0 =	simm.s32 @!p2 $0x0  }
0x16: {  	s3 =	sld [smem:$0x3FDB];
	s0 =	simm.s32 @p2 $0x1  }
0x17: {  	s4 =	simm.s32 $0x1BF5;
	[smem:$0x3FA4] =	sst s0  }
0x18: {  	s0 =	sld [smem:$0x3F87];
	_ =	swait.ge [sflag:s4], $0x0  }
0x19: {  	s7 =	sld [smem:$0x3F88]  }
0x1a: {  	s8 =	sadd.s32 $0xFFFFE003, lr  }
0x1b: {  	s9 =	sadd.s32 $0xFFFFFEF7, lr;
	s5 =	simm.s32 $0xFFFFFFFF;
	p2 =	slt.u32 s8, $0xFFFFF086  }
0x1c: {  	p1 =	slt.u32 s9, $0xF7A;
	s5 =	simm.s32 @!p2 $0x0  }
0x1d: {  	s5 =	simm.s32 @p1 $0x1;
	p0 =	seq.s32 s7, s2  }
0x1e: {  	s7 =	smul.u32 @!p0 $0xF7A, s2;
	p2 =	seq.s32 @!p0 s5, $0x0  }
0x1f: {  	s9 =	smul.u32 $0xF7A, s1;
	s8 =	simm.s32 @!p0 $0x1BF5;
	p2 =	por !p2, p0  }
0x20: {  	[sflag:s8] =	ssyncset.s32 @!p0 $0xFFFFF086;
	s6 =	sadd.s32 @!p0 s3, s7;
	s7 =	simm.s32 @!p0 $0x108  }
0x21: {  	s3 =	sadd.s32 s3, s9;
	s6 =	sadd.s32 @!p0 $0x88, s6;
	s7 =	simm.s32 @p2 $0x1082  }
0x22: {  	[simem:s7], [sflag:s8] =	dma.local @!p0 [hbm:s6], $0xF7A  }
0x23: {  	s9 =	sor.u32 $0xD0000000, s2;
	s6 =	simm.s32 $0x108;
	_ =	swait.ge @!p0 [sflag:s8], $0x0  }
0x24: {  	s3 =	sadd.s32 $0x88, s3;
	s6 =	simm.s32 @!p1 $0x1082;
	[sflag:s4] =	ssyncset.s32 $0xFFFFF086  }
0x25: {  	[simem:s6], [sflag:s4] =	dma.local [hbm:s3], $0xF7A  }
0x26: {  	[smem:$0x3F88] =	sst s1;
	(tag) =	ssettag s2;
	_ =	strace s9  }
0x27: {  	s1 =	sld [smem:$0x3F98]  }
0x28: {  	s2 =	sld [smem:$0x3F99]  }
0x29: {  	s4 =	sld [smem:$0x3F9B]  }
0x2a: {  	p0 =	seq.s32 s5, $0x0;
	s5 =	sld [smem:$0x3F9C]  }
0x2b: {  	s6 =	sld [smem:$0x3F9D]  }
0x2c: {  	s7 =	sld [smem:$0x3F9E]  }
0x2d: {  	s3 =	simm.s32 $0x108;
	s8 =	sld [smem:$0x3F9F]  }
0x2e: {  	s3 =	simm.s32 @!p0 $0x1082;
	s9 =	sld [smem:$0x3FA0]  }
0x2f: {  	lr =	sadd.s32 s0, s3;
	s0 =	sld [smem:$0x3F97]  }
0x30: {  	s3 =	sld [smem:$0x3F9A]  }
0x31: {  	[smem:$0x3FA3] =	sst s10  }
0x32: {  	s10 =	sld [smem:$0x3FA1];
	_ =	sdelay $0x3  }
0x33: {  	p0 =	seq.s32 s10, $0x1;
	s10 =	sld [smem:$0x3FA3];
	_ =	sdelay $0x3  }
0x34: {  	[smem:$0x3FA3] =	sst s10  }
0x35: {  	s10 =	sld [smem:$0x3FA2];
	_ =	sdelay $0x3  }
0x36: {  	p1 =	seq.s32 s10, $0x1;
	s10 =	sld [smem:$0x3FA3];
	_ =	sdelay $0x3  }
0x37: {  	[smem:$0x3FA3] =	sst s10  }
0x38: {  	s10 =	sld [smem:$0x3FA4]  }
0x39: {  	_ = 	snop;
	(pc) =	sbr.ind lr, $3  }
0x3a: {  	_ = 	snop  }
0x3b: {  	_ = 	snop  }
0x3c: {  	p2 =	seq.s32 s10, $0x1;
	s10 =	sld [smem:$0x3FA3]  }
0x3d: {  	_ =	shalt  }
0x3e: {  	_ =	shalt  }
0x3f: {  	_ =	shalt  }
0x40: {  	_ =	shalt  }
0x41: {  	_ =	shalt  }
0x42: {  	_ =	shalt  }
0x43: {  	_ =	shalt  }
0x44: {  	_ =	shalt  }
0x45: {  	_ =	shalt  }
0x46: {  	_ =	shalt  }
0x47: {  	_ =	shalt  }
0x48: {  	_ =	shalt  }
0x49: {  	_ =	shalt  }
0x4a: {  	_ =	shalt  }
0x4b: {  	_ =	shalt  }
0x4c: {  	_ =	shalt  }
0x4d: {  	_ =	shalt  }
0x4e: {  	_ =	shalt  }
0x4f: {  	_ =	shalt  }
0x50: {  	_ =	shalt  }
0x51: {  	_ =	shalt  }
0x52: {  	_ =	shalt  }
0x53: {  	_ =	shalt  }
0x54: {  	_ =	shalt  }
0x55: {  	_ =	shalt  }
0x56: {  	_ =	shalt  }
0x57: {  	_ =	shalt  }
0x58: {  	_ =	shalt  }
0x59: {  	_ =	shalt  }
0x5a: {  	_ =	shalt  }
0x5b: {  	_ =	shalt  }
0x5c: {  	_ =	shalt  }
0x5d: {  	_ =	shalt  }
0x5e: {  	_ =	shalt  }
0x5f: {  	_ =	shalt  }
0x60: {  	_ =	shalt  }
0x61: {  	_ =	shalt  }
0x62: {  	_ =	shalt  }
0x63: {  	_ =	shalt  }
0x64: {  	_ =	shalt  }
0x65: {  	_ =	shalt  }
0x66: {  	_ =	shalt  }
0x67: {  	_ =	shalt  }
0x68: {  	_ =	shalt  }
0x69: {  	_ =	shalt  }
0x6a: {  	_ =	shalt  }
0x6b: {  	_ =	shalt  }
0x6c: {  	_ =	shalt  }
0x6d: {  	_ =	shalt  }
0x6e: {  	_ =	shalt  }
0x6f: {  	_ =	shalt  }
0x70: {  	_ =	shalt  }
0x71: {  	_ =	shalt  }
0x72: {  	_ =	shalt  }
0x73: {  	_ =	shalt  }
0x74: {  	_ =	shalt  }
0x75: {  	_ =	shalt  }
0x76: {  	_ =	shalt  }
0x77: {  	_ =	shalt  }
0x78: {  	_ =	shalt  }
0x79: {  	_ =	shalt  }
0x7a: {  	_ =	shalt  }
0x7b: {  	_ =	shalt  }
0x7c: {  	_ =	shalt  }
0x7d: {  	_ =	shalt  }
0x7e: {  	_ =	shalt  }
0x7f: {  	_ =	shalt  }
0x80: {  	_ =	shalt  }
0x81: {  	_ =	shalt  }
0x82: {  	_ =	shalt  }
0x83: {  	_ =	shalt  }
0x84: {  	_ =	shalt  }
0x85: {  	_ =	shalt  }
0x86: {  	_ =	shalt  }
0x87: {  	_ =	shalt  }
.Lfunc_end0:
.L_simem_size_0:
called_computation.3_lowered:
.L_overlay_start_0:
0x88: {  	s2 =	sld [smem:$0x3FD9]  }
0x89: {  	s3 =	sld [smem:$0x3FFE];
	_ =	sdelay $0x1  }
0x8a: {  	s1 =	srdreg.scid  }
0x8b: {  	s0 =	sand.u32 $0x1, s1  }
0x8c: {  	s16 =	sshll.u32 s0, $0xA;
	s2 =	sadd.s32 s3, s2  }
0x8d: {  	s2 =	sadd.s32 s2, s16  }
0x8e: {  	[smem:$0x3FAF] =	sst s2  }
0x8f: {  	_ = 	snop  }
0x90: {  	(tm) =	ssettm $0x1  }
0x91: {  	s17 =	sld [smem:$0x3FFB];
	_ =	sdelay $0x3  }
0x92: {  	_ =	strace s17  }
0x93: {  	s2 =	sld [smem:$0x3FFC];
	_ =	sdelay $0x3  }
0x94: {  	_ =	strace s2  }
0x95: {  	s2 =	sld [smem:$0x3FFD];
	_ =	sdelay $0x3  }
0x96: {  	_ =	strace s2  }
0x97: {  	_ =	strace $0x8FFFFFFF  }
0x98: {  	s18 =	sld [smem:$0x3FDB];
	_ =	sdelay $0x1  }
0x99: {  	s19 =	simm.s32 $_scs_section_size  }
0x9a: {  	s4 =	simm.s32 $_size__tile_overlayer_lowered;
	s5 =	simm.s32 $_tile_overlayer_lowered  }
0x9b: {  	s22 =	simm.s32 $0x1BFF;
	s21 =	sshll.u32 s5, $0x1;
	s2 =	sadd.s32 s19, s18  }
0x9c: {  	s6 =	simm.s32 $0x0;
	s20 =	sshll.u32 s4, $0x1;
	s4 =	sadd.s32 s21, s2  }
0x9d: {  	[timem:s6], [sflag:s22] =	dma.local [hbm:s4], s20  }
0x9e: {  	_ =	swait.ge [sflag:s22], s20  }
0x9f: {  	s3 =	ssub.s32 $0x0, s20;
	[sflag:s22] =	ssyncset.done $0x0  }
0xa0: {  	[sflag:s22] =	ssyncadd.s32 s3;
	_ =	sdelay $0x1  }
0xa1: {  	s23 =	simm.s32 $0x1B8B  }
0xa2: {  	_ =	swait.ge [sflag:s23], $0x1  }
0xa3: {  	[sflag:s23] =	ssyncset.done $0x0  }
0xa4: {  	s25 =	simm.s32 $0x1B8E;
	s24 =	sld [smem:$0x3FFE];
	[sflag:s23] =	ssyncadd.s32 $0xFFFFFFFF  }
0xa5: {  	s26 =	simm.s32 $execute0_lowered;
	[smem:$0x3FD2] =	sst s25  }
0xa6: {  	s4 =	sshll.u32 s26, $0x1;
	_ =	strace $0x8000004F;
	[dreg:$0x1] =	wrdreg $0xFFFFFFFF  }
0xa7: {  	s28 =	simm.s32 $_size_execute0_lowered;
	s2 =	sadd.s32 s2, s4;
	[dreg:$0x0] =	wrdreg $0x0  }
0xa8: {  	s4 =	sshll.u32 s28, $0x1;
	[dreg:$0x2] =	wrdreg s2  }
0xa9: {  	[dreg:$0x3] =	wrdreg s4  }
0xaa: {  	[dreg:$0x4] =	wrdreg $0xC0  }
0xab: {  	_ =	task [dreg:s6], $0x5FFFF  }
0xac: {  	[dreg:$0x1] =	wrdreg $0xFFFFFFFF  }
0xad: {  	[dreg:$0x0] =	wrdreg $0x60  }
0xae: {  	[dreg:$0x2] =	wrdreg s24  }
0xaf: {  	[dreg:$0x3] =	wrdreg $0x9  }
0xb0: {  	_ =	task.clear_ibuf [dreg:s6], $0x4FFFF;
	_ =	strace $0x9000004F  }
0xb1: {  	s29 =	simm.s32 $0x9;
	_ =	strace $0x80000051  }
0xb2: {  	_ =	swait.ge [sflag:s29], $0x1  }
0xb3: {  	[sflag:s29] =	ssyncadd.s32 $0xFFFFFFFF  }
0xb4: {  	_ =	strace $0x90000051  }
0xb5: {  	_ =	sfence  }
0xb6: {  	s30 =	sld [smem:$0x0];
	_ =	sdelay $0x2  }
0xb7: {  	s31 =	sshll.u32 s1, $0xD;
	s1 =	sshrl.u32 s1, $0x2  }
0xb8: {  	s3 =	sand.u32 $0x4000, s31;
	s1 =	sadd.s32 s1, s30  }
0xb9: {  	s0 =	sor.u32 s3, s0;
	s1 =	sshll.u32 s1, $0x11  }
0xba: {  	s0 =	sor.u32 s1, s0  }
0xbb: {  	s0 =	sadd.s32 $0x8F2B, s0  }
0xbc: {  	[sflag:s0] =	ssyncadd.remote.s32 $0x1  }
0xbd: {  	_ =	sfence.sel $0xFFFF  }
0xbe: {  	[dreg:$0x0] =	wrdreg $0xFFFFFFFF;
	(pc) =	sbr.abs _section_cstart, $3  }
0xbf: {  	[dreg:$0x1] =	wrdreg $0xFFFFFFFF  }
0xc0: {  	_ =	task.clear_ibuf [dreg:s6], $0x2FFFF;
	_ =	strace $0x9FFFFFFF  }
0xc1: {  	(tm) =	ssettm $0x7FFFFFFF  }
tec
execute0_lowered:
.L_overlay_start_1:
0x0: {  	(tag) =	ssettag $0x1  }
0x1: {  	s0 =	srdreg.scid  }
0x2: {  	s11 =	sand.u32 $0x1, s0  }
0x3: {  	s0 =	stileid.u32;
	s1 =	sshll.u32 s11, $0x4  }
0x4: {  	s6 =	sor.u32 s0, s1  }
0x5: {  	s9 =	rddreg [dreg:$0x0];
	s2 =	simm.s32 $0x0;
	s3 =	smul.u32 $0x5, s6  }
0x6: {  	[smem:$0x7FF] =	sst s2  }
0x7: {  	s1 =	rddreg [dreg:$0x1];
	s10 =	sadd.s32 s3, s9  }
0x8: {  	_ =	strace $0x80000050;
	s3 =	simm.s32 $0x2;
	s4 =	sadd.s32 $0x99600, s10  }
0x9: {  	[tilespmem:s2], [sflag:$0x2] =	stream.linear.gather [hbm4b:s4+s2], $0x28, $0x38;
	[tilespmem:$0x1480] =	vst v63  }
0xa: {  	s7 =	simm.s32 $0x80;
	_ =	swait.ge [sflag:s3], $0x28  }
0xb: {  	s8 =	simm.s32 $0x1;
	s5 =	sadd.s32 $0x4C00, s9;
	[sflag:s3] =	ssyncset.done $0x0  }
0xc: {  	s12 =	smul.u32 $0x280, s6;
	s6 =	simm.s32 $0x28;
	[sflag:s3] =	ssyncadd.s32 $0xFFFFFFD8  }
0xd: {  	[tilespmem:s7], [sflag:$0x1] =	stream.indirect.gather [hbm4b:s5+s6], $0x80, s2, s6, $0xb8;
	[tilespmem:$0x1480] =	vst v63  }
0xe: {  	_ =	swait.ge [sflag:s8], $0x1400  }
0xf: {  	s12 =	sadd.s32 s12, s9;
	[sflag:s8] =	ssyncset.done $0x0  }
0x10: {  	s9 =	sadd.s32 $0x2BE00, s12;
	[sflag:s8] =	ssyncadd.s32 $0xFFFFEC00  }
0x11: {  	[hbm4b:s9+s2] =	stream.linear.scatter [tilespmem:s7], [sflag:$0x2], $0x1400, $0x38;
	[tilespmem:$0x1480] =	vst v63  }
0x12: {  	_ =	swait.ge [sflag:s3], $0x1400  }
0x13: {  	[sflag:s3] =	ssyncset.done $0x0  }
0x14: {  	s11 =	ssub.s32 $0x2, s11;
	s10 =	sadd.s32 $0x99800, s10;
	[sflag:s3] =	ssyncadd.s32 $0xFFFFEC00  }
0x15: {  	[tilespmem:s2], [sflag:$0x2] =	stream.linear.gather [hbm4b:s10+s2], $0x28, $0x38;
	[tilespmem:$0x1480] =	vst v63  }
0x16: {  	s13 =	sshrl.u32 s11, $0x1;
	_ =	swait.ge [sflag:s3], $0x28  }
0x17: {  	s13 =	ssub.s32 s11, s13;
	[sflag:s3] =	ssyncset.done $0x0  }
0x18: {  	s31 =	smax.u32 s13, $0x1;
	[sflag:s3] =	ssyncadd.s32 $0xFFFFFFD8  }
0x19: {  	[tilespmem:s7], [sflag:$0x1] =	stream.indirect.gather [hbm4b:s5+s6], $0x80, s2, s6, $0xb8;
	[tilespmem:$0x1480] =	vst v63  }
0x1a: {  	p0 =	sne.s32 s31, $0x1;
	_ =	swait.ge [sflag:s8], $0x1400  }
.Ltmp0:
0x1b: {  	[sflag:s8] =	ssyncset.done $0x0;
	(pc) =	sbr.rel @!p0 .LBB2_2-.Ltmp0, $4  }
0x1c: {  	s11 =	sadd.s32 $0x30E00, s12;
	[sflag:s8] =	ssyncadd.s32 $0xFFFFEC00  }
0x1d: {  	[hbm4b:s11+s2] =	stream.linear.scatter [tilespmem:s7], [sflag:$0x2], $0x1400, $0x38;
	[tilespmem:$0x1480] =	vst v63  }
0x1e: {  	_ =	swait.ge [sflag:s3], $0x1400  }
0x1f: {  	s12 =	sadd.s32 $0xFFFFFFFF, s31;
	[sflag:s3] =	ssyncset.done $0x0  }
.LBB2_1:
0x20: {  	p0 =	sne.s32 s12, $0x1;
	s12 =	sadd.s32 $0xFFFFFFFF, s12;
	[sflag:s3] =	ssyncadd.s32 $0xFFFFEC00  }
0x21: {  	[tilespmem:s2], [sflag:$0x2] =	stream.linear.gather [hbm4b:s4+s2], $0x28, $0x38;
	[tilespmem:$0x1480] =	vst v63  }
0x22: {  	_ =	swait.ge [sflag:s3], $0x28  }
0x23: {  	[sflag:s3] =	ssyncset.done $0x0  }
0x24: {  	[sflag:s3] =	ssyncadd.s32 $0xFFFFFFD8  }
0x25: {  	[tilespmem:s7], [sflag:$0x1] =	stream.indirect.gather [hbm4b:s5+s6], $0x80, s2, s6, $0xb8;
	[tilespmem:$0x1480] =	vst v63  }
0x26: {  	_ =	swait.ge [sflag:s8], $0x1400  }
0x27: {  	[sflag:s8] =	ssyncset.done $0x0  }
0x28: {  	[sflag:s8] =	ssyncadd.s32 $0xFFFFEC00  }
0x29: {  	[hbm4b:s9+s2] =	stream.linear.scatter [tilespmem:s7], [sflag:$0x2], $0x1400, $0x38;
	[tilespmem:$0x1480] =	vst v63  }
0x2a: {  	_ =	swait.ge [sflag:s3], $0x1400  }
0x2b: {  	[sflag:s3] =	ssyncset.done $0x0  }
0x2c: {  	[sflag:s3] =	ssyncadd.s32 $0xFFFFEC00  }
0x2d: {  	[tilespmem:s2], [sflag:$0x2] =	stream.linear.gather [hbm4b:s10+s2], $0x28, $0x38;
	[tilespmem:$0x1480] =	vst v63  }
0x2e: {  	_ =	swait.ge [sflag:s3], $0x28  }
0x2f: {  	[sflag:s3] =	ssyncset.done $0x0  }
0x30: {  	[sflag:s3] =	ssyncadd.s32 $0xFFFFFFD8  }
0x31: {  	[tilespmem:s7], [sflag:$0x1] =	stream.indirect.gather [hbm4b:s5+s6], $0x80, s2, s6, $0xb8;
	[tilespmem:$0x1480] =	vst v63  }
0x32: {  	_ =	swait.ge [sflag:s8], $0x1400  }
.Ltmp1:
0x33: {  	[sflag:s8] =	ssyncset.done $0x0;
	(pc) =	sbr.rel @p0 .LBB2_1-.Ltmp1, $4  }
0x34: {  	[sflag:s8] =	ssyncadd.s32 $0xFFFFEC00  }
0x35: {  	[hbm4b:s11+s2] =	stream.linear.scatter [tilespmem:s7], [sflag:$0x2], $0x1400, $0x38;
	[tilespmem:$0x1480] =	vst v63  }
0x36: {  	_ =	swait.ge [sflag:s3], $0x1400  }
0x37: {  	[sflag:s3] =	ssyncset.done $0x0  }
.LBB2_2:
0x38: {  	[sflag:s3] =	ssyncadd.s32 $0xFFFFEC00  }
0x39: {  	_ =	sfence.sel $0x180000  }
0x3a: {  	[bflag:$0x0] =	sbarrier.arrive $0xFFFF  }
0x3b: {  	p0 =	sne.s32 s0, $0x0;
	_ =	strace $0x90000050  }
0x3c: {  	s0 =	sadd.s32 @!p0 $0x100000, s1;
	[bflag:$0x2] =	sbarrier.arrive $0xFFFF  }
0x3d: {  	[sflag:s0] =	ssyncadd.tile.s32 @!p0 $0x1;
	_ =	shalt  }
.Lfunc_end2:
_tile_overlayer_lowered:
.L_overlay_start_2:
0x3e: {  	(tag) =	ssettag $0x2  }
0x3f: {  	s0 =	rddreg [dreg:$0x0];
	s2 =	stileid.u32  }
0x40: {  	s1 =	rddreg [dreg:$0x1];
	p0 =	sne.s32 s2, $0x0  }
0x41: {  	s3 =	rddreg [dreg:$0x2];
	[bflag:$0x3] =	sbarrier.arrive $0xFFFF;
	s2 =	simm.s32 @!p0 $0x1C02  }
0x42: {  	[timem:s3], [sflag:s2] =	dma.local @!p0 [hbm:s0], s1  }
0x43: {  	s0 =	simm.s32 @!p0 $0x2  }
0x44: {  	_ =	swait.ge @!p0 [sflag:s0], s1  }
0x45: {  	s1 =	ssub.s32 @!p0 $0x0, s1;
	[sflag:s0] =	ssyncset.done @!p0 $0x0  }
0x46: {  	[sflag:s0] =	ssyncadd.s32 @!p0 s1  }
0x47: {  	[bflag:$0x3] =	sbarrier.arrive $0xFFFF  }
0x48: {  	_ =	shalt  }

</sc_bundles>
